<compile_context>
chip_gen: v7x
topology: tpu7x:2x2x1
jax: 0.10.2.dev20260603
libtpu: 0.0.44.dev20260713+nightly
codegen_flags: <defaults>
</compile_context>

<pallas_src>
import functools

import jax
import jax.numpy as jnp
from jax import lax
from jax.experimental import pallas as pl
from jax.experimental.pallas import tpu as pltpu
from jax.experimental.pallas import tpu_sc as plsc

N = 10000
NP = 10240
E = 320000
D = 128
NC = 2
NS = 16
NW = NC * NS
EW = E // NW
C = 128
NFULL = EW // C
CT = EW - NFULL * C
RPT = NP // NS

_f32 = jnp.float32

_mesh = plsc.VectorSubcoreMesh(core_axis_name="c", subcore_axis_name="s")


def _zero_vmem(ref, nrows, width):
    z = jnp.zeros((16,), _f32)

    def body(r, carry):
        for j in range(width // 16):
            ref[r, pl.ds(j * 16, 16)] = z
        return carry

    lax.fori_loop(0, nrows, body, 0)


def _zero_acc_slice(zbuf, acc, r0):
    for t in range(RPT // C):
        pltpu.sync_copy(zbuf, acc.at[pl.ds(r0 + t * C, C)])


@functools.partial(
    pl.kernel,
    out_type=jax.ShapeDtypeStruct((NC, NP, 16), _f32),
    mesh=_mesh,
    scratch_types=[
        pltpu.VMEM_SHARED((NP, 16), _f32),
        pltpu.VMEM((C, 16), _f32),
        pltpu.VMEM((C,), jnp.int32),
        pltpu.VMEM((C,), jnp.int32),
        pltpu.VMEM((CT,), jnp.int32),
        pltpu.SemaphoreType.DMA,
        pltpu.SemaphoreType.DMA,
    ],
)
def _deg_kernel(dstF_hbm, dstT_hbm, out_hbm, acc, ones_v,
                didx0, didx1, didx_t, semi0, semi1):
    c = lax.axis_index("c")
    s = lax.axis_index("s")
    w = c * NS + s
    r0 = s * RPT

    _zero_vmem(ones_v, C, 16)
    _zero_acc_slice(ones_v, acc, r0)
    plsc.subcore_barrier()

    one = jnp.ones((16,), _f32)

    def fill(r, carry):
        ones_v[r, :] = one
        return carry

    lax.fori_loop(0, C, fill, 0)

    didx = (didx0, didx1)
    semi = (semi0, semi1)
    pltpu.async_copy(dstF_hbm.at[w].at[0], didx0, semi0)
    pltpu.async_copy(dstF_hbm.at[w].at[1], didx1, semi1)

    def step(k, p):
        pltpu.make_async_copy(dstF_hbm.at[w].at[k], didx[p], semi[p]).wait()
        pltpu.sync_copy(ones_v, acc.at[didx[p]], add=True)
        pltpu.async_copy(dstF_hbm.at[w].at[k + 2], didx[p], semi[p])

    def body(g, carry):
        step(2 * g, 0)
        step(2 * g + 1, 1)
        return carry

    lax.fori_loop(0, (NFULL - 2) // 2, body, 0)
    pltpu.make_async_copy(dstF_hbm.at[w].at[NFULL - 2], didx0, semi0).wait()
    pltpu.sync_copy(ones_v, acc.at[didx0], add=True)
    pltpu.make_async_copy(dstF_hbm.at[w].at[NFULL - 1], didx1, semi1).wait()
    pltpu.sync_copy(ones_v, acc.at[didx1], add=True)
    pltpu.sync_copy(dstT_hbm.at[w], didx_t)
    pltpu.sync_copy(ones_v.at[pl.ds(0, CT)], acc.at[didx_t], add=True)

    plsc.subcore_barrier()
    pltpu.sync_copy(acc.at[pl.ds(r0, RPT)], out_hbm.at[c].at[pl.ds(r0, RPT)])


@functools.partial(
    pl.kernel,
    out_type=jax.ShapeDtypeStruct((NC, NP, D), _f32),
    mesh=_mesh,
    scratch_types=[
        pltpu.VMEM_SHARED((NP, D), _f32),
        pltpu.VMEM((C, D), _f32),
        pltpu.VMEM((C, D), _f32),
        pltpu.VMEM((2, C), jnp.int32),
        pltpu.VMEM((2, C), jnp.int32),
        pltpu.VMEM((2, C), jnp.int32),
        pltpu.VMEM((2, C), jnp.int32),
        pltpu.VMEM((CT,), jnp.int32),
        pltpu.VMEM((CT,), jnp.int32),
        pltpu.SemaphoreType.DMA,
        pltpu.SemaphoreType.DMA,
        pltpu.SemaphoreType.DMA,
        pltpu.SemaphoreType.DMA,
        pltpu.SemaphoreType.DMA,
        pltpu.SemaphoreType.DMA,
        pltpu.SemaphoreType.DMA,
        pltpu.SemaphoreType.DMA,
    ],
)
def _agg_kernel(y_hbm, eiF_hbm, srcT_hbm, dstT_hbm, out_hbm,
                acc, rows0, rows1, sd0, sd1, sd2, sd3, sidx_t, didx_t,
                semi0, semi1, semi2, semi3, semg0, semg1, semsc0, semsc1):
    c = lax.axis_index("c")
    s = lax.axis_index("s")
    w = c * NS + s
    r0 = s * RPT

    sd = (sd0, sd1, sd2, sd3)
    semi = (semi0, semi1, semi2, semi3)
    rows = (rows0, rows1)
    semg = (semg0, semg1)
    semsc = (semsc0, semsc1)

    def issue_idx(k, pi):
        pltpu.async_copy(eiF_hbm.at[w].at[k], sd[pi], semi[pi])

    def wait_idx(k, pi):
        pltpu.make_async_copy(eiF_hbm.at[w].at[k], sd[pi], semi[pi]).wait()

    def start_gather(k, pi, pr):
        pltpu.async_copy(y_hbm.at[sd[pi].at[0]], rows[pr], semg[pr])

    def wait_gather(k, pi, pr):
        pltpu.make_async_copy(y_hbm.at[sd[pi].at[0]], rows[pr], semg[pr]).wait()

    def start_scatter(k, pi, pr):
        pltpu.async_copy(rows[pr], acc.at[sd[pi].at[1]], semsc[pr], add=True)

    def wait_scatter(k, pi, pr):
        pltpu.make_async_copy(rows[pr], acc.at[sd[pi].at[1]], semsc[pr]).wait()

    def full_step(k, pi, pr):
        wait_idx(k + 1, (pi + 1) % 4)
        wait_scatter(k - 1, (pi + 3) % 4, 1 - pr)
        start_gather(k + 1, (pi + 1) % 4, 1 - pr)
        wait_gather(k, pi, pr)
        start_scatter(k, pi, pr)
        issue_idx(k + 3, (pi + 3) % 4)

    issue_idx(0, 0)
    issue_idx(1, 1)
    issue_idx(2, 2)
    _zero_vmem(rows1, C, D)
    _zero_acc_slice(rows1, acc, r0)
    wait_idx(0, 0)
    start_gather(0, 0, 0)
    plsc.subcore_barrier()
    wait_idx(1, 1)
    start_gather(1, 1, 1)
    wait_gather(0, 0, 0)
    start_scatter(0, 0, 0)
    issue_idx(3, 3)

    def body(g, carry):
        k = 4 * g + 1
        full_step(k, 1, 1)
        full_step(k + 1, 2, 0)
        full_step(k + 2, 3, 1)
        full_step(k + 3, 0, 0)
        return carry

    lax.fori_loop(0, 18, body, 0)
    full_step(73, 1, 1)
    full_step(74, 2, 0)
    wait_idx(76, 0)
    wait_scatter(74, 2, 0)
    start_gather(76, 0, 0)
    wait_gather(75, 3, 1)
    start_scatter(75, 3, 1)
    wait_idx(77, 1)
    wait_scatter(75, 3, 1)
    start_gather(77, 1, 1)
    wait_gather(76, 0, 0)
    start_scatter(76, 0, 0)
    wait_scatter(76, 0, 0)
    wait_gather(77, 1, 1)
    start_scatter(77, 1, 1)
    wait_scatter(77, 1, 1)
    pltpu.sync_copy(srcT_hbm.at[w], sidx_t)
    pltpu.sync_copy(dstT_hbm.at[w], didx_t)
    pltpu.async_copy(y_hbm.at[sidx_t], rows1.at[pl.ds(0, CT)], semg1).wait()
    pltpu.sync_copy(rows1.at[pl.ds(0, CT)], acc.at[didx_t], add=True)

    plsc.subcore_barrier()
    pltpu.sync_copy(acc.at[pl.ds(r0, RPT)], out_hbm.at[c].at[pl.ds(r0, RPT)])



R = 2048
GRID = NP // R


def _dinv_block(dinv16):
    return jnp.broadcast_to(dinv16[:, :1], (R, D))


def _tc1_body(x_ref, w_ref, degp_ref, y_ref, dinv_ref):
    deg = degp_ref[0] + degp_ref[1] + 1.0
    dinv = lax.rsqrt(deg)
    dinv_ref[...] = dinv
    xw = jnp.dot(x_ref[...], w_ref[...], preferred_element_type=_f32)
    y_ref[...] = xw * _dinv_block(dinv)


def _tc1(x, W1, degp):
    return pl.pallas_call(
        _tc1_body,
        grid=(GRID,),
        in_specs=[
            pl.BlockSpec((R, D), lambda i: (i, 0)),
            pl.BlockSpec((D, D), lambda i: (0, 0)),
            pl.BlockSpec((NC, R, 16), lambda i: (0, i, 0)),
        ],
        out_specs=[
            pl.BlockSpec((R, D), lambda i: (i, 0)),
            pl.BlockSpec((R, 16), lambda i: (i, 0)),
        ],
        out_shape=[
            jax.ShapeDtypeStruct((NP, D), _f32),
            jax.ShapeDtypeStruct((NP, 16), _f32),
        ],
    )(x, W1, degp)


def _tc_mid_body(p_ref, y_ref, dinv_ref, b_ref, w_ref, o_ref):
    db = _dinv_block(dinv_ref[...])
    h = jnp.maximum((p_ref[0] + p_ref[1] + y_ref[...]) * db + b_ref[...], 0.0)
    o_ref[...] = jnp.dot(h, w_ref[...], preferred_element_type=_f32) * db


def _tc_mid(p, y, dinv16, b, Wn):
    return pl.pallas_call(
        _tc_mid_body,
        grid=(GRID,),
        in_specs=[
            pl.BlockSpec((NC, R, D), lambda i: (0, i, 0)),
            pl.BlockSpec((R, D), lambda i: (i, 0)),
            pl.BlockSpec((R, 16), lambda i: (i, 0)),
            pl.BlockSpec((1, D), lambda i: (0, 0)),
            pl.BlockSpec((D, D), lambda i: (0, 0)),
        ],
        out_specs=pl.BlockSpec((R, D), lambda i: (i, 0)),
        out_shape=jax.ShapeDtypeStruct((NP, D), _f32),
    )(p, y, dinv16, b, Wn)


def _tc_final_body(p_ref, y_ref, dinv_ref, b_ref,
                   wp1_ref, bp1_ref, wp2_ref, bp2_ref, o_ref):
    db = _dinv_block(dinv_ref[...])
    h = jnp.maximum((p_ref[0] + p_ref[1] + y_ref[...]) * db + b_ref[...], 0.0)
    t = jnp.maximum(
        jnp.dot(h, wp1_ref[...], preferred_element_type=_f32) + bp1_ref[...], 0.0)
    o_ref[...] = jnp.dot(t, wp2_ref[...], preferred_element_type=_f32) + bp2_ref[...]


def _tc_final(p, y, dinv16, b, Wp1, bp1, Wp2, bp2):
    return pl.pallas_call(
        _tc_final_body,
        grid=(GRID,),
        in_specs=[
            pl.BlockSpec((NC, R, D), lambda i: (0, i, 0)),
            pl.BlockSpec((R, D), lambda i: (i, 0)),
            pl.BlockSpec((R, 16), lambda i: (i, 0)),
            pl.BlockSpec((1, D), lambda i: (0, 0)),
            pl.BlockSpec((D, D), lambda i: (0, 0)),
            pl.BlockSpec((1, D), lambda i: (0, 0)),
            pl.BlockSpec((D, D), lambda i: (0, 0)),
            pl.BlockSpec((1, D), lambda i: (0, 0)),
        ],
        out_specs=pl.BlockSpec((R, D), lambda i: (i, 0)),
        out_shape=jax.ShapeDtypeStruct((NP, D), _f32),
    )(p, y, dinv16, b, Wp1, bp1, Wp2, bp2)


def kernel(x, edge_index, W1, b1, W2, b2, W3, b3, Wp1, bp1, Wp2, bp2):
    src2 = edge_index[0].reshape(NW, EW)
    dst2 = edge_index[1].reshape(NW, EW)
    srcF = src2[:, :NFULL * C].reshape(NW, NFULL, C)
    dstF = dst2[:, :NFULL * C].reshape(NW, NFULL, C)
    srcT = src2[:, NFULL * C:]
    dstT = dst2[:, NFULL * C:]
    xp = jnp.pad(x, ((0, NP - N), (0, 0)))
    b1r = b1.reshape(1, D)
    b2r = b2.reshape(1, D)
    b3r = b3.reshape(1, D)
    bp1r = bp1.reshape(1, D)
    bp2r = bp2.reshape(1, D)

    eiF = jnp.stack([srcF, dstF], axis=2)

    degp = _deg_kernel(dstF, dstT)
    y1, dinv16 = _tc1(xp, W1, degp)
    p1 = _agg_kernel(y1, eiF, srcT, dstT)
    y2 = _tc_mid(p1, y1, dinv16, b1r, W2)
    p2 = _agg_kernel(y2, eiF, srcT, dstT)
    y3 = _tc_mid(p2, y2, dinv16, b2r, W3)
    p3 = _agg_kernel(y3, eiF, srcT, dstT)
    z = _tc_final(p3, y3, dinv16, b3r, Wp1, bp1r, Wp2, bp2r)
    return z[:N]

# --- scband reference (transcript-rebuilt; emitter-appended) ---
"""Pipeline reference for scband-contrastive-gnn-13520557048098 (READ-ONLY COPY).

The authoritative reference and input builder live on the scoring server;
editing this copy changes nothing except your own understanding.
"""

import jax, jax.numpy as jnp
import numpy as np

N = 10000
E = 320000
D_IN = 128
D_HID = 128
D_OUT = 128


def _glorot(key, fan_in, fan_out):
    limit = float(np.sqrt(6.0 / (fan_in + fan_out)))
    return jax.random.uniform(key, (fan_in, fan_out), dtype=jnp.float32, minval=-limit, maxval=limit)


def setup_inputs(seed: int = 0) -> dict:
    key = jax.random.key(seed)
    ks = jax.random.split(key, 12)
    x = jax.random.normal(ks[0], (N, D_IN), dtype=jnp.float32)
    edge_index = jax.random.randint(ks[1], (2, E), 0, N, dtype=jnp.int32)
    W1 = _glorot(ks[2], D_IN, D_HID)
    b1 = jnp.zeros((D_HID,), dtype=jnp.float32)
    W2 = _glorot(ks[3], D_HID, D_HID)
    b2 = jnp.zeros((D_HID,), dtype=jnp.float32)
    W3 = _glorot(ks[4], D_HID, D_OUT)
    b3 = jnp.zeros((D_OUT,), dtype=jnp.float32)
    Wp1 = _glorot(ks[5], D_OUT, D_HID)
    bp1 = jnp.zeros((D_HID,), dtype=jnp.float32)
    Wp2 = _glorot(ks[6], D_HID, D_OUT)
    bp2 = jnp.zeros((D_OUT,), dtype=jnp.float32)
    return {"x": x, "edge_index": edge_index, "W1": W1, "b1": b1, "W2": W2, "b2": b2, "W3": W3, "b3": b3, "Wp1": Wp1, "bp1": bp1, "Wp2": Wp2, "bp2": bp2}


def _gcn_conv(x, src, dst, W, b):
    # PyG GCNConv: add self loops, symmetric normalization, x @ W, scatter-add, + bias
    loop = jnp.arange(N, dtype=src.dtype)
    s = jnp.concatenate([src, loop])
    d = jnp.concatenate([dst, loop])
    xw = x @ W
    deg = jax.ops.segment_sum(jnp.ones(s.shape[0], dtype=jnp.float32), d, num_segments=N)
    dinv = jnp.where(deg > 0, deg ** -0.5, 0.0)
    norm = dinv[s] * dinv[d]
    msg = xw[s] * norm[:, None]
    out = jax.ops.segment_sum(msg, d, num_segments=N)
    return out + b


def reference(x, edge_index, W1, b1, W2, b2, W3, b3, Wp1, bp1, Wp2, bp2):
    src = edge_index[0]
    dst = edge_index[1]
    h = jax.nn.relu(_gcn_conv(x, src, dst, W1, b1))
    h = jax.nn.relu(_gcn_conv(h, src, dst, W2, b2))
    h = jax.nn.relu(_gcn_conv(h, src, dst, W3, b3))
    z = jax.nn.relu(h @ Wp1 + bp1) @ Wp2 + bp2
    return z

if __name__ == "__main__":
    import jax
    _d = setup_inputs()
    print(jax.jit(kernel)(*tuple(_d.values())))

</pallas_src>

<mosaic_0001>
#map = affine_map<(d0, d1) -> (0, 0)>
#map1 = affine_map<(d0, d1) -> (0, 0, 0, 0)>
#map2 = affine_map<(d0, d1) -> (0, 0, 0)>
module attributes {stable_mosaic.version = 14 : i64} {
  func.func @_agg_kernel(%arg0: i32, %arg1: i32, %arg2: memref<10240x128xf32, #tpu.memory_space<hbm>>, %arg3: memref<32x78x2x128xi32, #tpu.memory_space<hbm>>, %arg4: memref<32x16xi32, #tpu.memory_space<hbm>>, %arg5: memref<32x16xi32, #tpu.memory_space<hbm>>, %arg6: memref<2x10240x128xf32, #tpu.memory_space<hbm>>, %arg7: memref<10240x128xf32, #tpu.memory_space<vmem_shared>>, %arg8: memref<128x128xf32, #tpu.memory_space<vmem>>, %arg9: memref<128x128xf32, #tpu.memory_space<vmem>>, %arg10: memref<2x128xi32, #tpu.memory_space<vmem>>, %arg11: memref<2x128xi32, #tpu.memory_space<vmem>>, %arg12: memref<2x128xi32, #tpu.memory_space<vmem>>, %arg13: memref<2x128xi32, #tpu.memory_space<vmem>>, %arg14: memref<16xi32, #tpu.memory_space<vmem>>, %arg15: memref<16xi32, #tpu.memory_space<vmem>>, %arg16: memref<!tpu.dma_semaphore, #tpu.memory_space<semaphore_mem>>, %arg17: memref<!tpu.dma_semaphore, #tpu.memory_space<semaphore_mem>>, %arg18: memref<!tpu.dma_semaphore, #tpu.memory_space<semaphore_mem>>, %arg19: memref<!tpu.dma_semaphore, #tpu.memory_space<semaphore_mem>>, %arg20: memref<!tpu.dma_semaphore, #tpu.memory_space<semaphore_mem>>, %arg21: memref<!tpu.dma_semaphore, #tpu.memory_space<semaphore_mem>>, %arg22: memref<!tpu.dma_semaphore, #tpu.memory_space<semaphore_mem>>, %arg23: memref<!tpu.dma_semaphore, #tpu.memory_space<semaphore_mem>>) attributes {dimension_semantics = [#tpu.dimension_semantics<core_parallel>, #tpu.dimension_semantics<subcore_parallel>], iteration_bounds = array<i64: 2, 16>, scalar_prefetch = 0 : i64, scratch_operands = 17 : i64, tpu.core_type = #tpu.core_type<sc_vector_subcore>, window_params = [{transform_indices = #map}, {transform_indices = #map1}, {transform_indices = #map}, {transform_indices = #map}, {transform_indices = #map2}]} {
    %mul3A = arith.constant 16 : i32
    %mul3A_0 = arith.muli %arg0, %mul3A : i32
    %add3A = arith.addi %mul3A_0, %arg1 : i32
    %mul3A_1 = arith.constant 640 : i32
    %mul3A_2 = arith.muli %arg1, %mul3A_1 : i32
    %dma_start3A = arith.constant 0 : i32
    %dma_start3A_3 = arith.constant 0 : i32
    %dma_start3A_4 = arith.constant 0 : i32
    %dma_start3A_5 = arith.constant 0 : i32
    %dma_start3A_6 = tpu.memref_slice %arg3[%add3A, %dma_start3A_3, %dma_start3A_4, %dma_start3A_5] : memref<32x78x2x128xi32, #tpu.memory_space<hbm>> -> memref<1x78x2x128xi32, #tpu.memory_space<hbm>>
    %dma_start3A_7 = tpu.memref_squeeze %dma_start3A_6 : memref<1x78x2x128xi32, #tpu.memory_space<hbm>> -> memref<78x2x128xi32, #tpu.memory_space<hbm>>
    %dma_start3A_8 = arith.constant 0 : i32
    %dma_start3A_9 = arith.constant 0 : i32
    %dma_start3A_10 = tpu.memref_slice %dma_start3A_7[%dma_start3A, %dma_start3A_8, %dma_start3A_9] : memref<78x2x128xi32, #tpu.memory_space<hbm>> -> memref<1x2x128xi32, #tpu.memory_space<hbm>>
    %dma_start3A_11 = tpu.memref_squeeze %dma_start3A_10 : memref<1x2x128xi32, #tpu.memory_space<hbm>> -> memref<2x128xi32, #tpu.memory_space<hbm>>
    %dma_start3A_12 = arith.constant 0 : i32
    %dma_start3A_13 = arith.constant 0 : i32
    %dma_start3A_14 = arith.constant 0 : i32
    %dma_start3A_15 = tpu.memref_slice %arg3[%add3A, %dma_start3A_12, %dma_start3A_13, %dma_start3A_14] : memref<32x78x2x128xi32, #tpu.memory_space<hbm>> -> memref<1x78x2x128xi32, #tpu.memory_space<hbm>>
    %dma_start3A_16 = tpu.memref_squeeze %dma_start3A_15 : memref<1x78x2x128xi32, #tpu.memory_space<hbm>> -> memref<78x2x128xi32, #tpu.memory_space<hbm>>
    %dma_start3A_17 = arith.constant 0 : i32
    %dma_start3A_18 = arith.constant 0 : i32
    %dma_start3A_19 = tpu.memref_slice %dma_start3A_16[%dma_start3A, %dma_start3A_17, %dma_start3A_18] : memref<78x2x128xi32, #tpu.memory_space<hbm>> -> memref<1x2x128xi32, #tpu.memory_space<hbm>>
    %dma_start3A_20 = tpu.memref_squeeze %dma_start3A_19 : memref<1x2x128xi32, #tpu.memory_space<hbm>> -> memref<2x128xi32, #tpu.memory_space<hbm>>
    tpu.enqueue_dma source(%dma_start3A_20 : memref<2x128xi32, #tpu.memory_space<hbm>>) target(%arg10 : memref<2x128xi32, #tpu.memory_space<vmem>>) target_semaphore(%arg16 : memref<!tpu.dma_semaphore, #tpu.memory_space<semaphore_mem>>)
    %dma_start3A_21 = arith.constant 1 : i32
    %dma_start3A_22 = arith.constant 0 : i32
    %dma_start3A_23 = arith.constant 0 : i32
    %dma_start3A_24 = arith.constant 0 : i32
    %dma_start3A_25 = tpu.memref_slice %arg3[%add3A, %dma_start3A_22, %dma_start3A_23, %dma_start3A_24] : memref<32x78x2x128xi32, #tpu.memory_space<hbm>> -> memref<1x78x2x128xi32, #tpu.memory_space<hbm>>
    %dma_start3A_26 = tpu.memref_squeeze %dma_start3A_25 : memref<1x78x2x128xi32, #tpu.memory_space<hbm>> -> memref<78x2x128xi32, #tpu.memory_space<hbm>>
    %dma_start3A_27 = arith.constant 0 : i32
    %dma_start3A_28 = arith.constant 0 : i32
    %dma_start3A_29 = tpu.memref_slice %dma_start3A_26[%dma_start3A_21, %dma_start3A_27, %dma_start3A_28] : memref<78x2x128xi32, #tpu.memory_space<hbm>> -> memref<1x2x128xi32, #tpu.memory_space<hbm>>
    %dma_start3A_30 = tpu.memref_squeeze %dma_start3A_29 : memref<1x2x128xi32, #tpu.memory_space<hbm>> -> memref<2x128xi32, #tpu.memory_space<hbm>>
    %dma_start3A_31 = arith.constant 0 : i32
    %dma_start3A_32 = arith.constant 0 : i32
    %dma_start3A_33 = arith.constant 0 : i32
    %dma_start3A_34 = tpu.memref_slice %arg3[%add3A, %dma_start3A_31, %dma_start3A_32, %dma_start3A_33] : memref<32x78x2x128xi32, #tpu.memory_space<hbm>> -> memref<1x78x2x128xi32, #tpu.memory_space<hbm>>
    %dma_start3A_35 = tpu.memref_squeeze %dma_start3A_34 : memref<1x78x2x128xi32, #tpu.memory_space<hbm>> -> memref<78x2x128xi32, #tpu.memory_space<hbm>>
    %dma_start3A_36 = arith.constant 0 : i32
    %dma_start3A_37 = arith.constant 0 : i32
    %dma_start3A_38 = tpu.memref_slice %dma_start3A_35[%dma_start3A_21, %dma_start3A_36, %dma_start3A_37] : memref<78x2x128xi32, #tpu.memory_space<hbm>> -> memref<1x2x128xi32, #tpu.memory_space<hbm>>
    %dma_start3A_39 = tpu.memref_squeeze %dma_start3A_38 : memref<1x2x128xi32, #tpu.memory_space<hbm>> -> memref<2x128xi32, #tpu.memory_space<hbm>>
    tpu.enqueue_dma source(%dma_start3A_39 : memref<2x128xi32, #tpu.memory_space<hbm>>) target(%arg11 : memref<2x128xi32, #tpu.memory_space<vmem>>) target_semaphore(%arg17 : memref<!tpu.dma_semaphore, #tpu.memory_space<semaphore_mem>>)
    %dma_start3A_40 = arith.constant 2 : i32
    %dma_start3A_41 = arith.constant 0 : i32
    %dma_start3A_42 = arith.constant 0 : i32
    %dma_start3A_43 = arith.constant 0 : i32
    %dma_start3A_44 = tpu.memref_slice %arg3[%add3A, %dma_start3A_41, %dma_start3A_42, %dma_start3A_43] : memref<32x78x2x128xi32, #tpu.memory_space<hbm>> -> memref<1x78x2x128xi32, #tpu.memory_space<hbm>>
    %dma_start3A_45 = tpu.memref_squeeze %dma_start3A_44 : memref<1x78x2x128xi32, #tpu.memory_space<hbm>> -> memref<78x2x128xi32, #tpu.memory_space<hbm>>
    %dma_start3A_46 = arith.constant 0 : i32
    %dma_start3A_47 = arith.constant 0 : i32
    %dma_start3A_48 = tpu.memref_slice %dma_start3A_45[%dma_start3A_40, %dma_start3A_46, %dma_start3A_47] : memref<78x2x128xi32, #tpu.memory_space<hbm>> -> memref<1x2x128xi32, #tpu.memory_space<hbm>>
    %dma_start3A_49 = tpu.memref_squeeze %dma_start3A_48 : memref<1x2x128xi32, #tpu.memory_space<hbm>> -> memref<2x128xi32, #tpu.memory_space<hbm>>
    %dma_start3A_50 = arith.constant 0 : i32
    %dma_start3A_51 = arith.constant 0 : i32
    %dma_start3A_52 = arith.constant 0 : i32
    %dma_start3A_53 = tpu.memref_slice %arg3[%add3A, %dma_start3A_50, %dma_start3A_51, %dma_start3A_52] : memref<32x78x2x128xi32, #tpu.memory_space<hbm>> -> memref<1x78x2x128xi32, #tpu.memory_space<hbm>>
    %dma_start3A_54 = tpu.memref_squeeze %dma_start3A_53 : memref<1x78x2x128xi32, #tpu.memory_space<hbm>> -> memref<78x2x128xi32, #tpu.memory_space<hbm>>
    %dma_start3A_55 = arith.constant 0 : i32
    %dma_start3A_56 = arith.constant 0 : i32
    %dma_start3A_57 = tpu.memref_slice %dma_start3A_54[%dma_start3A_40, %dma_start3A_55, %dma_start3A_56] : memref<78x2x128xi32, #tpu.memory_space<hbm>> -> memref<1x2x128xi32, #tpu.memory_space<hbm>>
    %dma_start3A_58 = tpu.memref_squeeze %dma_start3A_57 : memref<1x2x128xi32, #tpu.memory_space<hbm>> -> memref<2x128xi32, #tpu.memory_space<hbm>>
    tpu.enqueue_dma source(%dma_start3A_58 : memref<2x128xi32, #tpu.memory_space<hbm>>) target(%arg12 : memref<2x128xi32, #tpu.memory_space<vmem>>) target_semaphore(%arg18 : memref<!tpu.dma_semaphore, #tpu.memory_space<semaphore_mem>>)
    %broadcast_in_dim3A = arith.constant 0.000000e+00 : f32
    %broadcast_in_dim3A_59 = vector.broadcast %broadcast_in_dim3A : f32 to vector<16xf32>
    %scan3A = arith.constant 0 : i32
    %scan3A_60 = arith.constant 0 : i32
    %scan3A_61 = arith.constant 128 : i32
    %scan3A_62 = arith.addi %scan3A_60, %scan3A_61 : i32
    %scan3A_63 = arith.constant 1 : i32
    scf.for %scan3A_432 = %scan3A_60 to %scan3A_62 step %scan3A_63  : i32 {
      %swap3A = arith.index_cast %scan3A_432 : i32 to index
      %swap3A_433 = arith.constant 0 : index
      %swap3A_434 = tpu.vector_load %arg9[%swap3A, %swap3A_433] {strides = array<i32>} : memref<128x128xf32, #tpu.memory_space<vmem>>, vector<1x16xf32>,
      %swap3A_435 = vector.shape_cast %swap3A_434 : vector<1x16xf32> to vector<16xf32>
      %swap3A_436 = vector.shape_cast %broadcast_in_dim3A_59 : vector<16xf32> to vector<1x16xf32>
      tpu.vector_store %arg9[%swap3A, %swap3A_433], %swap3A_436 {strides = array<i32>} : memref<128x128xf32, #tpu.memory_space<vmem>>, vector<1x16xf32>,
      %swap3A_437 = arith.index_cast %scan3A_432 : i32 to index
      %swap3A_438 = arith.constant 16 : index
      %swap3A_439 = tpu.vector_load %arg9[%swap3A_437, %swap3A_438] {strides = array<i32>} : memref<128x128xf32, #tpu.memory_space<vmem>>, vector<1x16xf32>,
      %swap3A_440 = vector.shape_cast %swap3A_439 : vector<1x16xf32> to vector<16xf32>
      %swap3A_441 = vector.shape_cast %broadcast_in_dim3A_59 : vector<16xf32> to vector<1x16xf32>
      tpu.vector_store %arg9[%swap3A_437, %swap3A_438], %swap3A_441 {strides = array<i32>} : memref<128x128xf32, #tpu.memory_space<vmem>>, vector<1x16xf32>,
      %swap3A_442 = arith.index_cast %scan3A_432 : i32 to index
      %swap3A_443 = arith.constant 32 : index
      %swap3A_444 = tpu.vector_load %arg9[%swap3A_442, %swap3A_443] {strides = array<i32>} : memref<128x128xf32, #tpu.memory_space<vmem>>, vector<1x16xf32>,
      %swap3A_445 = vector.shape_cast %swap3A_444 : vector<1x16xf32> to vector<16xf32>
      %swap3A_446 = vector.shape_cast %broadcast_in_dim3A_59 : vector<16xf32> to vector<1x16xf32>
      tpu.vector_store %arg9[%swap3A_442, %swap3A_443], %swap3A_446 {strides = array<i32>} : memref<128x128xf32, #tpu.memory_space<vmem>>, vector<1x16xf32>,
      %swap3A_447 = arith.index_cast %scan3A_432 : i32 to index
      %swap3A_448 = arith.constant 48 : index
      %swap3A_449 = tpu.vector_load %arg9[%swap3A_447, %swap3A_448] {strides = array<i32>} : memref<128x128xf32, #tpu.memory_space<vmem>>, vector<1x16xf32>,
      %swap3A_450 = vector.shape_cast %swap3A_449 : vector<1x16xf32> to vector<16xf32>
      %swap3A_451 = vector.shape_cast %broadcast_in_dim3A_59 : vector<16xf32> to vector<1x16xf32>
      tpu.vector_store %arg9[%swap3A_447, %swap3A_448], %swap3A_451 {strides = array<i32>} : memref<128x128xf32, #tpu.memory_space<vmem>>, vector<1x16xf32>,
      %swap3A_452 = arith.index_cast %scan3A_432 : i32 to index
      %swap3A_453 = arith.constant 64 : index
      %swap3A_454 = tpu.vector_load %arg9[%swap3A_452, %swap3A_453] {strides = array<i32>} : memref<128x128xf32, #tpu.memory_space<vmem>>, vector<1x16xf32>,
      %swap3A_455 = vector.shape_cast %swap3A_454 : vector<1x16xf32> to vector<16xf32>
      %swap3A_456 = vector.shape_cast %broadcast_in_dim3A_59 : vector<16xf32> to vector<1x16xf32>
      tpu.vector_store %arg9[%swap3A_452, %swap3A_453], %swap3A_456 {strides = array<i32>} : memref<128x128xf32, #tpu.memory_space<vmem>>, vector<1x16xf32>,
      %swap3A_457 = arith.index_cast %scan3A_432 : i32 to index
      %swap3A_458 = arith.constant 80 : index
      %swap3A_459 = tpu.vector_load %arg9[%swap3A_457, %swap3A_458] {strides = array<i32>} : memref<128x128xf32, #tpu.memory_space<vmem>>, vector<1x16xf32>,
      %swap3A_460 = vector.shape_cast %swap3A_459 : vector<1x16xf32> to vector<16xf32>
      %swap3A_461 = vector.shape_cast %broadcast_in_dim3A_59 : vector<16xf32> to vector<1x16xf32>
      tpu.vector_store %arg9[%swap3A_457, %swap3A_458], %swap3A_461 {strides = array<i32>} : memref<128x128xf32, #tpu.memory_space<vmem>>, vector<1x16xf32>,
      %swap3A_462 = arith.index_cast %scan3A_432 : i32 to index
      %swap3A_463 = arith.constant 96 : index
      %swap3A_464 = tpu.vector_load %arg9[%swap3A_462, %swap3A_463] {strides = array<i32>} : memref<128x128xf32, #tpu.memory_space<vmem>>, vector<1x16xf32>,
      %swap3A_465 = vector.shape_cast %swap3A_464 : vector<1x16xf32> to vector<16xf32>
      %swap3A_466 = vector.shape_cast %broadcast_in_dim3A_59 : vector<16xf32> to vector<1x16xf32>
      tpu.vector_store %arg9[%swap3A_462, %swap3A_463], %swap3A_466 {strides = array<i32>} : memref<128x128xf32, #tpu.memory_space<vmem>>, vector<1x16xf32>,
      %swap3A_467 = arith.index_cast %scan3A_432 : i32 to index
      %swap3A_468 = arith.constant 112 : index
      %swap3A_469 = tpu.vector_load %arg9[%swap3A_467, %swap3A_468] {strides = array<i32>} : memref<128x128xf32, #tpu.memory_space<vmem>>, vector<1x16xf32>,
      %swap3A_470 = vector.shape_cast %swap3A_469 : vector<1x16xf32> to vector<16xf32>
      %swap3A_471 = vector.shape_cast %broadcast_in_dim3A_59 : vector<16xf32> to vector<1x16xf32>
      tpu.vector_store %arg9[%swap3A_467, %swap3A_468], %swap3A_471 {strides = array<i32>} : memref<128x128xf32, #tpu.memory_space<vmem>>, vector<1x16xf32>,
    }
    %scan3A_64 = arith.constant 128 : i32
    %add3A_65 = arith.constant 0 : i32
    %add3A_66 = arith.addi %mul3A_2, %add3A_65 : i32
    "tpu.region"() ({
      %run_scoped3A = tpu.sem_alloc : memref<!tpu.dma_semaphore, #tpu.memory_space<semaphore_mem>>
      %dma_start3A_432 = arith.constant 0 : i32
      %dma_start3A_433 = tpu.memref_slice %arg7[%add3A_66, %dma_start3A_432] : memref<10240x128xf32, #tpu.memory_space<vmem_shared>> -> memref<128x128xf32, #tpu.memory_space<vmem_shared>>
      %dma_start3A_434 = arith.constant 0 : i32
      %dma_start3A_435 = tpu.memref_slice %arg7[%add3A_66, %dma_start3A_434] : memref<10240x128xf32, #tpu.memory_space<vmem_shared>> -> memref<128x128xf32, #tpu.memory_space<vmem_shared>>
      tpu.enqueue_dma source(%arg9 : memref<128x128xf32, #tpu.memory_space<vmem>>) target(%dma_start3A_435 : memref<128x128xf32, #tpu.memory_space<vmem_shared>>) target_semaphore(%run_scoped3A : memref<!tpu.dma_semaphore, #tpu.memory_space<semaphore_mem>>)
      %dma_wait3A_436 = arith.constant 0 : i32
      %dma_wait3A_437 = tpu.memref_slice %arg7[%add3A_66, %dma_wait3A_436] : memref<10240x128xf32, #tpu.memory_space<vmem_shared>> -> memref<128x128xf32, #tpu.memory_space<vmem_shared>>
      %dma_wait3A_438 = arith.constant 0 : i32
      %dma_wait3A_439 = tpu.memref_slice %arg7[%add3A_66, %dma_wait3A_438] : memref<10240x128xf32, #tpu.memory_space<vmem_shared>> -> memref<128x128xf32, #tpu.memory_space<vmem_shared>>
      tpu.wait_dma2 semaphore(%run_scoped3A : memref<!tpu.dma_semaphore, #tpu.memory_space<semaphore_mem>>) src(%arg9 : memref<128x128xf32, #tpu.memory_space<vmem>>) dst(%dma_wait3A_439 : memref<128x128xf32, #tpu.memory_space<vmem_shared>>)
      tpu.yield
    }) : () -> ()
    %add3A_67 = arith.constant 128 : i32
    %add3A_68 = arith.addi %mul3A_2, %add3A_67 : i32
    "tpu.region"() ({
      %run_scoped3A = tpu.sem_alloc : memref<!tpu.dma_semaphore, #tpu.memory_space<semaphore_mem>>
      %dma_start3A_432 = arith.constant 0 : i32
      %dma_start3A_433 = tpu.memref_slice %arg7[%add3A_68, %dma_start3A_432] : memref<10240x128xf32, #tpu.memory_space<vmem_shared>> -> memref<128x128xf32, #tpu.memory_space<vmem_shared>>
      %dma_start3A_434 = arith.constant 0 : i32
      %dma_start3A_435 = tpu.memref_slice %arg7[%add3A_68, %dma_start3A_434] : memref<10240x128xf32, #tpu.memory_space<vmem_shared>> -> memref<128x128xf32, #tpu.memory_space<vmem_shared>>
      tpu.enqueue_dma source(%arg9 : memref<128x128xf32, #tpu.memory_space<vmem>>) target(%dma_start3A_435 : memref<128x128xf32, #tpu.memory_space<vmem_shared>>) target_semaphore(%run_scoped3A : memref<!tpu.dma_semaphore, #tpu.memory_space<semaphore_mem>>)
      %dma_wait3A_436 = arith.constant 0 : i32
      %dma_wait3A_437 = tpu.memref_slice %arg7[%add3A_68, %dma_wait3A_436] : memref<10240x128xf32, #tpu.memory_space<vmem_shared>> -> memref<128x128xf32, #tpu.memory_space<vmem_shared>>
      %dma_wait3A_438 = arith.constant 0 : i32
      %dma_wait3A_439 = tpu.memref_slice %arg7[%add3A_68, %dma_wait3A_438] : memref<10240x128xf32, #tpu.memory_space<vmem_shared>> -> memref<128x128xf32, #tpu.memory_space<vmem_shared>>
      tpu.wait_dma2 semaphore(%run_scoped3A : memref<!tpu.dma_semaphore, #tpu.memory_space<semaphore_mem>>) src(%arg9 : memref<128x128xf32, #tpu.memory_space<vmem>>) dst(%dma_wait3A_439 : memref<128x128xf32, #tpu.memory_space<vmem_shared>>)
      tpu.yield
    }) : () -> ()
    %add3A_69 = arith.constant 256 : i32
    %add3A_70 = arith.addi %mul3A_2, %add3A_69 : i32
    "tpu.region"() ({
      %run_scoped3A = tpu.sem_alloc : memref<!tpu.dma_semaphore, #tpu.memory_space<semaphore_mem>>
      %dma_start3A_432 = arith.constant 0 : i32
      %dma_start3A_433 = tpu.memref_slice %arg7[%add3A_70, %dma_start3A_432] : memref<10240x128xf32, #tpu.memory_space<vmem_shared>> -> memref<128x128xf32, #tpu.memory_space<vmem_shared>>
      %dma_start3A_434 = arith.constant 0 : i32
      %dma_start3A_435 = tpu.memref_slice %arg7[%add3A_70, %dma_start3A_434] : memref<10240x128xf32, #tpu.memory_space<vmem_shared>> -> memref<128x128xf32, #tpu.memory_space<vmem_shared>>
      tpu.enqueue_dma source(%arg9 : memref<128x128xf32, #tpu.memory_space<vmem>>) target(%dma_start3A_435 : memref<128x128xf32, #tpu.memory_space<vmem_shared>>) target_semaphore(%run_scoped3A : memref<!tpu.dma_semaphore, #tpu.memory_space<semaphore_mem>>)
      %dma_wait3A_436 = arith.constant 0 : i32
      %dma_wait3A_437 = tpu.memref_slice %arg7[%add3A_70, %dma_wait3A_436] : memref<10240x128xf32, #tpu.memory_space<vmem_shared>> -> memref<128x128xf32, #tpu.memory_space<vmem_shared>>
      %dma_wait3A_438 = arith.constant 0 : i32
      %dma_wait3A_439 = tpu.memref_slice %arg7[%add3A_70, %dma_wait3A_438] : memref<10240x128xf32, #tpu.memory_space<vmem_shared>> -> memref<128x128xf32, #tpu.memory_space<vmem_shared>>
      tpu.wait_dma2 semaphore(%run_scoped3A : memref<!tpu.dma_semaphore, #tpu.memory_space<semaphore_mem>>) src(%arg9 : memref<128x128xf32, #tpu.memory_space<vmem>>) dst(%dma_wait3A_439 : memref<128x128xf32, #tpu.memory_space<vmem_shared>>)
      tpu.yield
    }) : () -> ()
    %add3A_71 = arith.constant 384 : i32
    %add3A_72 = arith.addi %mul3A_2, %add3A_71 : i32
    "tpu.region"() ({
      %run_scoped3A = tpu.sem_alloc : memref<!tpu.dma_semaphore, #tpu.memory_space<semaphore_mem>>
      %dma_start3A_432 = arith.constant 0 : i32
      %dma_start3A_433 = tpu.memref_slice %arg7[%add3A_72, %dma_start3A_432] : memref<10240x128xf32, #tpu.memory_space<vmem_shared>> -> memref<128x128xf32, #tpu.memory_space<vmem_shared>>
      %dma_start3A_434 = arith.constant 0 : i32
      %dma_start3A_435 = tpu.memref_slice %arg7[%add3A_72, %dma_start3A_434] : memref<10240x128xf32, #tpu.memory_space<vmem_shared>> -> memref<128x128xf32, #tpu.memory_space<vmem_shared>>
      tpu.enqueue_dma source(%arg9 : memref<128x128xf32, #tpu.memory_space<vmem>>) target(%dma_start3A_435 : memref<128x128xf32, #tpu.memory_space<vmem_shared>>) target_semaphore(%run_scoped3A : memref<!tpu.dma_semaphore, #tpu.memory_space<semaphore_mem>>)
      %dma_wait3A_436 = arith.constant 0 : i32
      %dma_wait3A_437 = tpu.memref_slice %arg7[%add3A_72, %dma_wait3A_436] : memref<10240x128xf32, #tpu.memory_space<vmem_shared>> -> memref<128x128xf32, #tpu.memory_space<vmem_shared>>
      %dma_wait3A_438 = arith.constant 0 : i32
      %dma_wait3A_439 = tpu.memref_slice %arg7[%add3A_72, %dma_wait3A_438] : memref<10240x128xf32, #tpu.memory_space<vmem_shared>> -> memref<128x128xf32, #tpu.memory_space<vmem_shared>>
      tpu.wait_dma2 semaphore(%run_scoped3A : memref<!tpu.dma_semaphore, #tpu.memory_space<semaphore_mem>>) src(%arg9 : memref<128x128xf32, #tpu.memory_space<vmem>>) dst(%dma_wait3A_439 : memref<128x128xf32, #tpu.memory_space<vmem_shared>>)
      tpu.yield
    }) : () -> ()
    %add3A_73 = arith.constant 512 : i32
    %add3A_74 = arith.addi %mul3A_2, %add3A_73 : i32
    "tpu.region"() ({
      %run_scoped3A = tpu.sem_alloc : memref<!tpu.dma_semaphore, #tpu.memory_space<semaphore_mem>>
      %dma_start3A_432 = arith.constant 0 : i32
      %dma_start3A_433 = tpu.memref_slice %arg7[%add3A_74, %dma_start3A_432] : memref<10240x128xf32, #tpu.memory_space<vmem_shared>> -> memref<128x128xf32, #tpu.memory_space<vmem_shared>>
      %dma_start3A_434 = arith.constant 0 : i32
      %dma_start3A_435 = tpu.memref_slice %arg7[%add3A_74, %dma_start3A_434] : memref<10240x128xf32, #tpu.memory_space<vmem_shared>> -> memref<128x128xf32, #tpu.memory_space<vmem_shared>>
      tpu.enqueue_dma source(%arg9 : memref<128x128xf32, #tpu.memory_space<vmem>>) target(%dma_start3A_435 : memref<128x128xf32, #tpu.memory_space<vmem_shared>>) target_semaphore(%run_scoped3A : memref<!tpu.dma_semaphore, #tpu.memory_space<semaphore_mem>>)
      %dma_wait3A_436 = arith.constant 0 : i32
      %dma_wait3A_437 = tpu.memref_slice %arg7[%add3A_74, %dma_wait3A_436] : memref<10240x128xf32, #tpu.memory_space<vmem_shared>> -> memref<128x128xf32, #tpu.memory_space<vmem_shared>>
      %dma_wait3A_438 = arith.constant 0 : i32
      %dma_wait3A_439 = tpu.memref_slice %arg7[%add3A_74, %dma_wait3A_438] : memref<10240x128xf32, #tpu.memory_space<vmem_shared>> -> memref<128x128xf32, #tpu.memory_space<vmem_shared>>
      tpu.wait_dma2 semaphore(%run_scoped3A : memref<!tpu.dma_semaphore, #tpu.memory_space<semaphore_mem>>) src(%arg9 : memref<128x128xf32, #tpu.memory_space<vmem>>) dst(%dma_wait3A_439 : memref<128x128xf32, #tpu.memory_space<vmem_shared>>)
      tpu.yield
    }) : () -> ()
    %dma_wait3A = arith.constant 0 : i32
    %dma_wait3A_75 = arith.constant 0 : i32
    %dma_wait3A_76 = arith.constant 0 : i32
    %dma_wait3A_77 = arith.constant 0 : i32
    %dma_wait3A_78 = tpu.memref_slice %arg3[%add3A, %dma_wait3A_75, %dma_wait3A_76, %dma_wait3A_77] : memref<32x78x2x128xi32, #tpu.memory_space<hbm>> -> memref<1x78x2x128xi32, #tpu.memory_space<hbm>>
    %dma_wait3A_79 = tpu.memref_squeeze %dma_wait3A_78 : memref<1x78x2x128xi32, #tpu.memory_space<hbm>> -> memref<78x2x128xi32, #tpu.memory_space<hbm>>
    %dma_wait3A_80 = arith.constant 0 : i32
    %dma_wait3A_81 = arith.constant 0 : i32
    %dma_wait3A_82 = tpu.memref_slice %dma_wait3A_79[%dma_wait3A, %dma_wait3A_80, %dma_wait3A_81] : memref<78x2x128xi32, #tpu.memory_space<hbm>> -> memref<1x2x128xi32, #tpu.memory_space<hbm>>
    %dma_wait3A_83 = tpu.memref_squeeze %dma_wait3A_82 : memref<1x2x128xi32, #tpu.memory_space<hbm>> -> memref<2x128xi32, #tpu.memory_space<hbm>>
    %dma_wait3A_84 = arith.constant 0 : i32
    %dma_wait3A_85 = arith.constant 0 : i32
    %dma_wait3A_86 = arith.constant 0 : i32
    %dma_wait3A_87 = tpu.memref_slice %arg3[%add3A, %dma_wait3A_84, %dma_wait3A_85, %dma_wait3A_86] : memref<32x78x2x128xi32, #tpu.memory_space<hbm>> -> memref<1x78x2x128xi32, #tpu.memory_space<hbm>>
    %dma_wait3A_88 = tpu.memref_squeeze %dma_wait3A_87 : memref<1x78x2x128xi32, #tpu.memory_space<hbm>> -> memref<78x2x128xi32, #tpu.memory_space<hbm>>
    %dma_wait3A_89 = arith.constant 0 : i32
    %dma_wait3A_90 = arith.constant 0 : i32
    %dma_wait3A_91 = tpu.memref_slice %dma_wait3A_88[%dma_wait3A, %dma_wait3A_89, %dma_wait3A_90] : memref<78x2x128xi32, #tpu.memory_space<hbm>> -> memref<1x2x128xi32, #tpu.memory_space<hbm>>
    %dma_wait3A_92 = tpu.memref_squeeze %dma_wait3A_91 : memref<1x2x128xi32, #tpu.memory_space<hbm>> -> memref<2x128xi32, #tpu.memory_space<hbm>>
    tpu.wait_dma2 semaphore(%arg16 : memref<!tpu.dma_semaphore, #tpu.memory_space<semaphore_mem>>) src(%dma_wait3A_92 : memref<2x128xi32, #tpu.memory_space<hbm>>) dst(%arg10 : memref<2x128xi32, #tpu.memory_space<vmem>>)
    %dma_start3A_93 = arith.constant 0 : i32
    %dma_start3A_94 = arith.constant 0 : i32
    %dma_start3A_95 = tpu.memref_slice %arg10[%dma_start3A_93, %dma_start3A_94] : memref<2x128xi32, #tpu.memory_space<vmem>> -> memref<1x128xi32, #tpu.memory_space<vmem>>
    %dma_start3A_96 = tpu.memref_squeeze %dma_start3A_95 : memref<1x128xi32, #tpu.memory_space<vmem>> -> memref<128xi32, #tpu.memory_space<vmem>>
    %dma_start3A_97 = arith.constant 0 : i32
    %dma_start3A_98 = arith.constant 0 : i32
    %dma_start3A_99 = tpu.memref_slice %arg2[%dma_start3A_97, %dma_start3A_98] : memref<10240x128xf32, #tpu.memory_space<hbm>> -> memref<10240x128xf32, #tpu.memory_space<hbm>>
    tpu.enqueue_indirect_dma source(%dma_start3A_99 : memref<10240x128xf32, #tpu.memory_space<hbm>>) target(%arg8 : memref<128x128xf32, #tpu.memory_space<vmem>>) offsets(%dma_start3A_96 : memref<128xi32, #tpu.memory_space<vmem>>) semaphore(%arg20 : memref<!tpu.dma_semaphore, #tpu.memory_space<semaphore_mem>>)
    %barrier3A = arith.constant 0 : index
    tpu.barrier barrier_id(%barrier3A)
    %dma_wait3A_100 = arith.constant 1 : i32
    %dma_wait3A_101 = arith.constant 0 : i32
    %dma_wait3A_102 = arith.constant 0 : i32
    %dma_wait3A_103 = arith.constant 0 : i32
    %dma_wait3A_104 = tpu.memref_slice %arg3[%add3A, %dma_wait3A_101, %dma_wait3A_102, %dma_wait3A_103] : memref<32x78x2x128xi32, #tpu.memory_space<hbm>> -> memref<1x78x2x128xi32, #tpu.memory_space<hbm>>
    %dma_wait3A_105 = tpu.memref_squeeze %dma_wait3A_104 : memref<1x78x2x128xi32, #tpu.memory_space<hbm>> -> memref<78x2x128xi32, #tpu.memory_space<hbm>>
    %dma_wait3A_106 = arith.constant 0 : i32
    %dma_wait3A_107 = arith.constant 0 : i32
    %dma_wait3A_108 = tpu.memref_slice %dma_wait3A_105[%dma_wait3A_100, %dma_wait3A_106, %dma_wait3A_107] : memref<78x2x128xi32, #tpu.memory_space<hbm>> -> memref<1x2x128xi32, #tpu.memory_space<hbm>>
    %dma_wait3A_109 = tpu.memref_squeeze %dma_wait3A_108 : memref<1x2x128xi32, #tpu.memory_space<hbm>> -> memref<2x128xi32, #tpu.memory_space<hbm>>
    %dma_wait3A_110 = arith.constant 0 : i32
    %dma_wait3A_111 = arith.constant 0 : i32
    %dma_wait3A_112 = arith.constant 0 : i32
    %dma_wait3A_113 = tpu.memref_slice %arg3[%add3A, %dma_wait3A_110, %dma_wait3A_111, %dma_wait3A_112] : memref<32x78x2x128xi32, #tpu.memory_space<hbm>> -> memref<1x78x2x128xi32, #tpu.memory_space<hbm>>
    %dma_wait3A_114 = tpu.memref_squeeze %dma_wait3A_113 : memref<1x78x2x128xi32, #tpu.memory_space<hbm>> -> memref<78x2x128xi32, #tpu.memory_space<hbm>>
    %dma_wait3A_115 = arith.constant 0 : i32
    %dma_wait3A_116 = arith.constant 0 : i32
    %dma_wait3A_117 = tpu.memref_slice %dma_wait3A_114[%dma_wait3A_100, %dma_wait3A_115, %dma_wait3A_116] : memref<78x2x128xi32, #tpu.memory_space<hbm>> -> memref<1x2x128xi32, #tpu.memory_space<hbm>>
    %dma_wait3A_118 = tpu.memref_squeeze %dma_wait3A_117 : memref<1x2x128xi32, #tpu.memory_space<hbm>> -> memref<2x128xi32, #tpu.memory_space<hbm>>
    tpu.wait_dma2 semaphore(%arg17 : memref<!tpu.dma_semaphore, #tpu.memory_space<semaphore_mem>>) src(%dma_wait3A_118 : memref<2x128xi32, #tpu.memory_space<hbm>>) dst(%arg11 : memref<2x128xi32, #tpu.memory_space<vmem>>)
    %dma_start3A_119 = arith.constant 0 : i32
    %dma_start3A_120 = arith.constant 0 : i32
    %dma_start3A_121 = tpu.memref_slice %arg11[%dma_start3A_119, %dma_start3A_120] : memref<2x128xi32, #tpu.memory_space<vmem>> -> memref<1x128xi32, #tpu.memory_space<vmem>>
    %dma_start3A_122 = tpu.memref_squeeze %dma_start3A_121 : memref<1x128xi32, #tpu.memory_space<vmem>> -> memref<128xi32, #tpu.memory_space<vmem>>
    %dma_start3A_123 = arith.constant 0 : i32
    %dma_start3A_124 = arith.constant 0 : i32
    %dma_start3A_125 = tpu.memref_slice %arg2[%dma_start3A_123, %dma_start3A_124] : memref<10240x128xf32, #tpu.memory_space<hbm>> -> memref<10240x128xf32, #tpu.memory_space<hbm>>
    tpu.enqueue_indirect_dma source(%dma_start3A_125 : memref<10240x128xf32, #tpu.memory_space<hbm>>) target(%arg9 : memref<128x128xf32, #tpu.memory_space<vmem>>) offsets(%dma_start3A_122 : memref<128xi32, #tpu.memory_space<vmem>>) semaphore(%arg21 : memref<!tpu.dma_semaphore, #tpu.memory_space<semaphore_mem>>)
    %dma_wait3A_126 = arith.constant 0 : i32
    %dma_wait3A_127 = arith.constant 0 : i32
    %dma_wait3A_128 = tpu.memref_slice %arg10[%dma_wait3A_126, %dma_wait3A_127] : memref<2x128xi32, #tpu.memory_space<vmem>> -> memref<1x128xi32, #tpu.memory_space<vmem>>
    %dma_wait3A_129 = tpu.memref_squeeze %dma_wait3A_128 : memref<1x128xi32, #tpu.memory_space<vmem>> -> memref<128xi32, #tpu.memory_space<vmem>>
    %dma_wait3A_130 = arith.constant 0 : i32
    %dma_wait3A_131 = arith.constant 0 : i32
    %dma_wait3A_132 = tpu.memref_slice %arg2[%dma_wait3A_130, %dma_wait3A_131] : memref<10240x128xf32, #tpu.memory_space<hbm>> -> memref<10240x128xf32, #tpu.memory_space<hbm>>
    tpu.wait_indirect_dma semaphore(%arg20 : memref<!tpu.dma_semaphore, #tpu.memory_space<semaphore_mem>>) src(%dma_wait3A_132 : memref<10240x128xf32, #tpu.memory_space<hbm>>) dst(%arg8 : memref<128x128xf32, #tpu.memory_space<vmem>>)
    %dma_start3A_133 = arith.constant 1 : i32
    %dma_start3A_134 = arith.constant 0 : i32
    %dma_start3A_135 = tpu.memref_slice %arg10[%dma_start3A_133, %dma_start3A_134] : memref<2x128xi32, #tpu.memory_space<vmem>> -> memref<1x128xi32, #tpu.memory_space<vmem>>
    %dma_start3A_136 = tpu.memref_squeeze %dma_start3A_135 : memref<1x128xi32, #tpu.memory_space<vmem>> -> memref<128xi32, #tpu.memory_space<vmem>>
    %dma_start3A_137 = arith.constant 0 : i32
    %dma_start3A_138 = arith.constant 0 : i32
    %dma_start3A_139 = tpu.memref_slice %arg7[%dma_start3A_137, %dma_start3A_138] : memref<10240x128xf32, #tpu.memory_space<vmem_shared>> -> memref<10240x128xf32, #tpu.memory_space<vmem_shared>>
    tpu.enqueue_indirect_dma source(%arg8 : memref<128x128xf32, #tpu.memory_space<vmem>>) target(%dma_start3A_139 : memref<10240x128xf32, #tpu.memory_space<vmem_shared>>) offsets(%dma_start3A_136 : memref<128xi32, #tpu.memory_space<vmem>>) semaphore(%arg22 : memref<!tpu.dma_semaphore, #tpu.memory_space<semaphore_mem>>) {add = true}
    %dma_start3A_140 = arith.constant 3 : i32
    %dma_start3A_141 = arith.constant 0 : i32
    %dma_start3A_142 = arith.constant 0 : i32
    %dma_start3A_143 = arith.constant 0 : i32
    %dma_start3A_144 = tpu.memref_slice %arg3[%add3A, %dma_start3A_141, %dma_start3A_142, %dma_start3A_143] : memref<32x78x2x128xi32, #tpu.memory_space<hbm>> -> memref<1x78x2x128xi32, #tpu.memory_space<hbm>>
    %dma_start3A_145 = tpu.memref_squeeze %dma_start3A_144 : memref<1x78x2x128xi32, #tpu.memory_space<hbm>> -> memref<78x2x128xi32, #tpu.memory_space<hbm>>
    %dma_start3A_146 = arith.constant 0 : i32
    %dma_start3A_147 = arith.constant 0 : i32
    %dma_start3A_148 = tpu.memref_slice %dma_start3A_145[%dma_start3A_140, %dma_start3A_146, %dma_start3A_147] : memref<78x2x128xi32, #tpu.memory_space<hbm>> -> memref<1x2x128xi32, #tpu.memory_space<hbm>>
    %dma_start3A_149 = tpu.memref_squeeze %dma_start3A_148 : memref<1x2x128xi32, #tpu.memory_space<hbm>> -> memref<2x128xi32, #tpu.memory_space<hbm>>
    %dma_start3A_150 = arith.constant 0 : i32
    %dma_start3A_151 = arith.constant 0 : i32
    %dma_start3A_152 = arith.constant 0 : i32
    %dma_start3A_153 = tpu.memref_slice %arg3[%add3A, %dma_start3A_150, %dma_start3A_151, %dma_start3A_152] : memref<32x78x2x128xi32, #tpu.memory_space<hbm>> -> memref<1x78x2x128xi32, #tpu.memory_space<hbm>>
    %dma_start3A_154 = tpu.memref_squeeze %dma_start3A_153 : memref<1x78x2x128xi32, #tpu.memory_space<hbm>> -> memref<78x2x128xi32, #tpu.memory_space<hbm>>
    %dma_start3A_155 = arith.constant 0 : i32
    %dma_start3A_156 = arith.constant 0 : i32
    %dma_start3A_157 = tpu.memref_slice %dma_start3A_154[%dma_start3A_140, %dma_start3A_155, %dma_start3A_156] : memref<78x2x128xi32, #tpu.memory_space<hbm>> -> memref<1x2x128xi32, #tpu.memory_space<hbm>>
    %dma_start3A_158 = tpu.memref_squeeze %dma_start3A_157 : memref<1x2x128xi32, #tpu.memory_space<hbm>> -> memref<2x128xi32, #tpu.memory_space<hbm>>
    tpu.enqueue_dma source(%dma_start3A_158 : memref<2x128xi32, #tpu.memory_space<hbm>>) target(%arg13 : memref<2x128xi32, #tpu.memory_space<vmem>>) target_semaphore(%arg19 : memref<!tpu.dma_semaphore, #tpu.memory_space<semaphore_mem>>)
    %scan3A_159 = arith.constant 0 : i32
    %scan3A_160 = arith.constant 0 : i32
    %scan3A_161 = arith.constant 18 : i32
    %scan3A_162 = arith.addi %scan3A_160, %scan3A_161 : i32
    %scan3A_163 = arith.constant 1 : i32
    scf.for %scan3A_432 = %scan3A_160 to %scan3A_162 step %scan3A_163  : i32 {
      %mul3A_433 = arith.constant 4 : i32
      %mul3A_434 = arith.muli %mul3A_433, %scan3A_432 : i32
      %add3A_435 = arith.constant 1 : i32
      %add3A_436 = arith.addi %mul3A_434, %add3A_435 : i32
      %add3A_437 = arith.constant 1 : i32
      %add3A_438 = arith.addi %add3A_436, %add3A_437 : i32
      %dma_wait3A_439 = arith.constant 0 : i32
      %dma_wait3A_440 = arith.constant 0 : i32
      %dma_wait3A_441 = arith.constant 0 : i32
      %dma_wait3A_442 = tpu.memref_slice %arg3[%add3A, %dma_wait3A_439, %dma_wait3A_440, %dma_wait3A_441] : memref<32x78x2x128xi32, #tpu.memory_space<hbm>> -> memref<1x78x2x128xi32, #tpu.memory_space<hbm>>
      %dma_wait3A_443 = tpu.memref_squeeze %dma_wait3A_442 : memref<1x78x2x128xi32, #tpu.memory_space<hbm>> -> memref<78x2x128xi32, #tpu.memory_space<hbm>>
      %dma_wait3A_444 = arith.constant 0 : i32
      %dma_wait3A_445 = arith.constant 0 : i32
      %dma_wait3A_446 = tpu.memref_slice %dma_wait3A_443[%add3A_438, %dma_wait3A_444, %dma_wait3A_445] : memref<78x2x128xi32, #tpu.memory_space<hbm>> -> memref<1x2x128xi32, #tpu.memory_space<hbm>>
      %dma_wait3A_447 = tpu.memref_squeeze %dma_wait3A_446 : memref<1x2x128xi32, #tpu.memory_space<hbm>> -> memref<2x128xi32, #tpu.memory_space<hbm>>
      %dma_wait3A_448 = arith.constant 0 : i32
      %dma_wait3A_449 = arith.constant 0 : i32
      %dma_wait3A_450 = arith.constant 0 : i32
      %dma_wait3A_451 = tpu.memref_slice %arg3[%add3A, %dma_wait3A_448, %dma_wait3A_449, %dma_wait3A_450] : memref<32x78x2x128xi32, #tpu.memory_space<hbm>> -> memref<1x78x2x128xi32, #tpu.memory_space<hbm>>
      %dma_wait3A_452 = tpu.memref_squeeze %dma_wait3A_451 : memref<1x78x2x128xi32, #tpu.memory_space<hbm>> -> memref<78x2x128xi32, #tpu.memory_space<hbm>>
      %dma_wait3A_453 = arith.constant 0 : i32
      %dma_wait3A_454 = arith.constant 0 : i32
      %dma_wait3A_455 = tpu.memref_slice %dma_wait3A_452[%add3A_438, %dma_wait3A_453, %dma_wait3A_454] : memref<78x2x128xi32, #tpu.memory_space<hbm>> -> memref<1x2x128xi32, #tpu.memory_space<hbm>>
      %dma_wait3A_456 = tpu.memref_squeeze %dma_wait3A_455 : memref<1x2x128xi32, #tpu.memory_space<hbm>> -> memref<2x128xi32, #tpu.memory_space<hbm>>
      tpu.wait_dma2 semaphore(%arg18 : memref<!tpu.dma_semaphore, #tpu.memory_space<semaphore_mem>>) src(%dma_wait3A_456 : memref<2x128xi32, #tpu.memory_space<hbm>>) dst(%arg12 : memref<2x128xi32, #tpu.memory_space<vmem>>)
      %sub3A = arith.constant 1 : i32
      %sub3A_457 = arith.subi %add3A_436, %sub3A : i32
      %dma_wait3A_458 = arith.constant 1 : i32
      %dma_wait3A_459 = arith.constant 0 : i32
      %dma_wait3A_460 = tpu.memref_slice %arg10[%dma_wait3A_458, %dma_wait3A_459] : memref<2x128xi32, #tpu.memory_space<vmem>> -> memref<1x128xi32, #tpu.memory_space<vmem>>
      %dma_wait3A_461 = tpu.memref_squeeze %dma_wait3A_460 : memref<1x128xi32, #tpu.memory_space<vmem>> -> memref<128xi32, #tpu.memory_space<vmem>>
      %dma_wait3A_462 = arith.constant 0 : i32
      %dma_wait3A_463 = arith.constant 0 : i32
      %dma_wait3A_464 = tpu.memref_slice %arg7[%dma_wait3A_462, %dma_wait3A_463] : memref<10240x128xf32, #tpu.memory_space<vmem_shared>> -> memref<10240x128xf32, #tpu.memory_space<vmem_shared>>
      tpu.wait_indirect_dma semaphore(%arg22 : memref<!tpu.dma_semaphore, #tpu.memory_space<semaphore_mem>>) src(%arg8 : memref<128x128xf32, #tpu.memory_space<vmem>>) dst(%dma_wait3A_464 : memref<10240x128xf32, #tpu.memory_space<vmem_shared>>)
      %add3A_465 = arith.constant 1 : i32
      %add3A_466 = arith.addi %add3A_436, %add3A_465 : i32
      %dma_start3A_467 = arith.constant 0 : i32
      %dma_start3A_468 = arith.constant 0 : i32
      %dma_start3A_469 = tpu.memref_slice %arg12[%dma_start3A_467, %dma_start3A_468] : memref<2x128xi32, #tpu.memory_space<vmem>> -> memref<1x128xi32, #tpu.memory_space<vmem>>
      %dma_start3A_470 = tpu.memref_squeeze %dma_start3A_469 : memref<1x128xi32, #tpu.memory_space<vmem>> -> memref<128xi32, #tpu.memory_space<vmem>>
      %dma_start3A_471 = arith.constant 0 : i32
      %dma_start3A_472 = arith.constant 0 : i32
      %dma_start3A_473 = tpu.memref_slice %arg2[%dma_start3A_471, %dma_start3A_472] : memref<10240x128xf32, #tpu.memory_space<hbm>> -> memref<10240x128xf32, #tpu.memory_space<hbm>>
      tpu.enqueue_indirect_dma source(%dma_start3A_473 : memref<10240x128xf32, #tpu.memory_space<hbm>>) target(%arg8 : memref<128x128xf32, #tpu.memory_space<vmem>>) offsets(%dma_start3A_470 : memref<128xi32, #tpu.memory_space<vmem>>) semaphore(%arg20 : memref<!tpu.dma_semaphore, #tpu.memory_space<semaphore_mem>>)
      %dma_wait3A_474 = arith.constant 0 : i32
      %dma_wait3A_475 = arith.constant 0 : i32
      %dma_wait3A_476 = tpu.memref_slice %arg11[%dma_wait3A_474, %dma_wait3A_475] : memref<2x128xi32, #tpu.memory_space<vmem>> -> memref<1x128xi32, #tpu.memory_space<vmem>>
      %dma_wait3A_477 = tpu.memref_squeeze %dma_wait3A_476 : memref<1x128xi32, #tpu.memory_space<vmem>> -> memref<128xi32, #tpu.memory_space<vmem>>
      %dma_wait3A_478 = arith.constant 0 : i32
      %dma_wait3A_479 = arith.constant 0 : i32
      %dma_wait3A_480 = tpu.memref_slice %arg2[%dma_wait3A_478, %dma_wait3A_479] : memref<10240x128xf32, #tpu.memory_space<hbm>> -> memref<10240x128xf32, #tpu.memory_space<hbm>>
      tpu.wait_indirect_dma semaphore(%arg21 : memref<!tpu.dma_semaphore, #tpu.memory_space<semaphore_mem>>) src(%dma_wait3A_480 : memref<10240x128xf32, #tpu.memory_space<hbm>>) dst(%arg9 : memref<128x128xf32, #tpu.memory_space<vmem>>)
      %dma_start3A_481 = arith.constant 1 : i32
      %dma_start3A_482 = arith.constant 0 : i32
      %dma_start3A_483 = tpu.memref_slice %arg11[%dma_start3A_481, %dma_start3A_482] : memref<2x128xi32, #tpu.memory_space<vmem>> -> memref<1x128xi32, #tpu.memory_space<vmem>>
      %dma_start3A_484 = tpu.memref_squeeze %dma_start3A_483 : memref<1x128xi32, #tpu.memory_space<vmem>> -> memref<128xi32, #tpu.memory_space<vmem>>
      %dma_start3A_485 = arith.constant 0 : i32
      %dma_start3A_486 = arith.constant 0 : i32
      %dma_start3A_487 = tpu.memref_slice %arg7[%dma_start3A_485, %dma_start3A_486] : memref<10240x128xf32, #tpu.memory_space<vmem_shared>> -> memref<10240x128xf32, #tpu.memory_space<vmem_shared>>
      tpu.enqueue_indirect_dma source(%arg9 : memref<128x128xf32, #tpu.memory_space<vmem>>) target(%dma_start3A_487 : memref<10240x128xf32, #tpu.memory_space<vmem_shared>>) offsets(%dma_start3A_484 : memref<128xi32, #tpu.memory_space<vmem>>) semaphore(%arg23 : memref<!tpu.dma_semaphore, #tpu.memory_space<semaphore_mem>>) {add = true}
      %add3A_488 = arith.constant 3 : i32
      %add3A_489 = arith.addi %add3A_436, %add3A_488 : i32
      %dma_start3A_490 = arith.constant 0 : i32
      %dma_start3A_491 = arith.constant 0 : i32
      %dma_start3A_492 = arith.constant 0 : i32
      %dma_start3A_493 = tpu.memref_slice %arg3[%add3A, %dma_start3A_490, %dma_start3A_491, %dma_start3A_492] : memref<32x78x2x128xi32, #tpu.memory_space<hbm>> -> memref<1x78x2x128xi32, #tpu.memory_space<hbm>>
      %dma_start3A_494 = tpu.memref_squeeze %dma_start3A_493 : memref<1x78x2x128xi32, #tpu.memory_space<hbm>> -> memref<78x2x128xi32, #tpu.memory_space<hbm>>
      %dma_start3A_495 = arith.constant 0 : i32
      %dma_start3A_496 = arith.constant 0 : i32
      %dma_start3A_497 = tpu.memref_slice %dma_start3A_494[%add3A_489, %dma_start3A_495, %dma_start3A_496] : memref<78x2x128xi32, #tpu.memory_space<hbm>> -> memref<1x2x128xi32, #tpu.memory_space<hbm>>
      %dma_start3A_498 = tpu.memref_squeeze %dma_start3A_497 : memref<1x2x128xi32, #tpu.memory_space<hbm>> -> memref<2x128xi32, #tpu.memory_space<hbm>>
      %dma_start3A_499 = arith.constant 0 : i32
      %dma_start3A_500 = arith.constant 0 : i32
      %dma_start3A_501 = arith.constant 0 : i32
      %dma_start3A_502 = tpu.memref_slice %arg3[%add3A, %dma_start3A_499, %dma_start3A_500, %dma_start3A_501] : memref<32x78x2x128xi32, #tpu.memory_space<hbm>> -> memref<1x78x2x128xi32, #tpu.memory_space<hbm>>
      %dma_start3A_503 = tpu.memref_squeeze %dma_start3A_502 : memref<1x78x2x128xi32, #tpu.memory_space<hbm>> -> memref<78x2x128xi32, #tpu.memory_space<hbm>>
      %dma_start3A_504 = arith.constant 0 : i32
      %dma_start3A_505 = arith.constant 0 : i32
      %dma_start3A_506 = tpu.memref_slice %dma_start3A_503[%add3A_489, %dma_start3A_504, %dma_start3A_505] : memref<78x2x128xi32, #tpu.memory_space<hbm>> -> memref<1x2x128xi32, #tpu.memory_space<hbm>>
      %dma_start3A_507 = tpu.memref_squeeze %dma_start3A_506 : memref<1x2x128xi32, #tpu.memory_space<hbm>> -> memref<2x128xi32, #tpu.memory_space<hbm>>
      tpu.enqueue_dma source(%dma_start3A_507 : memref<2x128xi32, #tpu.memory_space<hbm>>) target(%arg10 : memref<2x128xi32, #tpu.memory_space<vmem>>) target_semaphore(%arg16 : memref<!tpu.dma_semaphore, #tpu.memory_space<semaphore_mem>>)
      %add3A_508 = arith.constant 1 : i32
      %add3A_509 = arith.addi %add3A_436, %add3A_508 : i32
      %add3A_510 = arith.constant 1 : i32
      %add3A_511 = arith.addi %add3A_509, %add3A_510 : i32
      %dma_wait3A_512 = arith.constant 0 : i32
      %dma_wait3A_513 = arith.constant 0 : i32
      %dma_wait3A_514 = arith.constant 0 : i32
      %dma_wait3A_515 = tpu.memref_slice %arg3[%add3A, %dma_wait3A_512, %dma_wait3A_513, %dma_wait3A_514] : memref<32x78x2x128xi32, #tpu.memory_space<hbm>> -> memref<1x78x2x128xi32, #tpu.memory_space<hbm>>
      %dma_wait3A_516 = tpu.memref_squeeze %dma_wait3A_515 : memref<1x78x2x128xi32, #tpu.memory_space<hbm>> -> memref<78x2x128xi32, #tpu.memory_space<hbm>>
      %dma_wait3A_517 = arith.constant 0 : i32
      %dma_wait3A_518 = arith.constant 0 : i32
      %dma_wait3A_519 = tpu.memref_slice %dma_wait3A_516[%add3A_511, %dma_wait3A_517, %dma_wait3A_518] : memref<78x2x128xi32, #tpu.memory_space<hbm>> -> memref<1x2x128xi32, #tpu.memory_space<hbm>>
      %dma_wait3A_520 = tpu.memref_squeeze %dma_wait3A_519 : memref<1x2x128xi32, #tpu.memory_space<hbm>> -> memref<2x128xi32, #tpu.memory_space<hbm>>
      %dma_wait3A_521 = arith.constant 0 : i32
      %dma_wait3A_522 = arith.constant 0 : i32
      %dma_wait3A_523 = arith.constant 0 : i32
      %dma_wait3A_524 = tpu.memref_slice %arg3[%add3A, %dma_wait3A_521, %dma_wait3A_522, %dma_wait3A_523] : memref<32x78x2x128xi32, #tpu.memory_space<hbm>> -> memref<1x78x2x128xi32, #tpu.memory_space<hbm>>
      %dma_wait3A_525 = tpu.memref_squeeze %dma_wait3A_524 : memref<1x78x2x128xi32, #tpu.memory_space<hbm>> -> memref<78x2x128xi32, #tpu.memory_space<hbm>>
      %dma_wait3A_526 = arith.constant 0 : i32
      %dma_wait3A_527 = arith.constant 0 : i32
      %dma_wait3A_528 = tpu.memref_slice %dma_wait3A_525[%add3A_511, %dma_wait3A_526, %dma_wait3A_527] : memref<78x2x128xi32, #tpu.memory_space<hbm>> -> memref<1x2x128xi32, #tpu.memory_space<hbm>>
      %dma_wait3A_529 = tpu.memref_squeeze %dma_wait3A_528 : memref<1x2x128xi32, #tpu.memory_space<hbm>> -> memref<2x128xi32, #tpu.memory_space<hbm>>
      tpu.wait_dma2 semaphore(%arg19 : memref<!tpu.dma_semaphore, #tpu.memory_space<semaphore_mem>>) src(%dma_wait3A_529 : memref<2x128xi32, #tpu.memory_space<hbm>>) dst(%arg13 : memref<2x128xi32, #tpu.memory_space<vmem>>)
      %sub3A_530 = arith.constant 1 : i32
      %sub3A_531 = arith.subi %add3A_509, %sub3A_530 : i32
      %dma_wait3A_532 = arith.constant 1 : i32
      %dma_wait3A_533 = arith.constant 0 : i32
      %dma_wait3A_534 = tpu.memref_slice %arg11[%dma_wait3A_532, %dma_wait3A_533] : memref<2x128xi32, #tpu.memory_space<vmem>> -> memref<1x128xi32, #tpu.memory_space<vmem>>
      %dma_wait3A_535 = tpu.memref_squeeze %dma_wait3A_534 : memref<1x128xi32, #tpu.memory_space<vmem>> -> memref<128xi32, #tpu.memory_space<vmem>>
      %dma_wait3A_536 = arith.constant 0 : i32
      %dma_wait3A_537 = arith.constant 0 : i32
      %dma_wait3A_538 = tpu.memref_slice %arg7[%dma_wait3A_536, %dma_wait3A_537] : memref<10240x128xf32, #tpu.memory_space<vmem_shared>> -> memref<10240x128xf32, #tpu.memory_space<vmem_shared>>
      tpu.wait_indirect_dma semaphore(%arg23 : memref<!tpu.dma_semaphore, #tpu.memory_space<semaphore_mem>>) src(%arg9 : memref<128x128xf32, #tpu.memory_space<vmem>>) dst(%dma_wait3A_538 : memref<10240x128xf32, #tpu.memory_space<vmem_shared>>)
      %add3A_539 = arith.constant 1 : i32
      %add3A_540 = arith.addi %add3A_509, %add3A_539 : i32
      %dma_start3A_541 = arith.constant 0 : i32
      %dma_start3A_542 = arith.constant 0 : i32
      %dma_start3A_543 = tpu.memref_slice %arg13[%dma_start3A_541, %dma_start3A_542] : memref<2x128xi32, #tpu.memory_space<vmem>> -> memref<1x128xi32, #tpu.memory_space<vmem>>
      %dma_start3A_544 = tpu.memref_squeeze %dma_start3A_543 : memref<1x128xi32, #tpu.memory_space<vmem>> -> memref<128xi32, #tpu.memory_space<vmem>>
      %dma_start3A_545 = arith.constant 0 : i32
      %dma_start3A_546 = arith.constant 0 : i32
      %dma_start3A_547 = tpu.memref_slice %arg2[%dma_start3A_545, %dma_start3A_546] : memref<10240x128xf32, #tpu.memory_space<hbm>> -> memref<10240x128xf32, #tpu.memory_space<hbm>>
      tpu.enqueue_indirect_dma source(%dma_start3A_547 : memref<10240x128xf32, #tpu.memory_space<hbm>>) target(%arg9 : memref<128x128xf32, #tpu.memory_space<vmem>>) offsets(%dma_start3A_544 : memref<128xi32, #tpu.memory_space<vmem>>) semaphore(%arg21 : memref<!tpu.dma_semaphore, #tpu.memory_space<semaphore_mem>>)
      %dma_wait3A_548 = arith.constant 0 : i32
      %dma_wait3A_549 = arith.constant 0 : i32
      %dma_wait3A_550 = tpu.memref_slice %arg12[%dma_wait3A_548, %dma_wait3A_549] : memref<2x128xi32, #tpu.memory_space<vmem>> -> memref<1x128xi32, #tpu.memory_space<vmem>>
      %dma_wait3A_551 = tpu.memref_squeeze %dma_wait3A_550 : memref<1x128xi32, #tpu.memory_space<vmem>> -> memref<128xi32, #tpu.memory_space<vmem>>
      %dma_wait3A_552 = arith.constant 0 : i32
      %dma_wait3A_553 = arith.constant 0 : i32
      %dma_wait3A_554 = tpu.memref_slice %arg2[%dma_wait3A_552, %dma_wait3A_553] : memref<10240x128xf32, #tpu.memory_space<hbm>> -> memref<10240x128xf32, #tpu.memory_space<hbm>>
      tpu.wait_indirect_dma semaphore(%arg20 : memref<!tpu.dma_semaphore, #tpu.memory_space<semaphore_mem>>) src(%dma_wait3A_554 : memref<10240x128xf32, #tpu.memory_space<hbm>>) dst(%arg8 : memref<128x128xf32, #tpu.memory_space<vmem>>)
      %dma_start3A_555 = arith.constant 1 : i32
      %dma_start3A_556 = arith.constant 0 : i32
      %dma_start3A_557 = tpu.memref_slice %arg12[%dma_start3A_555, %dma_start3A_556] : memref<2x128xi32, #tpu.memory_space<vmem>> -> memref<1x128xi32, #tpu.memory_space<vmem>>
      %dma_start3A_558 = tpu.memref_squeeze %dma_start3A_557 : memref<1x128xi32, #tpu.memory_space<vmem>> -> memref<128xi32, #tpu.memory_space<vmem>>
      %dma_start3A_559 = arith.constant 0 : i32
      %dma_start3A_560 = arith.constant 0 : i32
      %dma_start3A_561 = tpu.memref_slice %arg7[%dma_start3A_559, %dma_start3A_560] : memref<10240x128xf32, #tpu.memory_space<vmem_shared>> -> memref<10240x128xf32, #tpu.memory_space<vmem_shared>>
      tpu.enqueue_indirect_dma source(%arg8 : memref<128x128xf32, #tpu.memory_space<vmem>>) target(%dma_start3A_561 : memref<10240x128xf32, #tpu.memory_space<vmem_shared>>) offsets(%dma_start3A_558 : memref<128xi32, #tpu.memory_space<vmem>>) semaphore(%arg22 : memref<!tpu.dma_semaphore, #tpu.memory_space<semaphore_mem>>) {add = true}
      %add3A_562 = arith.constant 3 : i32
      %add3A_563 = arith.addi %add3A_509, %add3A_562 : i32
      %dma_start3A_564 = arith.constant 0 : i32
      %dma_start3A_565 = arith.constant 0 : i32
      %dma_start3A_566 = arith.constant 0 : i32
      %dma_start3A_567 = tpu.memref_slice %arg3[%add3A, %dma_start3A_564, %dma_start3A_565, %dma_start3A_566] : memref<32x78x2x128xi32, #tpu.memory_space<hbm>> -> memref<1x78x2x128xi32, #tpu.memory_space<hbm>>
      %dma_start3A_568 = tpu.memref_squeeze %dma_start3A_567 : memref<1x78x2x128xi32, #tpu.memory_space<hbm>> -> memref<78x2x128xi32, #tpu.memory_space<hbm>>
      %dma_start3A_569 = arith.constant 0 : i32
      %dma_start3A_570 = arith.constant 0 : i32
      %dma_start3A_571 = tpu.memref_slice %dma_start3A_568[%add3A_563, %dma_start3A_569, %dma_start3A_570] : memref<78x2x128xi32, #tpu.memory_space<hbm>> -> memref<1x2x128xi32, #tpu.memory_space<hbm>>
      %dma_start3A_572 = tpu.memref_squeeze %dma_start3A_571 : memref<1x2x128xi32, #tpu.memory_space<hbm>> -> memref<2x128xi32, #tpu.memory_space<hbm>>
      %dma_start3A_573 = arith.constant 0 : i32
      %dma_start3A_574 = arith.constant 0 : i32
      %dma_start3A_575 = arith.constant 0 : i32
      %dma_start3A_576 = tpu.memref_slice %arg3[%add3A, %dma_start3A_573, %dma_start3A_574, %dma_start3A_575] : memref<32x78x2x128xi32, #tpu.memory_space<hbm>> -> memref<1x78x2x128xi32, #tpu.memory_space<hbm>>
      %dma_start3A_577 = tpu.memref_squeeze %dma_start3A_576 : memref<1x78x2x128xi32, #tpu.memory_space<hbm>> -> memref<78x2x128xi32, #tpu.memory_space<hbm>>
      %dma_start3A_578 = arith.constant 0 : i32
      %dma_start3A_579 = arith.constant 0 : i32
      %dma_start3A_580 = tpu.memref_slice %dma_start3A_577[%add3A_563, %dma_start3A_578, %dma_start3A_579] : memref<78x2x128xi32, #tpu.memory_space<hbm>> -> memref<1x2x128xi32, #tpu.memory_space<hbm>>
      %dma_start3A_581 = tpu.memref_squeeze %dma_start3A_580 : memref<1x2x128xi32, #tpu.memory_space<hbm>> -> memref<2x128xi32, #tpu.memory_space<hbm>>
      tpu.enqueue_dma source(%dma_start3A_581 : memref<2x128xi32, #tpu.memory_space<hbm>>) target(%arg11 : memref<2x128xi32, #tpu.memory_space<vmem>>) target_semaphore(%arg17 : memref<!tpu.dma_semaphore, #tpu.memory_space<semaphore_mem>>)
      %add3A_582 = arith.constant 2 : i32
      %add3A_583 = arith.addi %add3A_436, %add3A_582 : i32
      %add3A_584 = arith.constant 1 : i32
      %add3A_585 = arith.addi %add3A_583, %add3A_584 : i32
      %dma_wait3A_586 = arith.constant 0 : i32
      %dma_wait3A_587 = arith.constant 0 : i32
      %dma_wait3A_588 = arith.constant 0 : i32
      %dma_wait3A_589 = tpu.memref_slice %arg3[%add3A, %dma_wait3A_586, %dma_wait3A_587, %dma_wait3A_588] : memref<32x78x2x128xi32, #tpu.memory_space<hbm>> -> memref<1x78x2x128xi32, #tpu.memory_space<hbm>>
      %dma_wait3A_590 = tpu.memref_squeeze %dma_wait3A_589 : memref<1x78x2x128xi32, #tpu.memory_space<hbm>> -> memref<78x2x128xi32, #tpu.memory_space<hbm>>
      %dma_wait3A_591 = arith.constant 0 : i32
      %dma_wait3A_592 = arith.constant 0 : i32
      %dma_wait3A_593 = tpu.memref_slice %dma_wait3A_590[%add3A_585, %dma_wait3A_591, %dma_wait3A_592] : memref<78x2x128xi32, #tpu.memory_space<hbm>> -> memref<1x2x128xi32, #tpu.memory_space<hbm>>
      %dma_wait3A_594 = tpu.memref_squeeze %dma_wait3A_593 : memref<1x2x128xi32, #tpu.memory_space<hbm>> -> memref<2x128xi32, #tpu.memory_space<hbm>>
      %dma_wait3A_595 = arith.constant 0 : i32
      %dma_wait3A_596 = arith.constant 0 : i32
      %dma_wait3A_597 = arith.constant 0 : i32
      %dma_wait3A_598 = tpu.memref_slice %arg3[%add3A, %dma_wait3A_595, %dma_wait3A_596, %dma_wait3A_597] : memref<32x78x2x128xi32, #tpu.memory_space<hbm>> -> memref<1x78x2x128xi32, #tpu.memory_space<hbm>>
      %dma_wait3A_599 = tpu.memref_squeeze %dma_wait3A_598 : memref<1x78x2x128xi32, #tpu.memory_space<hbm>> -> memref<78x2x128xi32, #tpu.memory_space<hbm>>
      %dma_wait3A_600 = arith.constant 0 : i32
      %dma_wait3A_601 = arith.constant 0 : i32
      %dma_wait3A_602 = tpu.memref_slice %dma_wait3A_599[%add3A_585, %dma_wait3A_600, %dma_wait3A_601] : memref<78x2x128xi32, #tpu.memory_space<hbm>> -> memref<1x2x128xi32, #tpu.memory_space<hbm>>
      %dma_wait3A_603 = tpu.memref_squeeze %dma_wait3A_602 : memref<1x2x128xi32, #tpu.memory_space<hbm>> -> memref<2x128xi32, #tpu.memory_space<hbm>>
      tpu.wait_dma2 semaphore(%arg16 : memref<!tpu.dma_semaphore, #tpu.memory_space<semaphore_mem>>) src(%dma_wait3A_603 : memref<2x128xi32, #tpu.memory_space<hbm>>) dst(%arg10 : memref<2x128xi32, #tpu.memory_space<vmem>>)
      %sub3A_604 = arith.constant 1 : i32
      %sub3A_605 = arith.subi %add3A_583, %sub3A_604 : i32
      %dma_wait3A_606 = arith.constant 1 : i32
      %dma_wait3A_607 = arith.constant 0 : i32
      %dma_wait3A_608 = tpu.memref_slice %arg12[%dma_wait3A_606, %dma_wait3A_607] : memref<2x128xi32, #tpu.memory_space<vmem>> -> memref<1x128xi32, #tpu.memory_space<vmem>>
      %dma_wait3A_609 = tpu.memref_squeeze %dma_wait3A_608 : memref<1x128xi32, #tpu.memory_space<vmem>> -> memref<128xi32, #tpu.memory_space<vmem>>
      %dma_wait3A_610 = arith.constant 0 : i32
      %dma_wait3A_611 = arith.constant 0 : i32
      %dma_wait3A_612 = tpu.memref_slice %arg7[%dma_wait3A_610, %dma_wait3A_611] : memref<10240x128xf32, #tpu.memory_space<vmem_shared>> -> memref<10240x128xf32, #tpu.memory_space<vmem_shared>>
      tpu.wait_indirect_dma semaphore(%arg22 : memref<!tpu.dma_semaphore, #tpu.memory_space<semaphore_mem>>) src(%arg8 : memref<128x128xf32, #tpu.memory_space<vmem>>) dst(%dma_wait3A_612 : memref<10240x128xf32, #tpu.memory_space<vmem_shared>>)
      %add3A_613 = arith.constant 1 : i32
      %add3A_614 = arith.addi %add3A_583, %add3A_613 : i32
      %dma_start3A_615 = arith.constant 0 : i32
      %dma_start3A_616 = arith.constant 0 : i32
      %dma_start3A_617 = tpu.memref_slice %arg10[%dma_start3A_615, %dma_start3A_616] : memref<2x128xi32, #tpu.memory_space<vmem>> -> memref<1x128xi32, #tpu.memory_space<vmem>>
      %dma_start3A_618 = tpu.memref_squeeze %dma_start3A_617 : memref<1x128xi32, #tpu.memory_space<vmem>> -> memref<128xi32, #tpu.memory_space<vmem>>
      %dma_start3A_619 = arith.constant 0 : i32
      %dma_start3A_620 = arith.constant 0 : i32
      %dma_start3A_621 = tpu.memref_slice %arg2[%dma_start3A_619, %dma_start3A_620] : memref<10240x128xf32, #tpu.memory_space<hbm>> -> memref<10240x128xf32, #tpu.memory_space<hbm>>
      tpu.enqueue_indirect_dma source(%dma_start3A_621 : memref<10240x128xf32, #tpu.memory_space<hbm>>) target(%arg8 : memref<128x128xf32, #tpu.memory_space<vmem>>) offsets(%dma_start3A_618 : memref<128xi32, #tpu.memory_space<vmem>>) semaphore(%arg20 : memref<!tpu.dma_semaphore, #tpu.memory_space<semaphore_mem>>)
      %dma_wait3A_622 = arith.constant 0 : i32
      %dma_wait3A_623 = arith.constant 0 : i32
      %dma_wait3A_624 = tpu.memref_slice %arg13[%dma_wait3A_622, %dma_wait3A_623] : memref<2x128xi32, #tpu.memory_space<vmem>> -> memref<1x128xi32, #tpu.memory_space<vmem>>
      %dma_wait3A_625 = tpu.memref_squeeze %dma_wait3A_624 : memref<1x128xi32, #tpu.memory_space<vmem>> -> memref<128xi32, #tpu.memory_space<vmem>>
      %dma_wait3A_626 = arith.constant 0 : i32
      %dma_wait3A_627 = arith.constant 0 : i32
      %dma_wait3A_628 = tpu.memref_slice %arg2[%dma_wait3A_626, %dma_wait3A_627] : memref<10240x128xf32, #tpu.memory_space<hbm>> -> memref<10240x128xf32, #tpu.memory_space<hbm>>
      tpu.wait_indirect_dma semaphore(%arg21 : memref<!tpu.dma_semaphore, #tpu.memory_space<semaphore_mem>>) src(%dma_wait3A_628 : memref<10240x128xf32, #tpu.memory_space<hbm>>) dst(%arg9 : memref<128x128xf32, #tpu.memory_space<vmem>>)
      %dma_start3A_629 = arith.constant 1 : i32
      %dma_start3A_630 = arith.constant 0 : i32
      %dma_start3A_631 = tpu.memref_slice %arg13[%dma_start3A_629, %dma_start3A_630] : memref<2x128xi32, #tpu.memory_space<vmem>> -> memref<1x128xi32, #tpu.memory_space<vmem>>
      %dma_start3A_632 = tpu.memref_squeeze %dma_start3A_631 : memref<1x128xi32, #tpu.memory_space<vmem>> -> memref<128xi32, #tpu.memory_space<vmem>>
      %dma_start3A_633 = arith.constant 0 : i32
      %dma_start3A_634 = arith.constant 0 : i32
      %dma_start3A_635 = tpu.memref_slice %arg7[%dma_start3A_633, %dma_start3A_634] : memref<10240x128xf32, #tpu.memory_space<vmem_shared>> -> memref<10240x128xf32, #tpu.memory_space<vmem_shared>>
      tpu.enqueue_indirect_dma source(%arg9 : memref<128x128xf32, #tpu.memory_space<vmem>>) target(%dma_start3A_635 : memref<10240x128xf32, #tpu.memory_space<vmem_shared>>) offsets(%dma_start3A_632 : memref<128xi32, #tpu.memory_space<vmem>>) semaphore(%arg23 : memref<!tpu.dma_semaphore, #tpu.memory_space<semaphore_mem>>) {add = true}
      %add3A_636 = arith.constant 3 : i32
      %add3A_637 = arith.addi %add3A_583, %add3A_636 : i32
      %dma_start3A_638 = arith.constant 0 : i32
      %dma_start3A_639 = arith.constant 0 : i32
      %dma_start3A_640 = arith.constant 0 : i32
      %dma_start3A_641 = tpu.memref_slice %arg3[%add3A, %dma_start3A_638, %dma_start3A_639, %dma_start3A_640] : memref<32x78x2x128xi32, #tpu.memory_space<hbm>> -> memref<1x78x2x128xi32, #tpu.memory_space<hbm>>
      %dma_start3A_642 = tpu.memref_squeeze %dma_start3A_641 : memref<1x78x2x128xi32, #tpu.memory_space<hbm>> -> memref<78x2x128xi32, #tpu.memory_space<hbm>>
      %dma_start3A_643 = arith.constant 0 : i32
      %dma_start3A_644 = arith.constant 0 : i32
      %dma_start3A_645 = tpu.memref_slice %dma_start3A_642[%add3A_637, %dma_start3A_643, %dma_start3A_644] : memref<78x2x128xi32, #tpu.memory_space<hbm>> -> memref<1x2x128xi32, #tpu.memory_space<hbm>>
      %dma_start3A_646 = tpu.memref_squeeze %dma_start3A_645 : memref<1x2x128xi32, #tpu.memory_space<hbm>> -> memref<2x128xi32, #tpu.memory_space<hbm>>
      %dma_start3A_647 = arith.constant 0 : i32
      %dma_start3A_648 = arith.constant 0 : i32
      %dma_start3A_649 = arith.constant 0 : i32
      %dma_start3A_650 = tpu.memref_slice %arg3[%add3A, %dma_start3A_647, %dma_start3A_648, %dma_start3A_649] : memref<32x78x2x128xi32, #tpu.memory_space<hbm>> -> memref<1x78x2x128xi32, #tpu.memory_space<hbm>>
      %dma_start3A_651 = tpu.memref_squeeze %dma_start3A_650 : memref<1x78x2x128xi32, #tpu.memory_space<hbm>> -> memref<78x2x128xi32, #tpu.memory_space<hbm>>
      %dma_start3A_652 = arith.constant 0 : i32
      %dma_start3A_653 = arith.constant 0 : i32
      %dma_start3A_654 = tpu.memref_slice %dma_start3A_651[%add3A_637, %dma_start3A_652, %dma_start3A_653] : memref<78x2x128xi32, #tpu.memory_space<hbm>> -> memref<1x2x128xi32, #tpu.memory_space<hbm>>
      %dma_start3A_655 = tpu.memref_squeeze %dma_start3A_654 : memref<1x2x128xi32, #tpu.memory_space<hbm>> -> memref<2x128xi32, #tpu.memory_space<hbm>>
      tpu.enqueue_dma source(%dma_start3A_655 : memref<2x128xi32, #tpu.memory_space<hbm>>) target(%arg12 : memref<2x128xi32, #tpu.memory_space<vmem>>) target_semaphore(%arg18 : memref<!tpu.dma_semaphore, #tpu.memory_space<semaphore_mem>>)
      %add3A_656 = arith.constant 3 : i32
      %add3A_657 = arith.addi %add3A_436, %add3A_656 : i32
      %add3A_658 = arith.constant 1 : i32
      %add3A_659 = arith.addi %add3A_657, %add3A_658 : i32
      %dma_wait3A_660 = arith.constant 0 : i32
      %dma_wait3A_661 = arith.constant 0 : i32
      %dma_wait3A_662 = arith.constant 0 : i32
      %dma_wait3A_663 = tpu.memref_slice %arg3[%add3A, %dma_wait3A_660, %dma_wait3A_661, %dma_wait3A_662] : memref<32x78x2x128xi32, #tpu.memory_space<hbm>> -> memref<1x78x2x128xi32, #tpu.memory_space<hbm>>
      %dma_wait3A_664 = tpu.memref_squeeze %dma_wait3A_663 : memref<1x78x2x128xi32, #tpu.memory_space<hbm>> -> memref<78x2x128xi32, #tpu.memory_space<hbm>>
      %dma_wait3A_665 = arith.constant 0 : i32
      %dma_wait3A_666 = arith.constant 0 : i32
      %dma_wait3A_667 = tpu.memref_slice %dma_wait3A_664[%add3A_659, %dma_wait3A_665, %dma_wait3A_666] : memref<78x2x128xi32, #tpu.memory_space<hbm>> -> memref<1x2x128xi32, #tpu.memory_space<hbm>>
      %dma_wait3A_668 = tpu.memref_squeeze %dma_wait3A_667 : memref<1x2x128xi32, #tpu.memory_space<hbm>> -> memref<2x128xi32, #tpu.memory_space<hbm>>
      %dma_wait3A_669 = arith.constant 0 : i32
      %dma_wait3A_670 = arith.constant 0 : i32
      %dma_wait3A_671 = arith.constant 0 : i32
      %dma_wait3A_672 = tpu.memref_slice %arg3[%add3A, %dma_wait3A_669, %dma_wait3A_670, %dma_wait3A_671] : memref<32x78x2x128xi32, #tpu.memory_space<hbm>> -> memref<1x78x2x128xi32, #tpu.memory_space<hbm>>
      %dma_wait3A_673 = tpu.memref_squeeze %dma_wait3A_672 : memref<1x78x2x128xi32, #tpu.memory_space<hbm>> -> memref<78x2x128xi32, #tpu.memory_space<hbm>>
      %dma_wait3A_674 = arith.constant 0 : i32
      %dma_wait3A_675 = arith.constant 0 : i32
      %dma_wait3A_676 = tpu.memref_slice %dma_wait3A_673[%add3A_659, %dma_wait3A_674, %dma_wait3A_675] : memref<78x2x128xi32, #tpu.memory_space<hbm>> -> memref<1x2x128xi32, #tpu.memory_space<hbm>>
      %dma_wait3A_677 = tpu.memref_squeeze %dma_wait3A_676 : memref<1x2x128xi32, #tpu.memory_space<hbm>> -> memref<2x128xi32, #tpu.memory_space<hbm>>
      tpu.wait_dma2 semaphore(%arg17 : memref<!tpu.dma_semaphore, #tpu.memory_space<semaphore_mem>>) src(%dma_wait3A_677 : memref<2x128xi32, #tpu.memory_space<hbm>>) dst(%arg11 : memref<2x128xi32, #tpu.memory_space<vmem>>)
      %sub3A_678 = arith.constant 1 : i32
      %sub3A_679 = arith.subi %add3A_657, %sub3A_678 : i32
      %dma_wait3A_680 = arith.constant 1 : i32
      %dma_wait3A_681 = arith.constant 0 : i32
      %dma_wait3A_682 = tpu.memref_slice %arg13[%dma_wait3A_680, %dma_wait3A_681] : memref<2x128xi32, #tpu.memory_space<vmem>> -> memref<1x128xi32, #tpu.memory_space<vmem>>
      %dma_wait3A_683 = tpu.memref_squeeze %dma_wait3A_682 : memref<1x128xi32, #tpu.memory_space<vmem>> -> memref<128xi32, #tpu.memory_space<vmem>>
      %dma_wait3A_684 = arith.constant 0 : i32
      %dma_wait3A_685 = arith.constant 0 : i32
      %dma_wait3A_686 = tpu.memref_slice %arg7[%dma_wait3A_684, %dma_wait3A_685] : memref<10240x128xf32, #tpu.memory_space<vmem_shared>> -> memref<10240x128xf32, #tpu.memory_space<vmem_shared>>
      tpu.wait_indirect_dma semaphore(%arg23 : memref<!tpu.dma_semaphore, #tpu.memory_space<semaphore_mem>>) src(%arg9 : memref<128x128xf32, #tpu.memory_space<vmem>>) dst(%dma_wait3A_686 : memref<10240x128xf32, #tpu.memory_space<vmem_shared>>)
      %add3A_687 = arith.constant 1 : i32
      %add3A_688 = arith.addi %add3A_657, %add3A_687 : i32
      %dma_start3A_689 = arith.constant 0 : i32
      %dma_start3A_690 = arith.constant 0 : i32
      %dma_start3A_691 = tpu.memref_slice %arg11[%dma_start3A_689, %dma_start3A_690] : memref<2x128xi32, #tpu.memory_space<vmem>> -> memref<1x128xi32, #tpu.memory_space<vmem>>
      %dma_start3A_692 = tpu.memref_squeeze %dma_start3A_691 : memref<1x128xi32, #tpu.memory_space<vmem>> -> memref<128xi32, #tpu.memory_space<vmem>>
      %dma_start3A_693 = arith.constant 0 : i32
      %dma_start3A_694 = arith.constant 0 : i32
      %dma_start3A_695 = tpu.memref_slice %arg2[%dma_start3A_693, %dma_start3A_694] : memref<10240x128xf32, #tpu.memory_space<hbm>> -> memref<10240x128xf32, #tpu.memory_space<hbm>>
      tpu.enqueue_indirect_dma source(%dma_start3A_695 : memref<10240x128xf32, #tpu.memory_space<hbm>>) target(%arg9 : memref<128x128xf32, #tpu.memory_space<vmem>>) offsets(%dma_start3A_692 : memref<128xi32, #tpu.memory_space<vmem>>) semaphore(%arg21 : memref<!tpu.dma_semaphore, #tpu.memory_space<semaphore_mem>>)
      %dma_wait3A_696 = arith.constant 0 : i32
      %dma_wait3A_697 = arith.constant 0 : i32
      %dma_wait3A_698 = tpu.memref_slice %arg10[%dma_wait3A_696, %dma_wait3A_697] : memref<2x128xi32, #tpu.memory_space<vmem>> -> memref<1x128xi32, #tpu.memory_space<vmem>>
      %dma_wait3A_699 = tpu.memref_squeeze %dma_wait3A_698 : memref<1x128xi32, #tpu.memory_space<vmem>> -> memref<128xi32, #tpu.memory_space<vmem>>
      %dma_wait3A_700 = arith.constant 0 : i32
      %dma_wait3A_701 = arith.constant 0 : i32
      %dma_wait3A_702 = tpu.memref_slice %arg2[%dma_wait3A_700, %dma_wait3A_701] : memref<10240x128xf32, #tpu.memory_space<hbm>> -> memref<10240x128xf32, #tpu.memory_space<hbm>>
      tpu.wait_indirect_dma semaphore(%arg20 : memref<!tpu.dma_semaphore, #tpu.memory_space<semaphore_mem>>) src(%dma_wait3A_702 : memref<10240x128xf32, #tpu.memory_space<hbm>>) dst(%arg8 : memref<128x128xf32, #tpu.memory_space<vmem>>)
      %dma_start3A_703 = arith.constant 1 : i32
      %dma_start3A_704 = arith.constant 0 : i32
      %dma_start3A_705 = tpu.memref_slice %arg10[%dma_start3A_703, %dma_start3A_704] : memref<2x128xi32, #tpu.memory_space<vmem>> -> memref<1x128xi32, #tpu.memory_space<vmem>>
      %dma_start3A_706 = tpu.memref_squeeze %dma_start3A_705 : memref<1x128xi32, #tpu.memory_space<vmem>> -> memref<128xi32, #tpu.memory_space<vmem>>
      %dma_start3A_707 = arith.constant 0 : i32
      %dma_start3A_708 = arith.constant 0 : i32
      %dma_start3A_709 = tpu.memref_slice %arg7[%dma_start3A_707, %dma_start3A_708] : memref<10240x128xf32, #tpu.memory_space<vmem_shared>> -> memref<10240x128xf32, #tpu.memory_space<vmem_shared>>
      tpu.enqueue_indirect_dma source(%arg8 : memref<128x128xf32, #tpu.memory_space<vmem>>) target(%dma_start3A_709 : memref<10240x128xf32, #tpu.memory_space<vmem_shared>>) offsets(%dma_start3A_706 : memref<128xi32, #tpu.memory_space<vmem>>) semaphore(%arg22 : memref<!tpu.dma_semaphore, #tpu.memory_space<semaphore_mem>>) {add = true}
      %add3A_710 = arith.constant 3 : i32
      %add3A_711 = arith.addi %add3A_657, %add3A_710 : i32
      %dma_start3A_712 = arith.constant 0 : i32
      %dma_start3A_713 = arith.constant 0 : i32
      %dma_start3A_714 = arith.constant 0 : i32
      %dma_start3A_715 = tpu.memref_slice %arg3[%add3A, %dma_start3A_712, %dma_start3A_713, %dma_start3A_714] : memref<32x78x2x128xi32, #tpu.memory_space<hbm>> -> memref<1x78x2x128xi32, #tpu.memory_space<hbm>>
      %dma_start3A_716 = tpu.memref_squeeze %dma_start3A_715 : memref<1x78x2x128xi32, #tpu.memory_space<hbm>> -> memref<78x2x128xi32, #tpu.memory_space<hbm>>
      %dma_start3A_717 = arith.constant 0 : i32
      %dma_start3A_718 = arith.constant 0 : i32
      %dma_start3A_719 = tpu.memref_slice %dma_start3A_716[%add3A_711, %dma_start3A_717, %dma_start3A_718] : memref<78x2x128xi32, #tpu.memory_space<hbm>> -> memref<1x2x128xi32, #tpu.memory_space<hbm>>
      %dma_start3A_720 = tpu.memref_squeeze %dma_start3A_719 : memref<1x2x128xi32, #tpu.memory_space<hbm>> -> memref<2x128xi32, #tpu.memory_space<hbm>>
      %dma_start3A_721 = arith.constant 0 : i32
      %dma_start3A_722 = arith.constant 0 : i32
      %dma_start3A_723 = arith.constant 0 : i32
      %dma_start3A_724 = tpu.memref_slice %arg3[%add3A, %dma_start3A_721, %dma_start3A_722, %dma_start3A_723] : memref<32x78x2x128xi32, #tpu.memory_space<hbm>> -> memref<1x78x2x128xi32, #tpu.memory_space<hbm>>
      %dma_start3A_725 = tpu.memref_squeeze %dma_start3A_724 : memref<1x78x2x128xi32, #tpu.memory_space<hbm>> -> memref<78x2x128xi32, #tpu.memory_space<hbm>>
      %dma_start3A_726 = arith.constant 0 : i32
      %dma_start3A_727 = arith.constant 0 : i32
      %dma_start3A_728 = tpu.memref_slice %dma_start3A_725[%add3A_711, %dma_start3A_726, %dma_start3A_727] : memref<78x2x128xi32, #tpu.memory_space<hbm>> -> memref<1x2x128xi32, #tpu.memory_space<hbm>>
      %dma_start3A_729 = tpu.memref_squeeze %dma_start3A_728 : memref<1x2x128xi32, #tpu.memory_space<hbm>> -> memref<2x128xi32, #tpu.memory_space<hbm>>
      tpu.enqueue_dma source(%dma_start3A_729 : memref<2x128xi32, #tpu.memory_space<hbm>>) target(%arg13 : memref<2x128xi32, #tpu.memory_space<vmem>>) target_semaphore(%arg19 : memref<!tpu.dma_semaphore, #tpu.memory_space<semaphore_mem>>)
    }
    %scan3A_164 = arith.constant 18 : i32
    %dma_wait3A_165 = arith.constant 74 : i32
    %dma_wait3A_166 = arith.constant 0 : i32
    %dma_wait3A_167 = arith.constant 0 : i32
    %dma_wait3A_168 = arith.constant 0 : i32
    %dma_wait3A_169 = tpu.memref_slice %arg3[%add3A, %dma_wait3A_166, %dma_wait3A_167, %dma_wait3A_168] : memref<32x78x2x128xi32, #tpu.memory_space<hbm>> -> memref<1x78x2x128xi32, #tpu.memory_space<hbm>>
    %dma_wait3A_170 = tpu.memref_squeeze %dma_wait3A_169 : memref<1x78x2x128xi32, #tpu.memory_space<hbm>> -> memref<78x2x128xi32, #tpu.memory_space<hbm>>
    %dma_wait3A_171 = arith.constant 0 : i32
    %dma_wait3A_172 = arith.constant 0 : i32
    %dma_wait3A_173 = tpu.memref_slice %dma_wait3A_170[%dma_wait3A_165, %dma_wait3A_171, %dma_wait3A_172] : memref<78x2x128xi32, #tpu.memory_space<hbm>> -> memref<1x2x128xi32, #tpu.memory_space<hbm>>
    %dma_wait3A_174 = tpu.memref_squeeze %dma_wait3A_173 : memref<1x2x128xi32, #tpu.memory_space<hbm>> -> memref<2x128xi32, #tpu.memory_space<hbm>>
    %dma_wait3A_175 = arith.constant 0 : i32
    %dma_wait3A_176 = arith.constant 0 : i32
    %dma_wait3A_177 = arith.constant 0 : i32
    %dma_wait3A_178 = tpu.memref_slice %arg3[%add3A, %dma_wait3A_175, %dma_wait3A_176, %dma_wait3A_177] : memref<32x78x2x128xi32, #tpu.memory_space<hbm>> -> memref<1x78x2x128xi32, #tpu.memory_space<hbm>>
    %dma_wait3A_179 = tpu.memref_squeeze %dma_wait3A_178 : memref<1x78x2x128xi32, #tpu.memory_space<hbm>> -> memref<78x2x128xi32, #tpu.memory_space<hbm>>
    %dma_wait3A_180 = arith.constant 0 : i32
    %dma_wait3A_181 = arith.constant 0 : i32
    %dma_wait3A_182 = tpu.memref_slice %dma_wait3A_179[%dma_wait3A_165, %dma_wait3A_180, %dma_wait3A_181] : memref<78x2x128xi32, #tpu.memory_space<hbm>> -> memref<1x2x128xi32, #tpu.memory_space<hbm>>
    %dma_wait3A_183 = tpu.memref_squeeze %dma_wait3A_182 : memref<1x2x128xi32, #tpu.memory_space<hbm>> -> memref<2x128xi32, #tpu.memory_space<hbm>>
    tpu.wait_dma2 semaphore(%arg18 : memref<!tpu.dma_semaphore, #tpu.memory_space<semaphore_mem>>) src(%dma_wait3A_183 : memref<2x128xi32, #tpu.memory_space<hbm>>) dst(%arg12 : memref<2x128xi32, #tpu.memory_space<vmem>>)
    %dma_wait3A_184 = arith.constant 1 : i32
    %dma_wait3A_185 = arith.constant 0 : i32
    %dma_wait3A_186 = tpu.memref_slice %arg10[%dma_wait3A_184, %dma_wait3A_185] : memref<2x128xi32, #tpu.memory_space<vmem>> -> memref<1x128xi32, #tpu.memory_space<vmem>>
    %dma_wait3A_187 = tpu.memref_squeeze %dma_wait3A_186 : memref<1x128xi32, #tpu.memory_space<vmem>> -> memref<128xi32, #tpu.memory_space<vmem>>
    %dma_wait3A_188 = arith.constant 0 : i32
    %dma_wait3A_189 = arith.constant 0 : i32
    %dma_wait3A_190 = tpu.memref_slice %arg7[%dma_wait3A_188, %dma_wait3A_189] : memref<10240x128xf32, #tpu.memory_space<vmem_shared>> -> memref<10240x128xf32, #tpu.memory_space<vmem_shared>>
    tpu.wait_indirect_dma semaphore(%arg22 : memref<!tpu.dma_semaphore, #tpu.memory_space<semaphore_mem>>) src(%arg8 : memref<128x128xf32, #tpu.memory_space<vmem>>) dst(%dma_wait3A_190 : memref<10240x128xf32, #tpu.memory_space<vmem_shared>>)
    %dma_start3A_191 = arith.constant 0 : i32
    %dma_start3A_192 = arith.constant 0 : i32
    %dma_start3A_193 = tpu.memref_slice %arg12[%dma_start3A_191, %dma_start3A_192] : memref<2x128xi32, #tpu.memory_space<vmem>> -> memref<1x128xi32, #tpu.memory_space<vmem>>
    %dma_start3A_194 = tpu.memref_squeeze %dma_start3A_193 : memref<1x128xi32, #tpu.memory_space<vmem>> -> memref<128xi32, #tpu.memory_space<vmem>>
    %dma_start3A_195 = arith.constant 0 : i32
    %dma_start3A_196 = arith.constant 0 : i32
    %dma_start3A_197 = tpu.memref_slice %arg2[%dma_start3A_195, %dma_start3A_196] : memref<10240x128xf32, #tpu.memory_space<hbm>> -> memref<10240x128xf32, #tpu.memory_space<hbm>>
    tpu.enqueue_indirect_dma source(%dma_start3A_197 : memref<10240x128xf32, #tpu.memory_space<hbm>>) target(%arg8 : memref<128x128xf32, #tpu.memory_space<vmem>>) offsets(%dma_start3A_194 : memref<128xi32, #tpu.memory_space<vmem>>) semaphore(%arg20 : memref<!tpu.dma_semaphore, #tpu.memory_space<semaphore_mem>>)
    %dma_wait3A_198 = arith.constant 0 : i32
    %dma_wait3A_199 = arith.constant 0 : i32
    %dma_wait3A_200 = tpu.memref_slice %arg11[%dma_wait3A_198, %dma_wait3A_199] : memref<2x128xi32, #tpu.memory_space<vmem>> -> memref<1x128xi32, #tpu.memory_space<vmem>>
    %dma_wait3A_201 = tpu.memref_squeeze %dma_wait3A_200 : memref<1x128xi32, #tpu.memory_space<vmem>> -> memref<128xi32, #tpu.memory_space<vmem>>
    %dma_wait3A_202 = arith.constant 0 : i32
    %dma_wait3A_203 = arith.constant 0 : i32
    %dma_wait3A_204 = tpu.memref_slice %arg2[%dma_wait3A_202, %dma_wait3A_203] : memref<10240x128xf32, #tpu.memory_space<hbm>> -> memref<10240x128xf32, #tpu.memory_space<hbm>>
    tpu.wait_indirect_dma semaphore(%arg21 : memref<!tpu.dma_semaphore, #tpu.memory_space<semaphore_mem>>) src(%dma_wait3A_204 : memref<10240x128xf32, #tpu.memory_space<hbm>>) dst(%arg9 : memref<128x128xf32, #tpu.memory_space<vmem>>)
    %dma_start3A_205 = arith.constant 1 : i32
    %dma_start3A_206 = arith.constant 0 : i32
    %dma_start3A_207 = tpu.memref_slice %arg11[%dma_start3A_205, %dma_start3A_206] : memref<2x128xi32, #tpu.memory_space<vmem>> -> memref<1x128xi32, #tpu.memory_space<vmem>>
    %dma_start3A_208 = tpu.memref_squeeze %dma_start3A_207 : memref<1x128xi32, #tpu.memory_space<vmem>> -> memref<128xi32, #tpu.memory_space<vmem>>
    %dma_start3A_209 = arith.constant 0 : i32
    %dma_start3A_210 = arith.constant 0 : i32
    %dma_start3A_211 = tpu.memref_slice %arg7[%dma_start3A_209, %dma_start3A_210] : memref<10240x128xf32, #tpu.memory_space<vmem_shared>> -> memref<10240x128xf32, #tpu.memory_space<vmem_shared>>
    tpu.enqueue_indirect_dma source(%arg9 : memref<128x128xf32, #tpu.memory_space<vmem>>) target(%dma_start3A_211 : memref<10240x128xf32, #tpu.memory_space<vmem_shared>>) offsets(%dma_start3A_208 : memref<128xi32, #tpu.memory_space<vmem>>) semaphore(%arg23 : memref<!tpu.dma_semaphore, #tpu.memory_space<semaphore_mem>>) {add = true}
    %dma_start3A_212 = arith.constant 76 : i32
    %dma_start3A_213 = arith.constant 0 : i32
    %dma_start3A_214 = arith.constant 0 : i32
    %dma_start3A_215 = arith.constant 0 : i32
    %dma_start3A_216 = tpu.memref_slice %arg3[%add3A, %dma_start3A_213, %dma_start3A_214, %dma_start3A_215] : memref<32x78x2x128xi32, #tpu.memory_space<hbm>> -> memref<1x78x2x128xi32, #tpu.memory_space<hbm>>
    %dma_start3A_217 = tpu.memref_squeeze %dma_start3A_216 : memref<1x78x2x128xi32, #tpu.memory_space<hbm>> -> memref<78x2x128xi32, #tpu.memory_space<hbm>>
    %dma_start3A_218 = arith.constant 0 : i32
    %dma_start3A_219 = arith.constant 0 : i32
    %dma_start3A_220 = tpu.memref_slice %dma_start3A_217[%dma_start3A_212, %dma_start3A_218, %dma_start3A_219] : memref<78x2x128xi32, #tpu.memory_space<hbm>> -> memref<1x2x128xi32, #tpu.memory_space<hbm>>
    %dma_start3A_221 = tpu.memref_squeeze %dma_start3A_220 : memref<1x2x128xi32, #tpu.memory_space<hbm>> -> memref<2x128xi32, #tpu.memory_space<hbm>>
    %dma_start3A_222 = arith.constant 0 : i32
    %dma_start3A_223 = arith.constant 0 : i32
    %dma_start3A_224 = arith.constant 0 : i32
    %dma_start3A_225 = tpu.memref_slice %arg3[%add3A, %dma_start3A_222, %dma_start3A_223, %dma_start3A_224] : memref<32x78x2x128xi32, #tpu.memory_space<hbm>> -> memref<1x78x2x128xi32, #tpu.memory_space<hbm>>
    %dma_start3A_226 = tpu.memref_squeeze %dma_start3A_225 : memref<1x78x2x128xi32, #tpu.memory_space<hbm>> -> memref<78x2x128xi32, #tpu.memory_space<hbm>>
    %dma_start3A_227 = arith.constant 0 : i32
    %dma_start3A_228 = arith.constant 0 : i32
    %dma_start3A_229 = tpu.memref_slice %dma_start3A_226[%dma_start3A_212, %dma_start3A_227, %dma_start3A_228] : memref<78x2x128xi32, #tpu.memory_space<hbm>> -> memref<1x2x128xi32, #tpu.memory_space<hbm>>
    %dma_start3A_230 = tpu.memref_squeeze %dma_start3A_229 : memref<1x2x128xi32, #tpu.memory_space<hbm>> -> memref<2x128xi32, #tpu.memory_space<hbm>>
    tpu.enqueue_dma source(%dma_start3A_230 : memref<2x128xi32, #tpu.memory_space<hbm>>) target(%arg10 : memref<2x128xi32, #tpu.memory_space<vmem>>) target_semaphore(%arg16 : memref<!tpu.dma_semaphore, #tpu.memory_space<semaphore_mem>>)
    %dma_wait3A_231 = arith.constant 75 : i32
    %dma_wait3A_232 = arith.constant 0 : i32
    %dma_wait3A_233 = arith.constant 0 : i32
    %dma_wait3A_234 = arith.constant 0 : i32
    %dma_wait3A_235 = tpu.memref_slice %arg3[%add3A, %dma_wait3A_232, %dma_wait3A_233, %dma_wait3A_234] : memref<32x78x2x128xi32, #tpu.memory_space<hbm>> -> memref<1x78x2x128xi32, #tpu.memory_space<hbm>>
    %dma_wait3A_236 = tpu.memref_squeeze %dma_wait3A_235 : memref<1x78x2x128xi32, #tpu.memory_space<hbm>> -> memref<78x2x128xi32, #tpu.memory_space<hbm>>
    %dma_wait3A_237 = arith.constant 0 : i32
    %dma_wait3A_238 = arith.constant 0 : i32
    %dma_wait3A_239 = tpu.memref_slice %dma_wait3A_236[%dma_wait3A_231, %dma_wait3A_237, %dma_wait3A_238] : memref<78x2x128xi32, #tpu.memory_space<hbm>> -> memref<1x2x128xi32, #tpu.memory_space<hbm>>
    %dma_wait3A_240 = tpu.memref_squeeze %dma_wait3A_239 : memref<1x2x128xi32, #tpu.memory_space<hbm>> -> memref<2x128xi32, #tpu.memory_space<hbm>>
    %dma_wait3A_241 = arith.constant 0 : i32
    %dma_wait3A_242 = arith.constant 0 : i32
    %dma_wait3A_243 = arith.constant 0 : i32
    %dma_wait3A_244 = tpu.memref_slice %arg3[%add3A, %dma_wait3A_241, %dma_wait3A_242, %dma_wait3A_243] : memref<32x78x2x128xi32, #tpu.memory_space<hbm>> -> memref<1x78x2x128xi32, #tpu.memory_space<hbm>>
    %dma_wait3A_245 = tpu.memref_squeeze %dma_wait3A_244 : memref<1x78x2x128xi32, #tpu.memory_space<hbm>> -> memref<78x2x128xi32, #tpu.memory_space<hbm>>
    %dma_wait3A_246 = arith.constant 0 : i32
    %dma_wait3A_247 = arith.constant 0 : i32
    %dma_wait3A_248 = tpu.memref_slice %dma_wait3A_245[%dma_wait3A_231, %dma_wait3A_246, %dma_wait3A_247] : memref<78x2x128xi32, #tpu.memory_space<hbm>> -> memref<1x2x128xi32, #tpu.memory_space<hbm>>
    %dma_wait3A_249 = tpu.memref_squeeze %dma_wait3A_248 : memref<1x2x128xi32, #tpu.memory_space<hbm>> -> memref<2x128xi32, #tpu.memory_space<hbm>>
    tpu.wait_dma2 semaphore(%arg19 : memref<!tpu.dma_semaphore, #tpu.memory_space<semaphore_mem>>) src(%dma_wait3A_249 : memref<2x128xi32, #tpu.memory_space<hbm>>) dst(%arg13 : memref<2x128xi32, #tpu.memory_space<vmem>>)
    %dma_wait3A_250 = arith.constant 1 : i32
    %dma_wait3A_251 = arith.constant 0 : i32
    %dma_wait3A_252 = tpu.memref_slice %arg11[%dma_wait3A_250, %dma_wait3A_251] : memref<2x128xi32, #tpu.memory_space<vmem>> -> memref<1x128xi32, #tpu.memory_space<vmem>>
    %dma_wait3A_253 = tpu.memref_squeeze %dma_wait3A_252 : memref<1x128xi32, #tpu.memory_space<vmem>> -> memref<128xi32, #tpu.memory_space<vmem>>
    %dma_wait3A_254 = arith.constant 0 : i32
    %dma_wait3A_255 = arith.constant 0 : i32
    %dma_wait3A_256 = tpu.memref_slice %arg7[%dma_wait3A_254, %dma_wait3A_255] : memref<10240x128xf32, #tpu.memory_space<vmem_shared>> -> memref<10240x128xf32, #tpu.memory_space<vmem_shared>>
    tpu.wait_indirect_dma semaphore(%arg23 : memref<!tpu.dma_semaphore, #tpu.memory_space<semaphore_mem>>) src(%arg9 : memref<128x128xf32, #tpu.memory_space<vmem>>) dst(%dma_wait3A_256 : memref<10240x128xf32, #tpu.memory_space<vmem_shared>>)
    %dma_start3A_257 = arith.constant 0 : i32
    %dma_start3A_258 = arith.constant 0 : i32
    %dma_start3A_259 = tpu.memref_slice %arg13[%dma_start3A_257, %dma_start3A_258] : memref<2x128xi32, #tpu.memory_space<vmem>> -> memref<1x128xi32, #tpu.memory_space<vmem>>
    %dma_start3A_260 = tpu.memref_squeeze %dma_start3A_259 : memref<1x128xi32, #tpu.memory_space<vmem>> -> memref<128xi32, #tpu.memory_space<vmem>>
    %dma_start3A_261 = arith.constant 0 : i32
    %dma_start3A_262 = arith.constant 0 : i32
    %dma_start3A_263 = tpu.memref_slice %arg2[%dma_start3A_261, %dma_start3A_262] : memref<10240x128xf32, #tpu.memory_space<hbm>> -> memref<10240x128xf32, #tpu.memory_space<hbm>>
    tpu.enqueue_indirect_dma source(%dma_start3A_263 : memref<10240x128xf32, #tpu.memory_space<hbm>>) target(%arg9 : memref<128x128xf32, #tpu.memory_space<vmem>>) offsets(%dma_start3A_260 : memref<128xi32, #tpu.memory_space<vmem>>) semaphore(%arg21 : memref<!tpu.dma_semaphore, #tpu.memory_space<semaphore_mem>>)
    %dma_wait3A_264 = arith.constant 0 : i32
    %dma_wait3A_265 = arith.constant 0 : i32
    %dma_wait3A_266 = tpu.memref_slice %arg12[%dma_wait3A_264, %dma_wait3A_265] : memref<2x128xi32, #tpu.memory_space<vmem>> -> memref<1x128xi32, #tpu.memory_space<vmem>>
    %dma_wait3A_267 = tpu.memref_squeeze %dma_wait3A_266 : memref<1x128xi32, #tpu.memory_space<vmem>> -> memref<128xi32, #tpu.memory_space<vmem>>
    %dma_wait3A_268 = arith.constant 0 : i32
    %dma_wait3A_269 = arith.constant 0 : i32
    %dma_wait3A_270 = tpu.memref_slice %arg2[%dma_wait3A_268, %dma_wait3A_269] : memref<10240x128xf32, #tpu.memory_space<hbm>> -> memref<10240x128xf32, #tpu.memory_space<hbm>>
    tpu.wait_indirect_dma semaphore(%arg20 : memref<!tpu.dma_semaphore, #tpu.memory_space<semaphore_mem>>) src(%dma_wait3A_270 : memref<10240x128xf32, #tpu.memory_space<hbm>>) dst(%arg8 : memref<128x128xf32, #tpu.memory_space<vmem>>)
    %dma_start3A_271 = arith.constant 1 : i32
    %dma_start3A_272 = arith.constant 0 : i32
    %dma_start3A_273 = tpu.memref_slice %arg12[%dma_start3A_271, %dma_start3A_272] : memref<2x128xi32, #tpu.memory_space<vmem>> -> memref<1x128xi32, #tpu.memory_space<vmem>>
    %dma_start3A_274 = tpu.memref_squeeze %dma_start3A_273 : memref<1x128xi32, #tpu.memory_space<vmem>> -> memref<128xi32, #tpu.memory_space<vmem>>
    %dma_start3A_275 = arith.constant 0 : i32
    %dma_start3A_276 = arith.constant 0 : i32
    %dma_start3A_277 = tpu.memref_slice %arg7[%dma_start3A_275, %dma_start3A_276] : memref<10240x128xf32, #tpu.memory_space<vmem_shared>> -> memref<10240x128xf32, #tpu.memory_space<vmem_shared>>
    tpu.enqueue_indirect_dma source(%arg8 : memref<128x128xf32, #tpu.memory_space<vmem>>) target(%dma_start3A_277 : memref<10240x128xf32, #tpu.memory_space<vmem_shared>>) offsets(%dma_start3A_274 : memref<128xi32, #tpu.memory_space<vmem>>) semaphore(%arg22 : memref<!tpu.dma_semaphore, #tpu.memory_space<semaphore_mem>>) {add = true}
    %dma_start3A_278 = arith.constant 77 : i32
    %dma_start3A_279 = arith.constant 0 : i32
    %dma_start3A_280 = arith.constant 0 : i32
    %dma_start3A_281 = arith.constant 0 : i32
    %dma_start3A_282 = tpu.memref_slice %arg3[%add3A, %dma_start3A_279, %dma_start3A_280, %dma_start3A_281] : memref<32x78x2x128xi32, #tpu.memory_space<hbm>> -> memref<1x78x2x128xi32, #tpu.memory_space<hbm>>
    %dma_start3A_283 = tpu.memref_squeeze %dma_start3A_282 : memref<1x78x2x128xi32, #tpu.memory_space<hbm>> -> memref<78x2x128xi32, #tpu.memory_space<hbm>>
    %dma_start3A_284 = arith.constant 0 : i32
    %dma_start3A_285 = arith.constant 0 : i32
    %dma_start3A_286 = tpu.memref_slice %dma_start3A_283[%dma_start3A_278, %dma_start3A_284, %dma_start3A_285] : memref<78x2x128xi32, #tpu.memory_space<hbm>> -> memref<1x2x128xi32, #tpu.memory_space<hbm>>
    %dma_start3A_287 = tpu.memref_squeeze %dma_start3A_286 : memref<1x2x128xi32, #tpu.memory_space<hbm>> -> memref<2x128xi32, #tpu.memory_space<hbm>>
    %dma_start3A_288 = arith.constant 0 : i32
    %dma_start3A_289 = arith.constant 0 : i32
    %dma_start3A_290 = arith.constant 0 : i32
    %dma_start3A_291 = tpu.memref_slice %arg3[%add3A, %dma_start3A_288, %dma_start3A_289, %dma_start3A_290] : memref<32x78x2x128xi32, #tpu.memory_space<hbm>> -> memref<1x78x2x128xi32, #tpu.memory_space<hbm>>
    %dma_start3A_292 = tpu.memref_squeeze %dma_start3A_291 : memref<1x78x2x128xi32, #tpu.memory_space<hbm>> -> memref<78x2x128xi32, #tpu.memory_space<hbm>>
    %dma_start3A_293 = arith.constant 0 : i32
    %dma_start3A_294 = arith.constant 0 : i32
    %dma_start3A_295 = tpu.memref_slice %dma_start3A_292[%dma_start3A_278, %dma_start3A_293, %dma_start3A_294] : memref<78x2x128xi32, #tpu.memory_space<hbm>> -> memref<1x2x128xi32, #tpu.memory_space<hbm>>
    %dma_start3A_296 = tpu.memref_squeeze %dma_start3A_295 : memref<1x2x128xi32, #tpu.memory_space<hbm>> -> memref<2x128xi32, #tpu.memory_space<hbm>>
    tpu.enqueue_dma source(%dma_start3A_296 : memref<2x128xi32, #tpu.memory_space<hbm>>) target(%arg11 : memref<2x128xi32, #tpu.memory_space<vmem>>) target_semaphore(%arg17 : memref<!tpu.dma_semaphore, #tpu.memory_space<semaphore_mem>>)
    %dma_wait3A_297 = arith.constant 76 : i32
    %dma_wait3A_298 = arith.constant 0 : i32
    %dma_wait3A_299 = arith.constant 0 : i32
    %dma_wait3A_300 = arith.constant 0 : i32
    %dma_wait3A_301 = tpu.memref_slice %arg3[%add3A, %dma_wait3A_298, %dma_wait3A_299, %dma_wait3A_300] : memref<32x78x2x128xi32, #tpu.memory_space<hbm>> -> memref<1x78x2x128xi32, #tpu.memory_space<hbm>>
    %dma_wait3A_302 = tpu.memref_squeeze %dma_wait3A_301 : memref<1x78x2x128xi32, #tpu.memory_space<hbm>> -> memref<78x2x128xi32, #tpu.memory_space<hbm>>
    %dma_wait3A_303 = arith.constant 0 : i32
    %dma_wait3A_304 = arith.constant 0 : i32
    %dma_wait3A_305 = tpu.memref_slice %dma_wait3A_302[%dma_wait3A_297, %dma_wait3A_303, %dma_wait3A_304] : memref<78x2x128xi32, #tpu.memory_space<hbm>> -> memref<1x2x128xi32, #tpu.memory_space<hbm>>
    %dma_wait3A_306 = tpu.memref_squeeze %dma_wait3A_305 : memref<1x2x128xi32, #tpu.memory_space<hbm>> -> memref<2x128xi32, #tpu.memory_space<hbm>>
    %dma_wait3A_307 = arith.constant 0 : i32
    %dma_wait3A_308 = arith.constant 0 : i32
    %dma_wait3A_309 = arith.constant 0 : i32
    %dma_wait3A_310 = tpu.memref_slice %arg3[%add3A, %dma_wait3A_307, %dma_wait3A_308, %dma_wait3A_309] : memref<32x78x2x128xi32, #tpu.memory_space<hbm>> -> memref<1x78x2x128xi32, #tpu.memory_space<hbm>>
    %dma_wait3A_311 = tpu.memref_squeeze %dma_wait3A_310 : memref<1x78x2x128xi32, #tpu.memory_space<hbm>> -> memref<78x2x128xi32, #tpu.memory_space<hbm>>
    %dma_wait3A_312 = arith.constant 0 : i32
    %dma_wait3A_313 = arith.constant 0 : i32
    %dma_wait3A_314 = tpu.memref_slice %dma_wait3A_311[%dma_wait3A_297, %dma_wait3A_312, %dma_wait3A_313] : memref<78x2x128xi32, #tpu.memory_space<hbm>> -> memref<1x2x128xi32, #tpu.memory_space<hbm>>
    %dma_wait3A_315 = tpu.memref_squeeze %dma_wait3A_314 : memref<1x2x128xi32, #tpu.memory_space<hbm>> -> memref<2x128xi32, #tpu.memory_space<hbm>>
    tpu.wait_dma2 semaphore(%arg16 : memref<!tpu.dma_semaphore, #tpu.memory_space<semaphore_mem>>) src(%dma_wait3A_315 : memref<2x128xi32, #tpu.memory_space<hbm>>) dst(%arg10 : memref<2x128xi32, #tpu.memory_space<vmem>>)
    %dma_wait3A_316 = arith.constant 1 : i32
    %dma_wait3A_317 = arith.constant 0 : i32
    %dma_wait3A_318 = tpu.memref_slice %arg12[%dma_wait3A_316, %dma_wait3A_317] : memref<2x128xi32, #tpu.memory_space<vmem>> -> memref<1x128xi32, #tpu.memory_space<vmem>>
    %dma_wait3A_319 = tpu.memref_squeeze %dma_wait3A_318 : memref<1x128xi32, #tpu.memory_space<vmem>> -> memref<128xi32, #tpu.memory_space<vmem>>
    %dma_wait3A_320 = arith.constant 0 : i32
    %dma_wait3A_321 = arith.constant 0 : i32
    %dma_wait3A_322 = tpu.memref_slice %arg7[%dma_wait3A_320, %dma_wait3A_321] : memref<10240x128xf32, #tpu.memory_space<vmem_shared>> -> memref<10240x128xf32, #tpu.memory_space<vmem_shared>>
    tpu.wait_indirect_dma semaphore(%arg22 : memref<!tpu.dma_semaphore, #tpu.memory_space<semaphore_mem>>) src(%arg8 : memref<128x128xf32, #tpu.memory_space<vmem>>) dst(%dma_wait3A_322 : memref<10240x128xf32, #tpu.memory_space<vmem_shared>>)
    %dma_start3A_323 = arith.constant 0 : i32
    %dma_start3A_324 = arith.constant 0 : i32
    %dma_start3A_325 = tpu.memref_slice %arg10[%dma_start3A_323, %dma_start3A_324] : memref<2x128xi32, #tpu.memory_space<vmem>> -> memref<1x128xi32, #tpu.memory_space<vmem>>
    %dma_start3A_326 = tpu.memref_squeeze %dma_start3A_325 : memref<1x128xi32, #tpu.memory_space<vmem>> -> memref<128xi32, #tpu.memory_space<vmem>>
    %dma_start3A_327 = arith.constant 0 : i32
    %dma_start3A_328 = arith.constant 0 : i32
    %dma_start3A_329 = tpu.memref_slice %arg2[%dma_start3A_327, %dma_start3A_328] : memref<10240x128xf32, #tpu.memory_space<hbm>> -> memref<10240x128xf32, #tpu.memory_space<hbm>>
    tpu.enqueue_indirect_dma source(%dma_start3A_329 : memref<10240x128xf32, #tpu.memory_space<hbm>>) target(%arg8 : memref<128x128xf32, #tpu.memory_space<vmem>>) offsets(%dma_start3A_326 : memref<128xi32, #tpu.memory_space<vmem>>) semaphore(%arg20 : memref<!tpu.dma_semaphore, #tpu.memory_space<semaphore_mem>>)
    %dma_wait3A_330 = arith.constant 0 : i32
    %dma_wait3A_331 = arith.constant 0 : i32
    %dma_wait3A_332 = tpu.memref_slice %arg13[%dma_wait3A_330, %dma_wait3A_331] : memref<2x128xi32, #tpu.memory_space<vmem>> -> memref<1x128xi32, #tpu.memory_space<vmem>>
    %dma_wait3A_333 = tpu.memref_squeeze %dma_wait3A_332 : memref<1x128xi32, #tpu.memory_space<vmem>> -> memref<128xi32, #tpu.memory_space<vmem>>
    %dma_wait3A_334 = arith.constant 0 : i32
    %dma_wait3A_335 = arith.constant 0 : i32
    %dma_wait3A_336 = tpu.memref_slice %arg2[%dma_wait3A_334, %dma_wait3A_335] : memref<10240x128xf32, #tpu.memory_space<hbm>> -> memref<10240x128xf32, #tpu.memory_space<hbm>>
    tpu.wait_indirect_dma semaphore(%arg21 : memref<!tpu.dma_semaphore, #tpu.memory_space<semaphore_mem>>) src(%dma_wait3A_336 : memref<10240x128xf32, #tpu.memory_space<hbm>>) dst(%arg9 : memref<128x128xf32, #tpu.memory_space<vmem>>)
    %dma_start3A_337 = arith.constant 1 : i32
    %dma_start3A_338 = arith.constant 0 : i32
    %dma_start3A_339 = tpu.memref_slice %arg13[%dma_start3A_337, %dma_start3A_338] : memref<2x128xi32, #tpu.memory_space<vmem>> -> memref<1x128xi32, #tpu.memory_space<vmem>>
    %dma_start3A_340 = tpu.memref_squeeze %dma_start3A_339 : memref<1x128xi32, #tpu.memory_space<vmem>> -> memref<128xi32, #tpu.memory_space<vmem>>
    %dma_start3A_341 = arith.constant 0 : i32
    %dma_start3A_342 = arith.constant 0 : i32
    %dma_start3A_343 = tpu.memref_slice %arg7[%dma_start3A_341, %dma_start3A_342] : memref<10240x128xf32, #tpu.memory_space<vmem_shared>> -> memref<10240x128xf32, #tpu.memory_space<vmem_shared>>
    tpu.enqueue_indirect_dma source(%arg9 : memref<128x128xf32, #tpu.memory_space<vmem>>) target(%dma_start3A_343 : memref<10240x128xf32, #tpu.memory_space<vmem_shared>>) offsets(%dma_start3A_340 : memref<128xi32, #tpu.memory_space<vmem>>) semaphore(%arg23 : memref<!tpu.dma_semaphore, #tpu.memory_space<semaphore_mem>>) {add = true}
    %dma_wait3A_344 = arith.constant 77 : i32
    %dma_wait3A_345 = arith.constant 0 : i32
    %dma_wait3A_346 = arith.constant 0 : i32
    %dma_wait3A_347 = arith.constant 0 : i32
    %dma_wait3A_348 = tpu.memref_slice %arg3[%add3A, %dma_wait3A_345, %dma_wait3A_346, %dma_wait3A_347] : memref<32x78x2x128xi32, #tpu.memory_space<hbm>> -> memref<1x78x2x128xi32, #tpu.memory_space<hbm>>
    %dma_wait3A_349 = tpu.memref_squeeze %dma_wait3A_348 : memref<1x78x2x128xi32, #tpu.memory_space<hbm>> -> memref<78x2x128xi32, #tpu.memory_space<hbm>>
    %dma_wait3A_350 = arith.constant 0 : i32
    %dma_wait3A_351 = arith.constant 0 : i32
    %dma_wait3A_352 = tpu.memref_slice %dma_wait3A_349[%dma_wait3A_344, %dma_wait3A_350, %dma_wait3A_351] : memref<78x2x128xi32, #tpu.memory_space<hbm>> -> memref<1x2x128xi32, #tpu.memory_space<hbm>>
    %dma_wait3A_353 = tpu.memref_squeeze %dma_wait3A_352 : memref<1x2x128xi32, #tpu.memory_space<hbm>> -> memref<2x128xi32, #tpu.memory_space<hbm>>
    %dma_wait3A_354 = arith.constant 0 : i32
    %dma_wait3A_355 = arith.constant 0 : i32
    %dma_wait3A_356 = arith.constant 0 : i32
    %dma_wait3A_357 = tpu.memref_slice %arg3[%add3A, %dma_wait3A_354, %dma_wait3A_355, %dma_wait3A_356] : memref<32x78x2x128xi32, #tpu.memory_space<hbm>> -> memref<1x78x2x128xi32, #tpu.memory_space<hbm>>
    %dma_wait3A_358 = tpu.memref_squeeze %dma_wait3A_357 : memref<1x78x2x128xi32, #tpu.memory_space<hbm>> -> memref<78x2x128xi32, #tpu.memory_space<hbm>>
    %dma_wait3A_359 = arith.constant 0 : i32
    %dma_wait3A_360 = arith.constant 0 : i32
    %dma_wait3A_361 = tpu.memref_slice %dma_wait3A_358[%dma_wait3A_344, %dma_wait3A_359, %dma_wait3A_360] : memref<78x2x128xi32, #tpu.memory_space<hbm>> -> memref<1x2x128xi32, #tpu.memory_space<hbm>>
    %dma_wait3A_362 = tpu.memref_squeeze %dma_wait3A_361 : memref<1x2x128xi32, #tpu.memory_space<hbm>> -> memref<2x128xi32, #tpu.memory_space<hbm>>
    tpu.wait_dma2 semaphore(%arg17 : memref<!tpu.dma_semaphore, #tpu.memory_space<semaphore_mem>>) src(%dma_wait3A_362 : memref<2x128xi32, #tpu.memory_space<hbm>>) dst(%arg11 : memref<2x128xi32, #tpu.memory_space<vmem>>)
    %dma_wait3A_363 = arith.constant 1 : i32
    %dma_wait3A_364 = arith.constant 0 : i32
    %dma_wait3A_365 = tpu.memref_slice %arg13[%dma_wait3A_363, %dma_wait3A_364] : memref<2x128xi32, #tpu.memory_space<vmem>> -> memref<1x128xi32, #tpu.memory_space<vmem>>
    %dma_wait3A_366 = tpu.memref_squeeze %dma_wait3A_365 : memref<1x128xi32, #tpu.memory_space<vmem>> -> memref<128xi32, #tpu.memory_space<vmem>>
    %dma_wait3A_367 = arith.constant 0 : i32
    %dma_wait3A_368 = arith.constant 0 : i32
    %dma_wait3A_369 = tpu.memref_slice %arg7[%dma_wait3A_367, %dma_wait3A_368] : memref<10240x128xf32, #tpu.memory_space<vmem_shared>> -> memref<10240x128xf32, #tpu.memory_space<vmem_shared>>
    tpu.wait_indirect_dma semaphore(%arg23 : memref<!tpu.dma_semaphore, #tpu.memory_space<semaphore_mem>>) src(%arg9 : memref<128x128xf32, #tpu.memory_space<vmem>>) dst(%dma_wait3A_369 : memref<10240x128xf32, #tpu.memory_space<vmem_shared>>)
    %dma_start3A_370 = arith.constant 0 : i32
    %dma_start3A_371 = arith.constant 0 : i32
    %dma_start3A_372 = tpu.memref_slice %arg11[%dma_start3A_370, %dma_start3A_371] : memref<2x128xi32, #tpu.memory_space<vmem>> -> memref<1x128xi32, #tpu.memory_space<vmem>>
    %dma_start3A_373 = tpu.memref_squeeze %dma_start3A_372 : memref<1x128xi32, #tpu.memory_space<vmem>> -> memref<128xi32, #tpu.memory_space<vmem>>
    %dma_start3A_374 = arith.constant 0 : i32
    %dma_start3A_375 = arith.constant 0 : i32
    %dma_start3A_376 = tpu.memref_slice %arg2[%dma_start3A_374, %dma_start3A_375] : memref<10240x128xf32, #tpu.memory_space<hbm>> -> memref<10240x128xf32, #tpu.memory_space<hbm>>
    tpu.enqueue_indirect_dma source(%dma_start3A_376 : memref<10240x128xf32, #tpu.memory_space<hbm>>) target(%arg9 : memref<128x128xf32, #tpu.memory_space<vmem>>) offsets(%dma_start3A_373 : memref<128xi32, #tpu.memory_space<vmem>>) semaphore(%arg21 : memref<!tpu.dma_semaphore, #tpu.memory_space<semaphore_mem>>)
    %dma_wait3A_377 = arith.constant 0 : i32
    %dma_wait3A_378 = arith.constant 0 : i32
    %dma_wait3A_379 = tpu.memref_slice %arg10[%dma_wait3A_377, %dma_wait3A_378] : memref<2x128xi32, #tpu.memory_space<vmem>> -> memref<1x128xi32, #tpu.memory_space<vmem>>
    %dma_wait3A_380 = tpu.memref_squeeze %dma_wait3A_379 : memref<1x128xi32, #tpu.memory_space<vmem>> -> memref<128xi32, #tpu.memory_space<vmem>>
    %dma_wait3A_381 = arith.constant 0 : i32
    %dma_wait3A_382 = arith.constant 0 : i32
    %dma_wait3A_383 = tpu.memref_slice %arg2[%dma_wait3A_381, %dma_wait3A_382] : memref<10240x128xf32, #tpu.memory_space<hbm>> -> memref<10240x128xf32, #tpu.memory_space<hbm>>
    tpu.wait_indirect_dma semaphore(%arg20 : memref<!tpu.dma_semaphore, #tpu.memory_space<semaphore_mem>>) src(%dma_wait3A_383 : memref<10240x128xf32, #tpu.memory_space<hbm>>) dst(%arg8 : memref<128x128xf32, #tpu.memory_space<vmem>>)
    %dma_start3A_384 = arith.constant 1 : i32
    %dma_start3A_385 = arith.constant 0 : i32
    %dma_start3A_386 = tpu.memref_slice %arg10[%dma_start3A_384, %dma_start3A_385] : memref<2x128xi32, #tpu.memory_space<vmem>> -> memref<1x128xi32, #tpu.memory_space<vmem>>
    %dma_start3A_387 = tpu.memref_squeeze %dma_start3A_386 : memref<1x128xi32, #tpu.memory_space<vmem>> -> memref<128xi32, #tpu.memory_space<vmem>>
    %dma_start3A_388 = arith.constant 0 : i32
    %dma_start3A_389 = arith.constant 0 : i32
    %dma_start3A_390 = tpu.memref_slice %arg7[%dma_start3A_388, %dma_start3A_389] : memref<10240x128xf32, #tpu.memory_space<vmem_shared>> -> memref<10240x128xf32, #tpu.memory_space<vmem_shared>>
    tpu.enqueue_indirect_dma source(%arg8 : memref<128x128xf32, #tpu.memory_space<vmem>>) target(%dma_start3A_390 : memref<10240x128xf32, #tpu.memory_space<vmem_shared>>) offsets(%dma_start3A_387 : memref<128xi32, #tpu.memory_space<vmem>>) semaphore(%arg22 : memref<!tpu.dma_semaphore, #tpu.memory_space<semaphore_mem>>) {add = true}
    %dma_wait3A_391 = arith.constant 1 : i32
    %dma_wait3A_392 = arith.constant 0 : i32
    %dma_wait3A_393 = tpu.memref_slice %arg10[%dma_wait3A_391, %dma_wait3A_392] : memref<2x128xi32, #tpu.memory_space<vmem>> -> memref<1x128xi32, #tpu.memory_space<vmem>>
    %dma_wait3A_394 = tpu.memref_squeeze %dma_wait3A_393 : memref<1x128xi32, #tpu.memory_space<vmem>> -> memref<128xi32, #tpu.memory_space<vmem>>
    %dma_wait3A_395 = arith.constant 0 : i32
    %dma_wait3A_396 = arith.constant 0 : i32
    %dma_wait3A_397 = tpu.memref_slice %arg7[%dma_wait3A_395, %dma_wait3A_396] : memref<10240x128xf32, #tpu.memory_space<vmem_shared>> -> memref<10240x128xf32, #tpu.memory_space<vmem_shared>>
    tpu.wait_indirect_dma semaphore(%arg22 : memref<!tpu.dma_semaphore, #tpu.memory_space<semaphore_mem>>) src(%arg8 : memref<128x128xf32, #tpu.memory_space<vmem>>) dst(%dma_wait3A_397 : memref<10240x128xf32, #tpu.memory_space<vmem_shared>>)
    %dma_wait3A_398 = arith.constant 0 : i32
    %dma_wait3A_399 = arith.constant 0 : i32
    %dma_wait3A_400 = tpu.memref_slice %arg11[%dma_wait3A_398, %dma_wait3A_399] : memref<2x128xi32, #tpu.memory_space<vmem>> -> memref<1x128xi32, #tpu.memory_space<vmem>>
    %dma_wait3A_401 = tpu.memref_squeeze %dma_wait3A_400 : memref<1x128xi32, #tpu.memory_space<vmem>> -> memref<128xi32, #tpu.memory_space<vmem>>
    %dma_wait3A_402 = arith.constant 0 : i32
    %dma_wait3A_403 = arith.constant 0 : i32
    %dma_wait3A_404 = tpu.memref_slice %arg2[%dma_wait3A_402, %dma_wait3A_403] : memref<10240x128xf32, #tpu.memory_space<hbm>> -> memref<10240x128xf32, #tpu.memory_space<hbm>>
    tpu.wait_indirect_dma semaphore(%arg21 : memref<!tpu.dma_semaphore, #tpu.memory_space<semaphore_mem>>) src(%dma_wait3A_404 : memref<10240x128xf32, #tpu.memory_space<hbm>>) dst(%arg9 : memref<128x128xf32, #tpu.memory_space<vmem>>)
    %dma_start3A_405 = arith.constant 1 : i32
    %dma_start3A_406 = arith.constant 0 : i32
    %dma_start3A_407 = tpu.memref_slice %arg11[%dma_start3A_405, %dma_start3A_406] : memref<2x128xi32, #tpu.memory_space<vmem>> -> memref<1x128xi32, #tpu.memory_space<vmem>>
    %dma_start3A_408 = tpu.memref_squeeze %dma_start3A_407 : memref<1x128xi32, #tpu.memory_space<vmem>> -> memref<128xi32, #tpu.memory_space<vmem>>
    %dma_start3A_409 = arith.constant 0 : i32
    %dma_start3A_410 = arith.constant 0 : i32
    %dma_start3A_411 = tpu.memref_slice %arg7[%dma_start3A_409, %dma_start3A_410] : memref<10240x128xf32, #tpu.memory_space<vmem_shared>> -> memref<10240x128xf32, #tpu.memory_space<vmem_shared>>
    tpu.enqueue_indirect_dma source(%arg9 : memref<128x128xf32, #tpu.memory_space<vmem>>) target(%dma_start3A_411 : memref<10240x128xf32, #tpu.memory_space<vmem_shared>>) offsets(%dma_start3A_408 : memref<128xi32, #tpu.memory_space<vmem>>) semaphore(%arg23 : memref<!tpu.dma_semaphore, #tpu.memory_space<semaphore_mem>>) {add = true}
    %dma_wait3A_412 = arith.constant 1 : i32
    %dma_wait3A_413 = arith.constant 0 : i32
    %dma_wait3A_414 = tpu.memref_slice %arg11[%dma_wait3A_412, %dma_wait3A_413] : memref<2x128xi32, #tpu.memory_space<vmem>> -> memref<1x128xi32, #tpu.memory_space<vmem>>
    %dma_wait3A_415 = tpu.memref_squeeze %dma_wait3A_414 : memref<1x128xi32, #tpu.memory_space<vmem>> -> memref<128xi32, #tpu.memory_space<vmem>>
    %dma_wait3A_416 = arith.constant 0 : i32
    %dma_wait3A_417 = arith.constant 0 : i32
    %dma_wait3A_418 = tpu.memref_slice %arg7[%dma_wait3A_416, %dma_wait3A_417] : memref<10240x128xf32, #tpu.memory_space<vmem_shared>> -> memref<10240x128xf32, #tpu.memory_space<vmem_shared>>
    tpu.wait_indirect_dma semaphore(%arg23 : memref<!tpu.dma_semaphore, #tpu.memory_space<semaphore_mem>>) src(%arg9 : memref<128x128xf32, #tpu.memory_space<vmem>>) dst(%dma_wait3A_418 : memref<10240x128xf32, #tpu.memory_space<vmem_shared>>)
    "tpu.region"() ({
      %run_scoped3A = tpu.sem_alloc : memref<!tpu.dma_semaphore, #tpu.memory_space<semaphore_mem>>
      %dma_start3A_432 = arith.constant 0 : i32
      %dma_start3A_433 = tpu.memref_slice %arg4[%add3A, %dma_start3A_432] : memref<32x16xi32, #tpu.memory_space<hbm>> -> memref<1x16xi32, #tpu.memory_space<hbm>>
      %dma_start3A_434 = tpu.memref_squeeze %dma_start3A_433 : memref<1x16xi32, #tpu.memory_space<hbm>> -> memref<16xi32, #tpu.memory_space<hbm>>
      %dma_start3A_435 = arith.constant 0 : i32
      %dma_start3A_436 = tpu.memref_slice %arg4[%add3A, %dma_start3A_435] : memref<32x16xi32, #tpu.memory_space<hbm>> -> memref<1x16xi32, #tpu.memory_space<hbm>>
      %dma_start3A_437 = tpu.memref_squeeze %dma_start3A_436 : memref<1x16xi32, #tpu.memory_space<hbm>> -> memref<16xi32, #tpu.memory_space<hbm>>
      tpu.enqueue_dma source(%dma_start3A_437 : memref<16xi32, #tpu.memory_space<hbm>>) target(%arg14 : memref<16xi32, #tpu.memory_space<vmem>>) target_semaphore(%run_scoped3A : memref<!tpu.dma_semaphore, #tpu.memory_space<semaphore_mem>>)
      %dma_wait3A_438 = arith.constant 0 : i32
      %dma_wait3A_439 = tpu.memref_slice %arg4[%add3A, %dma_wait3A_438] : memref<32x16xi32, #tpu.memory_space<hbm>> -> memref<1x16xi32, #tpu.memory_space<hbm>>
      %dma_wait3A_440 = tpu.memref_squeeze %dma_wait3A_439 : memref<1x16xi32, #tpu.memory_space<hbm>> -> memref<16xi32, #tpu.memory_space<hbm>>
      %dma_wait3A_441 = arith.constant 0 : i32
      %dma_wait3A_442 = tpu.memref_slice %arg4[%add3A, %dma_wait3A_441] : memref<32x16xi32, #tpu.memory_space<hbm>> -> memref<1x16xi32, #tpu.memory_space<hbm>>
      %dma_wait3A_443 = tpu.memref_squeeze %dma_wait3A_442 : memref<1x16xi32, #tpu.memory_space<hbm>> -> memref<16xi32, #tpu.memory_space<hbm>>
      tpu.wait_dma2 semaphore(%run_scoped3A : memref<!tpu.dma_semaphore, #tpu.memory_space<semaphore_mem>>) src(%dma_wait3A_443 : memref<16xi32, #tpu.memory_space<hbm>>) dst(%arg14 : memref<16xi32, #tpu.memory_space<vmem>>)
      tpu.yield
    }) : () -> ()
    "tpu.region"() ({
      %run_scoped3A = tpu.sem_alloc : memref<!tpu.dma_semaphore, #tpu.memory_space<semaphore_mem>>
      %dma_start3A_432 = arith.constant 0 : i32
      %dma_start3A_433 = tpu.memref_slice %arg5[%add3A, %dma_start3A_432] : memref<32x16xi32, #tpu.memory_space<hbm>> -> memref<1x16xi32, #tpu.memory_space<hbm>>
      %dma_start3A_434 = tpu.memref_squeeze %dma_start3A_433 : memref<1x16xi32, #tpu.memory_space<hbm>> -> memref<16xi32, #tpu.memory_space<hbm>>
      %dma_start3A_435 = arith.constant 0 : i32
      %dma_start3A_436 = tpu.memref_slice %arg5[%add3A, %dma_start3A_435] : memref<32x16xi32, #tpu.memory_space<hbm>> -> memref<1x16xi32, #tpu.memory_space<hbm>>
      %dma_start3A_437 = tpu.memref_squeeze %dma_start3A_436 : memref<1x16xi32, #tpu.memory_space<hbm>> -> memref<16xi32, #tpu.memory_space<hbm>>
      tpu.enqueue_dma source(%dma_start3A_437 : memref<16xi32, #tpu.memory_space<hbm>>) target(%arg15 : memref<16xi32, #tpu.memory_space<vmem>>) target_semaphore(%run_scoped3A : memref<!tpu.dma_semaphore, #tpu.memory_space<semaphore_mem>>)
      %dma_wait3A_438 = arith.constant 0 : i32
      %dma_wait3A_439 = tpu.memref_slice %arg5[%add3A, %dma_wait3A_438] : memref<32x16xi32, #tpu.memory_space<hbm>> -> memref<1x16xi32, #tpu.memory_space<hbm>>
      %dma_wait3A_440 = tpu.memref_squeeze %dma_wait3A_439 : memref<1x16xi32, #tpu.memory_space<hbm>> -> memref<16xi32, #tpu.memory_space<hbm>>
      %dma_wait3A_441 = arith.constant 0 : i32
      %dma_wait3A_442 = tpu.memref_slice %arg5[%add3A, %dma_wait3A_441] : memref<32x16xi32, #tpu.memory_space<hbm>> -> memref<1x16xi32, #tpu.memory_space<hbm>>
      %dma_wait3A_443 = tpu.memref_squeeze %dma_wait3A_442 : memref<1x16xi32, #tpu.memory_space<hbm>> -> memref<16xi32, #tpu.memory_space<hbm>>
      tpu.wait_dma2 semaphore(%run_scoped3A : memref<!tpu.dma_semaphore, #tpu.memory_space<semaphore_mem>>) src(%dma_wait3A_443 : memref<16xi32, #tpu.memory_space<hbm>>) dst(%arg15 : memref<16xi32, #tpu.memory_space<vmem>>)
      tpu.yield
    }) : () -> ()
    %dma_start3A_419 = arith.constant 0 : i32
    %dma_start3A_420 = arith.constant 0 : i32
    %dma_start3A_421 = tpu.memref_slice %arg9[%dma_start3A_419, %dma_start3A_420] : memref<128x128xf32, #tpu.memory_space<vmem>> -> memref<16x128xf32, #tpu.memory_space<vmem>>
    %dma_start3A_422 = arith.constant 0 : i32
    %dma_start3A_423 = arith.constant 0 : i32
    %dma_start3A_424 = tpu.memref_slice %arg2[%dma_start3A_422, %dma_start3A_423] : memref<10240x128xf32, #tpu.memory_space<hbm>> -> memref<10240x128xf32, #tpu.memory_space<hbm>>
    tpu.enqueue_indirect_dma source(%dma_start3A_424 : memref<10240x128xf32, #tpu.memory_space<hbm>>) target(%dma_start3A_421 : memref<16x128xf32, #tpu.memory_space<vmem>>) offsets(%arg14 : memref<16xi32, #tpu.memory_space<vmem>>) semaphore(%arg21 : memref<!tpu.dma_semaphore, #tpu.memory_space<semaphore_mem>>)
    %dma_wait3A_425 = arith.constant 0 : i32
    %dma_wait3A_426 = arith.constant 0 : i32
    %dma_wait3A_427 = tpu.memref_slice %arg9[%dma_wait3A_425, %dma_wait3A_426] : memref<128x128xf32, #tpu.memory_space<vmem>> -> memref<16x128xf32, #tpu.memory_space<vmem>>
    %dma_wait3A_428 = arith.constant 0 : i32
    %dma_wait3A_429 = arith.constant 0 : i32
    %dma_wait3A_430 = tpu.memref_slice %arg2[%dma_wait3A_428, %dma_wait3A_429] : memref<10240x128xf32, #tpu.memory_space<hbm>> -> memref<10240x128xf32, #tpu.memory_space<hbm>>
    tpu.wait_indirect_dma semaphore(%arg21 : memref<!tpu.dma_semaphore, #tpu.memory_space<semaphore_mem>>) src(%dma_wait3A_430 : memref<10240x128xf32, #tpu.memory_space<hbm>>) dst(%dma_wait3A_427 : memref<16x128xf32, #tpu.memory_space<vmem>>)
    "tpu.region"() ({
      %run_scoped3A = tpu.sem_alloc : memref<!tpu.dma_semaphore, #tpu.memory_space<semaphore_mem>>
      %dma_start3A_432 = arith.constant 0 : i32
      %dma_start3A_433 = arith.constant 0 : i32
      %dma_start3A_434 = tpu.memref_slice %arg9[%dma_start3A_432, %dma_start3A_433] : memref<128x128xf32, #tpu.memory_space<vmem>> -> memref<16x128xf32, #tpu.memory_space<vmem>>
      %dma_start3A_435 = arith.constant 0 : i32
      %dma_start3A_436 = arith.constant 0 : i32
      %dma_start3A_437 = tpu.memref_slice %arg7[%dma_start3A_435, %dma_start3A_436] : memref<10240x128xf32, #tpu.memory_space<vmem_shared>> -> memref<10240x128xf32, #tpu.memory_space<vmem_shared>>
      tpu.enqueue_indirect_dma source(%dma_start3A_434 : memref<16x128xf32, #tpu.memory_space<vmem>>) target(%dma_start3A_437 : memref<10240x128xf32, #tpu.memory_space<vmem_shared>>) offsets(%arg15 : memref<16xi32, #tpu.memory_space<vmem>>) semaphore(%run_scoped3A : memref<!tpu.dma_semaphore, #tpu.memory_space<semaphore_mem>>) {add = true}
      %dma_wait3A_438 = arith.constant 0 : i32
      %dma_wait3A_439 = arith.constant 0 : i32
      %dma_wait3A_440 = tpu.memref_slice %arg9[%dma_wait3A_438, %dma_wait3A_439] : memref<128x128xf32, #tpu.memory_space<vmem>> -> memref<16x128xf32, #tpu.memory_space<vmem>>
      %dma_wait3A_441 = arith.constant 0 : i32
      %dma_wait3A_442 = arith.constant 0 : i32
      %dma_wait3A_443 = tpu.memref_slice %arg7[%dma_wait3A_441, %dma_wait3A_442] : memref<10240x128xf32, #tpu.memory_space<vmem_shared>> -> memref<10240x128xf32, #tpu.memory_space<vmem_shared>>
      tpu.wait_indirect_dma semaphore(%run_scoped3A : memref<!tpu.dma_semaphore, #tpu.memory_space<semaphore_mem>>) src(%dma_wait3A_440 : memref<16x128xf32, #tpu.memory_space<vmem>>) dst(%dma_wait3A_443 : memref<10240x128xf32, #tpu.memory_space<vmem_shared>>)
      tpu.yield
    }) : () -> ()
    %barrier3A_431 = arith.constant 0 : index
    tpu.barrier barrier_id(%barrier3A_431)
    "tpu.region"() ({
      %run_scoped3A = tpu.sem_alloc : memref<!tpu.dma_semaphore, #tpu.memory_space<semaphore_mem>>
      %dma_start3A_432 = arith.constant 0 : i32
      %dma_start3A_433 = arith.constant 0 : i32
      %dma_start3A_434 = tpu.memref_slice %arg6[%arg0, %dma_start3A_432, %dma_start3A_433] : memref<2x10240x128xf32, #tpu.memory_space<hbm>> -> memref<1x10240x128xf32, #tpu.memory_space<hbm>>
      %dma_start3A_435 = tpu.memref_squeeze %dma_start3A_434 : memref<1x10240x128xf32, #tpu.memory_space<hbm>> -> memref<10240x128xf32, #tpu.memory_space<hbm>>
      %dma_start3A_436 = arith.constant 0 : i32
      %dma_start3A_437 = tpu.memref_slice %dma_start3A_435[%mul3A_2, %dma_start3A_436] : memref<10240x128xf32, #tpu.memory_space<hbm>> -> memref<640x128xf32, #tpu.memory_space<hbm>>
      %dma_start3A_438 = arith.constant 0 : i32
      %dma_start3A_439 = tpu.memref_slice %arg7[%mul3A_2, %dma_start3A_438] : memref<10240x128xf32, #tpu.memory_space<vmem_shared>> -> memref<640x128xf32, #tpu.memory_space<vmem_shared>>
      tpu.enqueue_dma source(%dma_start3A_439 : memref<640x128xf32, #tpu.memory_space<vmem_shared>>) target(%dma_start3A_437 : memref<640x128xf32, #tpu.memory_space<hbm>>) target_semaphore(%run_scoped3A : memref<!tpu.dma_semaphore, #tpu.memory_space<semaphore_mem>>)
      %dma_wait3A_440 = arith.constant 0 : i32
      %dma_wait3A_441 = arith.constant 0 : i32
      %dma_wait3A_442 = tpu.memref_slice %arg6[%arg0, %dma_wait3A_440, %dma_wait3A_441] : memref<2x10240x128xf32, #tpu.memory_space<hbm>> -> memref<1x10240x128xf32, #tpu.memory_space<hbm>>
      %dma_wait3A_443 = tpu.memref_squeeze %dma_wait3A_442 : memref<1x10240x128xf32, #tpu.memory_space<hbm>> -> memref<10240x128xf32, #tpu.memory_space<hbm>>
      %dma_wait3A_444 = arith.constant 0 : i32
      %dma_wait3A_445 = tpu.memref_slice %dma_wait3A_443[%mul3A_2, %dma_wait3A_444] : memref<10240x128xf32, #tpu.memory_space<hbm>> -> memref<640x128xf32, #tpu.memory_space<hbm>>
      %dma_wait3A_446 = arith.constant 0 : i32
      %dma_wait3A_447 = tpu.memref_slice %arg7[%mul3A_2, %dma_wait3A_446] : memref<10240x128xf32, #tpu.memory_space<vmem_shared>> -> memref<640x128xf32, #tpu.memory_space<vmem_shared>>
      tpu.wait_dma2 semaphore(%run_scoped3A : memref<!tpu.dma_semaphore, #tpu.memory_space<semaphore_mem>>) src(%dma_wait3A_447 : memref<640x128xf32, #tpu.memory_space<vmem_shared>>) dst(%dma_wait3A_445 : memref<640x128xf32, #tpu.memory_space<hbm>>)
      tpu.yield
    }) : () -> ()
    return
  }
}

#map = affine_map<(d0, d1) -> (0, 0)>
#map1 = affine_map<(d0, d1) -> (0, 0, 0, 0)>
#map2 = affine_map<(d0, d1) -> (0, 0, 0)>
module attributes {stable_mosaic.version = 14 : i64} {
  func.func @_agg_kernel(%arg0: i32, %arg1: i32, %arg2: memref<10240x128xf32, #tpu.memory_space<hbm>>, %arg3: memref<32x78x2x128xi32, #tpu.memory_space<hbm>>, %arg4: memref<32x16xi32, #tpu.memory_space<hbm>>, %arg5: memref<32x16xi32, #tpu.memory_space<hbm>>, %arg6: memref<2x10240x128xf32, #tpu.memory_space<hbm>>, %arg7: memref<10240x128xf32, #tpu.memory_space<vmem_shared>>, %arg8: memref<128x128xf32, #tpu.memory_space<vmem>>, %arg9: memref<128x128xf32, #tpu.memory_space<vmem>>, %arg10: memref<2x128xi32, #tpu.memory_space<vmem>>, %arg11: memref<2x128xi32, #tpu.memory_space<vmem>>, %arg12: memref<2x128xi32, #tpu.memory_space<vmem>>, %arg13: memref<2x128xi32, #tpu.memory_space<vmem>>, %arg14: memref<16xi32, #tpu.memory_space<vmem>>, %arg15: memref<16xi32, #tpu.memory_space<vmem>>, %arg16: memref<!tpu.dma_semaphore, #tpu.memory_space<semaphore_mem>>, %arg17: memref<!tpu.dma_semaphore, #tpu.memory_space<semaphore_mem>>, %arg18: memref<!tpu.dma_semaphore, #tpu.memory_space<semaphore_mem>>, %arg19: memref<!tpu.dma_semaphore, #tpu.memory_space<semaphore_mem>>, %arg20: memref<!tpu.dma_semaphore, #tpu.memory_space<semaphore_mem>>, %arg21: memref<!tpu.dma_semaphore, #tpu.memory_space<semaphore_mem>>, %arg22: memref<!tpu.dma_semaphore, #tpu.memory_space<semaphore_mem>>, %arg23: memref<!tpu.dma_semaphore, #tpu.memory_space<semaphore_mem>>) attributes {dimension_semantics = [#tpu.dimension_semantics<core_parallel>, #tpu.dimension_semantics<subcore_parallel>], iteration_bounds = array<i64: 2, 16>, scalar_prefetch = 0 : i64, scratch_operands = 17 : i64, tpu.core_type = #tpu.core_type<sc_vector_subcore>, window_params = [{transform_indices = #map}, {transform_indices = #map1}, {transform_indices = #map}, {transform_indices = #map}, {transform_indices = #map2}]} {
    %mul3A = arith.constant 16 : i32
    %mul3A_0 = arith.muli %arg0, %mul3A : i32
    %add3A = arith.addi %mul3A_0, %arg1 : i32
    %mul3A_1 = arith.constant 640 : i32
    %mul3A_2 = arith.muli %arg1, %mul3A_1 : i32
    %dma_start3A = arith.constant 0 : i32
    %dma_start3A_3 = arith.constant 0 : i32
    %dma_start3A_4 = arith.constant 0 : i32
    %dma_start3A_5 = arith.constant 0 : i32
    %dma_start3A_6 = tpu.memref_slice %arg3[%add3A, %dma_start3A_3, %dma_start3A_4, %dma_start3A_5] : memref<32x78x2x128xi32, #tpu.memory_space<hbm>> -> memref<1x78x2x128xi32, #tpu.memory_space<hbm>>
    %dma_start3A_7 = tpu.memref_squeeze %dma_start3A_6 : memref<1x78x2x128xi32, #tpu.memory_space<hbm>> -> memref<78x2x128xi32, #tpu.memory_space<hbm>>
    %dma_start3A_8 = arith.constant 0 : i32
    %dma_start3A_9 = arith.constant 0 : i32
    %dma_start3A_10 = tpu.memref_slice %dma_start3A_7[%dma_start3A, %dma_start3A_8, %dma_start3A_9] : memref<78x2x128xi32, #tpu.memory_space<hbm>> -> memref<1x2x128xi32, #tpu.memory_space<hbm>>
    %dma_start3A_11 = tpu.memref_squeeze %dma_start3A_10 : memref<1x2x128xi32, #tpu.memory_space<hbm>> -> memref<2x128xi32, #tpu.memory_space<hbm>>
    %dma_start3A_12 = arith.constant 0 : i32
    %dma_start3A_13 = arith.constant 0 : i32
    %dma_start3A_14 = arith.constant 0 : i32
    %dma_start3A_15 = tpu.memref_slice %arg3[%add3A, %dma_start3A_12, %dma_start3A_13, %dma_start3A_14] : memref<32x78x2x128xi32, #tpu.memory_space<hbm>> -> memref<1x78x2x128xi32, #tpu.memory_space<hbm>>
    %dma_start3A_16 = tpu.memref_squeeze %dma_start3A_15 : memref<1x78x2x128xi32, #tpu.memory_space<hbm>> -> memref<78x2x128xi32, #tpu.memory_space<hbm>>
    %dma_start3A_17 = arith.constant 0 : i32
    %dma_start3A_18 = arith.constant 0 : i32
    %dma_start3A_19 = tpu.memref_slice %dma_start3A_16[%dma_start3A, %dma_start3A_17, %dma_start3A_18] : memref<78x2x128xi32, #tpu.memory_space<hbm>> -> memref<1x2x128xi32, #tpu.memory_space<hbm>>
    %dma_start3A_20 = tpu.memref_squeeze %dma_start3A_19 : memref<1x2x128xi32, #tpu.memory_space<hbm>> -> memref<2x128xi32, #tpu.memory_space<hbm>>
    tpu.enqueue_dma source(%dma_start3A_20 : memref<2x128xi32, #tpu.memory_space<hbm>>) target(%arg10 : memref<2x128xi32, #tpu.memory_space<vmem>>) target_semaphore(%arg16 : memref<!tpu.dma_semaphore, #tpu.memory_space<semaphore_mem>>)
    %dma_start3A_21 = arith.constant 1 : i32
    %dma_start3A_22 = arith.constant 0 : i32
    %dma_start3A_23 = arith.constant 0 : i32
    %dma_start3A_24 = arith.constant 0 : i32
    %dma_start3A_25 = tpu.memref_slice %arg3[%add3A, %dma_start3A_22, %dma_start3A_23, %dma_start3A_24] : memref<32x78x2x128xi32, #tpu.memory_space<hbm>> -> memref<1x78x2x128xi32, #tpu.memory_space<hbm>>
    %dma_start3A_26 = tpu.memref_squeeze %dma_start3A_25 : memref<1x78x2x128xi32, #tpu.memory_space<hbm>> -> memref<78x2x128xi32, #tpu.memory_space<hbm>>
    %dma_start3A_27 = arith.constant 0 : i32
    %dma_start3A_28 = arith.constant 0 : i32
    %dma_start3A_29 = tpu.memref_slice %dma_start3A_26[%dma_start3A_21, %dma_start3A_27, %dma_start3A_28] : memref<78x2x128xi32, #tpu.memory_space<hbm>> -> memref<1x2x128xi32, #tpu.memory_space<hbm>>
    %dma_start3A_30 = tpu.memref_squeeze %dma_start3A_29 : memref<1x2x128xi32, #tpu.memory_space<hbm>> -> memref<2x128xi32, #tpu.memory_space<hbm>>
    %dma_start3A_31 = arith.constant 0 : i32
    %dma_start3A_32 = arith.constant 0 : i32
    %dma_start3A_33 = arith.constant 0 : i32
    %dma_start3A_34 = tpu.memref_slice %arg3[%add3A, %dma_start3A_31, %dma_start3A_32, %dma_start3A_33] : memref<32x78x2x128xi32, #tpu.memory_space<hbm>> -> memref<1x78x2x128xi32, #tpu.memory_space<hbm>>
    %dma_start3A_35 = tpu.memref_squeeze %dma_start3A_34 : memref<1x78x2x128xi32, #tpu.memory_space<hbm>> -> memref<78x2x128xi32, #tpu.memory_space<hbm>>
    %dma_start3A_36 = arith.constant 0 : i32
    %dma_start3A_37 = arith.constant 0 : i32
    %dma_start3A_38 = tpu.memref_slice %dma_start3A_35[%dma_start3A_21, %dma_start3A_36, %dma_start3A_37] : memref<78x2x128xi32, #tpu.memory_space<hbm>> -> memref<1x2x128xi32, #tpu.memory_space<hbm>>
    %dma_start3A_39 = tpu.memref_squeeze %dma_start3A_38 : memref<1x2x128xi32, #tpu.memory_space<hbm>> -> memref<2x128xi32, #tpu.memory_space<hbm>>
    tpu.enqueue_dma source(%dma_start3A_39 : memref<2x128xi32, #tpu.memory_space<hbm>>) target(%arg11 : memref<2x128xi32, #tpu.memory_space<vmem>>) target_semaphore(%arg17 : memref<!tpu.dma_semaphore, #tpu.memory_space<semaphore_mem>>)
    %dma_start3A_40 = arith.constant 2 : i32
    %dma_start3A_41 = arith.constant 0 : i32
    %dma_start3A_42 = arith.constant 0 : i32
    %dma_start3A_43 = arith.constant 0 : i32
    %dma_start3A_44 = tpu.memref_slice %arg3[%add3A, %dma_start3A_41, %dma_start3A_42, %dma_start3A_43] : memref<32x78x2x128xi32, #tpu.memory_space<hbm>> -> memref<1x78x2x128xi32, #tpu.memory_space<hbm>>
    %dma_start3A_45 = tpu.memref_squeeze %dma_start3A_44 : memref<1x78x2x128xi32, #tpu.memory_space<hbm>> -> memref<78x2x128xi32, #tpu.memory_space<hbm>>
    %dma_start3A_46 = arith.constant 0 : i32
    %dma_start3A_47 = arith.constant 0 : i32
    %dma_start3A_48 = tpu.memref_slice %dma_start3A_45[%dma_start3A_40, %dma_start3A_46, %dma_start3A_47] : memref<78x2x128xi32, #tpu.memory_space<hbm>> -> memref<1x2x128xi32, #tpu.memory_space<hbm>>
    %dma_start3A_49 = tpu.memref_squeeze %dma_start3A_48 : memref<1x2x128xi32, #tpu.memory_space<hbm>> -> memref<2x128xi32, #tpu.memory_space<hbm>>
    %dma_start3A_50 = arith.constant 0 : i32
    %dma_start3A_51 = arith.constant 0 : i32
    %dma_start3A_52 = arith.constant 0 : i32
    %dma_start3A_53 = tpu.memref_slice %arg3[%add3A, %dma_start3A_50, %dma_start3A_51, %dma_start3A_52] : memref<32x78x2x128xi32, #tpu.memory_space<hbm>> -> memref<1x78x2x128xi32, #tpu.memory_space<hbm>>
    %dma_start3A_54 = tpu.memref_squeeze %dma_start3A_53 : memref<1x78x2x128xi32, #tpu.memory_space<hbm>> -> memref<78x2x128xi32, #tpu.memory_space<hbm>>
    %dma_start3A_55 = arith.constant 0 : i32
    %dma_start3A_56 = arith.constant 0 : i32
    %dma_start3A_57 = tpu.memref_slice %dma_start3A_54[%dma_start3A_40, %dma_start3A_55, %dma_start3A_56] : memref<78x2x128xi32, #tpu.memory_space<hbm>> -> memref<1x2x128xi32, #tpu.memory_space<hbm>>
    %dma_start3A_58 = tpu.memref_squeeze %dma_start3A_57 : memref<1x2x128xi32, #tpu.memory_space<hbm>> -> memref<2x128xi32, #tpu.memory_space<hbm>>
    tpu.enqueue_dma source(%dma_start3A_58 : memref<2x128xi32, #tpu.memory_space<hbm>>) target(%arg12 : memref<2x128xi32, #tpu.memory_space<vmem>>) target_semaphore(%arg18 : memref<!tpu.dma_semaphore, #tpu.memory_space<semaphore_mem>>)
    %broadcast_in_dim3A = arith.constant 0.000000e+00 : f32
    %broadcast_in_dim3A_59 = vector.broadcast %broadcast_in_dim3A : f32 to vector<16xf32>
    %scan3A = arith.constant 0 : i32
    %scan3A_60 = arith.constant 0 : i32
    %scan3A_61 = arith.constant 128 : i32
    %scan3A_62 = arith.addi %scan3A_60, %scan3A_61 : i32
    %scan3A_63 = arith.constant 1 : i32
    scf.for %scan3A_432 = %scan3A_60 to %scan3A_62 step %scan3A_63  : i32 {
      %swap3A = arith.index_cast %scan3A_432 : i32 to index
      %swap3A_433 = arith.constant 0 : index
      %swap3A_434 = tpu.vector_load %arg9[%swap3A, %swap3A_433] {strides = array<i32>} : memref<128x128xf32, #tpu.memory_space<vmem>>, vector<1x16xf32>,
      %swap3A_435 = vector.shape_cast %swap3A_434 : vector<1x16xf32> to vector<16xf32>
      %swap3A_436 = vector.shape_cast %broadcast_in_dim3A_59 : vector<16xf32> to vector<1x16xf32>
      tpu.vector_store %arg9[%swap3A, %swap3A_433], %swap3A_436 {strides = array<i32>} : memref<128x128xf32, #tpu.memory_space<vmem>>, vector<1x16xf32>,
      %swap3A_437 = arith.index_cast %scan3A_432 : i32 to index
      %swap3A_438 = arith.constant 16 : index
      %swap3A_439 = tpu.vector_load %arg9[%swap3A_437, %swap3A_438] {strides = array<i32>} : memref<128x128xf32, #tpu.memory_space<vmem>>, vector<1x16xf32>,
      %swap3A_440 = vector.shape_cast %swap3A_439 : vector<1x16xf32> to vector<16xf32>
      %swap3A_441 = vector.shape_cast %broadcast_in_dim3A_59 : vector<16xf32> to vector<1x16xf32>
      tpu.vector_store %arg9[%swap3A_437, %swap3A_438], %swap3A_441 {strides = array<i32>} : memref<128x128xf32, #tpu.memory_space<vmem>>, vector<1x16xf32>,
      %swap3A_442 = arith.index_cast %scan3A_432 : i32 to index
      %swap3A_443 = arith.constant 32 : index
      %swap3A_444 = tpu.vector_load %arg9[%swap3A_442, %swap3A_443] {strides = array<i32>} : memref<128x128xf32, #tpu.memory_space<vmem>>, vector<1x16xf32>,
      %swap3A_445 = vector.shape_cast %swap3A_444 : vector<1x16xf32> to vector<16xf32>
      %swap3A_446 = vector.shape_cast %broadcast_in_dim3A_59 : vector<16xf32> to vector<1x16xf32>
      tpu.vector_store %arg9[%swap3A_442, %swap3A_443], %swap3A_446 {strides = array<i32>} : memref<128x128xf32, #tpu.memory_space<vmem>>, vector<1x16xf32>,
      %swap3A_447 = arith.index_cast %scan3A_432 : i32 to index
      %swap3A_448 = arith.constant 48 : index
      %swap3A_449 = tpu.vector_load %arg9[%swap3A_447, %swap3A_448] {strides = array<i32>} : memref<128x128xf32, #tpu.memory_space<vmem>>, vector<1x16xf32>,
      %swap3A_450 = vector.shape_cast %swap3A_449 : vector<1x16xf32> to vector<16xf32>
      %swap3A_451 = vector.shape_cast %broadcast_in_dim3A_59 : vector<16xf32> to vector<1x16xf32>
      tpu.vector_store %arg9[%swap3A_447, %swap3A_448], %swap3A_451 {strides = array<i32>} : memref<128x128xf32, #tpu.memory_space<vmem>>, vector<1x16xf32>,
      %swap3A_452 = arith.index_cast %scan3A_432 : i32 to index
      %swap3A_453 = arith.constant 64 : index
      %swap3A_454 = tpu.vector_load %arg9[%swap3A_452, %swap3A_453] {strides = array<i32>} : memref<128x128xf32, #tpu.memory_space<vmem>>, vector<1x16xf32>,
      %swap3A_455 = vector.shape_cast %swap3A_454 : vector<1x16xf32> to vector<16xf32>
      %swap3A_456 = vector.shape_cast %broadcast_in_dim3A_59 : vector<16xf32> to vector<1x16xf32>
      tpu.vector_store %arg9[%swap3A_452, %swap3A_453], %swap3A_456 {strides = array<i32>} : memref<128x128xf32, #tpu.memory_space<vmem>>, vector<1x16xf32>,
      %swap3A_457 = arith.index_cast %scan3A_432 : i32 to index
      %swap3A_458 = arith.constant 80 : index
      %swap3A_459 = tpu.vector_load %arg9[%swap3A_457, %swap3A_458] {strides = array<i32>} : memref<128x128xf32, #tpu.memory_space<vmem>>, vector<1x16xf32>,
      %swap3A_460 = vector.shape_cast %swap3A_459 : vector<1x16xf32> to vector<16xf32>
      %swap3A_461 = vector.shape_cast %broadcast_in_dim3A_59 : vector<16xf32> to vector<1x16xf32>
      tpu.vector_store %arg9[%swap3A_457, %swap3A_458], %swap3A_461 {strides = array<i32>} : memref<128x128xf32, #tpu.memory_space<vmem>>, vector<1x16xf32>,
      %swap3A_462 = arith.index_cast %scan3A_432 : i32 to index
      %swap3A_463 = arith.constant 96 : index
      %swap3A_464 = tpu.vector_load %arg9[%swap3A_462, %swap3A_463] {strides = array<i32>} : memref<128x128xf32, #tpu.memory_space<vmem>>, vector<1x16xf32>,
      %swap3A_465 = vector.shape_cast %swap3A_464 : vector<1x16xf32> to vector<16xf32>
      %swap3A_466 = vector.shape_cast %broadcast_in_dim3A_59 : vector<16xf32> to vector<1x16xf32>
      tpu.vector_store %arg9[%swap3A_462, %swap3A_463], %swap3A_466 {strides = array<i32>} : memref<128x128xf32, #tpu.memory_space<vmem>>, vector<1x16xf32>,
      %swap3A_467 = arith.index_cast %scan3A_432 : i32 to index
      %swap3A_468 = arith.constant 112 : index
      %swap3A_469 = tpu.vector_load %arg9[%swap3A_467, %swap3A_468] {strides = array<i32>} : memref<128x128xf32, #tpu.memory_space<vmem>>, vector<1x16xf32>,
      %swap3A_470 = vector.shape_cast %swap3A_469 : vector<1x16xf32> to vector<16xf32>
      %swap3A_471 = vector.shape_cast %broadcast_in_dim3A_59 : vector<16xf32> to vector<1x16xf32>
      tpu.vector_store %arg9[%swap3A_467, %swap3A_468], %swap3A_471 {strides = array<i32>} : memref<128x128xf32, #tpu.memory_space<vmem>>, vector<1x16xf32>,
    }
    %scan3A_64 = arith.constant 128 : i32
    %add3A_65 = arith.constant 0 : i32
    %add3A_66 = arith.addi %mul3A_2, %add3A_65 : i32
    "tpu.region"() ({
      %run_scoped3A = tpu.sem_alloc : memref<!tpu.dma_semaphore, #tpu.memory_space<semaphore_mem>>
      %dma_start3A_432 = arith.constant 0 : i32
      %dma_start3A_433 = tpu.memref_slice %arg7[%add3A_66, %dma_start3A_432] : memref<10240x128xf32, #tpu.memory_space<vmem_shared>> -> memref<128x128xf32, #tpu.memory_space<vmem_shared>>
      %dma_start3A_434 = arith.constant 0 : i32
      %dma_start3A_435 = tpu.memref_slice %arg7[%add3A_66, %dma_start3A_434] : memref<10240x128xf32, #tpu.memory_space<vmem_shared>> -> memref<128x128xf32, #tpu.memory_space<vmem_shared>>
      tpu.enqueue_dma source(%arg9 : memref<128x128xf32, #tpu.memory_space<vmem>>) target(%dma_start3A_435 : memref<128x128xf32, #tpu.memory_space<vmem_shared>>) target_semaphore(%run_scoped3A : memref<!tpu.dma_semaphore, #tpu.memory_space<semaphore_mem>>)
      %dma_wait3A_436 = arith.constant 0 : i32
      %dma_wait3A_437 = tpu.memref_slice %arg7[%add3A_66, %dma_wait3A_436] : memref<10240x128xf32, #tpu.memory_space<vmem_shared>> -> memref<128x128xf32, #tpu.memory_space<vmem_shared>>
      %dma_wait3A_438 = arith.constant 0 : i32
      %dma_wait3A_439 = tpu.memref_slice %arg7[%add3A_66, %dma_wait3A_438] : memref<10240x128xf32, #tpu.memory_space<vmem_shared>> -> memref<128x128xf32, #tpu.memory_space<vmem_shared>>
      tpu.wait_dma2 semaphore(%run_scoped3A : memref<!tpu.dma_semaphore, #tpu.memory_space<semaphore_mem>>) src(%arg9 : memref<128x128xf32, #tpu.memory_space<vmem>>) dst(%dma_wait3A_439 : memref<128x128xf32, #tpu.memory_space<vmem_shared>>)
      tpu.yield
    }) : () -> ()
    %add3A_67 = arith.constant 128 : i32
    %add3A_68 = arith.addi %mul3A_2, %add3A_67 : i32
    "tpu.region"() ({
      %run_scoped3A = tpu.sem_alloc : memref<!tpu.dma_semaphore, #tpu.memory_space<semaphore_mem>>
      %dma_start3A_432 = arith.constant 0 : i32
      %dma_start3A_433 = tpu.memref_slice %arg7[%add3A_68, %dma_start3A_432] : memref<10240x128xf32, #tpu.memory_space<vmem_shared>> -> memref<128x128xf32, #tpu.memory_space<vmem_shared>>
      %dma_start3A_434 = arith.constant 0 : i32
      %dma_start3A_435 = tpu.memref_slice %arg7[%add3A_68, %dma_start3A_434] : memref<10240x128xf32, #tpu.memory_space<vmem_shared>> -> memref<128x128xf32, #tpu.memory_space<vmem_shared>>
      tpu.enqueue_dma source(%arg9 : memref<128x128xf32, #tpu.memory_space<vmem>>) target(%dma_start3A_435 : memref<128x128xf32, #tpu.memory_space<vmem_shared>>) target_semaphore(%run_scoped3A : memref<!tpu.dma_semaphore, #tpu.memory_space<semaphore_mem>>)
      %dma_wait3A_436 = arith.constant 0 : i32
      %dma_wait3A_437 = tpu.memref_slice %arg7[%add3A_68, %dma_wait3A_436] : memref<10240x128xf32, #tpu.memory_space<vmem_shared>> -> memref<128x128xf32, #tpu.memory_space<vmem_shared>>
      %dma_wait3A_438 = arith.constant 0 : i32
      %dma_wait3A_439 = tpu.memref_slice %arg7[%add3A_68, %dma_wait3A_438] : memref<10240x128xf32, #tpu.memory_space<vmem_shared>> -> memref<128x128xf32, #tpu.memory_space<vmem_shared>>
      tpu.wait_dma2 semaphore(%run_scoped3A : memref<!tpu.dma_semaphore, #tpu.memory_space<semaphore_mem>>) src(%arg9 : memref<128x128xf32, #tpu.memory_space<vmem>>) dst(%dma_wait3A_439 : memref<128x128xf32, #tpu.memory_space<vmem_shared>>)
      tpu.yield
    }) : () -> ()
    %add3A_69 = arith.constant 256 : i32
    %add3A_70 = arith.addi %mul3A_2, %add3A_69 : i32
    "tpu.region"() ({
      %run_scoped3A = tpu.sem_alloc : memref<!tpu.dma_semaphore, #tpu.memory_space<semaphore_mem>>
      %dma_start3A_432 = arith.constant 0 : i32
      %dma_start3A_433 = tpu.memref_slice %arg7[%add3A_70, %dma_start3A_432] : memref<10240x128xf32, #tpu.memory_space<vmem_shared>> -> memref<128x128xf32, #tpu.memory_space<vmem_shared>>
      %dma_start3A_434 = arith.constant 0 : i32
      %dma_start3A_435 = tpu.memref_slice %arg7[%add3A_70, %dma_start3A_434] : memref<10240x128xf32, #tpu.memory_space<vmem_shared>> -> memref<128x128xf32, #tpu.memory_space<vmem_shared>>
      tpu.enqueue_dma source(%arg9 : memref<128x128xf32, #tpu.memory_space<vmem>>) target(%dma_start3A_435 : memref<128x128xf32, #tpu.memory_space<vmem_shared>>) target_semaphore(%run_scoped3A : memref<!tpu.dma_semaphore, #tpu.memory_space<semaphore_mem>>)
      %dma_wait3A_436 = arith.constant 0 : i32
      %dma_wait3A_437 = tpu.memref_slice %arg7[%add3A_70, %dma_wait3A_436] : memref<10240x128xf32, #tpu.memory_space<vmem_shared>> -> memref<128x128xf32, #tpu.memory_space<vmem_shared>>
      %dma_wait3A_438 = arith.constant 0 : i32
      %dma_wait3A_439 = tpu.memref_slice %arg7[%add3A_70, %dma_wait3A_438] : memref<10240x128xf32, #tpu.memory_space<vmem_shared>> -> memref<128x128xf32, #tpu.memory_space<vmem_shared>>
      tpu.wait_dma2 semaphore(%run_scoped3A : memref<!tpu.dma_semaphore, #tpu.memory_space<semaphore_mem>>) src(%arg9 : memref<128x128xf32, #tpu.memory_space<vmem>>) dst(%dma_wait3A_439 : memref<128x128xf32, #tpu.memory_space<vmem_shared>>)
      tpu.yield
    }) : () -> ()
    %add3A_71 = arith.constant 384 : i32
    %add3A_72 = arith.addi %mul3A_2, %add3A_71 : i32
    "tpu.region"() ({
      %run_scoped3A = tpu.sem_alloc : memref<!tpu.dma_semaphore, #tpu.memory_space<semaphore_mem>>
      %dma_start3A_432 = arith.constant 0 : i32
      %dma_start3A_433 = tpu.memref_slice %arg7[%add3A_72, %dma_start3A_432] : memref<10240x128xf32, #tpu.memory_space<vmem_shared>> -> memref<128x128xf32, #tpu.memory_space<vmem_shared>>
      %dma_start3A_434 = arith.constant 0 : i32
      %dma_start3A_435 = tpu.memref_slice %arg7[%add3A_72, %dma_start3A_434] : memref<10240x128xf32, #tpu.memory_space<vmem_shared>> -> memref<128x128xf32, #tpu.memory_space<vmem_shared>>
      tpu.enqueue_dma source(%arg9 : memref<128x128xf32, #tpu.memory_space<vmem>>) target(%dma_start3A_435 : memref<128x128xf32, #tpu.memory_space<vmem_shared>>) target_semaphore(%run_scoped3A : memref<!tpu.dma_semaphore, #tpu.memory_space<semaphore_mem>>)
      %dma_wait3A_436 = arith.constant 0 : i32
      %dma_wait3A_437 = tpu.memref_slice %arg7[%add3A_72, %dma_wait3A_436] : memref<10240x128xf32, #tpu.memory_space<vmem_shared>> -> memref<128x128xf32, #tpu.memory_space<vmem_shared>>
      %dma_wait3A_438 = arith.constant 0 : i32
      %dma_wait3A_439 = tpu.memref_slice %arg7[%add3A_72, %dma_wait3A_438] : memref<10240x128xf32, #tpu.memory_space<vmem_shared>> -> memref<128x128xf32, #tpu.memory_space<vmem_shared>>
      tpu.wait_dma2 semaphore(%run_scoped3A : memref<!tpu.dma_semaphore, #tpu.memory_space<semaphore_mem>>) src(%arg9 : memref<128x128xf32, #tpu.memory_space<vmem>>) dst(%dma_wait3A_439 : memref<128x128xf32, #tpu.memory_space<vmem_shared>>)
      tpu.yield
    }) : () -> ()
    %add3A_73 = arith.constant 512 : i32
    %add3A_74 = arith.addi %mul3A_2, %add3A_73 : i32
    "tpu.region"() ({
      %run_scoped3A = tpu.sem_alloc : memref<!tpu.dma_semaphore, #tpu.memory_space<semaphore_mem>>
      %dma_start3A_432 = arith.constant 0 : i32
      %dma_start3A_433 = tpu.memref_slice %arg7[%add3A_74, %dma_start3A_432] : memref<10240x128xf32, #tpu.memory_space<vmem_shared>> -> memref<128x128xf32, #tpu.memory_space<vmem_shared>>
      %dma_start3A_434 = arith.constant 0 : i32
      %dma_start3A_435 = tpu.memref_slice %arg7[%add3A_74, %dma_start3A_434] : memref<10240x128xf32, #tpu.memory_space<vmem_shared>> -> memref<128x128xf32, #tpu.memory_space<vmem_shared>>
      tpu.enqueue_dma source(%arg9 : memref<128x128xf32, #tpu.memory_space<vmem>>) target(%dma_start3A_435 : memref<128x128xf32, #tpu.memory_space<vmem_shared>>) target_semaphore(%run_scoped3A : memref<!tpu.dma_semaphore, #tpu.memory_space<semaphore_mem>>)
      %dma_wait3A_436 = arith.constant 0 : i32
      %dma_wait3A_437 = tpu.memref_slice %arg7[%add3A_74, %dma_wait3A_436] : memref<10240x128xf32, #tpu.memory_space<vmem_shared>> -> memref<128x128xf32, #tpu.memory_space<vmem_shared>>
      %dma_wait3A_438 = arith.constant 0 : i32
      %dma_wait3A_439 = tpu.memref_slice %arg7[%add3A_74, %dma_wait3A_438] : memref<10240x128xf32, #tpu.memory_space<vmem_shared>> -> memref<128x128xf32, #tpu.memory_space<vmem_shared>>
      tpu.wait_dma2 semaphore(%run_scoped3A : memref<!tpu.dma_semaphore, #tpu.memory_space<semaphore_mem>>) src(%arg9 : memref<128x128xf32, #tpu.memory_space<vmem>>) dst(%dma_wait3A_439 : memref<128x128xf32, #tpu.memory_space<vmem_shared>>)
      tpu.yield
    }) : () -> ()
    %dma_wait3A = arith.constant 0 : i32
    %dma_wait3A_75 = arith.constant 0 : i32
    %dma_wait3A_76 = arith.constant 0 : i32
    %dma_wait3A_77 = arith.constant 0 : i32
    %dma_wait3A_78 = tpu.memref_slice %arg3[%add3A, %dma_wait3A_75, %dma_wait3A_76, %dma_wait3A_77] : memref<32x78x2x128xi32, #tpu.memory_space<hbm>> -> memref<1x78x2x128xi32, #tpu.memory_space<hbm>>
    %dma_wait3A_79 = tpu.memref_squeeze %dma_wait3A_78 : memref<1x78x2x128xi32, #tpu.memory_space<hbm>> -> memref<78x2x128xi32, #tpu.memory_space<hbm>>
    %dma_wait3A_80 = arith.constant 0 : i32
    %dma_wait3A_81 = arith.constant 0 : i32
    %dma_wait3A_82 = tpu.memref_slice %dma_wait3A_79[%dma_wait3A, %dma_wait3A_80, %dma_wait3A_81] : memref<78x2x128xi32, #tpu.memory_space<hbm>> -> memref<1x2x128xi32, #tpu.memory_space<hbm>>
    %dma_wait3A_83 = tpu.memref_squeeze %dma_wait3A_82 : memref<1x2x128xi32, #tpu.memory_space<hbm>> -> memref<2x128xi32, #tpu.memory_space<hbm>>
    %dma_wait3A_84 = arith.constant 0 : i32
    %dma_wait3A_85 = arith.constant 0 : i32
    %dma_wait3A_86 = arith.constant 0 : i32
    %dma_wait3A_87 = tpu.memref_slice %arg3[%add3A, %dma_wait3A_84, %dma_wait3A_85, %dma_wait3A_86] : memref<32x78x2x128xi32, #tpu.memory_space<hbm>> -> memref<1x78x2x128xi32, #tpu.memory_space<hbm>>
    %dma_wait3A_88 = tpu.memref_squeeze %dma_wait3A_87 : memref<1x78x2x128xi32, #tpu.memory_space<hbm>> -> memref<78x2x128xi32, #tpu.memory_space<hbm>>
    %dma_wait3A_89 = arith.constant 0 : i32
    %dma_wait3A_90 = arith.constant 0 : i32
    %dma_wait3A_91 = tpu.memref_slice %dma_wait3A_88[%dma_wait3A, %dma_wait3A_89, %dma_wait3A_90] : memref<78x2x128xi32, #tpu.memory_space<hbm>> -> memref<1x2x128xi32, #tpu.memory_space<hbm>>
    %dma_wait3A_92 = tpu.memref_squeeze %dma_wait3A_91 : memref<1x2x128xi32, #tpu.memory_space<hbm>> -> memref<2x128xi32, #tpu.memory_space<hbm>>
    tpu.wait_dma2 semaphore(%arg16 : memref<!tpu.dma_semaphore, #tpu.memory_space<semaphore_mem>>) src(%dma_wait3A_92 : memref<2x128xi32, #tpu.memory_space<hbm>>) dst(%arg10 : memref<2x128xi32, #tpu.memory_space<vmem>>)
    %dma_start3A_93 = arith.constant 0 : i32
    %dma_start3A_94 = arith.constant 0 : i32
    %dma_start3A_95 = tpu.memref_slice %arg10[%dma_start3A_93, %dma_start3A_94] : memref<2x128xi32, #tpu.memory_space<vmem>> -> memref<1x128xi32, #tpu.memory_space<vmem>>
    %dma_start3A_96 = tpu.memref_squeeze %dma_start3A_95 : memref<1x128xi32, #tpu.memory_space<vmem>> -> memref<128xi32, #tpu.memory_space<vmem>>
    %dma_start3A_97 = arith.constant 0 : i32
    %dma_start3A_98 = arith.constant 0 : i32
    %dma_start3A_99 = tpu.memref_slice %arg2[%dma_start3A_97, %dma_start3A_98] : memref<10240x128xf32, #tpu.memory_space<hbm>> -> memref<10240x128xf32, #tpu.memory_space<hbm>>
    tpu.enqueue_indirect_dma source(%dma_start3A_99 : memref<10240x128xf32, #tpu.memory_space<hbm>>) target(%arg8 : memref<128x128xf32, #tpu.memory_space<vmem>>) offsets(%dma_start3A_96 : memref<128xi32, #tpu.memory_space<vmem>>) semaphore(%arg20 : memref<!tpu.dma_semaphore, #tpu.memory_space<semaphore_mem>>)
    %barrier3A = arith.constant 0 : index
    tpu.barrier barrier_id(%barrier3A)
    %dma_wait3A_100 = arith.constant 1 : i32
    %dma_wait3A_101 = arith.constant 0 : i32
    %dma_wait3A_102 = arith.constant 0 : i32
    %dma_wait3A_103 = arith.constant 0 : i32
    %dma_wait3A_104 = tpu.memref_slice %arg3[%add3A, %dma_wait3A_101, %dma_wait3A_102, %dma_wait3A_103] : memref<32x78x2x128xi32, #tpu.memory_space<hbm>> -> memref<1x78x2x128xi32, #tpu.memory_space<hbm>>
    %dma_wait3A_105 = tpu.memref_squeeze %dma_wait3A_104 : memref<1x78x2x128xi32, #tpu.memory_space<hbm>> -> memref<78x2x128xi32, #tpu.memory_space<hbm>>
    %dma_wait3A_106 = arith.constant 0 : i32
    %dma_wait3A_107 = arith.constant 0 : i32
    %dma_wait3A_108 = tpu.memref_slice %dma_wait3A_105[%dma_wait3A_100, %dma_wait3A_106, %dma_wait3A_107] : memref<78x2x128xi32, #tpu.memory_space<hbm>> -> memref<1x2x128xi32, #tpu.memory_space<hbm>>
    %dma_wait3A_109 = tpu.memref_squeeze %dma_wait3A_108 : memref<1x2x128xi32, #tpu.memory_space<hbm>> -> memref<2x128xi32, #tpu.memory_space<hbm>>
    %dma_wait3A_110 = arith.constant 0 : i32
    %dma_wait3A_111 = arith.constant 0 : i32
    %dma_wait3A_112 = arith.constant 0 : i32
    %dma_wait3A_113 = tpu.memref_slice %arg3[%add3A, %dma_wait3A_110, %dma_wait3A_111, %dma_wait3A_112] : memref<32x78x2x128xi32, #tpu.memory_space<hbm>> -> memref<1x78x2x128xi32, #tpu.memory_space<hbm>>
    %dma_wait3A_114 = tpu.memref_squeeze %dma_wait3A_113 : memref<1x78x2x128xi32, #tpu.memory_space<hbm>> -> memref<78x2x128xi32, #tpu.memory_space<hbm>>
    %dma_wait3A_115 = arith.constant 0 : i32
    %dma_wait3A_116 = arith.constant 0 : i32
    %dma_wait3A_117 = tpu.memref_slice %dma_wait3A_114[%dma_wait3A_100, %dma_wait3A_115, %dma_wait3A_116] : memref<78x2x128xi32, #tpu.memory_space<hbm>> -> memref<1x2x128xi32, #tpu.memory_space<hbm>>
    %dma_wait3A_118 = tpu.memref_squeeze %dma_wait3A_117 : memref<1x2x128xi32, #tpu.memory_space<hbm>> -> memref<2x128xi32, #tpu.memory_space<hbm>>
    tpu.wait_dma2 semaphore(%arg17 : memref<!tpu.dma_semaphore, #tpu.memory_space<semaphore_mem>>) src(%dma_wait3A_118 : memref<2x128xi32, #tpu.memory_space<hbm>>) dst(%arg11 : memref<2x128xi32, #tpu.memory_space<vmem>>)
    %dma_start3A_119 = arith.constant 0 : i32
    %dma_start3A_120 = arith.constant 0 : i32
    %dma_start3A_121 = tpu.memref_slice %arg11[%dma_start3A_119, %dma_start3A_120] : memref<2x128xi32, #tpu.memory_space<vmem>> -> memref<1x128xi32, #tpu.memory_space<vmem>>
    %dma_start3A_122 = tpu.memref_squeeze %dma_start3A_121 : memref<1x128xi32, #tpu.memory_space<vmem>> -> memref<128xi32, #tpu.memory_space<vmem>>
    %dma_start3A_123 = arith.constant 0 : i32
    %dma_start3A_124 = arith.constant 0 : i32
    %dma_start3A_125 = tpu.memref_slice %arg2[%dma_start3A_123, %dma_start3A_124] : memref<10240x128xf32, #tpu.memory_space<hbm>> -> memref<10240x128xf32, #tpu.memory_space<hbm>>
    tpu.enqueue_indirect_dma source(%dma_start3A_125 : memref<10240x128xf32, #tpu.memory_space<hbm>>) target(%arg9 : memref<128x128xf32, #tpu.memory_space<vmem>>) offsets(%dma_start3A_122 : memref<128xi32, #tpu.memory_space<vmem>>) semaphore(%arg21 : memref<!tpu.dma_semaphore, #tpu.memory_space<semaphore_mem>>)
    %dma_wait3A_126 = arith.constant 0 : i32
    %dma_wait3A_127 = arith.constant 0 : i32
    %dma_wait3A_128 = tpu.memref_slice %arg10[%dma_wait3A_126, %dma_wait3A_127] : memref<2x128xi32, #tpu.memory_space<vmem>> -> memref<1x128xi32, #tpu.memory_space<vmem>>
    %dma_wait3A_129 = tpu.memref_squeeze %dma_wait3A_128 : memref<1x128xi32, #tpu.memory_space<vmem>> -> memref<128xi32, #tpu.memory_space<vmem>>
    %dma_wait3A_130 = arith.constant 0 : i32
    %dma_wait3A_131 = arith.constant 0 : i32
    %dma_wait3A_132 = tpu.memref_slice %arg2[%dma_wait3A_130, %dma_wait3A_131] : memref<10240x128xf32, #tpu.memory_space<hbm>> -> memref<10240x128xf32, #tpu.memory_space<hbm>>
    tpu.wait_indirect_dma semaphore(%arg20 : memref<!tpu.dma_semaphore, #tpu.memory_space<semaphore_mem>>) src(%dma_wait3A_132 : memref<10240x128xf32, #tpu.memory_space<hbm>>) dst(%arg8 : memref<128x128xf32, #tpu.memory_space<vmem>>)
    %dma_start3A_133 = arith.constant 1 : i32
    %dma_start3A_134 = arith.constant 0 : i32
    %dma_start3A_135 = tpu.memref_slice %arg10[%dma_start3A_133, %dma_start3A_134] : memref<2x128xi32, #tpu.memory_space<vmem>> -> memref<1x128xi32, #tpu.memory_space<vmem>>
    %dma_start3A_136 = tpu.memref_squeeze %dma_start3A_135 : memref<1x128xi32, #tpu.memory_space<vmem>> -> memref<128xi32, #tpu.memory_space<vmem>>
    %dma_start3A_137 = arith.constant 0 : i32
    %dma_start3A_138 = arith.constant 0 : i32
    %dma_start3A_139 = tpu.memref_slice %arg7[%dma_start3A_137, %dma_start3A_138] : memref<10240x128xf32, #tpu.memory_space<vmem_shared>> -> memref<10240x128xf32, #tpu.memory_space<vmem_shared>>
    tpu.enqueue_indirect_dma source(%arg8 : memref<128x128xf32, #tpu.memory_space<vmem>>) target(%dma_start3A_139 : memref<10240x128xf32, #tpu.memory_space<vmem_shared>>) offsets(%dma_start3A_136 : memref<128xi32, #tpu.memory_space<vmem>>) semaphore(%arg22 : memref<!tpu.dma_semaphore, #tpu.memory_space<semaphore_mem>>) {add = true}
    %dma_start3A_140 = arith.constant 3 : i32
    %dma_start3A_141 = arith.constant 0 : i32
    %dma_start3A_142 = arith.constant 0 : i32
    %dma_start3A_143 = arith.constant 0 : i32
    %dma_start3A_144 = tpu.memref_slice %arg3[%add3A, %dma_start3A_141, %dma_start3A_142, %dma_start3A_143] : memref<32x78x2x128xi32, #tpu.memory_space<hbm>> -> memref<1x78x2x128xi32, #tpu.memory_space<hbm>>
    %dma_start3A_145 = tpu.memref_squeeze %dma_start3A_144 : memref<1x78x2x128xi32, #tpu.memory_space<hbm>> -> memref<78x2x128xi32, #tpu.memory_space<hbm>>
    %dma_start3A_146 = arith.constant 0 : i32
    %dma_start3A_147 = arith.constant 0 : i32
    %dma_start3A_148 = tpu.memref_slice %dma_start3A_145[%dma_start3A_140, %dma_start3A_146, %dma_start3A_147] : memref<78x2x128xi32, #tpu.memory_space<hbm>> -> memref<1x2x128xi32, #tpu.memory_space<hbm>>
    %dma_start3A_149 = tpu.memref_squeeze %dma_start3A_148 : memref<1x2x128xi32, #tpu.memory_space<hbm>> -> memref<2x128xi32, #tpu.memory_space<hbm>>
    %dma_start3A_150 = arith.constant 0 : i32
    %dma_start3A_151 = arith.constant 0 : i32
    %dma_start3A_152 = arith.constant 0 : i32
    %dma_start3A_153 = tpu.memref_slice %arg3[%add3A, %dma_start3A_150, %dma_start3A_151, %dma_start3A_152] : memref<32x78x2x128xi32, #tpu.memory_space<hbm>> -> memref<1x78x2x128xi32, #tpu.memory_space<hbm>>
    %dma_start3A_154 = tpu.memref_squeeze %dma_start3A_153 : memref<1x78x2x128xi32, #tpu.memory_space<hbm>> -> memref<78x2x128xi32, #tpu.memory_space<hbm>>
    %dma_start3A_155 = arith.constant 0 : i32
    %dma_start3A_156 = arith.constant 0 : i32
    %dma_start3A_157 = tpu.memref_slice %dma_start3A_154[%dma_start3A_140, %dma_start3A_155, %dma_start3A_156] : memref<78x2x128xi32, #tpu.memory_space<hbm>> -> memref<1x2x128xi32, #tpu.memory_space<hbm>>
    %dma_start3A_158 = tpu.memref_squeeze %dma_start3A_157 : memref<1x2x128xi32, #tpu.memory_space<hbm>> -> memref<2x128xi32, #tpu.memory_space<hbm>>
    tpu.enqueue_dma source(%dma_start3A_158 : memref<2x128xi32, #tpu.memory_space<hbm>>) target(%arg13 : memref<2x128xi32, #tpu.memory_space<vmem>>) target_semaphore(%arg19 : memref<!tpu.dma_semaphore, #tpu.memory_space<semaphore_mem>>)
    %scan3A_159 = arith.constant 0 : i32
    %scan3A_160 = arith.constant 0 : i32
    %scan3A_161 = arith.constant 18 : i32
    %scan3A_162 = arith.addi %scan3A_160, %scan3A_161 : i32
    %scan3A_163 = arith.constant 1 : i32
    scf.for %scan3A_432 = %scan3A_160 to %scan3A_162 step %scan3A_163  : i32 {
      %mul3A_433 = arith.constant 4 : i32
      %mul3A_434 = arith.muli %mul3A_433, %scan3A_432 : i32
      %add3A_435 = arith.constant 1 : i32
      %add3A_436 = arith.addi %mul3A_434, %add3A_435 : i32
      %add3A_437 = arith.constant 1 : i32
      %add3A_438 = arith.addi %add3A_436, %add3A_437 : i32
      %dma_wait3A_439 = arith.constant 0 : i32
      %dma_wait3A_440 = arith.constant 0 : i32
      %dma_wait3A_441 = arith.constant 0 : i32
      %dma_wait3A_442 = tpu.memref_slice %arg3[%add3A, %dma_wait3A_439, %dma_wait3A_440, %dma_wait3A_441] : memref<32x78x2x128xi32, #tpu.memory_space<hbm>> -> memref<1x78x2x128xi32, #tpu.memory_space<hbm>>
      %dma_wait3A_443 = tpu.memref_squeeze %dma_wait3A_442 : memref<1x78x2x128xi32, #tpu.memory_space<hbm>> -> memref<78x2x128xi32, #tpu.memory_space<hbm>>
      %dma_wait3A_444 = arith.constant 0 : i32
      %dma_wait3A_445 = arith.constant 0 : i32
      %dma_wait3A_446 = tpu.memref_slice %dma_wait3A_443[%add3A_438, %dma_wait3A_444, %dma_wait3A_445] : memref<78x2x128xi32, #tpu.memory_space<hbm>> -> memref<1x2x128xi32, #tpu.memory_space<hbm>>
      %dma_wait3A_447 = tpu.memref_squeeze %dma_wait3A_446 : memref<1x2x128xi32, #tpu.memory_space<hbm>> -> memref<2x128xi32, #tpu.memory_space<hbm>>
      %dma_wait3A_448 = arith.constant 0 : i32
      %dma_wait3A_449 = arith.constant 0 : i32
      %dma_wait3A_450 = arith.constant 0 : i32
      %dma_wait3A_451 = tpu.memref_slice %arg3[%add3A, %dma_wait3A_448, %dma_wait3A_449, %dma_wait3A_450] : memref<32x78x2x128xi32, #tpu.memory_space<hbm>> -> memref<1x78x2x128xi32, #tpu.memory_space<hbm>>
      %dma_wait3A_452 = tpu.memref_squeeze %dma_wait3A_451 : memref<1x78x2x128xi32, #tpu.memory_space<hbm>> -> memref<78x2x128xi32, #tpu.memory_space<hbm>>
      %dma_wait3A_453 = arith.constant 0 : i32
      %dma_wait3A_454 = arith.constant 0 : i32
      %dma_wait3A_455 = tpu.memref_slice %dma_wait3A_452[%add3A_438, %dma_wait3A_453, %dma_wait3A_454] : memref<78x2x128xi32, #tpu.memory_space<hbm>> -> memref<1x2x128xi32, #tpu.memory_space<hbm>>
      %dma_wait3A_456 = tpu.memref_squeeze %dma_wait3A_455 : memref<1x2x128xi32, #tpu.memory_space<hbm>> -> memref<2x128xi32, #tpu.memory_space<hbm>>
      tpu.wait_dma2 semaphore(%arg18 : memref<!tpu.dma_semaphore, #tpu.memory_space<semaphore_mem>>) src(%dma_wait3A_456 : memref<2x128xi32, #tpu.memory_space<hbm>>) dst(%arg12 : memref<2x128xi32, #tpu.memory_space<vmem>>)
      %sub3A = arith.constant 1 : i32
      %sub3A_457 = arith.subi %add3A_436, %sub3A : i32
      %dma_wait3A_458 = arith.constant 1 : i32
      %dma_wait3A_459 = arith.constant 0 : i32
      %dma_wait3A_460 = tpu.memref_slice %arg10[%dma_wait3A_458, %dma_wait3A_459] : memref<2x128xi32, #tpu.memory_space<vmem>> -> memref<1x128xi32, #tpu.memory_space<vmem>>
      %dma_wait3A_461 = tpu.memref_squeeze %dma_wait3A_460 : memref<1x128xi32, #tpu.memory_space<vmem>> -> memref<128xi32, #tpu.memory_space<vmem>>
      %dma_wait3A_462 = arith.constant 0 : i32
      %dma_wait3A_463 = arith.constant 0 : i32
      %dma_wait3A_464 = tpu.memref_slice %arg7[%dma_wait3A_462, %dma_wait3A_463] : memref<10240x128xf32, #tpu.memory_space<vmem_shared>> -> memref<10240x128xf32, #tpu.memory_space<vmem_shared>>
      tpu.wait_indirect_dma semaphore(%arg22 : memref<!tpu.dma_semaphore, #tpu.memory_space<semaphore_mem>>) src(%arg8 : memref<128x128xf32, #tpu.memory_space<vmem>>) dst(%dma_wait3A_464 : memref<10240x128xf32, #tpu.memory_space<vmem_shared>>)
      %add3A_465 = arith.constant 1 : i32
      %add3A_466 = arith.addi %add3A_436, %add3A_465 : i32
      %dma_start3A_467 = arith.constant 0 : i32
      %dma_start3A_468 = arith.constant 0 : i32
      %dma_start3A_469 = tpu.memref_slice %arg12[%dma_start3A_467, %dma_start3A_468] : memref<2x128xi32, #tpu.memory_space<vmem>> -> memref<1x128xi32, #tpu.memory_space<vmem>>
      %dma_start3A_470 = tpu.memref_squeeze %dma_start3A_469 : memref<1x128xi32, #tpu.memory_space<vmem>> -> memref<128xi32, #tpu.memory_space<vmem>>
      %dma_start3A_471 = arith.constant 0 : i32
      %dma_start3A_472 = arith.constant 0 : i32
      %dma_start3A_473 = tpu.memref_slice %arg2[%dma_start3A_471, %dma_start3A_472] : memref<10240x128xf32, #tpu.memory_space<hbm>> -> memref<10240x128xf32, #tpu.memory_space<hbm>>
      tpu.enqueue_indirect_dma source(%dma_start3A_473 : memref<10240x128xf32, #tpu.memory_space<hbm>>) target(%arg8 : memref<128x128xf32, #tpu.memory_space<vmem>>) offsets(%dma_start3A_470 : memref<128xi32, #tpu.memory_space<vmem>>) semaphore(%arg20 : memref<!tpu.dma_semaphore, #tpu.memory_space<semaphore_mem>>)
      %dma_wait3A_474 = arith.constant 0 : i32
      %dma_wait3A_475 = arith.constant 0 : i32
      %dma_wait3A_476 = tpu.memref_slice %arg11[%dma_wait3A_474, %dma_wait3A_475] : memref<2x128xi32, #tpu.memory_space<vmem>> -> memref<1x128xi32, #tpu.memory_space<vmem>>
      %dma_wait3A_477 = tpu.memref_squeeze %dma_wait3A_476 : memref<1x128xi32, #tpu.memory_space<vmem>> -> memref<128xi32, #tpu.memory_space<vmem>>
      %dma_wait3A_478 = arith.constant 0 : i32
      %dma_wait3A_479 = arith.constant 0 : i32
      %dma_wait3A_480 = tpu.memref_slice %arg2[%dma_wait3A_478, %dma_wait3A_479] : memref<10240x128xf32, #tpu.memory_space<hbm>> -> memref<10240x128xf32, #tpu.memory_space<hbm>>
      tpu.wait_indirect_dma semaphore(%arg21 : memref<!tpu.dma_semaphore, #tpu.memory_space<semaphore_mem>>) src(%dma_wait3A_480 : memref<10240x128xf32, #tpu.memory_space<hbm>>) dst(%arg9 : memref<128x128xf32, #tpu.memory_space<vmem>>)
      %dma_start3A_481 = arith.constant 1 : i32
      %dma_start3A_482 = arith.constant 0 : i32
      %dma_start3A_483 = tpu.memref_slice %arg11[%dma_start3A_481, %dma_start3A_482] : memref<2x128xi32, #tpu.memory_space<vmem>> -> memref<1x128xi32, #tpu.memory_space<vmem>>
      %dma_start3A_484 = tpu.memref_squeeze %dma_start3A_483 : memref<1x128xi32, #tpu.memory_space<vmem>> -> memref<128xi32, #tpu.memory_space<vmem>>
      %dma_start3A_485 = arith.constant 0 : i32
      %dma_start3A_486 = arith.constant 0 : i32
      %dma_start3A_487 = tpu.memref_slice %arg7[%dma_start3A_485, %dma_start3A_486] : memref<10240x128xf32, #tpu.memory_space<vmem_shared>> -> memref<10240x128xf32, #tpu.memory_space<vmem_shared>>
      tpu.enqueue_indirect_dma source(%arg9 : memref<128x128xf32, #tpu.memory_space<vmem>>) target(%dma_start3A_487 : memref<10240x128xf32, #tpu.memory_space<vmem_shared>>) offsets(%dma_start3A_484 : memref<128xi32, #tpu.memory_space<vmem>>) semaphore(%arg23 : memref<!tpu.dma_semaphore, #tpu.memory_space<semaphore_mem>>) {add = true}
      %add3A_488 = arith.constant 3 : i32
      %add3A_489 = arith.addi %add3A_436, %add3A_488 : i32
      %dma_start3A_490 = arith.constant 0 : i32
      %dma_start3A_491 = arith.constant 0 : i32
      %dma_start3A_492 = arith.constant 0 : i32
      %dma_start3A_493 = tpu.memref_slice %arg3[%add3A, %dma_start3A_490, %dma_start3A_491, %dma_start3A_492] : memref<32x78x2x128xi32, #tpu.memory_space<hbm>> -> memref<1x78x2x128xi32, #tpu.memory_space<hbm>>
      %dma_start3A_494 = tpu.memref_squeeze %dma_start3A_493 : memref<1x78x2x128xi32, #tpu.memory_space<hbm>> -> memref<78x2x128xi32, #tpu.memory_space<hbm>>
      %dma_start3A_495 = arith.constant 0 : i32
      %dma_start3A_496 = arith.constant 0 : i32
      %dma_start3A_497 = tpu.memref_slice %dma_start3A_494[%add3A_489, %dma_start3A_495, %dma_start3A_496] : memref<78x2x128xi32, #tpu.memory_space<hbm>> -> memref<1x2x128xi32, #tpu.memory_space<hbm>>
      %dma_start3A_498 = tpu.memref_squeeze %dma_start3A_497 : memref<1x2x128xi32, #tpu.memory_space<hbm>> -> memref<2x128xi32, #tpu.memory_space<hbm>>
      %dma_start3A_499 = arith.constant 0 : i32
      %dma_start3A_500 = arith.constant 0 : i32
      %dma_start3A_501 = arith.constant 0 : i32
      %dma_start3A_502 = tpu.memref_slice %arg3[%add3A, %dma_start3A_499, %dma_start3A_500, %dma_start3A_501] : memref<32x78x2x128xi32, #tpu.memory_space<hbm>> -> memref<1x78x2x128xi32, #tpu.memory_space<hbm>>
      %dma_start3A_503 = tpu.memref_squeeze %dma_start3A_502 : memref<1x78x2x128xi32, #tpu.memory_space<hbm>> -> memref<78x2x128xi32, #tpu.memory_space<hbm>>
      %dma_start3A_504 = arith.constant 0 : i32
      %dma_start3A_505 = arith.constant 0 : i32
      %dma_start3A_506 = tpu.memref_slice %dma_start3A_503[%add3A_489, %dma_start3A_504, %dma_start3A_505] : memref<78x2x128xi32, #tpu.memory_space<hbm>> -> memref<1x2x128xi32, #tpu.memory_space<hbm>>
      %dma_start3A_507 = tpu.memref_squeeze %dma_start3A_506 : memref<1x2x128xi32, #tpu.memory_space<hbm>> -> memref<2x128xi32, #tpu.memory_space<hbm>>
      tpu.enqueue_dma source(%dma_start3A_507 : memref<2x128xi32, #tpu.memory_space<hbm>>) target(%arg10 : memref<2x128xi32, #tpu.memory_space<vmem>>) target_semaphore(%arg16 : memref<!tpu.dma_semaphore, #tpu.memory_space<semaphore_mem>>)
      %add3A_508 = arith.constant 1 : i32
      %add3A_509 = arith.addi %add3A_436, %add3A_508 : i32
      %add3A_510 = arith.constant 1 : i32
      %add3A_511 = arith.addi %add3A_509, %add3A_510 : i32
      %dma_wait3A_512 = arith.constant 0 : i32
      %dma_wait3A_513 = arith.constant 0 : i32
      %dma_wait3A_514 = arith.constant 0 : i32
      %dma_wait3A_515 = tpu.memref_slice %arg3[%add3A, %dma_wait3A_512, %dma_wait3A_513, %dma_wait3A_514] : memref<32x78x2x128xi32, #tpu.memory_space<hbm>> -> memref<1x78x2x128xi32, #tpu.memory_space<hbm>>
      %dma_wait3A_516 = tpu.memref_squeeze %dma_wait3A_515 : memref<1x78x2x128xi32, #tpu.memory_space<hbm>> -> memref<78x2x128xi32, #tpu.memory_space<hbm>>
      %dma_wait3A_517 = arith.constant 0 : i32
      %dma_wait3A_518 = arith.constant 0 : i32
      %dma_wait3A_519 = tpu.memref_slice %dma_wait3A_516[%add3A_511, %dma_wait3A_517, %dma_wait3A_518] : memref<78x2x128xi32, #tpu.memory_space<hbm>> -> memref<1x2x128xi32, #tpu.memory_space<hbm>>
      %dma_wait3A_520 = tpu.memref_squeeze %dma_wait3A_519 : memref<1x2x128xi32, #tpu.memory_space<hbm>> -> memref<2x128xi32, #tpu.memory_space<hbm>>
      %dma_wait3A_521 = arith.constant 0 : i32
      %dma_wait3A_522 = arith.constant 0 : i32
      %dma_wait3A_523 = arith.constant 0 : i32
      %dma_wait3A_524 = tpu.memref_slice %arg3[%add3A, %dma_wait3A_521, %dma_wait3A_522, %dma_wait3A_523] : memref<32x78x2x128xi32, #tpu.memory_space<hbm>> -> memref<1x78x2x128xi32, #tpu.memory_space<hbm>>
      %dma_wait3A_525 = tpu.memref_squeeze %dma_wait3A_524 : memref<1x78x2x128xi32, #tpu.memory_space<hbm>> -> memref<78x2x128xi32, #tpu.memory_space<hbm>>
      %dma_wait3A_526 = arith.constant 0 : i32
      %dma_wait3A_527 = arith.constant 0 : i32
      %dma_wait3A_528 = tpu.memref_slice %dma_wait3A_525[%add3A_511, %dma_wait3A_526, %dma_wait3A_527] : memref<78x2x128xi32, #tpu.memory_space<hbm>> -> memref<1x2x128xi32, #tpu.memory_space<hbm>>
      %dma_wait3A_529 = tpu.memref_squeeze %dma_wait3A_528 : memref<1x2x128xi32, #tpu.memory_space<hbm>> -> memref<2x128xi32, #tpu.memory_space<hbm>>
      tpu.wait_dma2 semaphore(%arg19 : memref<!tpu.dma_semaphore, #tpu.memory_space<semaphore_mem>>) src(%dma_wait3A_529 : memref<2x128xi32, #tpu.memory_space<hbm>>) dst(%arg13 : memref<2x128xi32, #tpu.memory_space<vmem>>)
      %sub3A_530 = arith.constant 1 : i32
      %sub3A_531 = arith.subi %add3A_509, %sub3A_530 : i32
      %dma_wait3A_532 = arith.constant 1 : i32
      %dma_wait3A_533 = arith.constant 0 : i32
      %dma_wait3A_534 = tpu.memref_slice %arg11[%dma_wait3A_532, %dma_wait3A_533] : memref<2x128xi32, #tpu.memory_space<vmem>> -> memref<1x128xi32, #tpu.memory_space<vmem>>
      %dma_wait3A_535 = tpu.memref_squeeze %dma_wait3A_534 : memref<1x128xi32, #tpu.memory_space<vmem>> -> memref<128xi32, #tpu.memory_space<vmem>>
      %dma_wait3A_536 = arith.constant 0 : i32
      %dma_wait3A_537 = arith.constant 0 : i32
      %dma_wait3A_538 = tpu.memref_slice %arg7[%dma_wait3A_536, %dma_wait3A_537] : memref<10240x128xf32, #tpu.memory_space<vmem_shared>> -> memref<10240x128xf32, #tpu.memory_space<vmem_shared>>
      tpu.wait_indirect_dma semaphore(%arg23 : memref<!tpu.dma_semaphore, #tpu.memory_space<semaphore_mem>>) src(%arg9 : memref<128x128xf32, #tpu.memory_space<vmem>>) dst(%dma_wait3A_538 : memref<10240x128xf32, #tpu.memory_space<vmem_shared>>)
      %add3A_539 = arith.constant 1 : i32
      %add3A_540 = arith.addi %add3A_509, %add3A_539 : i32
      %dma_start3A_541 = arith.constant 0 : i32
      %dma_start3A_542 = arith.constant 0 : i32
      %dma_start3A_543 = tpu.memref_slice %arg13[%dma_start3A_541, %dma_start3A_542] : memref<2x128xi32, #tpu.memory_space<vmem>> -> memref<1x128xi32, #tpu.memory_space<vmem>>
      %dma_start3A_544 = tpu.memref_squeeze %dma_start3A_543 : memref<1x128xi32, #tpu.memory_space<vmem>> -> memref<128xi32, #tpu.memory_space<vmem>>
      %dma_start3A_545 = arith.constant 0 : i32
      %dma_start3A_546 = arith.constant 0 : i32
      %dma_start3A_547 = tpu.memref_slice %arg2[%dma_start3A_545, %dma_start3A_546] : memref<10240x128xf32, #tpu.memory_space<hbm>> -> memref<10240x128xf32, #tpu.memory_space<hbm>>
      tpu.enqueue_indirect_dma source(%dma_start3A_547 : memref<10240x128xf32, #tpu.memory_space<hbm>>) target(%arg9 : memref<128x128xf32, #tpu.memory_space<vmem>>) offsets(%dma_start3A_544 : memref<128xi32, #tpu.memory_space<vmem>>) semaphore(%arg21 : memref<!tpu.dma_semaphore, #tpu.memory_space<semaphore_mem>>)
      %dma_wait3A_548 = arith.constant 0 : i32
      %dma_wait3A_549 = arith.constant 0 : i32
      %dma_wait3A_550 = tpu.memref_slice %arg12[%dma_wait3A_548, %dma_wait3A_549] : memref<2x128xi32, #tpu.memory_space<vmem>> -> memref<1x128xi32, #tpu.memory_space<vmem>>
      %dma_wait3A_551 = tpu.memref_squeeze %dma_wait3A_550 : memref<1x128xi32, #tpu.memory_space<vmem>> -> memref<128xi32, #tpu.memory_space<vmem>>
      %dma_wait3A_552 = arith.constant 0 : i32
      %dma_wait3A_553 = arith.constant 0 : i32
      %dma_wait3A_554 = tpu.memref_slice %arg2[%dma_wait3A_552, %dma_wait3A_553] : memref<10240x128xf32, #tpu.memory_space<hbm>> -> memref<10240x128xf32, #tpu.memory_space<hbm>>
      tpu.wait_indirect_dma semaphore(%arg20 : memref<!tpu.dma_semaphore, #tpu.memory_space<semaphore_mem>>) src(%dma_wait3A_554 : memref<10240x128xf32, #tpu.memory_space<hbm>>) dst(%arg8 : memref<128x128xf32, #tpu.memory_space<vmem>>)
      %dma_start3A_555 = arith.constant 1 : i32
      %dma_start3A_556 = arith.constant 0 : i32
      %dma_start3A_557 = tpu.memref_slice %arg12[%dma_start3A_555, %dma_start3A_556] : memref<2x128xi32, #tpu.memory_space<vmem>> -> memref<1x128xi32, #tpu.memory_space<vmem>>
      %dma_start3A_558 = tpu.memref_squeeze %dma_start3A_557 : memref<1x128xi32, #tpu.memory_space<vmem>> -> memref<128xi32, #tpu.memory_space<vmem>>
      %dma_start3A_559 = arith.constant 0 : i32
      %dma_start3A_560 = arith.constant 0 : i32
      %dma_start3A_561 = tpu.memref_slice %arg7[%dma_start3A_559, %dma_start3A_560] : memref<10240x128xf32, #tpu.memory_space<vmem_shared>> -> memref<10240x128xf32, #tpu.memory_space<vmem_shared>>
      tpu.enqueue_indirect_dma source(%arg8 : memref<128x128xf32, #tpu.memory_space<vmem>>) target(%dma_start3A_561 : memref<10240x128xf32, #tpu.memory_space<vmem_shared>>) offsets(%dma_start3A_558 : memref<128xi32, #tpu.memory_space<vmem>>) semaphore(%arg22 : memref<!tpu.dma_semaphore, #tpu.memory_space<semaphore_mem>>) {add = true}
      %add3A_562 = arith.constant 3 : i32
      %add3A_563 = arith.addi %add3A_509, %add3A_562 : i32
      %dma_start3A_564 = arith.constant 0 : i32
      %dma_start3A_565 = arith.constant 0 : i32
      %dma_start3A_566 = arith.constant 0 : i32
      %dma_start3A_567 = tpu.memref_slice %arg3[%add3A, %dma_start3A_564, %dma_start3A_565, %dma_start3A_566] : memref<32x78x2x128xi32, #tpu.memory_space<hbm>> -> memref<1x78x2x128xi32, #tpu.memory_space<hbm>>
      %dma_start3A_568 = tpu.memref_squeeze %dma_start3A_567 : memref<1x78x2x128xi32, #tpu.memory_space<hbm>> -> memref<78x2x128xi32, #tpu.memory_space<hbm>>
      %dma_start3A_569 = arith.constant 0 : i32
      %dma_start3A_570 = arith.constant 0 : i32
      %dma_start3A_571 = tpu.memref_slice %dma_start3A_568[%add3A_563, %dma_start3A_569, %dma_start3A_570] : memref<78x2x128xi32, #tpu.memory_space<hbm>> -> memref<1x2x128xi32, #tpu.memory_space<hbm>>
      %dma_start3A_572 = tpu.memref_squeeze %dma_start3A_571 : memref<1x2x128xi32, #tpu.memory_space<hbm>> -> memref<2x128xi32, #tpu.memory_space<hbm>>
      %dma_start3A_573 = arith.constant 0 : i32
      %dma_start3A_574 = arith.constant 0 : i32
      %dma_start3A_575 = arith.constant 0 : i32
      %dma_start3A_576 = tpu.memref_slice %arg3[%add3A, %dma_start3A_573, %dma_start3A_574, %dma_start3A_575] : memref<32x78x2x128xi32, #tpu.memory_space<hbm>> -> memref<1x78x2x128xi32, #tpu.memory_space<hbm>>
      %dma_start3A_577 = tpu.memref_squeeze %dma_start3A_576 : memref<1x78x2x128xi32, #tpu.memory_space<hbm>> -> memref<78x2x128xi32, #tpu.memory_space<hbm>>
      %dma_start3A_578 = arith.constant 0 : i32
      %dma_start3A_579 = arith.constant 0 : i32
      %dma_start3A_580 = tpu.memref_slice %dma_start3A_577[%add3A_563, %dma_start3A_578, %dma_start3A_579] : memref<78x2x128xi32, #tpu.memory_space<hbm>> -> memref<1x2x128xi32, #tpu.memory_space<hbm>>
      %dma_start3A_581 = tpu.memref_squeeze %dma_start3A_580 : memref<1x2x128xi32, #tpu.memory_space<hbm>> -> memref<2x128xi32, #tpu.memory_space<hbm>>
      tpu.enqueue_dma source(%dma_start3A_581 : memref<2x128xi32, #tpu.memory_space<hbm>>) target(%arg11 : memref<2x128xi32, #tpu.memory_space<vmem>>) target_semaphore(%arg17 : memref<!tpu.dma_semaphore, #tpu.memory_space<semaphore_mem>>)
      %add3A_582 = arith.constant 2 : i32
      %add3A_583 = arith.addi %add3A_436, %add3A_582 : i32
      %add3A_584 = arith.constant 1 : i32
      %add3A_585 = arith.addi %add3A_583, %add3A_584 : i32
      %dma_wait3A_586 = arith.constant 0 : i32
      %dma_wait3A_587 = arith.constant 0 : i32
      %dma_wait3A_588 = arith.constant 0 : i32
      %dma_wait3A_589 = tpu.memref_slice %arg3[%add3A, %dma_wait3A_586, %dma_wait3A_587, %dma_wait3A_588] : memref<32x78x2x128xi32, #tpu.memory_space<hbm>> -> memref<1x78x2x128xi32, #tpu.memory_space<hbm>>
      %dma_wait3A_590 = tpu.memref_squeeze %dma_wait3A_589 : memref<1x78x2x128xi32, #tpu.memory_space<hbm>> -> memref<78x2x128xi32, #tpu.memory_space<hbm>>
      %dma_wait3A_591 = arith.constant 0 : i32
      %dma_wait3A_592 = arith.constant 0 : i32
      %dma_wait3A_593 = tpu.memref_slice %dma_wait3A_590[%add3A_585, %dma_wait3A_591, %dma_wait3A_592] : memref<78x2x128xi32, #tpu.memory_space<hbm>> -> memref<1x2x128xi32, #tpu.memory_space<hbm>>
      %dma_wait3A_594 = tpu.memref_squeeze %dma_wait3A_593 : memref<1x2x128xi32, #tpu.memory_space<hbm>> -> memref<2x128xi32, #tpu.memory_space<hbm>>
      %dma_wait3A_595 = arith.constant 0 : i32
      %dma_wait3A_596 = arith.constant 0 : i32
      %dma_wait3A_597 = arith.constant 0 : i32
      %dma_wait3A_598 = tpu.memref_slice %arg3[%add3A, %dma_wait3A_595, %dma_wait3A_596, %dma_wait3A_597] : memref<32x78x2x128xi32, #tpu.memory_space<hbm>> -> memref<1x78x2x128xi32, #tpu.memory_space<hbm>>
      %dma_wait3A_599 = tpu.memref_squeeze %dma_wait3A_598 : memref<1x78x2x128xi32, #tpu.memory_space<hbm>> -> memref<78x2x128xi32, #tpu.memory_space<hbm>>
      %dma_wait3A_600 = arith.constant 0 : i32
      %dma_wait3A_601 = arith.constant 0 : i32
      %dma_wait3A_602 = tpu.memref_slice %dma_wait3A_599[%add3A_585, %dma_wait3A_600, %dma_wait3A_601] : memref<78x2x128xi32, #tpu.memory_space<hbm>> -> memref<1x2x128xi32, #tpu.memory_space<hbm>>
      %dma_wait3A_603 = tpu.memref_squeeze %dma_wait3A_602 : memref<1x2x128xi32, #tpu.memory_space<hbm>> -> memref<2x128xi32, #tpu.memory_space<hbm>>
      tpu.wait_dma2 semaphore(%arg16 : memref<!tpu.dma_semaphore, #tpu.memory_space<semaphore_mem>>) src(%dma_wait3A_603 : memref<2x128xi32, #tpu.memory_space<hbm>>) dst(%arg10 : memref<2x128xi32, #tpu.memory_space<vmem>>)
      %sub3A_604 = arith.constant 1 : i32
      %sub3A_605 = arith.subi %add3A_583, %sub3A_604 : i32
      %dma_wait3A_606 = arith.constant 1 : i32
      %dma_wait3A_607 = arith.constant 0 : i32
      %dma_wait3A_608 = tpu.memref_slice %arg12[%dma_wait3A_606, %dma_wait3A_607] : memref<2x128xi32, #tpu.memory_space<vmem>> -> memref<1x128xi32, #tpu.memory_space<vmem>>
      %dma_wait3A_609 = tpu.memref_squeeze %dma_wait3A_608 : memref<1x128xi32, #tpu.memory_space<vmem>> -> memref<128xi32, #tpu.memory_space<vmem>>
      %dma_wait3A_610 = arith.constant 0 : i32
      %dma_wait3A_611 = arith.constant 0 : i32
      %dma_wait3A_612 = tpu.memref_slice %arg7[%dma_wait3A_610, %dma_wait3A_611] : memref<10240x128xf32, #tpu.memory_space<vmem_shared>> -> memref<10240x128xf32, #tpu.memory_space<vmem_shared>>
      tpu.wait_indirect_dma semaphore(%arg22 : memref<!tpu.dma_semaphore, #tpu.memory_space<semaphore_mem>>) src(%arg8 : memref<128x128xf32, #tpu.memory_space<vmem>>) dst(%dma_wait3A_612 : memref<10240x128xf32, #tpu.memory_space<vmem_shared>>)
      %add3A_613 = arith.constant 1 : i32
      %add3A_614 = arith.addi %add3A_583, %add3A_613 : i32
      %dma_start3A_615 = arith.constant 0 : i32
      %dma_start3A_616 = arith.constant 0 : i32
      %dma_start3A_617 = tpu.memref_slice %arg10[%dma_start3A_615, %dma_start3A_616] : memref<2x128xi32, #tpu.memory_space<vmem>> -> memref<1x128xi32, #tpu.memory_space<vmem>>
      %dma_start3A_618 = tpu.memref_squeeze %dma_start3A_617 : memref<1x128xi32, #tpu.memory_space<vmem>> -> memref<128xi32, #tpu.memory_space<vmem>>
      %dma_start3A_619 = arith.constant 0 : i32
      %dma_start3A_620 = arith.constant 0 : i32
      %dma_start3A_621 = tpu.memref_slice %arg2[%dma_start3A_619, %dma_start3A_620] : memref<10240x128xf32, #tpu.memory_space<hbm>> -> memref<10240x128xf32, #tpu.memory_space<hbm>>
      tpu.enqueue_indirect_dma source(%dma_start3A_621 : memref<10240x128xf32, #tpu.memory_space<hbm>>) target(%arg8 : memref<128x128xf32, #tpu.memory_space<vmem>>) offsets(%dma_start3A_618 : memref<128xi32, #tpu.memory_space<vmem>>) semaphore(%arg20 : memref<!tpu.dma_semaphore, #tpu.memory_space<semaphore_mem>>)
      %dma_wait3A_622 = arith.constant 0 : i32
      %dma_wait3A_623 = arith.constant 0 : i32
      %dma_wait3A_624 = tpu.memref_slice %arg13[%dma_wait3A_622, %dma_wait3A_623] : memref<2x128xi32, #tpu.memory_space<vmem>> -> memref<1x128xi32, #tpu.memory_space<vmem>>
      %dma_wait3A_625 = tpu.memref_squeeze %dma_wait3A_624 : memref<1x128xi32, #tpu.memory_space<vmem>> -> memref<128xi32, #tpu.memory_space<vmem>>
      %dma_wait3A_626 = arith.constant 0 : i32
      %dma_wait3A_627 = arith.constant 0 : i32
      %dma_wait3A_628 = tpu.memref_slice %arg2[%dma_wait3A_626, %dma_wait3A_627] : memref<10240x128xf32, #tpu.memory_space<hbm>> -> memref<10240x128xf32, #tpu.memory_space<hbm>>
      tpu.wait_indirect_dma semaphore(%arg21 : memref<!tpu.dma_semaphore, #tpu.memory_space<semaphore_mem>>) src(%dma_wait3A_628 : memref<10240x128xf32, #tpu.memory_space<hbm>>) dst(%arg9 : memref<128x128xf32, #tpu.memory_space<vmem>>)
      %dma_start3A_629 = arith.constant 1 : i32
      %dma_start3A_630 = arith.constant 0 : i32
      %dma_start3A_631 = tpu.memref_slice %arg13[%dma_start3A_629, %dma_start3A_630] : memref<2x128xi32, #tpu.memory_space<vmem>> -> memref<1x128xi32, #tpu.memory_space<vmem>>
      %dma_start3A_632 = tpu.memref_squeeze %dma_start3A_631 : memref<1x128xi32, #tpu.memory_space<vmem>> -> memref<128xi32, #tpu.memory_space<vmem>>
      %dma_start3A_633 = arith.constant 0 : i32
      %dma_start3A_634 = arith.constant 0 : i32
      %dma_start3A_635 = tpu.memref_slice %arg7[%dma_start3A_633, %dma_start3A_634] : memref<10240x128xf32, #tpu.memory_space<vmem_shared>> -> memref<10240x128xf32, #tpu.memory_space<vmem_shared>>
      tpu.enqueue_indirect_dma source(%arg9 : memref<128x128xf32, #tpu.memory_space<vmem>>) target(%dma_start3A_635 : memref<10240x128xf32, #tpu.memory_space<vmem_shared>>) offsets(%dma_start3A_632 : memref<128xi32, #tpu.memory_space<vmem>>) semaphore(%arg23 : memref<!tpu.dma_semaphore, #tpu.memory_space<semaphore_mem>>) {add = true}
      %add3A_636 = arith.constant 3 : i32
      %add3A_637 = arith.addi %add3A_583, %add3A_636 : i32
      %dma_start3A_638 = arith.constant 0 : i32
      %dma_start3A_639 = arith.constant 0 : i32
      %dma_start3A_640 = arith.constant 0 : i32
      %dma_start3A_641 = tpu.memref_slice %arg3[%add3A, %dma_start3A_638, %dma_start3A_639, %dma_start3A_640] : memref<32x78x2x128xi32, #tpu.memory_space<hbm>> -> memref<1x78x2x128xi32, #tpu.memory_space<hbm>>
      %dma_start3A_642 = tpu.memref_squeeze %dma_start3A_641 : memref<1x78x2x128xi32, #tpu.memory_space<hbm>> -> memref<78x2x128xi32, #tpu.memory_space<hbm>>
      %dma_start3A_643 = arith.constant 0 : i32
      %dma_start3A_644 = arith.constant 0 : i32
      %dma_start3A_645 = tpu.memref_slice %dma_start3A_642[%add3A_637, %dma_start3A_643, %dma_start3A_644] : memref<78x2x128xi32, #tpu.memory_space<hbm>> -> memref<1x2x128xi32, #tpu.memory_space<hbm>>
      %dma_start3A_646 = tpu.memref_squeeze %dma_start3A_645 : memref<1x2x128xi32, #tpu.memory_space<hbm>> -> memref<2x128xi32, #tpu.memory_space<hbm>>
      %dma_start3A_647 = arith.constant 0 : i32
      %dma_start3A_648 = arith.constant 0 : i32
      %dma_start3A_649 = arith.constant 0 : i32
      %dma_start3A_650 = tpu.memref_slice %arg3[%add3A, %dma_start3A_647, %dma_start3A_648, %dma_start3A_649] : memref<32x78x2x128xi32, #tpu.memory_space<hbm>> -> memref<1x78x2x128xi32, #tpu.memory_space<hbm>>
      %dma_start3A_651 = tpu.memref_squeeze %dma_start3A_650 : memref<1x78x2x128xi32, #tpu.memory_space<hbm>> -> memref<78x2x128xi32, #tpu.memory_space<hbm>>
      %dma_start3A_652 = arith.constant 0 : i32
      %dma_start3A_653 = arith.constant 0 : i32
      %dma_start3A_654 = tpu.memref_slice %dma_start3A_651[%add3A_637, %dma_start3A_652, %dma_start3A_653] : memref<78x2x128xi32, #tpu.memory_space<hbm>> -> memref<1x2x128xi32, #tpu.memory_space<hbm>>
      %dma_start3A_655 = tpu.memref_squeeze %dma_start3A_654 : memref<1x2x128xi32, #tpu.memory_space<hbm>> -> memref<2x128xi32, #tpu.memory_space<hbm>>
      tpu.enqueue_dma source(%dma_start3A_655 : memref<2x128xi32, #tpu.memory_space<hbm>>) target(%arg12 : memref<2x128xi32, #tpu.memory_space<vmem>>) target_semaphore(%arg18 : memref<!tpu.dma_semaphore, #tpu.memory_space<semaphore_mem>>)
      %add3A_656 = arith.constant 3 : i32
      %add3A_657 = arith.addi %add3A_436, %add3A_656 : i32
      %add3A_658 = arith.constant 1 : i32
      %add3A_659 = arith.addi %add3A_657, %add3A_658 : i32
      %dma_wait3A_660 = arith.constant 0 : i32
      %dma_wait3A_661 = arith.constant 0 : i32
      %dma_wait3A_662 = arith.constant 0 : i32
      %dma_wait3A_663 = tpu.memref_slice %arg3[%add3A, %dma_wait3A_660, %dma_wait3A_661, %dma_wait3A_662] : memref<32x78x2x128xi32, #tpu.memory_space<hbm>> -> memref<1x78x2x128xi32, #tpu.memory_space<hbm>>
      %dma_wait3A_664 = tpu.memref_squeeze %dma_wait3A_663 : memref<1x78x2x128xi32, #tpu.memory_space<hbm>> -> memref<78x2x128xi32, #tpu.memory_space<hbm>>
      %dma_wait3A_665 = arith.constant 0 : i32
      %dma_wait3A_666 = arith.constant 0 : i32
      %dma_wait3A_667 = tpu.memref_slice %dma_wait3A_664[%add3A_659, %dma_wait3A_665, %dma_wait3A_666] : memref<78x2x128xi32, #tpu.memory_space<hbm>> -> memref<1x2x128xi32, #tpu.memory_space<hbm>>
      %dma_wait3A_668 = tpu.memref_squeeze %dma_wait3A_667 : memref<1x2x128xi32, #tpu.memory_space<hbm>> -> memref<2x128xi32, #tpu.memory_space<hbm>>
      %dma_wait3A_669 = arith.constant 0 : i32
      %dma_wait3A_670 = arith.constant 0 : i32
      %dma_wait3A_671 = arith.constant 0 : i32
      %dma_wait3A_672 = tpu.memref_slice %arg3[%add3A, %dma_wait3A_669, %dma_wait3A_670, %dma_wait3A_671] : memref<32x78x2x128xi32, #tpu.memory_space<hbm>> -> memref<1x78x2x128xi32, #tpu.memory_space<hbm>>
      %dma_wait3A_673 = tpu.memref_squeeze %dma_wait3A_672 : memref<1x78x2x128xi32, #tpu.memory_space<hbm>> -> memref<78x2x128xi32, #tpu.memory_space<hbm>>
      %dma_wait3A_674 = arith.constant 0 : i32
      %dma_wait3A_675 = arith.constant 0 : i32
      %dma_wait3A_676 = tpu.memref_slice %dma_wait3A_673[%add3A_659, %dma_wait3A_674, %dma_wait3A_675] : memref<78x2x128xi32, #tpu.memory_space<hbm>> -> memref<1x2x128xi32, #tpu.memory_space<hbm>>
      %dma_wait3A_677 = tpu.memref_squeeze %dma_wait3A_676 : memref<1x2x128xi32, #tpu.memory_space<hbm>> -> memref<2x128xi32, #tpu.memory_space<hbm>>
      tpu.wait_dma2 semaphore(%arg17 : memref<!tpu.dma_semaphore, #tpu.memory_space<semaphore_mem>>) src(%dma_wait3A_677 : memref<2x128xi32, #tpu.memory_space<hbm>>) dst(%arg11 : memref<2x128xi32, #tpu.memory_space<vmem>>)
      %sub3A_678 = arith.constant 1 : i32
      %sub3A_679 = arith.subi %add3A_657, %sub3A_678 : i32
      %dma_wait3A_680 = arith.constant 1 : i32
      %dma_wait3A_681 = arith.constant 0 : i32
      %dma_wait3A_682 = tpu.memref_slice %arg13[%dma_wait3A_680, %dma_wait3A_681] : memref<2x128xi32, #tpu.memory_space<vmem>> -> memref<1x128xi32, #tpu.memory_space<vmem>>
      %dma_wait3A_683 = tpu.memref_squeeze %dma_wait3A_682 : memref<1x128xi32, #tpu.memory_space<vmem>> -> memref<128xi32, #tpu.memory_space<vmem>>
      %dma_wait3A_684 = arith.constant 0 : i32
      %dma_wait3A_685 = arith.constant 0 : i32
      %dma_wait3A_686 = tpu.memref_slice %arg7[%dma_wait3A_684, %dma_wait3A_685] : memref<10240x128xf32, #tpu.memory_space<vmem_shared>> -> memref<10240x128xf32, #tpu.memory_space<vmem_shared>>
      tpu.wait_indirect_dma semaphore(%arg23 : memref<!tpu.dma_semaphore, #tpu.memory_space<semaphore_mem>>) src(%arg9 : memref<128x128xf32, #tpu.memory_space<vmem>>) dst(%dma_wait3A_686 : memref<10240x128xf32, #tpu.memory_space<vmem_shared>>)
      %add3A_687 = arith.constant 1 : i32
      %add3A_688 = arith.addi %add3A_657, %add3A_687 : i32
      %dma_start3A_689 = arith.constant 0 : i32
      %dma_start3A_690 = arith.constant 0 : i32
      %dma_start3A_691 = tpu.memref_slice %arg11[%dma_start3A_689, %dma_start3A_690] : memref<2x128xi32, #tpu.memory_space<vmem>> -> memref<1x128xi32, #tpu.memory_space<vmem>>
      %dma_start3A_692 = tpu.memref_squeeze %dma_start3A_691 : memref<1x128xi32, #tpu.memory_space<vmem>> -> memref<128xi32, #tpu.memory_space<vmem>>
      %dma_start3A_693 = arith.constant 0 : i32
      %dma_start3A_694 = arith.constant 0 : i32
      %dma_start3A_695 = tpu.memref_slice %arg2[%dma_start3A_693, %dma_start3A_694] : memref<10240x128xf32, #tpu.memory_space<hbm>> -> memref<10240x128xf32, #tpu.memory_space<hbm>>
      tpu.enqueue_indirect_dma source(%dma_start3A_695 : memref<10240x128xf32, #tpu.memory_space<hbm>>) target(%arg9 : memref<128x128xf32, #tpu.memory_space<vmem>>) offsets(%dma_start3A_692 : memref<128xi32, #tpu.memory_space<vmem>>) semaphore(%arg21 : memref<!tpu.dma_semaphore, #tpu.memory_space<semaphore_mem>>)
      %dma_wait3A_696 = arith.constant 0 : i32
      %dma_wait3A_697 = arith.constant 0 : i32
      %dma_wait3A_698 = tpu.memref_slice %arg10[%dma_wait3A_696, %dma_wait3A_697] : memref<2x128xi32, #tpu.memory_space<vmem>> -> memref<1x128xi32, #tpu.memory_space<vmem>>
      %dma_wait3A_699 = tpu.memref_squeeze %dma_wait3A_698 : memref<1x128xi32, #tpu.memory_space<vmem>> -> memref<128xi32, #tpu.memory_space<vmem>>
      %dma_wait3A_700 = arith.constant 0 : i32
      %dma_wait3A_701 = arith.constant 0 : i32
      %dma_wait3A_702 = tpu.memref_slice %arg2[%dma_wait3A_700, %dma_wait3A_701] : memref<10240x128xf32, #tpu.memory_space<hbm>> -> memref<10240x128xf32, #tpu.memory_space<hbm>>
      tpu.wait_indirect_dma semaphore(%arg20 : memref<!tpu.dma_semaphore, #tpu.memory_space<semaphore_mem>>) src(%dma_wait3A_702 : memref<10240x128xf32, #tpu.memory_space<hbm>>) dst(%arg8 : memref<128x128xf32, #tpu.memory_space<vmem>>)
      %dma_start3A_703 = arith.constant 1 : i32
      %dma_start3A_704 = arith.constant 0 : i32
      %dma_start3A_705 = tpu.memref_slice %arg10[%dma_start3A_703, %dma_start3A_704] : memref<2x128xi32, #tpu.memory_space<vmem>> -> memref<1x128xi32, #tpu.memory_space<vmem>>
      %dma_start3A_706 = tpu.memref_squeeze %dma_start3A_705 : memref<1x128xi32, #tpu.memory_space<vmem>> -> memref<128xi32, #tpu.memory_space<vmem>>
      %dma_start3A_707 = arith.constant 0 : i32
      %dma_start3A_708 = arith.constant 0 : i32
      %dma_start3A_709 = tpu.memref_slice %arg7[%dma_start3A_707, %dma_start3A_708] : memref<10240x128xf32, #tpu.memory_space<vmem_shared>> -> memref<10240x128xf32, #tpu.memory_space<vmem_shared>>
      tpu.enqueue_indirect_dma source(%arg8 : memref<128x128xf32, #tpu.memory_space<vmem>>) target(%dma_start3A_709 : memref<10240x128xf32, #tpu.memory_space<vmem_shared>>) offsets(%dma_start3A_706 : memref<128xi32, #tpu.memory_space<vmem>>) semaphore(%arg22 : memref<!tpu.dma_semaphore, #tpu.memory_space<semaphore_mem>>) {add = true}
      %add3A_710 = arith.constant 3 : i32
      %add3A_711 = arith.addi %add3A_657, %add3A_710 : i32
      %dma_start3A_712 = arith.constant 0 : i32
      %dma_start3A_713 = arith.constant 0 : i32
      %dma_start3A_714 = arith.constant 0 : i32
      %dma_start3A_715 = tpu.memref_slice %arg3[%add3A, %dma_start3A_712, %dma_start3A_713, %dma_start3A_714] : memref<32x78x2x128xi32, #tpu.memory_space<hbm>> -> memref<1x78x2x128xi32, #tpu.memory_space<hbm>>
      %dma_start3A_716 = tpu.memref_squeeze %dma_start3A_715 : memref<1x78x2x128xi32, #tpu.memory_space<hbm>> -> memref<78x2x128xi32, #tpu.memory_space<hbm>>
      %dma_start3A_717 = arith.constant 0 : i32
      %dma_start3A_718 = arith.constant 0 : i32
      %dma_start3A_719 = tpu.memref_slice %dma_start3A_716[%add3A_711, %dma_start3A_717, %dma_start3A_718] : memref<78x2x128xi32, #tpu.memory_space<hbm>> -> memref<1x2x128xi32, #tpu.memory_space<hbm>>
      %dma_start3A_720 = tpu.memref_squeeze %dma_start3A_719 : memref<1x2x128xi32, #tpu.memory_space<hbm>> -> memref<2x128xi32, #tpu.memory_space<hbm>>
      %dma_start3A_721 = arith.constant 0 : i32
      %dma_start3A_722 = arith.constant 0 : i32
      %dma_start3A_723 = arith.constant 0 : i32
      %dma_start3A_724 = tpu.memref_slice %arg3[%add3A, %dma_start3A_721, %dma_start3A_722, %dma_start3A_723] : memref<32x78x2x128xi32, #tpu.memory_space<hbm>> -> memref<1x78x2x128xi32, #tpu.memory_space<hbm>>
      %dma_start3A_725 = tpu.memref_squeeze %dma_start3A_724 : memref<1x78x2x128xi32, #tpu.memory_space<hbm>> -> memref<78x2x128xi32, #tpu.memory_space<hbm>>
      %dma_start3A_726 = arith.constant 0 : i32
      %dma_start3A_727 = arith.constant 0 : i32
      %dma_start3A_728 = tpu.memref_slice %dma_start3A_725[%add3A_711, %dma_start3A_726, %dma_start3A_727] : memref<78x2x128xi32, #tpu.memory_space<hbm>> -> memref<1x2x128xi32, #tpu.memory_space<hbm>>
      %dma_start3A_729 = tpu.memref_squeeze %dma_start3A_728 : memref<1x2x128xi32, #tpu.memory_space<hbm>> -> memref<2x128xi32, #tpu.memory_space<hbm>>
      tpu.enqueue_dma source(%dma_start3A_729 : memref<2x128xi32, #tpu.memory_space<hbm>>) target(%arg13 : memref<2x128xi32, #tpu.memory_space<vmem>>) target_semaphore(%arg19 : memref<!tpu.dma_semaphore, #tpu.memory_space<semaphore_mem>>)
    }
    %scan3A_164 = arith.constant 18 : i32
    %dma_wait3A_165 = arith.constant 74 : i32
    %dma_wait3A_166 = arith.constant 0 : i32
    %dma_wait3A_167 = arith.constant 0 : i32
    %dma_wait3A_168 = arith.constant 0 : i32
    %dma_wait3A_169 = tpu.memref_slice %arg3[%add3A, %dma_wait3A_166, %dma_wait3A_167, %dma_wait3A_168] : memref<32x78x2x128xi32, #tpu.memory_space<hbm>> -> memref<1x78x2x128xi32, #tpu.memory_space<hbm>>
    %dma_wait3A_170 = tpu.memref_squeeze %dma_wait3A_169 : memref<1x78x2x128xi32, #tpu.memory_space<hbm>> -> memref<78x2x128xi32, #tpu.memory_space<hbm>>
    %dma_wait3A_171 = arith.constant 0 : i32
    %dma_wait3A_172 = arith.constant 0 : i32
    %dma_wait3A_173 = tpu.memref_slice %dma_wait3A_170[%dma_wait3A_165, %dma_wait3A_171, %dma_wait3A_172] : memref<78x2x128xi32, #tpu.memory_space<hbm>> -> memref<1x2x128xi32, #tpu.memory_space<hbm>>
    %dma_wait3A_174 = tpu.memref_squeeze %dma_wait3A_173 : memref<1x2x128xi32, #tpu.memory_space<hbm>> -> memref<2x128xi32, #tpu.memory_space<hbm>>
    %dma_wait3A_175 = arith.constant 0 : i32
    %dma_wait3A_176 = arith.constant 0 : i32
    %dma_wait3A_177 = arith.constant 0 : i32
    %dma_wait3A_178 = tpu.memref_slice %arg3[%add3A, %dma_wait3A_175, %dma_wait3A_176, %dma_wait3A_177] : memref<32x78x2x128xi32, #tpu.memory_space<hbm>> -> memref<1x78x2x128xi32, #tpu.memory_space<hbm>>
    %dma_wait3A_179 = tpu.memref_squeeze %dma_wait3A_178 : memref<1x78x2x128xi32, #tpu.memory_space<hbm>> -> memref<78x2x128xi32, #tpu.memory_space<hbm>>
    %dma_wait3A_180 = arith.constant 0 : i32
    %dma_wait3A_181 = arith.constant 0 : i32
    %dma_wait3A_182 = tpu.memref_slice %dma_wait3A_179[%dma_wait3A_165, %dma_wait3A_180, %dma_wait3A_181] : memref<78x2x128xi32, #tpu.memory_space<hbm>> -> memref<1x2x128xi32, #tpu.memory_space<hbm>>
    %dma_wait3A_183 = tpu.memref_squeeze %dma_wait3A_182 : memref<1x2x128xi32, #tpu.memory_space<hbm>> -> memref<2x128xi32, #tpu.memory_space<hbm>>
    tpu.wait_dma2 semaphore(%arg18 : memref<!tpu.dma_semaphore, #tpu.memory_space<semaphore_mem>>) src(%dma_wait3A_183 : memref<2x128xi32, #tpu.memory_space<hbm>>) dst(%arg12 : memref<2x128xi32, #tpu.memory_space<vmem>>)
    %dma_wait3A_184 = arith.constant 1 : i32
    %dma_wait3A_185 = arith.constant 0 : i32
    %dma_wait3A_186 = tpu.memref_slice %arg10[%dma_wait3A_184, %dma_wait3A_185] : memref<2x128xi32, #tpu.memory_space<vmem>> -> memref<1x128xi32, #tpu.memory_space<vmem>>
    %dma_wait3A_187 = tpu.memref_squeeze %dma_wait3A_186 : memref<1x128xi32, #tpu.memory_space<vmem>> -> memref<128xi32, #tpu.memory_space<vmem>>
    %dma_wait3A_188 = arith.constant 0 : i32
    %dma_wait3A_189 = arith.constant 0 : i32
    %dma_wait3A_190 = tpu.memref_slice %arg7[%dma_wait3A_188, %dma_wait3A_189] : memref<10240x128xf32, #tpu.memory_space<vmem_shared>> -> memref<10240x128xf32, #tpu.memory_space<vmem_shared>>
    tpu.wait_indirect_dma semaphore(%arg22 : memref<!tpu.dma_semaphore, #tpu.memory_space<semaphore_mem>>) src(%arg8 : memref<128x128xf32, #tpu.memory_space<vmem>>) dst(%dma_wait3A_190 : memref<10240x128xf32, #tpu.memory_space<vmem_shared>>)
    %dma_start3A_191 = arith.constant 0 : i32
    %dma_start3A_192 = arith.constant 0 : i32
    %dma_start3A_193 = tpu.memref_slice %arg12[%dma_start3A_191, %dma_start3A_192] : memref<2x128xi32, #tpu.memory_space<vmem>> -> memref<1x128xi32, #tpu.memory_space<vmem>>
    %dma_start3A_194 = tpu.memref_squeeze %dma_start3A_193 : memref<1x128xi32, #tpu.memory_space<vmem>> -> memref<128xi32, #tpu.memory_space<vmem>>
    %dma_start3A_195 = arith.constant 0 : i32
    %dma_start3A_196 = arith.constant 0 : i32
    %dma_start3A_197 = tpu.memref_slice %arg2[%dma_start3A_195, %dma_start3A_196] : memref<10240x128xf32, #tpu.memory_space<hbm>> -> memref<10240x128xf32, #tpu.memory_space<hbm>>
    tpu.enqueue_indirect_dma source(%dma_start3A_197 : memref<10240x128xf32, #tpu.memory_space<hbm>>) target(%arg8 : memref<128x128xf32, #tpu.memory_space<vmem>>) offsets(%dma_start3A_194 : memref<128xi32, #tpu.memory_space<vmem>>) semaphore(%arg20 : memref<!tpu.dma_semaphore, #tpu.memory_space<semaphore_mem>>)
    %dma_wait3A_198 = arith.constant 0 : i32
    %dma_wait3A_199 = arith.constant 0 : i32
    %dma_wait3A_200 = tpu.memref_slice %arg11[%dma_wait3A_198, %dma_wait3A_199] : memref<2x128xi32, #tpu.memory_space<vmem>> -> memref<1x128xi32, #tpu.memory_space<vmem>>
    %dma_wait3A_201 = tpu.memref_squeeze %dma_wait3A_200 : memref<1x128xi32, #tpu.memory_space<vmem>> -> memref<128xi32, #tpu.memory_space<vmem>>
    %dma_wait3A_202 = arith.constant 0 : i32
    %dma_wait3A_203 = arith.constant 0 : i32
    %dma_wait3A_204 = tpu.memref_slice %arg2[%dma_wait3A_202, %dma_wait3A_203] : memref<10240x128xf32, #tpu.memory_space<hbm>> -> memref<10240x128xf32, #tpu.memory_space<hbm>>
    tpu.wait_indirect_dma semaphore(%arg21 : memref<!tpu.dma_semaphore, #tpu.memory_space<semaphore_mem>>) src(%dma_wait3A_204 : memref<10240x128xf32, #tpu.memory_space<hbm>>) dst(%arg9 : memref<128x128xf32, #tpu.memory_space<vmem>>)
    %dma_start3A_205 = arith.constant 1 : i32
    %dma_start3A_206 = arith.constant 0 : i32
    %dma_start3A_207 = tpu.memref_slice %arg11[%dma_start3A_205, %dma_start3A_206] : memref<2x128xi32, #tpu.memory_space<vmem>> -> memref<1x128xi32, #tpu.memory_space<vmem>>
    %dma_start3A_208 = tpu.memref_squeeze %dma_start3A_207 : memref<1x128xi32, #tpu.memory_space<vmem>> -> memref<128xi32, #tpu.memory_space<vmem>>
    %dma_start3A_209 = arith.constant 0 : i32
    %dma_start3A_210 = arith.constant 0 : i32
    %dma_start3A_211 = tpu.memref_slice %arg7[%dma_start3A_209, %dma_start3A_210] : memref<10240x128xf32, #tpu.memory_space<vmem_shared>> -> memref<10240x128xf32, #tpu.memory_space<vmem_shared>>
    tpu.enqueue_indirect_dma source(%arg9 : memref<128x128xf32, #tpu.memory_space<vmem>>) target(%dma_start3A_211 : memref<10240x128xf32, #tpu.memory_space<vmem_shared>>) offsets(%dma_start3A_208 : memref<128xi32, #tpu.memory_space<vmem>>) semaphore(%arg23 : memref<!tpu.dma_semaphore, #tpu.memory_space<semaphore_mem>>) {add = true}
    %dma_start3A_212 = arith.constant 76 : i32
    %dma_start3A_213 = arith.constant 0 : i32
    %dma_start3A_214 = arith.constant 0 : i32
    %dma_start3A_215 = arith.constant 0 : i32
    %dma_start3A_216 = tpu.memref_slice %arg3[%add3A, %dma_start3A_213, %dma_start3A_214, %dma_start3A_215] : memref<32x78x2x128xi32, #tpu.memory_space<hbm>> -> memref<1x78x2x128xi32, #tpu.memory_space<hbm>>
    %dma_start3A_217 = tpu.memref_squeeze %dma_start3A_216 : memref<1x78x2x128xi32, #tpu.memory_space<hbm>> -> memref<78x2x128xi32, #tpu.memory_space<hbm>>
    %dma_start3A_218 = arith.constant 0 : i32
    %dma_start3A_219 = arith.constant 0 : i32
    %dma_start3A_220 = tpu.memref_slice %dma_start3A_217[%dma_start3A_212, %dma_start3A_218, %dma_start3A_219] : memref<78x2x128xi32, #tpu.memory_space<hbm>> -> memref<1x2x128xi32, #tpu.memory_space<hbm>>
    %dma_start3A_221 = tpu.memref_squeeze %dma_start3A_220 : memref<1x2x128xi32, #tpu.memory_space<hbm>> -> memref<2x128xi32, #tpu.memory_space<hbm>>
    %dma_start3A_222 = arith.constant 0 : i32
    %dma_start3A_223 = arith.constant 0 : i32
    %dma_start3A_224 = arith.constant 0 : i32
    %dma_start3A_225 = tpu.memref_slice %arg3[%add3A, %dma_start3A_222, %dma_start3A_223, %dma_start3A_224] : memref<32x78x2x128xi32, #tpu.memory_space<hbm>> -> memref<1x78x2x128xi32, #tpu.memory_space<hbm>>
    %dma_start3A_226 = tpu.memref_squeeze %dma_start3A_225 : memref<1x78x2x128xi32, #tpu.memory_space<hbm>> -> memref<78x2x128xi32, #tpu.memory_space<hbm>>
    %dma_start3A_227 = arith.constant 0 : i32
    %dma_start3A_228 = arith.constant 0 : i32
    %dma_start3A_229 = tpu.memref_slice %dma_start3A_226[%dma_start3A_212, %dma_start3A_227, %dma_start3A_228] : memref<78x2x128xi32, #tpu.memory_space<hbm>> -> memref<1x2x128xi32, #tpu.memory_space<hbm>>
    %dma_start3A_230 = tpu.memref_squeeze %dma_start3A_229 : memref<1x2x128xi32, #tpu.memory_space<hbm>> -> memref<2x128xi32, #tpu.memory_space<hbm>>
    tpu.enqueue_dma source(%dma_start3A_230 : memref<2x128xi32, #tpu.memory_space<hbm>>) target(%arg10 : memref<2x128xi32, #tpu.memory_space<vmem>>) target_semaphore(%arg16 : memref<!tpu.dma_semaphore, #tpu.memory_space<semaphore_mem>>)
    %dma_wait3A_231 = arith.constant 75 : i32
    %dma_wait3A_232 = arith.constant 0 : i32
    %dma_wait3A_233 = arith.constant 0 : i32
    %dma_wait3A_234 = arith.constant 0 : i32
    %dma_wait3A_235 = tpu.memref_slice %arg3[%add3A, %dma_wait3A_232, %dma_wait3A_233, %dma_wait3A_234] : memref<32x78x2x128xi32, #tpu.memory_space<hbm>> -> memref<1x78x2x128xi32, #tpu.memory_space<hbm>>
    %dma_wait3A_236 = tpu.memref_squeeze %dma_wait3A_235 : memref<1x78x2x128xi32, #tpu.memory_space<hbm>> -> memref<78x2x128xi32, #tpu.memory_space<hbm>>
    %dma_wait3A_237 = arith.constant 0 : i32
    %dma_wait3A_238 = arith.constant 0 : i32
    %dma_wait3A_239 = tpu.memref_slice %dma_wait3A_236[%dma_wait3A_231, %dma_wait3A_237, %dma_wait3A_238] : memref<78x2x128xi32, #tpu.memory_space<hbm>> -> memref<1x2x128xi32, #tpu.memory_space<hbm>>
    %dma_wait3A_240 = tpu.memref_squeeze %dma_wait3A_239 : memref<1x2x128xi32, #tpu.memory_space<hbm>> -> memref<2x128xi32, #tpu.memory_space<hbm>>
    %dma_wait3A_241 = arith.constant 0 : i32
    %dma_wait3A_242 = arith.constant 0 : i32
    %dma_wait3A_243 = arith.constant 0 : i32
    %dma_wait3A_244 = tpu.memref_slice %arg3[%add3A, %dma_wait3A_241, %dma_wait3A_242, %dma_wait3A_243] : memref<32x78x2x128xi32, #tpu.memory_space<hbm>> -> memref<1x78x2x128xi32, #tpu.memory_space<hbm>>
    %dma_wait3A_245 = tpu.memref_squeeze %dma_wait3A_244 : memref<1x78x2x128xi32, #tpu.memory_space<hbm>> -> memref<78x2x128xi32, #tpu.memory_space<hbm>>
    %dma_wait3A_246 = arith.constant 0 : i32
    %dma_wait3A_247 = arith.constant 0 : i32
    %dma_wait3A_248 = tpu.memref_slice %dma_wait3A_245[%dma_wait3A_231, %dma_wait3A_246, %dma_wait3A_247] : memref<78x2x128xi32, #tpu.memory_space<hbm>> -> memref<1x2x128xi32, #tpu.memory_space<hbm>>
    %dma_wait3A_249 = tpu.memref_squeeze %dma_wait3A_248 : memref<1x2x128xi32, #tpu.memory_space<hbm>> -> memref<2x128xi32, #tpu.memory_space<hbm>>
    tpu.wait_dma2 semaphore(%arg19 : memref<!tpu.dma_semaphore, #tpu.memory_space<semaphore_mem>>) src(%dma_wait3A_249 : memref<2x128xi32, #tpu.memory_space<hbm>>) dst(%arg13 : memref<2x128xi32, #tpu.memory_space<vmem>>)
    %dma_wait3A_250 = arith.constant 1 : i32
    %dma_wait3A_251 = arith.constant 0 : i32
    %dma_wait3A_252 = tpu.memref_slice %arg11[%dma_wait3A_250, %dma_wait3A_251] : memref<2x128xi32, #tpu.memory_space<vmem>> -> memref<1x128xi32, #tpu.memory_space<vmem>>
    %dma_wait3A_253 = tpu.memref_squeeze %dma_wait3A_252 : memref<1x128xi32, #tpu.memory_space<vmem>> -> memref<128xi32, #tpu.memory_space<vmem>>
    %dma_wait3A_254 = arith.constant 0 : i32
    %dma_wait3A_255 = arith.constant 0 : i32
    %dma_wait3A_256 = tpu.memref_slice %arg7[%dma_wait3A_254, %dma_wait3A_255] : memref<10240x128xf32, #tpu.memory_space<vmem_shared>> -> memref<10240x128xf32, #tpu.memory_space<vmem_shared>>
    tpu.wait_indirect_dma semaphore(%arg23 : memref<!tpu.dma_semaphore, #tpu.memory_space<semaphore_mem>>) src(%arg9 : memref<128x128xf32, #tpu.memory_space<vmem>>) dst(%dma_wait3A_256 : memref<10240x128xf32, #tpu.memory_space<vmem_shared>>)
    %dma_start3A_257 = arith.constant 0 : i32
    %dma_start3A_258 = arith.constant 0 : i32
    %dma_start3A_259 = tpu.memref_slice %arg13[%dma_start3A_257, %dma_start3A_258] : memref<2x128xi32, #tpu.memory_space<vmem>> -> memref<1x128xi32, #tpu.memory_space<vmem>>
    %dma_start3A_260 = tpu.memref_squeeze %dma_start3A_259 : memref<1x128xi32, #tpu.memory_space<vmem>> -> memref<128xi32, #tpu.memory_space<vmem>>
    %dma_start3A_261 = arith.constant 0 : i32
    %dma_start3A_262 = arith.constant 0 : i32
    %dma_start3A_263 = tpu.memref_slice %arg2[%dma_start3A_261, %dma_start3A_262] : memref<10240x128xf32, #tpu.memory_space<hbm>> -> memref<10240x128xf32, #tpu.memory_space<hbm>>
    tpu.enqueue_indirect_dma source(%dma_start3A_263 : memref<10240x128xf32, #tpu.memory_space<hbm>>) target(%arg9 : memref<128x128xf32, #tpu.memory_space<vmem>>) offsets(%dma_start3A_260 : memref<128xi32, #tpu.memory_space<vmem>>) semaphore(%arg21 : memref<!tpu.dma_semaphore, #tpu.memory_space<semaphore_mem>>)
    %dma_wait3A_264 = arith.constant 0 : i32
    %dma_wait3A_265 = arith.constant 0 : i32
    %dma_wait3A_266 = tpu.memref_slice %arg12[%dma_wait3A_264, %dma_wait3A_265] : memref<2x128xi32, #tpu.memory_space<vmem>> -> memref<1x128xi32, #tpu.memory_space<vmem>>
    %dma_wait3A_267 = tpu.memref_squeeze %dma_wait3A_266 : memref<1x128xi32, #tpu.memory_space<vmem>> -> memref<128xi32, #tpu.memory_space<vmem>>
    %dma_wait3A_268 = arith.constant 0 : i32
    %dma_wait3A_269 = arith.constant 0 : i32
    %dma_wait3A_270 = tpu.memref_slice %arg2[%dma_wait3A_268, %dma_wait3A_269] : memref<10240x128xf32, #tpu.memory_space<hbm>> -> memref<10240x128xf32, #tpu.memory_space<hbm>>
    tpu.wait_indirect_dma semaphore(%arg20 : memref<!tpu.dma_semaphore, #tpu.memory_space<semaphore_mem>>) src(%dma_wait3A_270 : memref<10240x128xf32, #tpu.memory_space<hbm>>) dst(%arg8 : memref<128x128xf32, #tpu.memory_space<vmem>>)
    %dma_start3A_271 = arith.constant 1 : i32
    %dma_start3A_272 = arith.constant 0 : i32
    %dma_start3A_273 = tpu.memref_slice %arg12[%dma_start3A_271, %dma_start3A_272] : memref<2x128xi32, #tpu.memory_space<vmem>> -> memref<1x128xi32, #tpu.memory_space<vmem>>
    %dma_start3A_274 = tpu.memref_squeeze %dma_start3A_273 : memref<1x128xi32, #tpu.memory_space<vmem>> -> memref<128xi32, #tpu.memory_space<vmem>>
    %dma_start3A_275 = arith.constant 0 : i32
    %dma_start3A_276 = arith.constant 0 : i32
    %dma_start3A_277 = tpu.memref_slice %arg7[%dma_start3A_275, %dma_start3A_276] : memref<10240x128xf32, #tpu.memory_space<vmem_shared>> -> memref<10240x128xf32, #tpu.memory_space<vmem_shared>>
    tpu.enqueue_indirect_dma source(%arg8 : memref<128x128xf32, #tpu.memory_space<vmem>>) target(%dma_start3A_277 : memref<10240x128xf32, #tpu.memory_space<vmem_shared>>) offsets(%dma_start3A_274 : memref<128xi32, #tpu.memory_space<vmem>>) semaphore(%arg22 : memref<!tpu.dma_semaphore, #tpu.memory_space<semaphore_mem>>) {add = true}
    %dma_start3A_278 = arith.constant 77 : i32
    %dma_start3A_279 = arith.constant 0 : i32
    %dma_start3A_280 = arith.constant 0 : i32
    %dma_start3A_281 = arith.constant 0 : i32
    %dma_start3A_282 = tpu.memref_slice %arg3[%add3A, %dma_start3A_279, %dma_start3A_280, %dma_start3A_281] : memref<32x78x2x128xi32, #tpu.memory_space<hbm>> -> memref<1x78x2x128xi32, #tpu.memory_space<hbm>>
    %dma_start3A_283 = tpu.memref_squeeze %dma_start3A_282 : memref<1x78x2x128xi32, #tpu.memory_space<hbm>> -> memref<78x2x128xi32, #tpu.memory_space<hbm>>
    %dma_start3A_284 = arith.constant 0 : i32
    %dma_start3A_285 = arith.constant 0 : i32
    %dma_start3A_286 = tpu.memref_slice %dma_start3A_283[%dma_start3A_278, %dma_start3A_284, %dma_start3A_285] : memref<78x2x128xi32, #tpu.memory_space<hbm>> -> memref<1x2x128xi32, #tpu.memory_space<hbm>>
    %dma_start3A_287 = tpu.memref_squeeze %dma_start3A_286 : memref<1x2x128xi32, #tpu.memory_space<hbm>> -> memref<2x128xi32, #tpu.memory_space<hbm>>
    %dma_start3A_288 = arith.constant 0 : i32
    %dma_start3A_289 = arith.constant 0 : i32
    %dma_start3A_290 = arith.constant 0 : i32
    %dma_start3A_291 = tpu.memref_slice %arg3[%add3A, %dma_start3A_288, %dma_start3A_289, %dma_start3A_290] : memref<32x78x2x128xi32, #tpu.memory_space<hbm>> -> memref<1x78x2x128xi32, #tpu.memory_space<hbm>>
    %dma_start3A_292 = tpu.memref_squeeze %dma_start3A_291 : memref<1x78x2x128xi32, #tpu.memory_space<hbm>> -> memref<78x2x128xi32, #tpu.memory_space<hbm>>
    %dma_start3A_293 = arith.constant 0 : i32
    %dma_start3A_294 = arith.constant 0 : i32
    %dma_start3A_295 = tpu.memref_slice %dma_start3A_292[%dma_start3A_278, %dma_start3A_293, %dma_start3A_294] : memref<78x2x128xi32, #tpu.memory_space<hbm>> -> memref<1x2x128xi32, #tpu.memory_space<hbm>>
    %dma_start3A_296 = tpu.memref_squeeze %dma_start3A_295 : memref<1x2x128xi32, #tpu.memory_space<hbm>> -> memref<2x128xi32, #tpu.memory_space<hbm>>
    tpu.enqueue_dma source(%dma_start3A_296 : memref<2x128xi32, #tpu.memory_space<hbm>>) target(%arg11 : memref<2x128xi32, #tpu.memory_space<vmem>>) target_semaphore(%arg17 : memref<!tpu.dma_semaphore, #tpu.memory_space<semaphore_mem>>)
    %dma_wait3A_297 = arith.constant 76 : i32
    %dma_wait3A_298 = arith.constant 0 : i32
    %dma_wait3A_299 = arith.constant 0 : i32
    %dma_wait3A_300 = arith.constant 0 : i32
    %dma_wait3A_301 = tpu.memref_slice %arg3[%add3A, %dma_wait3A_298, %dma_wait3A_299, %dma_wait3A_300] : memref<32x78x2x128xi32, #tpu.memory_space<hbm>> -> memref<1x78x2x128xi32, #tpu.memory_space<hbm>>
    %dma_wait3A_302 = tpu.memref_squeeze %dma_wait3A_301 : memref<1x78x2x128xi32, #tpu.memory_space<hbm>> -> memref<78x2x128xi32, #tpu.memory_space<hbm>>
    %dma_wait3A_303 = arith.constant 0 : i32
    %dma_wait3A_304 = arith.constant 0 : i32
    %dma_wait3A_305 = tpu.memref_slice %dma_wait3A_302[%dma_wait3A_297, %dma_wait3A_303, %dma_wait3A_304] : memref<78x2x128xi32, #tpu.memory_space<hbm>> -> memref<1x2x128xi32, #tpu.memory_space<hbm>>
    %dma_wait3A_306 = tpu.memref_squeeze %dma_wait3A_305 : memref<1x2x128xi32, #tpu.memory_space<hbm>> -> memref<2x128xi32, #tpu.memory_space<hbm>>
    %dma_wait3A_307 = arith.constant 0 : i32
    %dma_wait3A_308 = arith.constant 0 : i32
    %dma_wait3A_309 = arith.constant 0 : i32
    %dma_wait3A_310 = tpu.memref_slice %arg3[%add3A, %dma_wait3A_307, %dma_wait3A_308, %dma_wait3A_309] : memref<32x78x2x128xi32, #tpu.memory_space<hbm>> -> memref<1x78x2x128xi32, #tpu.memory_space<hbm>>
    %dma_wait3A_311 = tpu.memref_squeeze %dma_wait3A_310 : memref<1x78x2x128xi32, #tpu.memory_space<hbm>> -> memref<78x2x128xi32, #tpu.memory_space<hbm>>
    %dma_wait3A_312 = arith.constant 0 : i32
    %dma_wait3A_313 = arith.constant 0 : i32
    %dma_wait3A_314 = tpu.memref_slice %dma_wait3A_311[%dma_wait3A_297, %dma_wait3A_312, %dma_wait3A_313] : memref<78x2x128xi32, #tpu.memory_space<hbm>> -> memref<1x2x128xi32, #tpu.memory_space<hbm>>
    %dma_wait3A_315 = tpu.memref_squeeze %dma_wait3A_314 : memref<1x2x128xi32, #tpu.memory_space<hbm>> -> memref<2x128xi32, #tpu.memory_space<hbm>>
    tpu.wait_dma2 semaphore(%arg16 : memref<!tpu.dma_semaphore, #tpu.memory_space<semaphore_mem>>) src(%dma_wait3A_315 : memref<2x128xi32, #tpu.memory_space<hbm>>) dst(%arg10 : memref<2x128xi32, #tpu.memory_space<vmem>>)
    %dma_wait3A_316 = arith.constant 1 : i32
    %dma_wait3A_317 = arith.constant 0 : i32
    %dma_wait3A_318 = tpu.memref_slice %arg12[%dma_wait3A_316, %dma_wait3A_317] : memref<2x128xi32, #tpu.memory_space<vmem>> -> memref<1x128xi32, #tpu.memory_space<vmem>>
    %dma_wait3A_319 = tpu.memref_squeeze %dma_wait3A_318 : memref<1x128xi32, #tpu.memory_space<vmem>> -> memref<128xi32, #tpu.memory_space<vmem>>
    %dma_wait3A_320 = arith.constant 0 : i32
    %dma_wait3A_321 = arith.constant 0 : i32
    %dma_wait3A_322 = tpu.memref_slice %arg7[%dma_wait3A_320, %dma_wait3A_321] : memref<10240x128xf32, #tpu.memory_space<vmem_shared>> -> memref<10240x128xf32, #tpu.memory_space<vmem_shared>>
    tpu.wait_indirect_dma semaphore(%arg22 : memref<!tpu.dma_semaphore, #tpu.memory_space<semaphore_mem>>) src(%arg8 : memref<128x128xf32, #tpu.memory_space<vmem>>) dst(%dma_wait3A_322 : memref<10240x128xf32, #tpu.memory_space<vmem_shared>>)
    %dma_start3A_323 = arith.constant 0 : i32
    %dma_start3A_324 = arith.constant 0 : i32
    %dma_start3A_325 = tpu.memref_slice %arg10[%dma_start3A_323, %dma_start3A_324] : memref<2x128xi32, #tpu.memory_space<vmem>> -> memref<1x128xi32, #tpu.memory_space<vmem>>
    %dma_start3A_326 = tpu.memref_squeeze %dma_start3A_325 : memref<1x128xi32, #tpu.memory_space<vmem>> -> memref<128xi32, #tpu.memory_space<vmem>>
    %dma_start3A_327 = arith.constant 0 : i32
    %dma_start3A_328 = arith.constant 0 : i32
    %dma_start3A_329 = tpu.memref_slice %arg2[%dma_start3A_327, %dma_start3A_328] : memref<10240x128xf32, #tpu.memory_space<hbm>> -> memref<10240x128xf32, #tpu.memory_space<hbm>>
    tpu.enqueue_indirect_dma source(%dma_start3A_329 : memref<10240x128xf32, #tpu.memory_space<hbm>>) target(%arg8 : memref<128x128xf32, #tpu.memory_space<vmem>>) offsets(%dma_start3A_326 : memref<128xi32, #tpu.memory_space<vmem>>) semaphore(%arg20 : memref<!tpu.dma_semaphore, #tpu.memory_space<semaphore_mem>>)
    %dma_wait3A_330 = arith.constant 0 : i32
    %dma_wait3A_331 = arith.constant 0 : i32
    %dma_wait3A_332 = tpu.memref_slice %arg13[%dma_wait3A_330, %dma_wait3A_331] : memref<2x128xi32, #tpu.memory_space<vmem>> -> memref<1x128xi32, #tpu.memory_space<vmem>>
    %dma_wait3A_333 = tpu.memref_squeeze %dma_wait3A_332 : memref<1x128xi32, #tpu.memory_space<vmem>> -> memref<128xi32, #tpu.memory_space<vmem>>
    %dma_wait3A_334 = arith.constant 0 : i32
    %dma_wait3A_335 = arith.constant 0 : i32
    %dma_wait3A_336 = tpu.memref_slice %arg2[%dma_wait3A_334, %dma_wait3A_335] : memref<10240x128xf32, #tpu.memory_space<hbm>> -> memref<10240x128xf32, #tpu.memory_space<hbm>>
    tpu.wait_indirect_dma semaphore(%arg21 : memref<!tpu.dma_semaphore, #tpu.memory_space<semaphore_mem>>) src(%dma_wait3A_336 : memref<10240x128xf32, #tpu.memory_space<hbm>>) dst(%arg9 : memref<128x128xf32, #tpu.memory_space<vmem>>)
    %dma_start3A_337 = arith.constant 1 : i32
    %dma_start3A_338 = arith.constant 0 : i32
    %dma_start3A_339 = tpu.memref_slice %arg13[%dma_start3A_337, %dma_start3A_338] : memref<2x128xi32, #tpu.memory_space<vmem>> -> memref<1x128xi32, #tpu.memory_space<vmem>>
    %dma_start3A_340 = tpu.memref_squeeze %dma_start3A_339 : memref<1x128xi32, #tpu.memory_space<vmem>> -> memref<128xi32, #tpu.memory_space<vmem>>
    %dma_start3A_341 = arith.constant 0 : i32
    %dma_start3A_342 = arith.constant 0 : i32
    %dma_start3A_343 = tpu.memref_slice %arg7[%dma_start3A_341, %dma_start3A_342] : memref<10240x128xf32, #tpu.memory_space<vmem_shared>> -> memref<10240x128xf32, #tpu.memory_space<vmem_shared>>
    tpu.enqueue_indirect_dma source(%arg9 : memref<128x128xf32, #tpu.memory_space<vmem>>) target(%dma_start3A_343 : memref<10240x128xf32, #tpu.memory_space<vmem_shared>>) offsets(%dma_start3A_340 : memref<128xi32, #tpu.memory_space<vmem>>) semaphore(%arg23 : memref<!tpu.dma_semaphore, #tpu.memory_space<semaphore_mem>>) {add = true}
    %dma_wait3A_344 = arith.constant 77 : i32
    %dma_wait3A_345 = arith.constant 0 : i32
    %dma_wait3A_346 = arith.constant 0 : i32
    %dma_wait3A_347 = arith.constant 0 : i32
    %dma_wait3A_348 = tpu.memref_slice %arg3[%add3A, %dma_wait3A_345, %dma_wait3A_346, %dma_wait3A_347] : memref<32x78x2x128xi32, #tpu.memory_space<hbm>> -> memref<1x78x2x128xi32, #tpu.memory_space<hbm>>
    %dma_wait3A_349 = tpu.memref_squeeze %dma_wait3A_348 : memref<1x78x2x128xi32, #tpu.memory_space<hbm>> -> memref<78x2x128xi32, #tpu.memory_space<hbm>>
    %dma_wait3A_350 = arith.constant 0 : i32
    %dma_wait3A_351 = arith.constant 0 : i32
    %dma_wait3A_352 = tpu.memref_slice %dma_wait3A_349[%dma_wait3A_344, %dma_wait3A_350, %dma_wait3A_351] : memref<78x2x128xi32, #tpu.memory_space<hbm>> -> memref<1x2x128xi32, #tpu.memory_space<hbm>>
    %dma_wait3A_353 = tpu.memref_squeeze %dma_wait3A_352 : memref<1x2x128xi32, #tpu.memory_space<hbm>> -> memref<2x128xi32, #tpu.memory_space<hbm>>
    %dma_wait3A_354 = arith.constant 0 : i32
    %dma_wait3A_355 = arith.constant 0 : i32
    %dma_wait3A_356 = arith.constant 0 : i32
    %dma_wait3A_357 = tpu.memref_slice %arg3[%add3A, %dma_wait3A_354, %dma_wait3A_355, %dma_wait3A_356] : memref<32x78x2x128xi32, #tpu.memory_space<hbm>> -> memref<1x78x2x128xi32, #tpu.memory_space<hbm>>
    %dma_wait3A_358 = tpu.memref_squeeze %dma_wait3A_357 : memref<1x78x2x128xi32, #tpu.memory_space<hbm>> -> memref<78x2x128xi32, #tpu.memory_space<hbm>>
    %dma_wait3A_359 = arith.constant 0 : i32
    %dma_wait3A_360 = arith.constant 0 : i32
    %dma_wait3A_361 = tpu.memref_slice %dma_wait3A_358[%dma_wait3A_344, %dma_wait3A_359, %dma_wait3A_360] : memref<78x2x128xi32, #tpu.memory_space<hbm>> -> memref<1x2x128xi32, #tpu.memory_space<hbm>>
    %dma_wait3A_362 = tpu.memref_squeeze %dma_wait3A_361 : memref<1x2x128xi32, #tpu.memory_space<hbm>> -> memref<2x128xi32, #tpu.memory_space<hbm>>
    tpu.wait_dma2 semaphore(%arg17 : memref<!tpu.dma_semaphore, #tpu.memory_space<semaphore_mem>>) src(%dma_wait3A_362 : memref<2x128xi32, #tpu.memory_space<hbm>>) dst(%arg11 : memref<2x128xi32, #tpu.memory_space<vmem>>)
    %dma_wait3A_363 = arith.constant 1 : i32
    %dma_wait3A_364 = arith.constant 0 : i32
    %dma_wait3A_365 = tpu.memref_slice %arg13[%dma_wait3A_363, %dma_wait3A_364] : memref<2x128xi32, #tpu.memory_space<vmem>> -> memref<1x128xi32, #tpu.memory_space<vmem>>
    %dma_wait3A_366 = tpu.memref_squeeze %dma_wait3A_365 : memref<1x128xi32, #tpu.memory_space<vmem>> -> memref<128xi32, #tpu.memory_space<vmem>>
    %dma_wait3A_367 = arith.constant 0 : i32
    %dma_wait3A_368 = arith.constant 0 : i32
    %dma_wait3A_369 = tpu.memref_slice %arg7[%dma_wait3A_367, %dma_wait3A_368] : memref<10240x128xf32, #tpu.memory_space<vmem_shared>> -> memref<10240x128xf32, #tpu.memory_space<vmem_shared>>
    tpu.wait_indirect_dma semaphore(%arg23 : memref<!tpu.dma_semaphore, #tpu.memory_space<semaphore_mem>>) src(%arg9 : memref<128x128xf32, #tpu.memory_space<vmem>>) dst(%dma_wait3A_369 : memref<10240x128xf32, #tpu.memory_space<vmem_shared>>)
    %dma_start3A_370 = arith.constant 0 : i32
    %dma_start3A_371 = arith.constant 0 : i32
    %dma_start3A_372 = tpu.memref_slice %arg11[%dma_start3A_370, %dma_start3A_371] : memref<2x128xi32, #tpu.memory_space<vmem>> -> memref<1x128xi32, #tpu.memory_space<vmem>>
    %dma_start3A_373 = tpu.memref_squeeze %dma_start3A_372 : memref<1x128xi32, #tpu.memory_space<vmem>> -> memref<128xi32, #tpu.memory_space<vmem>>
    %dma_start3A_374 = arith.constant 0 : i32
    %dma_start3A_375 = arith.constant 0 : i32
    %dma_start3A_376 = tpu.memref_slice %arg2[%dma_start3A_374, %dma_start3A_375] : memref<10240x128xf32, #tpu.memory_space<hbm>> -> memref<10240x128xf32, #tpu.memory_space<hbm>>
    tpu.enqueue_indirect_dma source(%dma_start3A_376 : memref<10240x128xf32, #tpu.memory_space<hbm>>) target(%arg9 : memref<128x128xf32, #tpu.memory_space<vmem>>) offsets(%dma_start3A_373 : memref<128xi32, #tpu.memory_space<vmem>>) semaphore(%arg21 : memref<!tpu.dma_semaphore, #tpu.memory_space<semaphore_mem>>)
    %dma_wait3A_377 = arith.constant 0 : i32
    %dma_wait3A_378 = arith.constant 0 : i32
    %dma_wait3A_379 = tpu.memref_slice %arg10[%dma_wait3A_377, %dma_wait3A_378] : memref<2x128xi32, #tpu.memory_space<vmem>> -> memref<1x128xi32, #tpu.memory_space<vmem>>
    %dma_wait3A_380 = tpu.memref_squeeze %dma_wait3A_379 : memref<1x128xi32, #tpu.memory_space<vmem>> -> memref<128xi32, #tpu.memory_space<vmem>>
    %dma_wait3A_381 = arith.constant 0 : i32
    %dma_wait3A_382 = arith.constant 0 : i32
    %dma_wait3A_383 = tpu.memref_slice %arg2[%dma_wait3A_381, %dma_wait3A_382] : memref<10240x128xf32, #tpu.memory_space<hbm>> -> memref<10240x128xf32, #tpu.memory_space<hbm>>
    tpu.wait_indirect_dma semaphore(%arg20 : memref<!tpu.dma_semaphore, #tpu.memory_space<semaphore_mem>>) src(%dma_wait3A_383 : memref<10240x128xf32, #tpu.memory_space<hbm>>) dst(%arg8 : memref<128x128xf32, #tpu.memory_space<vmem>>)
    %dma_start3A_384 = arith.constant 1 : i32
    %dma_start3A_385 = arith.constant 0 : i32
    %dma_start3A_386 = tpu.memref_slice %arg10[%dma_start3A_384, %dma_start3A_385] : memref<2x128xi32, #tpu.memory_space<vmem>> -> memref<1x128xi32, #tpu.memory_space<vmem>>
    %dma_start3A_387 = tpu.memref_squeeze %dma_start3A_386 : memref<1x128xi32, #tpu.memory_space<vmem>> -> memref<128xi32, #tpu.memory_space<vmem>>
    %dma_start3A_388 = arith.constant 0 : i32
    %dma_start3A_389 = arith.constant 0 : i32
    %dma_start3A_390 = tpu.memref_slice %arg7[%dma_start3A_388, %dma_start3A_389] : memref<10240x128xf32, #tpu.memory_space<vmem_shared>> -> memref<10240x128xf32, #tpu.memory_space<vmem_shared>>
    tpu.enqueue_indirect_dma source(%arg8 : memref<128x128xf32, #tpu.memory_space<vmem>>) target(%dma_start3A_390 : memref<10240x128xf32, #tpu.memory_space<vmem_shared>>) offsets(%dma_start3A_387 : memref<128xi32, #tpu.memory_space<vmem>>) semaphore(%arg22 : memref<!tpu.dma_semaphore, #tpu.memory_space<semaphore_mem>>) {add = true}
    %dma_wait3A_391 = arith.constant 1 : i32
    %dma_wait3A_392 = arith.constant 0 : i32
    %dma_wait3A_393 = tpu.memref_slice %arg10[%dma_wait3A_391, %dma_wait3A_392] : memref<2x128xi32, #tpu.memory_space<vmem>> -> memref<1x128xi32, #tpu.memory_space<vmem>>
    %dma_wait3A_394 = tpu.memref_squeeze %dma_wait3A_393 : memref<1x128xi32, #tpu.memory_space<vmem>> -> memref<128xi32, #tpu.memory_space<vmem>>
    %dma_wait3A_395 = arith.constant 0 : i32
    %dma_wait3A_396 = arith.constant 0 : i32
    %dma_wait3A_397 = tpu.memref_slice %arg7[%dma_wait3A_395, %dma_wait3A_396] : memref<10240x128xf32, #tpu.memory_space<vmem_shared>> -> memref<10240x128xf32, #tpu.memory_space<vmem_shared>>
    tpu.wait_indirect_dma semaphore(%arg22 : memref<!tpu.dma_semaphore, #tpu.memory_space<semaphore_mem>>) src(%arg8 : memref<128x128xf32, #tpu.memory_space<vmem>>) dst(%dma_wait3A_397 : memref<10240x128xf32, #tpu.memory_space<vmem_shared>>)
    %dma_wait3A_398 = arith.constant 0 : i32
    %dma_wait3A_399 = arith.constant 0 : i32
    %dma_wait3A_400 = tpu.memref_slice %arg11[%dma_wait3A_398, %dma_wait3A_399] : memref<2x128xi32, #tpu.memory_space<vmem>> -> memref<1x128xi32, #tpu.memory_space<vmem>>
    %dma_wait3A_401 = tpu.memref_squeeze %dma_wait3A_400 : memref<1x128xi32, #tpu.memory_space<vmem>> -> memref<128xi32, #tpu.memory_space<vmem>>
    %dma_wait3A_402 = arith.constant 0 : i32
    %dma_wait3A_403 = arith.constant 0 : i32
    %dma_wait3A_404 = tpu.memref_slice %arg2[%dma_wait3A_402, %dma_wait3A_403] : memref<10240x128xf32, #tpu.memory_space<hbm>> -> memref<10240x128xf32, #tpu.memory_space<hbm>>
    tpu.wait_indirect_dma semaphore(%arg21 : memref<!tpu.dma_semaphore, #tpu.memory_space<semaphore_mem>>) src(%dma_wait3A_404 : memref<10240x128xf32, #tpu.memory_space<hbm>>) dst(%arg9 : memref<128x128xf32, #tpu.memory_space<vmem>>)
    %dma_start3A_405 = arith.constant 1 : i32
    %dma_start3A_406 = arith.constant 0 : i32
    %dma_start3A_407 = tpu.memref_slice %arg11[%dma_start3A_405, %dma_start3A_406] : memref<2x128xi32, #tpu.memory_space<vmem>> -> memref<1x128xi32, #tpu.memory_space<vmem>>
    %dma_start3A_408 = tpu.memref_squeeze %dma_start3A_407 : memref<1x128xi32, #tpu.memory_space<vmem>> -> memref<128xi32, #tpu.memory_space<vmem>>
    %dma_start3A_409 = arith.constant 0 : i32
    %dma_start3A_410 = arith.constant 0 : i32
    %dma_start3A_411 = tpu.memref_slice %arg7[%dma_start3A_409, %dma_start3A_410] : memref<10240x128xf32, #tpu.memory_space<vmem_shared>> -> memref<10240x128xf32, #tpu.memory_space<vmem_shared>>
    tpu.enqueue_indirect_dma source(%arg9 : memref<128x128xf32, #tpu.memory_space<vmem>>) target(%dma_start3A_411 : memref<10240x128xf32, #tpu.memory_space<vmem_shared>>) offsets(%dma_start3A_408 : memref<128xi32, #tpu.memory_space<vmem>>) semaphore(%arg23 : memref<!tpu.dma_semaphore, #tpu.memory_space<semaphore_mem>>) {add = true}
    %dma_wait3A_412 = arith.constant 1 : i32
    %dma_wait3A_413 = arith.constant 0 : i32
    %dma_wait3A_414 = tpu.memref_slice %arg11[%dma_wait3A_412, %dma_wait3A_413] : memref<2x128xi32, #tpu.memory_space<vmem>> -> memref<1x128xi32, #tpu.memory_space<vmem>>
    %dma_wait3A_415 = tpu.memref_squeeze %dma_wait3A_414 : memref<1x128xi32, #tpu.memory_space<vmem>> -> memref<128xi32, #tpu.memory_space<vmem>>
    %dma_wait3A_416 = arith.constant 0 : i32
    %dma_wait3A_417 = arith.constant 0 : i32
    %dma_wait3A_418 = tpu.memref_slice %arg7[%dma_wait3A_416, %dma_wait3A_417] : memref<10240x128xf32, #tpu.memory_space<vmem_shared>> -> memref<10240x128xf32, #tpu.memory_space<vmem_shared>>
    tpu.wait_indirect_dma semaphore(%arg23 : memref<!tpu.dma_semaphore, #tpu.memory_space<semaphore_mem>>) src(%arg9 : memref<128x128xf32, #tpu.memory_space<vmem>>) dst(%dma_wait3A_418 : memref<10240x128xf32, #tpu.memory_space<vmem_shared>>)
    "tpu.region"() ({
      %run_scoped3A = tpu.sem_alloc : memref<!tpu.dma_semaphore, #tpu.memory_space<semaphore_mem>>
      %dma_start3A_432 = arith.constant 0 : i32
      %dma_start3A_433 = tpu.memref_slice %arg4[%add3A, %dma_start3A_432] : memref<32x16xi32, #tpu.memory_space<hbm>> -> memref<1x16xi32, #tpu.memory_space<hbm>>
      %dma_start3A_434 = tpu.memref_squeeze %dma_start3A_433 : memref<1x16xi32, #tpu.memory_space<hbm>> -> memref<16xi32, #tpu.memory_space<hbm>>
      %dma_start3A_435 = arith.constant 0 : i32
      %dma_start3A_436 = tpu.memref_slice %arg4[%add3A, %dma_start3A_435] : memref<32x16xi32, #tpu.memory_space<hbm>> -> memref<1x16xi32, #tpu.memory_space<hbm>>
      %dma_start3A_437 = tpu.memref_squeeze %dma_start3A_436 : memref<1x16xi32, #tpu.memory_space<hbm>> -> memref<16xi32, #tpu.memory_space<hbm>>
      tpu.enqueue_dma source(%dma_start3A_437 : memref<16xi32, #tpu.memory_space<hbm>>) target(%arg14 : memref<16xi32, #tpu.memory_space<vmem>>) target_semaphore(%run_scoped3A : memref<!tpu.dma_semaphore, #tpu.memory_space<semaphore_mem>>)
      %dma_wait3A_438 = arith.constant 0 : i32
      %dma_wait3A_439 = tpu.memref_slice %arg4[%add3A, %dma_wait3A_438] : memref<32x16xi32, #tpu.memory_space<hbm>> -> memref<1x16xi32, #tpu.memory_space<hbm>>
      %dma_wait3A_440 = tpu.memref_squeeze %dma_wait3A_439 : memref<1x16xi32, #tpu.memory_space<hbm>> -> memref<16xi32, #tpu.memory_space<hbm>>
      %dma_wait3A_441 = arith.constant 0 : i32
      %dma_wait3A_442 = tpu.memref_slice %arg4[%add3A, %dma_wait3A_441] : memref<32x16xi32, #tpu.memory_space<hbm>> -> memref<1x16xi32, #tpu.memory_space<hbm>>
      %dma_wait3A_443 = tpu.memref_squeeze %dma_wait3A_442 : memref<1x16xi32, #tpu.memory_space<hbm>> -> memref<16xi32, #tpu.memory_space<hbm>>
      tpu.wait_dma2 semaphore(%run_scoped3A : memref<!tpu.dma_semaphore, #tpu.memory_space<semaphore_mem>>) src(%dma_wait3A_443 : memref<16xi32, #tpu.memory_space<hbm>>) dst(%arg14 : memref<16xi32, #tpu.memory_space<vmem>>)
      tpu.yield
    }) : () -> ()
    "tpu.region"() ({
      %run_scoped3A = tpu.sem_alloc : memref<!tpu.dma_semaphore, #tpu.memory_space<semaphore_mem>>
      %dma_start3A_432 = arith.constant 0 : i32
      %dma_start3A_433 = tpu.memref_slice %arg5[%add3A, %dma_start3A_432] : memref<32x16xi32, #tpu.memory_space<hbm>> -> memref<1x16xi32, #tpu.memory_space<hbm>>
      %dma_start3A_434 = tpu.memref_squeeze %dma_start3A_433 : memref<1x16xi32, #tpu.memory_space<hbm>> -> memref<16xi32, #tpu.memory_space<hbm>>
      %dma_start3A_435 = arith.constant 0 : i32
      %dma_start3A_436 = tpu.memref_slice %arg5[%add3A, %dma_start3A_435] : memref<32x16xi32, #tpu.memory_space<hbm>> -> memref<1x16xi32, #tpu.memory_space<hbm>>
      %dma_start3A_437 = tpu.memref_squeeze %dma_start3A_436 : memref<1x16xi32, #tpu.memory_space<hbm>> -> memref<16xi32, #tpu.memory_space<hbm>>
      tpu.enqueue_dma source(%dma_start3A_437 : memref<16xi32, #tpu.memory_space<hbm>>) target(%arg15 : memref<16xi32, #tpu.memory_space<vmem>>) target_semaphore(%run_scoped3A : memref<!tpu.dma_semaphore, #tpu.memory_space<semaphore_mem>>)
      %dma_wait3A_438 = arith.constant 0 : i32
      %dma_wait3A_439 = tpu.memref_slice %arg5[%add3A, %dma_wait3A_438] : memref<32x16xi32, #tpu.memory_space<hbm>> -> memref<1x16xi32, #tpu.memory_space<hbm>>
      %dma_wait3A_440 = tpu.memref_squeeze %dma_wait3A_439 : memref<1x16xi32, #tpu.memory_space<hbm>> -> memref<16xi32, #tpu.memory_space<hbm>>
      %dma_wait3A_441 = arith.constant 0 : i32
      %dma_wait3A_442 = tpu.memref_slice %arg5[%add3A, %dma_wait3A_441] : memref<32x16xi32, #tpu.memory_space<hbm>> -> memref<1x16xi32, #tpu.memory_space<hbm>>
      %dma_wait3A_443 = tpu.memref_squeeze %dma_wait3A_442 : memref<1x16xi32, #tpu.memory_space<hbm>> -> memref<16xi32, #tpu.memory_space<hbm>>
      tpu.wait_dma2 semaphore(%run_scoped3A : memref<!tpu.dma_semaphore, #tpu.memory_space<semaphore_mem>>) src(%dma_wait3A_443 : memref<16xi32, #tpu.memory_space<hbm>>) dst(%arg15 : memref<16xi32, #tpu.memory_space<vmem>>)
      tpu.yield
    }) : () -> ()
    %dma_start3A_419 = arith.constant 0 : i32
    %dma_start3A_420 = arith.constant 0 : i32
    %dma_start3A_421 = tpu.memref_slice %arg9[%dma_start3A_419, %dma_start3A_420] : memref<128x128xf32, #tpu.memory_space<vmem>> -> memref<16x128xf32, #tpu.memory_space<vmem>>
    %dma_start3A_422 = arith.constant 0 : i32
    %dma_start3A_423 = arith.constant 0 : i32
    %dma_start3A_424 = tpu.memref_slice %arg2[%dma_start3A_422, %dma_start3A_423] : memref<10240x128xf32, #tpu.memory_space<hbm>> -> memref<10240x128xf32, #tpu.memory_space<hbm>>
    tpu.enqueue_indirect_dma source(%dma_start3A_424 : memref<10240x128xf32, #tpu.memory_space<hbm>>) target(%dma_start3A_421 : memref<16x128xf32, #tpu.memory_space<vmem>>) offsets(%arg14 : memref<16xi32, #tpu.memory_space<vmem>>) semaphore(%arg21 : memref<!tpu.dma_semaphore, #tpu.memory_space<semaphore_mem>>)
    %dma_wait3A_425 = arith.constant 0 : i32
    %dma_wait3A_426 = arith.constant 0 : i32
    %dma_wait3A_427 = tpu.memref_slice %arg9[%dma_wait3A_425, %dma_wait3A_426] : memref<128x128xf32, #tpu.memory_space<vmem>> -> memref<16x128xf32, #tpu.memory_space<vmem>>
    %dma_wait3A_428 = arith.constant 0 : i32
    %dma_wait3A_429 = arith.constant 0 : i32
    %dma_wait3A_430 = tpu.memref_slice %arg2[%dma_wait3A_428, %dma_wait3A_429] : memref<10240x128xf32, #tpu.memory_space<hbm>> -> memref<10240x128xf32, #tpu.memory_space<hbm>>
    tpu.wait_indirect_dma semaphore(%arg21 : memref<!tpu.dma_semaphore, #tpu.memory_space<semaphore_mem>>) src(%dma_wait3A_430 : memref<10240x128xf32, #tpu.memory_space<hbm>>) dst(%dma_wait3A_427 : memref<16x128xf32, #tpu.memory_space<vmem>>)
    "tpu.region"() ({
      %run_scoped3A = tpu.sem_alloc : memref<!tpu.dma_semaphore, #tpu.memory_space<semaphore_mem>>
      %dma_start3A_432 = arith.constant 0 : i32
      %dma_start3A_433 = arith.constant 0 : i32
      %dma_start3A_434 = tpu.memref_slice %arg9[%dma_start3A_432, %dma_start3A_433] : memref<128x128xf32, #tpu.memory_space<vmem>> -> memref<16x128xf32, #tpu.memory_space<vmem>>
      %dma_start3A_435 = arith.constant 0 : i32
      %dma_start3A_436 = arith.constant 0 : i32
      %dma_start3A_437 = tpu.memref_slice %arg7[%dma_start3A_435, %dma_start3A_436] : memref<10240x128xf32, #tpu.memory_space<vmem_shared>> -> memref<10240x128xf32, #tpu.memory_space<vmem_shared>>
      tpu.enqueue_indirect_dma source(%dma_start3A_434 : memref<16x128xf32, #tpu.memory_space<vmem>>) target(%dma_start3A_437 : memref<10240x128xf32, #tpu.memory_space<vmem_shared>>) offsets(%arg15 : memref<16xi32, #tpu.memory_space<vmem>>) semaphore(%run_scoped3A : memref<!tpu.dma_semaphore, #tpu.memory_space<semaphore_mem>>) {add = true}
      %dma_wait3A_438 = arith.constant 0 : i32
      %dma_wait3A_439 = arith.constant 0 : i32
      %dma_wait3A_440 = tpu.memref_slice %arg9[%dma_wait3A_438, %dma_wait3A_439] : memref<128x128xf32, #tpu.memory_space<vmem>> -> memref<16x128xf32, #tpu.memory_space<vmem>>
      %dma_wait3A_441 = arith.constant 0 : i32
      %dma_wait3A_442 = arith.constant 0 : i32
      %dma_wait3A_443 = tpu.memref_slice %arg7[%dma_wait3A_441, %dma_wait3A_442] : memref<10240x128xf32, #tpu.memory_space<vmem_shared>> -> memref<10240x128xf32, #tpu.memory_space<vmem_shared>>
      tpu.wait_indirect_dma semaphore(%run_scoped3A : memref<!tpu.dma_semaphore, #tpu.memory_space<semaphore_mem>>) src(%dma_wait3A_440 : memref<16x128xf32, #tpu.memory_space<vmem>>) dst(%dma_wait3A_443 : memref<10240x128xf32, #tpu.memory_space<vmem_shared>>)
      tpu.yield
    }) : () -> ()
    %barrier3A_431 = arith.constant 0 : index
    tpu.barrier barrier_id(%barrier3A_431)
    "tpu.region"() ({
      %run_scoped3A = tpu.sem_alloc : memref<!tpu.dma_semaphore, #tpu.memory_space<semaphore_mem>>
      %dma_start3A_432 = arith.constant 0 : i32
      %dma_start3A_433 = arith.constant 0 : i32
      %dma_start3A_434 = tpu.memref_slice %arg6[%arg0, %dma_start3A_432, %dma_start3A_433] : memref<2x10240x128xf32, #tpu.memory_space<hbm>> -> memref<1x10240x128xf32, #tpu.memory_space<hbm>>
      %dma_start3A_435 = tpu.memref_squeeze %dma_start3A_434 : memref<1x10240x128xf32, #tpu.memory_space<hbm>> -> memref<10240x128xf32, #tpu.memory_space<hbm>>
      %dma_start3A_436 = arith.constant 0 : i32
      %dma_start3A_437 = tpu.memref_slice %dma_start3A_435[%mul3A_2, %dma_start3A_436] : memref<10240x128xf32, #tpu.memory_space<hbm>> -> memref<640x128xf32, #tpu.memory_space<hbm>>
      %dma_start3A_438 = arith.constant 0 : i32
      %dma_start3A_439 = tpu.memref_slice %arg7[%mul3A_2, %dma_start3A_438] : memref<10240x128xf32, #tpu.memory_space<vmem_shared>> -> memref<640x128xf32, #tpu.memory_space<vmem_shared>>
      tpu.enqueue_dma source(%dma_start3A_439 : memref<640x128xf32, #tpu.memory_space<vmem_shared>>) target(%dma_start3A_437 : memref<640x128xf32, #tpu.memory_space<hbm>>) target_semaphore(%run_scoped3A : memref<!tpu.dma_semaphore, #tpu.memory_space<semaphore_mem>>)
      %dma_wait3A_440 = arith.constant 0 : i32
      %dma_wait3A_441 = arith.constant 0 : i32
      %dma_wait3A_442 = tpu.memref_slice %arg6[%arg0, %dma_wait3A_440, %dma_wait3A_441] : memref<2x10240x128xf32, #tpu.memory_space<hbm>> -> memref<1x10240x128xf32, #tpu.memory_space<hbm>>
      %dma_wait3A_443 = tpu.memref_squeeze %dma_wait3A_442 : memref<1x10240x128xf32, #tpu.memory_space<hbm>> -> memref<10240x128xf32, #tpu.memory_space<hbm>>
      %dma_wait3A_444 = arith.constant 0 : i32
      %dma_wait3A_445 = tpu.memref_slice %dma_wait3A_443[%mul3A_2, %dma_wait3A_444] : memref<10240x128xf32, #tpu.memory_space<hbm>> -> memref<640x128xf32, #tpu.memory_space<hbm>>
      %dma_wait3A_446 = arith.constant 0 : i32
      %dma_wait3A_447 = tpu.memref_slice %arg7[%mul3A_2, %dma_wait3A_446] : memref<10240x128xf32, #tpu.memory_space<vmem_shared>> -> memref<640x128xf32, #tpu.memory_space<vmem_shared>>
      tpu.wait_dma2 semaphore(%run_scoped3A : memref<!tpu.dma_semaphore, #tpu.memory_space<semaphore_mem>>) src(%dma_wait3A_447 : memref<640x128xf32, #tpu.memory_space<vmem_shared>>) dst(%dma_wait3A_445 : memref<640x128xf32, #tpu.memory_space<hbm>>)
      tpu.yield
    }) : () -> ()
    return
  }
}

#map = affine_map<(d0, d1) -> (0, 0)>
#map1 = affine_map<(d0, d1) -> (0, 0, 0, 0)>
#map2 = affine_map<(d0, d1) -> (0, 0, 0)>
module attributes {stable_mosaic.version = 14 : i64} {
  func.func @_agg_kernel(%arg0: i32, %arg1: i32, %arg2: memref<10240x128xf32, #tpu.memory_space<hbm>>, %arg3: memref<32x78x2x128xi32, #tpu.memory_space<hbm>>, %arg4: memref<32x16xi32, #tpu.memory_space<hbm>>, %arg5: memref<32x16xi32, #tpu.memory_space<hbm>>, %arg6: memref<2x10240x128xf32, #tpu.memory_space<hbm>>, %arg7: memref<10240x128xf32, #tpu.memory_space<vmem_shared>>, %arg8: memref<128x128xf32, #tpu.memory_space<vmem>>, %arg9: memref<128x128xf32, #tpu.memory_space<vmem>>, %arg10: memref<2x128xi32, #tpu.memory_space<vmem>>, %arg11: memref<2x128xi32, #tpu.memory_space<vmem>>, %arg12: memref<2x128xi32, #tpu.memory_space<vmem>>, %arg13: memref<2x128xi32, #tpu.memory_space<vmem>>, %arg14: memref<16xi32, #tpu.memory_space<vmem>>, %arg15: memref<16xi32, #tpu.memory_space<vmem>>, %arg16: memref<!tpu.dma_semaphore, #tpu.memory_space<semaphore_mem>>, %arg17: memref<!tpu.dma_semaphore, #tpu.memory_space<semaphore_mem>>, %arg18: memref<!tpu.dma_semaphore, #tpu.memory_space<semaphore_mem>>, %arg19: memref<!tpu.dma_semaphore, #tpu.memory_space<semaphore_mem>>, %arg20: memref<!tpu.dma_semaphore, #tpu.memory_space<semaphore_mem>>, %arg21: memref<!tpu.dma_semaphore, #tpu.memory_space<semaphore_mem>>, %arg22: memref<!tpu.dma_semaphore, #tpu.memory_space<semaphore_mem>>, %arg23: memref<!tpu.dma_semaphore, #tpu.memory_space<semaphore_mem>>) attributes {dimension_semantics = [#tpu.dimension_semantics<core_parallel>, #tpu.dimension_semantics<subcore_parallel>], iteration_bounds = array<i64: 2, 16>, scalar_prefetch = 0 : i64, scratch_operands = 17 : i64, tpu.core_type = #tpu.core_type<sc_vector_subcore>, window_params = [{transform_indices = #map}, {transform_indices = #map1}, {transform_indices = #map}, {transform_indices = #map}, {transform_indices = #map2}]} {
    %mul3A = arith.constant 16 : i32
    %mul3A_0 = arith.muli %arg0, %mul3A : i32
    %add3A = arith.addi %mul3A_0, %arg1 : i32
    %mul3A_1 = arith.constant 640 : i32
    %mul3A_2 = arith.muli %arg1, %mul3A_1 : i32
    %dma_start3A = arith.constant 0 : i32
    %dma_start3A_3 = arith.constant 0 : i32
    %dma_start3A_4 = arith.constant 0 : i32
    %dma_start3A_5 = arith.constant 0 : i32
    %dma_start3A_6 = tpu.memref_slice %arg3[%add3A, %dma_start3A_3, %dma_start3A_4, %dma_start3A_5] : memref<32x78x2x128xi32, #tpu.memory_space<hbm>> -> memref<1x78x2x128xi32, #tpu.memory_space<hbm>>
    %dma_start3A_7 = tpu.memref_squeeze %dma_start3A_6 : memref<1x78x2x128xi32, #tpu.memory_space<hbm>> -> memref<78x2x128xi32, #tpu.memory_space<hbm>>
    %dma_start3A_8 = arith.constant 0 : i32
    %dma_start3A_9 = arith.constant 0 : i32
    %dma_start3A_10 = tpu.memref_slice %dma_start3A_7[%dma_start3A, %dma_start3A_8, %dma_start3A_9] : memref<78x2x128xi32, #tpu.memory_space<hbm>> -> memref<1x2x128xi32, #tpu.memory_space<hbm>>
    %dma_start3A_11 = tpu.memref_squeeze %dma_start3A_10 : memref<1x2x128xi32, #tpu.memory_space<hbm>> -> memref<2x128xi32, #tpu.memory_space<hbm>>
    %dma_start3A_12 = arith.constant 0 : i32
    %dma_start3A_13 = arith.constant 0 : i32
    %dma_start3A_14 = arith.constant 0 : i32
    %dma_start3A_15 = tpu.memref_slice %arg3[%add3A, %dma_start3A_12, %dma_start3A_13, %dma_start3A_14] : memref<32x78x2x128xi32, #tpu.memory_space<hbm>> -> memref<1x78x2x128xi32, #tpu.memory_space<hbm>>
    %dma_start3A_16 = tpu.memref_squeeze %dma_start3A_15 : memref<1x78x2x128xi32, #tpu.memory_space<hbm>> -> memref<78x2x128xi32, #tpu.memory_space<hbm>>
    %dma_start3A_17 = arith.constant 0 : i32
    %dma_start3A_18 = arith.constant 0 : i32
    %dma_start3A_19 = tpu.memref_slice %dma_start3A_16[%dma_start3A, %dma_start3A_17, %dma_start3A_18] : memref<78x2x128xi32, #tpu.memory_space<hbm>> -> memref<1x2x128xi32, #tpu.memory_space<hbm>>
    %dma_start3A_20 = tpu.memref_squeeze %dma_start3A_19 : memref<1x2x128xi32, #tpu.memory_space<hbm>> -> memref<2x128xi32, #tpu.memory_space<hbm>>
    tpu.enqueue_dma source(%dma_start3A_20 : memref<2x128xi32, #tpu.memory_space<hbm>>) target(%arg10 : memref<2x128xi32, #tpu.memory_space<vmem>>) target_semaphore(%arg16 : memref<!tpu.dma_semaphore, #tpu.memory_space<semaphore_mem>>)
    %dma_start3A_21 = arith.constant 1 : i32
    %dma_start3A_22 = arith.constant 0 : i32
    %dma_start3A_23 = arith.constant 0 : i32
    %dma_start3A_24 = arith.constant 0 : i32
    %dma_start3A_25 = tpu.memref_slice %arg3[%add3A, %dma_start3A_22, %dma_start3A_23, %dma_start3A_24] : memref<32x78x2x128xi32, #tpu.memory_space<hbm>> -> memref<1x78x2x128xi32, #tpu.memory_space<hbm>>
    %dma_start3A_26 = tpu.memref_squeeze %dma_start3A_25 : memref<1x78x2x128xi32, #tpu.memory_space<hbm>> -> memref<78x2x128xi32, #tpu.memory_space<hbm>>
    %dma_start3A_27 = arith.constant 0 : i32
    %dma_start3A_28 = arith.constant 0 : i32
    %dma_start3A_29 = tpu.memref_slice %dma_start3A_26[%dma_start3A_21, %dma_start3A_27, %dma_start3A_28] : memref<78x2x128xi32, #tpu.memory_space<hbm>> -> memref<1x2x128xi32, #tpu.memory_space<hbm>>
    %dma_start3A_30 = tpu.memref_squeeze %dma_start3A_29 : memref<1x2x128xi32, #tpu.memory_space<hbm>> -> memref<2x128xi32, #tpu.memory_space<hbm>>
    %dma_start3A_31 = arith.constant 0 : i32
    %dma_start3A_32 = arith.constant 0 : i32
    %dma_start3A_33 = arith.constant 0 : i32
    %dma_start3A_34 = tpu.memref_slice %arg3[%add3A, %dma_start3A_31, %dma_start3A_32, %dma_start3A_33] : memref<32x78x2x128xi32, #tpu.memory_space<hbm>> -> memref<1x78x2x128xi32, #tpu.memory_space<hbm>>
    %dma_start3A_35 = tpu.memref_squeeze %dma_start3A_34 : memref<1x78x2x128xi32, #tpu.memory_space<hbm>> -> memref<78x2x128xi32, #tpu.memory_space<hbm>>
    %dma_start3A_36 = arith.constant 0 : i32
    %dma_start3A_37 = arith.constant 0 : i32
    %dma_start3A_38 = tpu.memref_slice %dma_start3A_35[%dma_start3A_21, %dma_start3A_36, %dma_start3A_37] : memref<78x2x128xi32, #tpu.memory_space<hbm>> -> memref<1x2x128xi32, #tpu.memory_space<hbm>>
    %dma_start3A_39 = tpu.memref_squeeze %dma_start3A_38 : memref<1x2x128xi32, #tpu.memory_space<hbm>> -> memref<2x128xi32, #tpu.memory_space<hbm>>
    tpu.enqueue_dma source(%dma_start3A_39 : memref<2x128xi32, #tpu.memory_space<hbm>>) target(%arg11 : memref<2x128xi32, #tpu.memory_space<vmem>>) target_semaphore(%arg17 : memref<!tpu.dma_semaphore, #tpu.memory_space<semaphore_mem>>)
    %dma_start3A_40 = arith.constant 2 : i32
    %dma_start3A_41 = arith.constant 0 : i32
    %dma_start3A_42 = arith.constant 0 : i32
    %dma_start3A_43 = arith.constant 0 : i32
    %dma_start3A_44 = tpu.memref_slice %arg3[%add3A, %dma_start3A_41, %dma_start3A_42, %dma_start3A_43] : memref<32x78x2x128xi32, #tpu.memory_space<hbm>> -> memref<1x78x2x128xi32, #tpu.memory_space<hbm>>
    %dma_start3A_45 = tpu.memref_squeeze %dma_start3A_44 : memref<1x78x2x128xi32, #tpu.memory_space<hbm>> -> memref<78x2x128xi32, #tpu.memory_space<hbm>>
    %dma_start3A_46 = arith.constant 0 : i32
    %dma_start3A_47 = arith.constant 0 : i32
    %dma_start3A_48 = tpu.memref_slice %dma_start3A_45[%dma_start3A_40, %dma_start3A_46, %dma_start3A_47] : memref<78x2x128xi32, #tpu.memory_space<hbm>> -> memref<1x2x128xi32, #tpu.memory_space<hbm>>
    %dma_start3A_49 = tpu.memref_squeeze %dma_start3A_48 : memref<1x2x128xi32, #tpu.memory_space<hbm>> -> memref<2x128xi32, #tpu.memory_space<hbm>>
    %dma_start3A_50 = arith.constant 0 : i32
    %dma_start3A_51 = arith.constant 0 : i32
    %dma_start3A_52 = arith.constant 0 : i32
    %dma_start3A_53 = tpu.memref_slice %arg3[%add3A, %dma_start3A_50, %dma_start3A_51, %dma_start3A_52] : memref<32x78x2x128xi32, #tpu.memory_space<hbm>> -> memref<1x78x2x128xi32, #tpu.memory_space<hbm>>
    %dma_start3A_54 = tpu.memref_squeeze %dma_start3A_53 : memref<1x78x2x128xi32, #tpu.memory_space<hbm>> -> memref<78x2x128xi32, #tpu.memory_space<hbm>>
    %dma_start3A_55 = arith.constant 0 : i32
    %dma_start3A_56 = arith.constant 0 : i32
    %dma_start3A_57 = tpu.memref_slice %dma_start3A_54[%dma_start3A_40, %dma_start3A_55, %dma_start3A_56] : memref<78x2x128xi32, #tpu.memory_space<hbm>> -> memref<1x2x128xi32, #tpu.memory_space<hbm>>
    %dma_start3A_58 = tpu.memref_squeeze %dma_start3A_57 : memref<1x2x128xi32, #tpu.memory_space<hbm>> -> memref<2x128xi32, #tpu.memory_space<hbm>>
    tpu.enqueue_dma source(%dma_start3A_58 : memref<2x128xi32, #tpu.memory_space<hbm>>) target(%arg12 : memref<2x128xi32, #tpu.memory_space<vmem>>) target_semaphore(%arg18 : memref<!tpu.dma_semaphore, #tpu.memory_space<semaphore_mem>>)
    %broadcast_in_dim3A = arith.constant 0.000000e+00 : f32
    %broadcast_in_dim3A_59 = vector.broadcast %broadcast_in_dim3A : f32 to vector<16xf32>
    %scan3A = arith.constant 0 : i32
    %scan3A_60 = arith.constant 0 : i32
    %scan3A_61 = arith.constant 128 : i32
    %scan3A_62 = arith.addi %scan3A_60, %scan3A_61 : i32
    %scan3A_63 = arith.constant 1 : i32
    scf.for %scan3A_432 = %scan3A_60 to %scan3A_62 step %scan3A_63  : i32 {
      %swap3A = arith.index_cast %scan3A_432 : i32 to index
      %swap3A_433 = arith.constant 0 : index
      %swap3A_434 = tpu.vector_load %arg9[%swap3A, %swap3A_433] {strides = array<i32>} : memref<128x128xf32, #tpu.memory_space<vmem>>, vector<1x16xf32>,
      %swap3A_435 = vector.shape_cast %swap3A_434 : vector<1x16xf32> to vector<16xf32>
      %swap3A_436 = vector.shape_cast %broadcast_in_dim3A_59 : vector<16xf32> to vector<1x16xf32>
      tpu.vector_store %arg9[%swap3A, %swap3A_433], %swap3A_436 {strides = array<i32>} : memref<128x128xf32, #tpu.memory_space<vmem>>, vector<1x16xf32>,
      %swap3A_437 = arith.index_cast %scan3A_432 : i32 to index
      %swap3A_438 = arith.constant 16 : index
      %swap3A_439 = tpu.vector_load %arg9[%swap3A_437, %swap3A_438] {strides = array<i32>} : memref<128x128xf32, #tpu.memory_space<vmem>>, vector<1x16xf32>,
      %swap3A_440 = vector.shape_cast %swap3A_439 : vector<1x16xf32> to vector<16xf32>
      %swap3A_441 = vector.shape_cast %broadcast_in_dim3A_59 : vector<16xf32> to vector<1x16xf32>
      tpu.vector_store %arg9[%swap3A_437, %swap3A_438], %swap3A_441 {strides = array<i32>} : memref<128x128xf32, #tpu.memory_space<vmem>>, vector<1x16xf32>,
      %swap3A_442 = arith.index_cast %scan3A_432 : i32 to index
      %swap3A_443 = arith.constant 32 : index
      %swap3A_444 = tpu.vector_load %arg9[%swap3A_442, %swap3A_443] {strides = array<i32>} : memref<128x128xf32, #tpu.memory_space<vmem>>, vector<1x16xf32>,
      %swap3A_445 = vector.shape_cast %swap3A_444 : vector<1x16xf32> to vector<16xf32>
      %swap3A_446 = vector.shape_cast %broadcast_in_dim3A_59 : vector<16xf32> to vector<1x16xf32>
      tpu.vector_store %arg9[%swap3A_442, %swap3A_443], %swap3A_446 {strides = array<i32>} : memref<128x128xf32, #tpu.memory_space<vmem>>, vector<1x16xf32>,
      %swap3A_447 = arith.index_cast %scan3A_432 : i32 to index
      %swap3A_448 = arith.constant 48 : index
      %swap3A_449 = tpu.vector_load %arg9[%swap3A_447, %swap3A_448] {strides = array<i32>} : memref<128x128xf32, #tpu.memory_space<vmem>>, vector<1x16xf32>,
      %swap3A_450 = vector.shape_cast %swap3A_449 : vector<1x16xf32> to vector<16xf32>
      %swap3A_451 = vector.shape_cast %broadcast_in_dim3A_59 : vector<16xf32> to vector<1x16xf32>
      tpu.vector_store %arg9[%swap3A_447, %swap3A_448], %swap3A_451 {strides = array<i32>} : memref<128x128xf32, #tpu.memory_space<vmem>>, vector<1x16xf32>,
      %swap3A_452 = arith.index_cast %scan3A_432 : i32 to index
      %swap3A_453 = arith.constant 64 : index
      %swap3A_454 = tpu.vector_load %arg9[%swap3A_452, %swap3A_453] {strides = array<i32>} : memref<128x128xf32, #tpu.memory_space<vmem>>, vector<1x16xf32>,
      %swap3A_455 = vector.shape_cast %swap3A_454 : vector<1x16xf32> to vector<16xf32>
      %swap3A_456 = vector.shape_cast %broadcast_in_dim3A_59 : vector<16xf32> to vector<1x16xf32>
      tpu.vector_store %arg9[%swap3A_452, %swap3A_453], %swap3A_456 {strides = array<i32>} : memref<128x128xf32, #tpu.memory_space<vmem>>, vector<1x16xf32>,
      %swap3A_457 = arith.index_cast %scan3A_432 : i32 to index
      %swap3A_458 = arith.constant 80 : index
      %swap3A_459 = tpu.vector_load %arg9[%swap3A_457, %swap3A_458] {strides = array<i32>} : memref<128x128xf32, #tpu.memory_space<vmem>>, vector<1x16xf32>,
      %swap3A_460 = vector.shape_cast %swap3A_459 : vector<1x16xf32> to vector<16xf32>
      %swap3A_461 = vector.shape_cast %broadcast_in_dim3A_59 : vector<16xf32> to vector<1x16xf32>
      tpu.vector_store %arg9[%swap3A_457, %swap3A_458], %swap3A_461 {strides = array<i32>} : memref<128x128xf32, #tpu.memory_space<vmem>>, vector<1x16xf32>,
      %swap3A_462 = arith.index_cast %scan3A_432 : i32 to index
      %swap3A_463 = arith.constant 96 : index
      %swap3A_464 = tpu.vector_load %arg9[%swap3A_462, %swap3A_463] {strides = array<i32>} : memref<128x128xf32, #tpu.memory_space<vmem>>, vector<1x16xf32>,
      %swap3A_465 = vector.shape_cast %swap3A_464 : vector<1x16xf32> to vector<16xf32>
      %swap3A_466 = vector.shape_cast %broadcast_in_dim3A_59 : vector<16xf32> to vector<1x16xf32>
      tpu.vector_store %arg9[%swap3A_462, %swap3A_463], %swap3A_466 {strides = array<i32>} : memref<128x128xf32, #tpu.memory_space<vmem>>, vector<1x16xf32>,
      %swap3A_467 = arith.index_cast %scan3A_432 : i32 to index
      %swap3A_468 = arith.constant 112 : index
      %swap3A_469 = tpu.vector_load %arg9[%swap3A_467, %swap3A_468] {strides = array<i32>} : memref<128x128xf32, #tpu.memory_space<vmem>>, vector<1x16xf32>,
      %swap3A_470 = vector.shape_cast %swap3A_469 : vector<1x16xf32> to vector<16xf32>
      %swap3A_471 = vector.shape_cast %broadcast_in_dim3A_59 : vector<16xf32> to vector<1x16xf32>
      tpu.vector_store %arg9[%swap3A_467, %swap3A_468], %swap3A_471 {strides = array<i32>} : memref<128x128xf32, #tpu.memory_space<vmem>>, vector<1x16xf32>,
    }
    %scan3A_64 = arith.constant 128 : i32
    %add3A_65 = arith.constant 0 : i32
    %add3A_66 = arith.addi %mul3A_2, %add3A_65 : i32
    "tpu.region"() ({
      %run_scoped3A = tpu.sem_alloc : memref<!tpu.dma_semaphore, #tpu.memory_space<semaphore_mem>>
      %dma_start3A_432 = arith.constant 0 : i32
      %dma_start3A_433 = tpu.memref_slice %arg7[%add3A_66, %dma_start3A_432] : memref<10240x128xf32, #tpu.memory_space<vmem_shared>> -> memref<128x128xf32, #tpu.memory_space<vmem_shared>>
      %dma_start3A_434 = arith.constant 0 : i32
      %dma_start3A_435 = tpu.memref_slice %arg7[%add3A_66, %dma_start3A_434] : memref<10240x128xf32, #tpu.memory_space<vmem_shared>> -> memref<128x128xf32, #tpu.memory_space<vmem_shared>>
      tpu.enqueue_dma source(%arg9 : memref<128x128xf32, #tpu.memory_space<vmem>>) target(%dma_start3A_435 : memref<128x128xf32, #tpu.memory_space<vmem_shared>>) target_semaphore(%run_scoped3A : memref<!tpu.dma_semaphore, #tpu.memory_space<semaphore_mem>>)
      %dma_wait3A_436 = arith.constant 0 : i32
      %dma_wait3A_437 = tpu.memref_slice %arg7[%add3A_66, %dma_wait3A_436] : memref<10240x128xf32, #tpu.memory_space<vmem_shared>> -> memref<128x128xf32, #tpu.memory_space<vmem_shared>>
      %dma_wait3A_438 = arith.constant 0 : i32
      %dma_wait3A_439 = tpu.memref_slice %arg7[%add3A_66, %dma_wait3A_438] : memref<10240x128xf32, #tpu.memory_space<vmem_shared>> -> memref<128x128xf32, #tpu.memory_space<vmem_shared>>
      tpu.wait_dma2 semaphore(%run_scoped3A : memref<!tpu.dma_semaphore, #tpu.memory_space<semaphore_mem>>) src(%arg9 : memref<128x128xf32, #tpu.memory_space<vmem>>) dst(%dma_wait3A_439 : memref<128x128xf32, #tpu.memory_space<vmem_shared>>)
      tpu.yield
    }) : () -> ()
    %add3A_67 = arith.constant 128 : i32
    %add3A_68 = arith.addi %mul3A_2, %add3A_67 : i32
    "tpu.region"() ({
      %run_scoped3A = tpu.sem_alloc : memref<!tpu.dma_semaphore, #tpu.memory_space<semaphore_mem>>
      %dma_start3A_432 = arith.constant 0 : i32
      %dma_start3A_433 = tpu.memref_slice %arg7[%add3A_68, %dma_start3A_432] : memref<10240x128xf32, #tpu.memory_space<vmem_shared>> -> memref<128x128xf32, #tpu.memory_space<vmem_shared>>
      %dma_start3A_434 = arith.constant 0 : i32
      %dma_start3A_435 = tpu.memref_slice %arg7[%add3A_68, %dma_start3A_434] : memref<10240x128xf32, #tpu.memory_space<vmem_shared>> -> memref<128x128xf32, #tpu.memory_space<vmem_shared>>
      tpu.enqueue_dma source(%arg9 : memref<128x128xf32, #tpu.memory_space<vmem>>) target(%dma_start3A_435 : memref<128x128xf32, #tpu.memory_space<vmem_shared>>) target_semaphore(%run_scoped3A : memref<!tpu.dma_semaphore, #tpu.memory_space<semaphore_mem>>)
      %dma_wait3A_436 = arith.constant 0 : i32
      %dma_wait3A_437 = tpu.memref_slice %arg7[%add3A_68, %dma_wait3A_436] : memref<10240x128xf32, #tpu.memory_space<vmem_shared>> -> memref<128x128xf32, #tpu.memory_space<vmem_shared>>
      %dma_wait3A_438 = arith.constant 0 : i32
      %dma_wait3A_439 = tpu.memref_slice %arg7[%add3A_68, %dma_wait3A_438] : memref<10240x128xf32, #tpu.memory_space<vmem_shared>> -> memref<128x128xf32, #tpu.memory_space<vmem_shared>>
      tpu.wait_dma2 semaphore(%run_scoped3A : memref<!tpu.dma_semaphore, #tpu.memory_space<semaphore_mem>>) src(%arg9 : memref<128x128xf32, #tpu.memory_space<vmem>>) dst(%dma_wait3A_439 : memref<128x128xf32, #tpu.memory_space<vmem_shared>>)
      tpu.yield
    }) : () -> ()
    %add3A_69 = arith.constant 256 : i32
    %add3A_70 = arith.addi %mul3A_2, %add3A_69 : i32
    "tpu.region"() ({
      %run_scoped3A = tpu.sem_alloc : memref<!tpu.dma_semaphore, #tpu.memory_space<semaphore_mem>>
      %dma_start3A_432 = arith.constant 0 : i32
      %dma_start3A_433 = tpu.memref_slice %arg7[%add3A_70, %dma_start3A_432] : memref<10240x128xf32, #tpu.memory_space<vmem_shared>> -> memref<128x128xf32, #tpu.memory_space<vmem_shared>>
      %dma_start3A_434 = arith.constant 0 : i32
      %dma_start3A_435 = tpu.memref_slice %arg7[%add3A_70, %dma_start3A_434] : memref<10240x128xf32, #tpu.memory_space<vmem_shared>> -> memref<128x128xf32, #tpu.memory_space<vmem_shared>>
      tpu.enqueue_dma source(%arg9 : memref<128x128xf32, #tpu.memory_space<vmem>>) target(%dma_start3A_435 : memref<128x128xf32, #tpu.memory_space<vmem_shared>>) target_semaphore(%run_scoped3A : memref<!tpu.dma_semaphore, #tpu.memory_space<semaphore_mem>>)
      %dma_wait3A_436 = arith.constant 0 : i32
      %dma_wait3A_437 = tpu.memref_slice %arg7[%add3A_70, %dma_wait3A_436] : memref<10240x128xf32, #tpu.memory_space<vmem_shared>> -> memref<128x128xf32, #tpu.memory_space<vmem_shared>>
      %dma_wait3A_438 = arith.constant 0 : i32
      %dma_wait3A_439 = tpu.memref_slice %arg7[%add3A_70, %dma_wait3A_438] : memref<10240x128xf32, #tpu.memory_space<vmem_shared>> -> memref<128x128xf32, #tpu.memory_space<vmem_shared>>
      tpu.wait_dma2 semaphore(%run_scoped3A : memref<!tpu.dma_semaphore, #tpu.memory_space<semaphore_mem>>) src(%arg9 : memref<128x128xf32, #tpu.memory_space<vmem>>) dst(%dma_wait3A_439 : memref<128x128xf32, #tpu.memory_space<vmem_shared>>)
      tpu.yield
    }) : () -> ()
    %add3A_71 = arith.constant 384 : i32
    %add3A_72 = arith.addi %mul3A_2, %add3A_71 : i32
    "tpu.region"() ({
      %run_scoped3A = tpu.sem_alloc : memref<!tpu.dma_semaphore, #tpu.memory_space<semaphore_mem>>
      %dma_start3A_432 = arith.constant 0 : i32
      %dma_start3A_433 = tpu.memref_slice %arg7[%add3A_72, %dma_start3A_432] : memref<10240x128xf32, #tpu.memory_space<vmem_shared>> -> memref<128x128xf32, #tpu.memory_space<vmem_shared>>
      %dma_start3A_434 = arith.constant 0 : i32
      %dma_start3A_435 = tpu.memref_slice %arg7[%add3A_72, %dma_start3A_434] : memref<10240x128xf32, #tpu.memory_space<vmem_shared>> -> memref<128x128xf32, #tpu.memory_space<vmem_shared>>
      tpu.enqueue_dma source(%arg9 : memref<128x128xf32, #tpu.memory_space<vmem>>) target(%dma_start3A_435 : memref<128x128xf32, #tpu.memory_space<vmem_shared>>) target_semaphore(%run_scoped3A : memref<!tpu.dma_semaphore, #tpu.memory_space<semaphore_mem>>)
      %dma_wait3A_436 = arith.constant 0 : i32
      %dma_wait3A_437 = tpu.memref_slice %arg7[%add3A_72, %dma_wait3A_436] : memref<10240x128xf32, #tpu.memory_space<vmem_shared>> -> memref<128x128xf32, #tpu.memory_space<vmem_shared>>
      %dma_wait3A_438 = arith.constant 0 : i32
      %dma_wait3A_439 = tpu.memref_slice %arg7[%add3A_72, %dma_wait3A_438] : memref<10240x128xf32, #tpu.memory_space<vmem_shared>> -> memref<128x128xf32, #tpu.memory_space<vmem_shared>>
      tpu.wait_dma2 semaphore(%run_scoped3A : memref<!tpu.dma_semaphore, #tpu.memory_space<semaphore_mem>>) src(%arg9 : memref<128x128xf32, #tpu.memory_space<vmem>>) dst(%dma_wait3A_439 : memref<128x128xf32, #tpu.memory_space<vmem_shared>>)
      tpu.yield
    }) : () -> ()
    %add3A_73 = arith.constant 512 : i32
    %add3A_74 = arith.addi %mul3A_2, %add3A_73 : i32
    "tpu.region"() ({
      %run_scoped3A = tpu.sem_alloc : memref<!tpu.dma_semaphore, #tpu.memory_space<semaphore_mem>>
      %dma_start3A_432 = arith.constant 0 : i32
      %dma_start3A_433 = tpu.memref_slice %arg7[%add3A_74, %dma_start3A_432] : memref<10240x128xf32, #tpu.memory_space<vmem_shared>> -> memref<128x128xf32, #tpu.memory_space<vmem_shared>>
      %dma_start3A_434 = arith.constant 0 : i32
      %dma_start3A_435 = tpu.memref_slice %arg7[%add3A_74, %dma_start3A_434] : memref<10240x128xf32, #tpu.memory_space<vmem_shared>> -> memref<128x128xf32, #tpu.memory_space<vmem_shared>>
      tpu.enqueue_dma source(%arg9 : memref<128x128xf32, #tpu.memory_space<vmem>>) target(%dma_start3A_435 : memref<128x128xf32, #tpu.memory_space<vmem_shared>>) target_semaphore(%run_scoped3A : memref<!tpu.dma_semaphore, #tpu.memory_space<semaphore_mem>>)
      %dma_wait3A_436 = arith.constant 0 : i32
      %dma_wait3A_437 = tpu.memref_slice %arg7[%add3A_74, %dma_wait3A_436] : memref<10240x128xf32, #tpu.memory_space<vmem_shared>> -> memref<128x128xf32, #tpu.memory_space<vmem_shared>>
      %dma_wait3A_438 = arith.constant 0 : i32
      %dma_wait3A_439 = tpu.memref_slice %arg7[%add3A_74, %dma_wait3A_438] : memref<10240x128xf32, #tpu.memory_space<vmem_shared>> -> memref<128x128xf32, #tpu.memory_space<vmem_shared>>
      tpu.wait_dma2 semaphore(%run_scoped3A : memref<!tpu.dma_semaphore, #tpu.memory_space<semaphore_mem>>) src(%arg9 : memref<128x128xf32, #tpu.memory_space<vmem>>) dst(%dma_wait3A_439 : memref<128x128xf32, #tpu.memory_space<vmem_shared>>)
      tpu.yield
    }) : () -> ()
    %dma_wait3A = arith.constant 0 : i32
    %dma_wait3A_75 = arith.constant 0 : i32
    %dma_wait3A_76 = arith.constant 0 : i32
    %dma_wait3A_77 = arith.constant 0 : i32
    %dma_wait3A_78 = tpu.memref_slice %arg3[%add3A, %dma_wait3A_75, %dma_wait3A_76, %dma_wait3A_77] : memref<32x78x2x128xi32, #tpu.memory_space<hbm>> -> memref<1x78x2x128xi32, #tpu.memory_space<hbm>>
    %dma_wait3A_79 = tpu.memref_squeeze %dma_wait3A_78 : memref<1x78x2x128xi32, #tpu.memory_space<hbm>> -> memref<78x2x128xi32, #tpu.memory_space<hbm>>
    %dma_wait3A_80 = arith.constant 0 : i32
    %dma_wait3A_81 = arith.constant 0 : i32
    %dma_wait3A_82 = tpu.memref_slice %dma_wait3A_79[%dma_wait3A, %dma_wait3A_80, %dma_wait3A_81] : memref<78x2x128xi32, #tpu.memory_space<hbm>> -> memref<1x2x128xi32, #tpu.memory_space<hbm>>
    %dma_wait3A_83 = tpu.memref_squeeze %dma_wait3A_82 : memref<1x2x128xi32, #tpu.memory_space<hbm>> -> memref<2x128xi32, #tpu.memory_space<hbm>>
    %dma_wait3A_84 = arith.constant 0 : i32
    %dma_wait3A_85 = arith.constant 0 : i32
    %dma_wait3A_86 = arith.constant 0 : i32
    %dma_wait3A_87 = tpu.memref_slice %arg3[%add3A, %dma_wait3A_84, %dma_wait3A_85, %dma_wait3A_86] : memref<32x78x2x128xi32, #tpu.memory_space<hbm>> -> memref<1x78x2x128xi32, #tpu.memory_space<hbm>>
    %dma_wait3A_88 = tpu.memref_squeeze %dma_wait3A_87 : memref<1x78x2x128xi32, #tpu.memory_space<hbm>> -> memref<78x2x128xi32, #tpu.memory_space<hbm>>
    %dma_wait3A_89 = arith.constant 0 : i32
    %dma_wait3A_90 = arith.constant 0 : i32
    %dma_wait3A_91 = tpu.memref_slice %dma_wait3A_88[%dma_wait3A, %dma_wait3A_89, %dma_wait3A_90] : memref<78x2x128xi32, #tpu.memory_space<hbm>> -> memref<1x2x128xi32, #tpu.memory_space<hbm>>
    %dma_wait3A_92 = tpu.memref_squeeze %dma_wait3A_91 : memref<1x2x128xi32, #tpu.memory_space<hbm>> -> memref<2x128xi32, #tpu.memory_space<hbm>>
    tpu.wait_dma2 semaphore(%arg16 : memref<!tpu.dma_semaphore, #tpu.memory_space<semaphore_mem>>) src(%dma_wait3A_92 : memref<2x128xi32, #tpu.memory_space<hbm>>) dst(%arg10 : memref<2x128xi32, #tpu.memory_space<vmem>>)
    %dma_start3A_93 = arith.constant 0 : i32
    %dma_start3A_94 = arith.constant 0 : i32
    %dma_start3A_95 = tpu.memref_slice %arg10[%dma_start3A_93, %dma_start3A_94] : memref<2x128xi32, #tpu.memory_space<vmem>> -> memref<1x128xi32, #tpu.memory_space<vmem>>
    %dma_start3A_96 = tpu.memref_squeeze %dma_start3A_95 : memref<1x128xi32, #tpu.memory_space<vmem>> -> memref<128xi32, #tpu.memory_space<vmem>>
    %dma_start3A_97 = arith.constant 0 : i32
    %dma_start3A_98 = arith.constant 0 : i32
    %dma_start3A_99 = tpu.memref_slice %arg2[%dma_start3A_97, %dma_start3A_98] : memref<10240x128xf32, #tpu.memory_space<hbm>> -> memref<10240x128xf32, #tpu.memory_space<hbm>>
    tpu.enqueue_indirect_dma source(%dma_start3A_99 : memref<10240x128xf32, #tpu.memory_space<hbm>>) target(%arg8 : memref<128x128xf32, #tpu.memory_space<vmem>>) offsets(%dma_start3A_96 : memref<128xi32, #tpu.memory_space<vmem>>) semaphore(%arg20 : memref<!tpu.dma_semaphore, #tpu.memory_space<semaphore_mem>>)
    %barrier3A = arith.constant 0 : index
    tpu.barrier barrier_id(%barrier3A)
    %dma_wait3A_100 = arith.constant 1 : i32
    %dma_wait3A_101 = arith.constant 0 : i32
    %dma_wait3A_102 = arith.constant 0 : i32
    %dma_wait3A_103 = arith.constant 0 : i32
    %dma_wait3A_104 = tpu.memref_slice %arg3[%add3A, %dma_wait3A_101, %dma_wait3A_102, %dma_wait3A_103] : memref<32x78x2x128xi32, #tpu.memory_space<hbm>> -> memref<1x78x2x128xi32, #tpu.memory_space<hbm>>
    %dma_wait3A_105 = tpu.memref_squeeze %dma_wait3A_104 : memref<1x78x2x128xi32, #tpu.memory_space<hbm>> -> memref<78x2x128xi32, #tpu.memory_space<hbm>>
    %dma_wait3A_106 = arith.constant 0 : i32
    %dma_wait3A_107 = arith.constant 0 : i32
    %dma_wait3A_108 = tpu.memref_slice %dma_wait3A_105[%dma_wait3A_100, %dma_wait3A_106, %dma_wait3A_107] : memref<78x2x128xi32, #tpu.memory_space<hbm>> -> memref<1x2x128xi32, #tpu.memory_space<hbm>>
    %dma_wait3A_109 = tpu.memref_squeeze %dma_wait3A_108 : memref<1x2x128xi32, #tpu.memory_space<hbm>> -> memref<2x128xi32, #tpu.memory_space<hbm>>
    %dma_wait3A_110 = arith.constant 0 : i32
    %dma_wait3A_111 = arith.constant 0 : i32
    %dma_wait3A_112 = arith.constant 0 : i32
    %dma_wait3A_113 = tpu.memref_slice %arg3[%add3A, %dma_wait3A_110, %dma_wait3A_111, %dma_wait3A_112] : memref<32x78x2x128xi32, #tpu.memory_space<hbm>> -> memref<1x78x2x128xi32, #tpu.memory_space<hbm>>
    %dma_wait3A_114 = tpu.memref_squeeze %dma_wait3A_113 : memref<1x78x2x128xi32, #tpu.memory_space<hbm>> -> memref<78x2x128xi32, #tpu.memory_space<hbm>>
    %dma_wait3A_115 = arith.constant 0 : i32
    %dma_wait3A_116 = arith.constant 0 : i32
    %dma_wait3A_117 = tpu.memref_slice %dma_wait3A_114[%dma_wait3A_100, %dma_wait3A_115, %dma_wait3A_116] : memref<78x2x128xi32, #tpu.memory_space<hbm>> -> memref<1x2x128xi32, #tpu.memory_space<hbm>>
    %dma_wait3A_118 = tpu.memref_squeeze %dma_wait3A_117 : memref<1x2x128xi32, #tpu.memory_space<hbm>> -> memref<2x128xi32, #tpu.memory_space<hbm>>
    tpu.wait_dma2 semaphore(%arg17 : memref<!tpu.dma_semaphore, #tpu.memory_space<semaphore_mem>>) src(%dma_wait3A_118 : memref<2x128xi32, #tpu.memory_space<hbm>>) dst(%arg11 : memref<2x128xi32, #tpu.memory_space<vmem>>)
    %dma_start3A_119 = arith.constant 0 : i32
    %dma_start3A_120 = arith.constant 0 : i32
    %dma_start3A_121 = tpu.memref_slice %arg11[%dma_start3A_119, %dma_start3A_120] : memref<2x128xi32, #tpu.memory_space<vmem>> -> memref<1x128xi32, #tpu.memory_space<vmem>>
    %dma_start3A_122 = tpu.memref_squeeze %dma_start3A_121 : memref<1x128xi32, #tpu.memory_space<vmem>> -> memref<128xi32, #tpu.memory_space<vmem>>
    %dma_start3A_123 = arith.constant 0 : i32
    %dma_start3A_124 = arith.constant 0 : i32
    %dma_start3A_125 = tpu.memref_slice %arg2[%dma_start3A_123, %dma_start3A_124] : memref<10240x128xf32, #tpu.memory_space<hbm>> -> memref<10240x128xf32, #tpu.memory_space<hbm>>
    tpu.enqueue_indirect_dma source(%dma_start3A_125 : memref<10240x128xf32, #tpu.memory_space<hbm>>) target(%arg9 : memref<128x128xf32, #tpu.memory_space<vmem>>) offsets(%dma_start3A_122 : memref<128xi32, #tpu.memory_space<vmem>>) semaphore(%arg21 : memref<!tpu.dma_semaphore, #tpu.memory_space<semaphore_mem>>)
    %dma_wait3A_126 = arith.constant 0 : i32
    %dma_wait3A_127 = arith.constant 0 : i32
    %dma_wait3A_128 = tpu.memref_slice %arg10[%dma_wait3A_126, %dma_wait3A_127] : memref<2x128xi32, #tpu.memory_space<vmem>> -> memref<1x128xi32, #tpu.memory_space<vmem>>
    %dma_wait3A_129 = tpu.memref_squeeze %dma_wait3A_128 : memref<1x128xi32, #tpu.memory_space<vmem>> -> memref<128xi32, #tpu.memory_space<vmem>>
    %dma_wait3A_130 = arith.constant 0 : i32
    %dma_wait3A_131 = arith.constant 0 : i32
    %dma_wait3A_132 = tpu.memref_slice %arg2[%dma_wait3A_130, %dma_wait3A_131] : memref<10240x128xf32, #tpu.memory_space<hbm>> -> memref<10240x128xf32, #tpu.memory_space<hbm>>
    tpu.wait_indirect_dma semaphore(%arg20 : memref<!tpu.dma_semaphore, #tpu.memory_space<semaphore_mem>>) src(%dma_wait3A_132 : memref<10240x128xf32, #tpu.memory_space<hbm>>) dst(%arg8 : memref<128x128xf32, #tpu.memory_space<vmem>>)
    %dma_start3A_133 = arith.constant 1 : i32
    %dma_start3A_134 = arith.constant 0 : i32
    %dma_start3A_135 = tpu.memref_slice %arg10[%dma_start3A_133, %dma_start3A_134] : memref<2x128xi32, #tpu.memory_space<vmem>> -> memref<1x128xi32, #tpu.memory_space<vmem>>
    %dma_start3A_136 = tpu.memref_squeeze %dma_start3A_135 : memref<1x128xi32, #tpu.memory_space<vmem>> -> memref<128xi32, #tpu.memory_space<vmem>>
    %dma_start3A_137 = arith.constant 0 : i32
    %dma_start3A_138 = arith.constant 0 : i32
    %dma_start3A_139 = tpu.memref_slice %arg7[%dma_start3A_137, %dma_start3A_138] : memref<10240x128xf32, #tpu.memory_space<vmem_shared>> -> memref<10240x128xf32, #tpu.memory_space<vmem_shared>>
    tpu.enqueue_indirect_dma source(%arg8 : memref<128x128xf32, #tpu.memory_space<vmem>>) target(%dma_start3A_139 : memref<10240x128xf32, #tpu.memory_space<vmem_shared>>) offsets(%dma_start3A_136 : memref<128xi32, #tpu.memory_space<vmem>>) semaphore(%arg22 : memref<!tpu.dma_semaphore, #tpu.memory_space<semaphore_mem>>) {add = true}
    %dma_start3A_140 = arith.constant 3 : i32
    %dma_start3A_141 = arith.constant 0 : i32
    %dma_start3A_142 = arith.constant 0 : i32
    %dma_start3A_143 = arith.constant 0 : i32
    %dma_start3A_144 = tpu.memref_slice %arg3[%add3A, %dma_start3A_141, %dma_start3A_142, %dma_start3A_143] : memref<32x78x2x128xi32, #tpu.memory_space<hbm>> -> memref<1x78x2x128xi32, #tpu.memory_space<hbm>>
    %dma_start3A_145 = tpu.memref_squeeze %dma_start3A_144 : memref<1x78x2x128xi32, #tpu.memory_space<hbm>> -> memref<78x2x128xi32, #tpu.memory_space<hbm>>
    %dma_start3A_146 = arith.constant 0 : i32
    %dma_start3A_147 = arith.constant 0 : i32
    %dma_start3A_148 = tpu.memref_slice %dma_start3A_145[%dma_start3A_140, %dma_start3A_146, %dma_start3A_147] : memref<78x2x128xi32, #tpu.memory_space<hbm>> -> memref<1x2x128xi32, #tpu.memory_space<hbm>>
    %dma_start3A_149 = tpu.memref_squeeze %dma_start3A_148 : memref<1x2x128xi32, #tpu.memory_space<hbm>> -> memref<2x128xi32, #tpu.memory_space<hbm>>
    %dma_start3A_150 = arith.constant 0 : i32
    %dma_start3A_151 = arith.constant 0 : i32
    %dma_start3A_152 = arith.constant 0 : i32
    %dma_start3A_153 = tpu.memref_slice %arg3[%add3A, %dma_start3A_150, %dma_start3A_151, %dma_start3A_152] : memref<32x78x2x128xi32, #tpu.memory_space<hbm>> -> memref<1x78x2x128xi32, #tpu.memory_space<hbm>>
    %dma_start3A_154 = tpu.memref_squeeze %dma_start3A_153 : memref<1x78x2x128xi32, #tpu.memory_space<hbm>> -> memref<78x2x128xi32, #tpu.memory_space<hbm>>
    %dma_start3A_155 = arith.constant 0 : i32
    %dma_start3A_156 = arith.constant 0 : i32
    %dma_start3A_157 = tpu.memref_slice %dma_start3A_154[%dma_start3A_140, %dma_start3A_155, %dma_start3A_156] : memref<78x2x128xi32, #tpu.memory_space<hbm>> -> memref<1x2x128xi32, #tpu.memory_space<hbm>>
    %dma_start3A_158 = tpu.memref_squeeze %dma_start3A_157 : memref<1x2x128xi32, #tpu.memory_space<hbm>> -> memref<2x128xi32, #tpu.memory_space<hbm>>
    tpu.enqueue_dma source(%dma_start3A_158 : memref<2x128xi32, #tpu.memory_space<hbm>>) target(%arg13 : memref<2x128xi32, #tpu.memory_space<vmem>>) target_semaphore(%arg19 : memref<!tpu.dma_semaphore, #tpu.memory_space<semaphore_mem>>)
    %scan3A_159 = arith.constant 0 : i32
    %scan3A_160 = arith.constant 0 : i32
    %scan3A_161 = arith.constant 18 : i32
    %scan3A_162 = arith.addi %scan3A_160, %scan3A_161 : i32
    %scan3A_163 = arith.constant 1 : i32
    scf.for %scan3A_432 = %scan3A_160 to %scan3A_162 step %scan3A_163  : i32 {
      %mul3A_433 = arith.constant 4 : i32
      %mul3A_434 = arith.muli %mul3A_433, %scan3A_432 : i32
      %add3A_435 = arith.constant 1 : i32
      %add3A_436 = arith.addi %mul3A_434, %add3A_435 : i32
      %add3A_437 = arith.constant 1 : i32
      %add3A_438 = arith.addi %add3A_436, %add3A_437 : i32
      %dma_wait3A_439 = arith.constant 0 : i32
      %dma_wait3A_440 = arith.constant 0 : i32
      %dma_wait3A_441 = arith.constant 0 : i32
      %dma_wait3A_442 = tpu.memref_slice %arg3[%add3A, %dma_wait3A_439, %dma_wait3A_440, %dma_wait3A_441] : memref<32x78x2x128xi32, #tpu.memory_space<hbm>> -> memref<1x78x2x128xi32, #tpu.memory_space<hbm>>
      %dma_wait3A_443 = tpu.memref_squeeze %dma_wait3A_442 : memref<1x78x2x128xi32, #tpu.memory_space<hbm>> -> memref<78x2x128xi32, #tpu.memory_space<hbm>>
      %dma_wait3A_444 = arith.constant 0 : i32
      %dma_wait3A_445 = arith.constant 0 : i32
      %dma_wait3A_446 = tpu.memref_slice %dma_wait3A_443[%add3A_438, %dma_wait3A_444, %dma_wait3A_445] : memref<78x2x128xi32, #tpu.memory_space<hbm>> -> memref<1x2x128xi32, #tpu.memory_space<hbm>>
      %dma_wait3A_447 = tpu.memref_squeeze %dma_wait3A_446 : memref<1x2x128xi32, #tpu.memory_space<hbm>> -> memref<2x128xi32, #tpu.memory_space<hbm>>
      %dma_wait3A_448 = arith.constant 0 : i32
      %dma_wait3A_449 = arith.constant 0 : i32
      %dma_wait3A_450 = arith.constant 0 : i32
      %dma_wait3A_451 = tpu.memref_slice %arg3[%add3A, %dma_wait3A_448, %dma_wait3A_449, %dma_wait3A_450] : memref<32x78x2x128xi32, #tpu.memory_space<hbm>> -> memref<1x78x2x128xi32, #tpu.memory_space<hbm>>
      %dma_wait3A_452 = tpu.memref_squeeze %dma_wait3A_451 : memref<1x78x2x128xi32, #tpu.memory_space<hbm>> -> memref<78x2x128xi32, #tpu.memory_space<hbm>>
      %dma_wait3A_453 = arith.constant 0 : i32
      %dma_wait3A_454 = arith.constant 0 : i32
      %dma_wait3A_455 = tpu.memref_slice %dma_wait3A_452[%add3A_438, %dma_wait3A_453, %dma_wait3A_454] : memref<78x2x128xi32, #tpu.memory_space<hbm>> -> memref<1x2x128xi32, #tpu.memory_space<hbm>>
      %dma_wait3A_456 = tpu.memref_squeeze %dma_wait3A_455 : memref<1x2x128xi32, #tpu.memory_space<hbm>> -> memref<2x128xi32, #tpu.memory_space<hbm>>
      tpu.wait_dma2 semaphore(%arg18 : memref<!tpu.dma_semaphore, #tpu.memory_space<semaphore_mem>>) src(%dma_wait3A_456 : memref<2x128xi32, #tpu.memory_space<hbm>>) dst(%arg12 : memref<2x128xi32, #tpu.memory_space<vmem>>)
      %sub3A = arith.constant 1 : i32
      %sub3A_457 = arith.subi %add3A_436, %sub3A : i32
      %dma_wait3A_458 = arith.constant 1 : i32
      %dma_wait3A_459 = arith.constant 0 : i32
      %dma_wait3A_460 = tpu.memref_slice %arg10[%dma_wait3A_458, %dma_wait3A_459] : memref<2x128xi32, #tpu.memory_space<vmem>> -> memref<1x128xi32, #tpu.memory_space<vmem>>
      %dma_wait3A_461 = tpu.memref_squeeze %dma_wait3A_460 : memref<1x128xi32, #tpu.memory_space<vmem>> -> memref<128xi32, #tpu.memory_space<vmem>>
      %dma_wait3A_462 = arith.constant 0 : i32
      %dma_wait3A_463 = arith.constant 0 : i32
      %dma_wait3A_464 = tpu.memref_slice %arg7[%dma_wait3A_462, %dma_wait3A_463] : memref<10240x128xf32, #tpu.memory_space<vmem_shared>> -> memref<10240x128xf32, #tpu.memory_space<vmem_shared>>
      tpu.wait_indirect_dma semaphore(%arg22 : memref<!tpu.dma_semaphore, #tpu.memory_space<semaphore_mem>>) src(%arg8 : memref<128x128xf32, #tpu.memory_space<vmem>>) dst(%dma_wait3A_464 : memref<10240x128xf32, #tpu.memory_space<vmem_shared>>)
      %add3A_465 = arith.constant 1 : i32
      %add3A_466 = arith.addi %add3A_436, %add3A_465 : i32
      %dma_start3A_467 = arith.constant 0 : i32
      %dma_start3A_468 = arith.constant 0 : i32
      %dma_start3A_469 = tpu.memref_slice %arg12[%dma_start3A_467, %dma_start3A_468] : memref<2x128xi32, #tpu.memory_space<vmem>> -> memref<1x128xi32, #tpu.memory_space<vmem>>
      %dma_start3A_470 = tpu.memref_squeeze %dma_start3A_469 : memref<1x128xi32, #tpu.memory_space<vmem>> -> memref<128xi32, #tpu.memory_space<vmem>>
      %dma_start3A_471 = arith.constant 0 : i32
      %dma_start3A_472 = arith.constant 0 : i32
      %dma_start3A_473 = tpu.memref_slice %arg2[%dma_start3A_471, %dma_start3A_472] : memref<10240x128xf32, #tpu.memory_space<hbm>> -> memref<10240x128xf32, #tpu.memory_space<hbm>>
      tpu.enqueue_indirect_dma source(%dma_start3A_473 : memref<10240x128xf32, #tpu.memory_space<hbm>>) target(%arg8 : memref<128x128xf32, #tpu.memory_space<vmem>>) offsets(%dma_start3A_470 : memref<128xi32, #tpu.memory_space<vmem>>) semaphore(%arg20 : memref<!tpu.dma_semaphore, #tpu.memory_space<semaphore_mem>>)
      %dma_wait3A_474 = arith.constant 0 : i32
      %dma_wait3A_475 = arith.constant 0 : i32
      %dma_wait3A_476 = tpu.memref_slice %arg11[%dma_wait3A_474, %dma_wait3A_475] : memref<2x128xi32, #tpu.memory_space<vmem>> -> memref<1x128xi32, #tpu.memory_space<vmem>>
      %dma_wait3A_477 = tpu.memref_squeeze %dma_wait3A_476 : memref<1x128xi32, #tpu.memory_space<vmem>> -> memref<128xi32, #tpu.memory_space<vmem>>
      %dma_wait3A_478 = arith.constant 0 : i32
      %dma_wait3A_479 = arith.constant 0 : i32
      %dma_wait3A_480 = tpu.memref_slice %arg2[%dma_wait3A_478, %dma_wait3A_479] : memref<10240x128xf32, #tpu.memory_space<hbm>> -> memref<10240x128xf32, #tpu.memory_space<hbm>>
      tpu.wait_indirect_dma semaphore(%arg21 : memref<!tpu.dma_semaphore, #tpu.memory_space<semaphore_mem>>) src(%dma_wait3A_480 : memref<10240x128xf32, #tpu.memory_space<hbm>>) dst(%arg9 : memref<128x128xf32, #tpu.memory_space<vmem>>)
      %dma_start3A_481 = arith.constant 1 : i32
      %dma_start3A_482 = arith.constant 0 : i32
      %dma_start3A_483 = tpu.memref_slice %arg11[%dma_start3A_481, %dma_start3A_482] : memref<2x128xi32, #tpu.memory_space<vmem>> -> memref<1x128xi32, #tpu.memory_space<vmem>>
      %dma_start3A_484 = tpu.memref_squeeze %dma_start3A_483 : memref<1x128xi32, #tpu.memory_space<vmem>> -> memref<128xi32, #tpu.memory_space<vmem>>
      %dma_start3A_485 = arith.constant 0 : i32
      %dma_start3A_486 = arith.constant 0 : i32
      %dma_start3A_487 = tpu.memref_slice %arg7[%dma_start3A_485, %dma_start3A_486] : memref<10240x128xf32, #tpu.memory_space<vmem_shared>> -> memref<10240x128xf32, #tpu.memory_space<vmem_shared>>
      tpu.enqueue_indirect_dma source(%arg9 : memref<128x128xf32, #tpu.memory_space<vmem>>) target(%dma_start3A_487 : memref<10240x128xf32, #tpu.memory_space<vmem_shared>>) offsets(%dma_start3A_484 : memref<128xi32, #tpu.memory_space<vmem>>) semaphore(%arg23 : memref<!tpu.dma_semaphore, #tpu.memory_space<semaphore_mem>>) {add = true}
      %add3A_488 = arith.constant 3 : i32
      %add3A_489 = arith.addi %add3A_436, %add3A_488 : i32
      %dma_start3A_490 = arith.constant 0 : i32
      %dma_start3A_491 = arith.constant 0 : i32
      %dma_start3A_492 = arith.constant 0 : i32
      %dma_start3A_493 = tpu.memref_slice %arg3[%add3A, %dma_start3A_490, %dma_start3A_491, %dma_start3A_492] : memref<32x78x2x128xi32, #tpu.memory_space<hbm>> -> memref<1x78x2x128xi32, #tpu.memory_space<hbm>>
      %dma_start3A_494 = tpu.memref_squeeze %dma_start3A_493 : memref<1x78x2x128xi32, #tpu.memory_space<hbm>> -> memref<78x2x128xi32, #tpu.memory_space<hbm>>
      %dma_start3A_495 = arith.constant 0 : i32
      %dma_start3A_496 = arith.constant 0 : i32
      %dma_start3A_497 = tpu.memref_slice %dma_start3A_494[%add3A_489, %dma_start3A_495, %dma_start3A_496] : memref<78x2x128xi32, #tpu.memory_space<hbm>> -> memref<1x2x128xi32, #tpu.memory_space<hbm>>
      %dma_start3A_498 = tpu.memref_squeeze %dma_start3A_497 : memref<1x2x128xi32, #tpu.memory_space<hbm>> -> memref<2x128xi32, #tpu.memory_space<hbm>>
      %dma_start3A_499 = arith.constant 0 : i32
      %dma_start3A_500 = arith.constant 0 : i32
      %dma_start3A_501 = arith.constant 0 : i32
      %dma_start3A_502 = tpu.memref_slice %arg3[%add3A, %dma_start3A_499, %dma_start3A_500, %dma_start3A_501] : memref<32x78x2x128xi32, #tpu.memory_space<hbm>> -> memref<1x78x2x128xi32, #tpu.memory_space<hbm>>
      %dma_start3A_503 = tpu.memref_squeeze %dma_start3A_502 : memref<1x78x2x128xi32, #tpu.memory_space<hbm>> -> memref<78x2x128xi32, #tpu.memory_space<hbm>>
      %dma_start3A_504 = arith.constant 0 : i32
      %dma_start3A_505 = arith.constant 0 : i32
      %dma_start3A_506 = tpu.memref_slice %dma_start3A_503[%add3A_489, %dma_start3A_504, %dma_start3A_505] : memref<78x2x128xi32, #tpu.memory_space<hbm>> -> memref<1x2x128xi32, #tpu.memory_space<hbm>>
      %dma_start3A_507 = tpu.memref_squeeze %dma_start3A_506 : memref<1x2x128xi32, #tpu.memory_space<hbm>> -> memref<2x128xi32, #tpu.memory_space<hbm>>
      tpu.enqueue_dma source(%dma_start3A_507 : memref<2x128xi32, #tpu.memory_space<hbm>>) target(%arg10 : memref<2x128xi32, #tpu.memory_space<vmem>>) target_semaphore(%arg16 : memref<!tpu.dma_semaphore, #tpu.memory_space<semaphore_mem>>)
      %add3A_508 = arith.constant 1 : i32
      %add3A_509 = arith.addi %add3A_436, %add3A_508 : i32
      %add3A_510 = arith.constant 1 : i32
      %add3A_511 = arith.addi %add3A_509, %add3A_510 : i32
      %dma_wait3A_512 = arith.constant 0 : i32
      %dma_wait3A_513 = arith.constant 0 : i32
      %dma_wait3A_514 = arith.constant 0 : i32
      %dma_wait3A_515 = tpu.memref_slice %arg3[%add3A, %dma_wait3A_512, %dma_wait3A_513, %dma_wait3A_514] : memref<32x78x2x128xi32, #tpu.memory_space<hbm>> -> memref<1x78x2x128xi32, #tpu.memory_space<hbm>>
      %dma_wait3A_516 = tpu.memref_squeeze %dma_wait3A_515 : memref<1x78x2x128xi32, #tpu.memory_space<hbm>> -> memref<78x2x128xi32, #tpu.memory_space<hbm>>
      %dma_wait3A_517 = arith.constant 0 : i32
      %dma_wait3A_518 = arith.constant 0 : i32
      %dma_wait3A_519 = tpu.memref_slice %dma_wait3A_516[%add3A_511, %dma_wait3A_517, %dma_wait3A_518] : memref<78x2x128xi32, #tpu.memory_space<hbm>> -> memref<1x2x128xi32, #tpu.memory_space<hbm>>
      %dma_wait3A_520 = tpu.memref_squeeze %dma_wait3A_519 : memref<1x2x128xi32, #tpu.memory_space<hbm>> -> memref<2x128xi32, #tpu.memory_space<hbm>>
      %dma_wait3A_521 = arith.constant 0 : i32
      %dma_wait3A_522 = arith.constant 0 : i32
      %dma_wait3A_523 = arith.constant 0 : i32
      %dma_wait3A_524 = tpu.memref_slice %arg3[%add3A, %dma_wait3A_521, %dma_wait3A_522, %dma_wait3A_523] : memref<32x78x2x128xi32, #tpu.memory_space<hbm>> -> memref<1x78x2x128xi32, #tpu.memory_space<hbm>>
      %dma_wait3A_525 = tpu.memref_squeeze %dma_wait3A_524 : memref<1x78x2x128xi32, #tpu.memory_space<hbm>> -> memref<78x2x128xi32, #tpu.memory_space<hbm>>
      %dma_wait3A_526 = arith.constant 0 : i32
      %dma_wait3A_527 = arith.constant 0 : i32
      %dma_wait3A_528 = tpu.memref_slice %dma_wait3A_525[%add3A_511, %dma_wait3A_526, %dma_wait3A_527] : memref<78x2x128xi32, #tpu.memory_space<hbm>> -> memref<1x2x128xi32, #tpu.memory_space<hbm>>
      %dma_wait3A_529 = tpu.memref_squeeze %dma_wait3A_528 : memref<1x2x128xi32, #tpu.memory_space<hbm>> -> memref<2x128xi32, #tpu.memory_space<hbm>>
      tpu.wait_dma2 semaphore(%arg19 : memref<!tpu.dma_semaphore, #tpu.memory_space<semaphore_mem>>) src(%dma_wait3A_529 : memref<2x128xi32, #tpu.memory_space<hbm>>) dst(%arg13 : memref<2x128xi32, #tpu.memory_space<vmem>>)
      %sub3A_530 = arith.constant 1 : i32
      %sub3A_531 = arith.subi %add3A_509, %sub3A_530 : i32
      %dma_wait3A_532 = arith.constant 1 : i32
      %dma_wait3A_533 = arith.constant 0 : i32
      %dma_wait3A_534 = tpu.memref_slice %arg11[%dma_wait3A_532, %dma_wait3A_533] : memref<2x128xi32, #tpu.memory_space<vmem>> -> memref<1x128xi32, #tpu.memory_space<vmem>>
      %dma_wait3A_535 = tpu.memref_squeeze %dma_wait3A_534 : memref<1x128xi32, #tpu.memory_space<vmem>> -> memref<128xi32, #tpu.memory_space<vmem>>
      %dma_wait3A_536 = arith.constant 0 : i32
      %dma_wait3A_537 = arith.constant 0 : i32
      %dma_wait3A_538 = tpu.memref_slice %arg7[%dma_wait3A_536, %dma_wait3A_537] : memref<10240x128xf32, #tpu.memory_space<vmem_shared>> -> memref<10240x128xf32, #tpu.memory_space<vmem_shared>>
      tpu.wait_indirect_dma semaphore(%arg23 : memref<!tpu.dma_semaphore, #tpu.memory_space<semaphore_mem>>) src(%arg9 : memref<128x128xf32, #tpu.memory_space<vmem>>) dst(%dma_wait3A_538 : memref<10240x128xf32, #tpu.memory_space<vmem_shared>>)
      %add3A_539 = arith.constant 1 : i32
      %add3A_540 = arith.addi %add3A_509, %add3A_539 : i32
      %dma_start3A_541 = arith.constant 0 : i32
      %dma_start3A_542 = arith.constant 0 : i32
      %dma_start3A_543 = tpu.memref_slice %arg13[%dma_start3A_541, %dma_start3A_542] : memref<2x128xi32, #tpu.memory_space<vmem>> -> memref<1x128xi32, #tpu.memory_space<vmem>>
      %dma_start3A_544 = tpu.memref_squeeze %dma_start3A_543 : memref<1x128xi32, #tpu.memory_space<vmem>> -> memref<128xi32, #tpu.memory_space<vmem>>
      %dma_start3A_545 = arith.constant 0 : i32
      %dma_start3A_546 = arith.constant 0 : i32
      %dma_start3A_547 = tpu.memref_slice %arg2[%dma_start3A_545, %dma_start3A_546] : memref<10240x128xf32, #tpu.memory_space<hbm>> -> memref<10240x128xf32, #tpu.memory_space<hbm>>
      tpu.enqueue_indirect_dma source(%dma_start3A_547 : memref<10240x128xf32, #tpu.memory_space<hbm>>) target(%arg9 : memref<128x128xf32, #tpu.memory_space<vmem>>) offsets(%dma_start3A_544 : memref<128xi32, #tpu.memory_space<vmem>>) semaphore(%arg21 : memref<!tpu.dma_semaphore, #tpu.memory_space<semaphore_mem>>)
      %dma_wait3A_548 = arith.constant 0 : i32
      %dma_wait3A_549 = arith.constant 0 : i32
      %dma_wait3A_550 = tpu.memref_slice %arg12[%dma_wait3A_548, %dma_wait3A_549] : memref<2x128xi32, #tpu.memory_space<vmem>> -> memref<1x128xi32, #tpu.memory_space<vmem>>
      %dma_wait3A_551 = tpu.memref_squeeze %dma_wait3A_550 : memref<1x128xi32, #tpu.memory_space<vmem>> -> memref<128xi32, #tpu.memory_space<vmem>>
      %dma_wait3A_552 = arith.constant 0 : i32
      %dma_wait3A_553 = arith.constant 0 : i32
      %dma_wait3A_554 = tpu.memref_slice %arg2[%dma_wait3A_552, %dma_wait3A_553] : memref<10240x128xf32, #tpu.memory_space<hbm>> -> memref<10240x128xf32, #tpu.memory_space<hbm>>
      tpu.wait_indirect_dma semaphore(%arg20 : memref<!tpu.dma_semaphore, #tpu.memory_space<semaphore_mem>>) src(%dma_wait3A_554 : memref<10240x128xf32, #tpu.memory_space<hbm>>) dst(%arg8 : memref<128x128xf32, #tpu.memory_space<vmem>>)
      %dma_start3A_555 = arith.constant 1 : i32
      %dma_start3A_556 = arith.constant 0 : i32
      %dma_start3A_557 = tpu.memref_slice %arg12[%dma_start3A_555, %dma_start3A_556] : memref<2x128xi32, #tpu.memory_space<vmem>> -> memref<1x128xi32, #tpu.memory_space<vmem>>
      %dma_start3A_558 = tpu.memref_squeeze %dma_start3A_557 : memref<1x128xi32, #tpu.memory_space<vmem>> -> memref<128xi32, #tpu.memory_space<vmem>>
      %dma_start3A_559 = arith.constant 0 : i32
      %dma_start3A_560 = arith.constant 0 : i32
      %dma_start3A_561 = tpu.memref_slice %arg7[%dma_start3A_559, %dma_start3A_560] : memref<10240x128xf32, #tpu.memory_space<vmem_shared>> -> memref<10240x128xf32, #tpu.memory_space<vmem_shared>>
      tpu.enqueue_indirect_dma source(%arg8 : memref<128x128xf32, #tpu.memory_space<vmem>>) target(%dma_start3A_561 : memref<10240x128xf32, #tpu.memory_space<vmem_shared>>) offsets(%dma_start3A_558 : memref<128xi32, #tpu.memory_space<vmem>>) semaphore(%arg22 : memref<!tpu.dma_semaphore, #tpu.memory_space<semaphore_mem>>) {add = true}
      %add3A_562 = arith.constant 3 : i32
      %add3A_563 = arith.addi %add3A_509, %add3A_562 : i32
      %dma_start3A_564 = arith.constant 0 : i32
      %dma_start3A_565 = arith.constant 0 : i32
      %dma_start3A_566 = arith.constant 0 : i32
      %dma_start3A_567 = tpu.memref_slice %arg3[%add3A, %dma_start3A_564, %dma_start3A_565, %dma_start3A_566] : memref<32x78x2x128xi32, #tpu.memory_space<hbm>> -> memref<1x78x2x128xi32, #tpu.memory_space<hbm>>
      %dma_start3A_568 = tpu.memref_squeeze %dma_start3A_567 : memref<1x78x2x128xi32, #tpu.memory_space<hbm>> -> memref<78x2x128xi32, #tpu.memory_space<hbm>>
      %dma_start3A_569 = arith.constant 0 : i32
      %dma_start3A_570 = arith.constant 0 : i32
      %dma_start3A_571 = tpu.memref_slice %dma_start3A_568[%add3A_563, %dma_start3A_569, %dma_start3A_570] : memref<78x2x128xi32, #tpu.memory_space<hbm>> -> memref<1x2x128xi32, #tpu.memory_space<hbm>>
      %dma_start3A_572 = tpu.memref_squeeze %dma_start3A_571 : memref<1x2x128xi32, #tpu.memory_space<hbm>> -> memref<2x128xi32, #tpu.memory_space<hbm>>
      %dma_start3A_573 = arith.constant 0 : i32
      %dma_start3A_574 = arith.constant 0 : i32
      %dma_start3A_575 = arith.constant 0 : i32
      %dma_start3A_576 = tpu.memref_slice %arg3[%add3A, %dma_start3A_573, %dma_start3A_574, %dma_start3A_575] : memref<32x78x2x128xi32, #tpu.memory_space<hbm>> -> memref<1x78x2x128xi32, #tpu.memory_space<hbm>>
      %dma_start3A_577 = tpu.memref_squeeze %dma_start3A_576 : memref<1x78x2x128xi32, #tpu.memory_space<hbm>> -> memref<78x2x128xi32, #tpu.memory_space<hbm>>
      %dma_start3A_578 = arith.constant 0 : i32
      %dma_start3A_579 = arith.constant 0 : i32
      %dma_start3A_580 = tpu.memref_slice %dma_start3A_577[%add3A_563, %dma_start3A_578, %dma_start3A_579] : memref<78x2x128xi32, #tpu.memory_space<hbm>> -> memref<1x2x128xi32, #tpu.memory_space<hbm>>
      %dma_start3A_581 = tpu.memref_squeeze %dma_start3A_580 : memref<1x2x128xi32, #tpu.memory_space<hbm>> -> memref<2x128xi32, #tpu.memory_space<hbm>>
      tpu.enqueue_dma source(%dma_start3A_581 : memref<2x128xi32, #tpu.memory_space<hbm>>) target(%arg11 : memref<2x128xi32, #tpu.memory_space<vmem>>) target_semaphore(%arg17 : memref<!tpu.dma_semaphore, #tpu.memory_space<semaphore_mem>>)
      %add3A_582 = arith.constant 2 : i32
      %add3A_583 = arith.addi %add3A_436, %add3A_582 : i32
      %add3A_584 = arith.constant 1 : i32
      %add3A_585 = arith.addi %add3A_583, %add3A_584 : i32
      %dma_wait3A_586 = arith.constant 0 : i32
      %dma_wait3A_587 = arith.constant 0 : i32
      %dma_wait3A_588 = arith.constant 0 : i32
      %dma_wait3A_589 = tpu.memref_slice %arg3[%add3A, %dma_wait3A_586, %dma_wait3A_587, %dma_wait3A_588] : memref<32x78x2x128xi32, #tpu.memory_space<hbm>> -> memref<1x78x2x128xi32, #tpu.memory_space<hbm>>
      %dma_wait3A_590 = tpu.memref_squeeze %dma_wait3A_589 : memref<1x78x2x128xi32, #tpu.memory_space<hbm>> -> memref<78x2x128xi32, #tpu.memory_space<hbm>>
      %dma_wait3A_591 = arith.constant 0 : i32
      %dma_wait3A_592 = arith.constant 0 : i32
      %dma_wait3A_593 = tpu.memref_slice %dma_wait3A_590[%add3A_585, %dma_wait3A_591, %dma_wait3A_592] : memref<78x2x128xi32, #tpu.memory_space<hbm>> -> memref<1x2x128xi32, #tpu.memory_space<hbm>>
      %dma_wait3A_594 = tpu.memref_squeeze %dma_wait3A_593 : memref<1x2x128xi32, #tpu.memory_space<hbm>> -> memref<2x128xi32, #tpu.memory_space<hbm>>
      %dma_wait3A_595 = arith.constant 0 : i32
      %dma_wait3A_596 = arith.constant 0 : i32
      %dma_wait3A_597 = arith.constant 0 : i32
      %dma_wait3A_598 = tpu.memref_slice %arg3[%add3A, %dma_wait3A_595, %dma_wait3A_596, %dma_wait3A_597] : memref<32x78x2x128xi32, #tpu.memory_space<hbm>> -> memref<1x78x2x128xi32, #tpu.memory_space<hbm>>
      %dma_wait3A_599 = tpu.memref_squeeze %dma_wait3A_598 : memref<1x78x2x128xi32, #tpu.memory_space<hbm>> -> memref<78x2x128xi32, #tpu.memory_space<hbm>>
      %dma_wait3A_600 = arith.constant 0 : i32
      %dma_wait3A_601 = arith.constant 0 : i32
      %dma_wait3A_602 = tpu.memref_slice %dma_wait3A_599[%add3A_585, %dma_wait3A_600, %dma_wait3A_601] : memref<78x2x128xi32, #tpu.memory_space<hbm>> -> memref<1x2x128xi32, #tpu.memory_space<hbm>>
      %dma_wait3A_603 = tpu.memref_squeeze %dma_wait3A_602 : memref<1x2x128xi32, #tpu.memory_space<hbm>> -> memref<2x128xi32, #tpu.memory_space<hbm>>
      tpu.wait_dma2 semaphore(%arg16 : memref<!tpu.dma_semaphore, #tpu.memory_space<semaphore_mem>>) src(%dma_wait3A_603 : memref<2x128xi32, #tpu.memory_space<hbm>>) dst(%arg10 : memref<2x128xi32, #tpu.memory_space<vmem>>)
      %sub3A_604 = arith.constant 1 : i32
      %sub3A_605 = arith.subi %add3A_583, %sub3A_604 : i32
      %dma_wait3A_606 = arith.constant 1 : i32
      %dma_wait3A_607 = arith.constant 0 : i32
      %dma_wait3A_608 = tpu.memref_slice %arg12[%dma_wait3A_606, %dma_wait3A_607] : memref<2x128xi32, #tpu.memory_space<vmem>> -> memref<1x128xi32, #tpu.memory_space<vmem>>
      %dma_wait3A_609 = tpu.memref_squeeze %dma_wait3A_608 : memref<1x128xi32, #tpu.memory_space<vmem>> -> memref<128xi32, #tpu.memory_space<vmem>>
      %dma_wait3A_610 = arith.constant 0 : i32
      %dma_wait3A_611 = arith.constant 0 : i32
      %dma_wait3A_612 = tpu.memref_slice %arg7[%dma_wait3A_610, %dma_wait3A_611] : memref<10240x128xf32, #tpu.memory_space<vmem_shared>> -> memref<10240x128xf32, #tpu.memory_space<vmem_shared>>
      tpu.wait_indirect_dma semaphore(%arg22 : memref<!tpu.dma_semaphore, #tpu.memory_space<semaphore_mem>>) src(%arg8 : memref<128x128xf32, #tpu.memory_space<vmem>>) dst(%dma_wait3A_612 : memref<10240x128xf32, #tpu.memory_space<vmem_shared>>)
      %add3A_613 = arith.constant 1 : i32
      %add3A_614 = arith.addi %add3A_583, %add3A_613 : i32
      %dma_start3A_615 = arith.constant 0 : i32
      %dma_start3A_616 = arith.constant 0 : i32
      %dma_start3A_617 = tpu.memref_slice %arg10[%dma_start3A_615, %dma_start3A_616] : memref<2x128xi32, #tpu.memory_space<vmem>> -> memref<1x128xi32, #tpu.memory_space<vmem>>
      %dma_start3A_618 = tpu.memref_squeeze %dma_start3A_617 : memref<1x128xi32, #tpu.memory_space<vmem>> -> memref<128xi32, #tpu.memory_space<vmem>>
      %dma_start3A_619 = arith.constant 0 : i32
      %dma_start3A_620 = arith.constant 0 : i32
      %dma_start3A_621 = tpu.memref_slice %arg2[%dma_start3A_619, %dma_start3A_620] : memref<10240x128xf32, #tpu.memory_space<hbm>> -> memref<10240x128xf32, #tpu.memory_space<hbm>>
      tpu.enqueue_indirect_dma source(%dma_start3A_621 : memref<10240x128xf32, #tpu.memory_space<hbm>>) target(%arg8 : memref<128x128xf32, #tpu.memory_space<vmem>>) offsets(%dma_start3A_618 : memref<128xi32, #tpu.memory_space<vmem>>) semaphore(%arg20 : memref<!tpu.dma_semaphore, #tpu.memory_space<semaphore_mem>>)
      %dma_wait3A_622 = arith.constant 0 : i32
      %dma_wait3A_623 = arith.constant 0 : i32
      %dma_wait3A_624 = tpu.memref_slice %arg13[%dma_wait3A_622, %dma_wait3A_623] : memref<2x128xi32, #tpu.memory_space<vmem>> -> memref<1x128xi32, #tpu.memory_space<vmem>>
      %dma_wait3A_625 = tpu.memref_squeeze %dma_wait3A_624 : memref<1x128xi32, #tpu.memory_space<vmem>> -> memref<128xi32, #tpu.memory_space<vmem>>
      %dma_wait3A_626 = arith.constant 0 : i32
      %dma_wait3A_627 = arith.constant 0 : i32
      %dma_wait3A_628 = tpu.memref_slice %arg2[%dma_wait3A_626, %dma_wait3A_627] : memref<10240x128xf32, #tpu.memory_space<hbm>> -> memref<10240x128xf32, #tpu.memory_space<hbm>>
      tpu.wait_indirect_dma semaphore(%arg21 : memref<!tpu.dma_semaphore, #tpu.memory_space<semaphore_mem>>) src(%dma_wait3A_628 : memref<10240x128xf32, #tpu.memory_space<hbm>>) dst(%arg9 : memref<128x128xf32, #tpu.memory_space<vmem>>)
      %dma_start3A_629 = arith.constant 1 : i32
      %dma_start3A_630 = arith.constant 0 : i32
      %dma_start3A_631 = tpu.memref_slice %arg13[%dma_start3A_629, %dma_start3A_630] : memref<2x128xi32, #tpu.memory_space<vmem>> -> memref<1x128xi32, #tpu.memory_space<vmem>>
      %dma_start3A_632 = tpu.memref_squeeze %dma_start3A_631 : memref<1x128xi32, #tpu.memory_space<vmem>> -> memref<128xi32, #tpu.memory_space<vmem>>
      %dma_start3A_633 = arith.constant 0 : i32
      %dma_start3A_634 = arith.constant 0 : i32
      %dma_start3A_635 = tpu.memref_slice %arg7[%dma_start3A_633, %dma_start3A_634] : memref<10240x128xf32, #tpu.memory_space<vmem_shared>> -> memref<10240x128xf32, #tpu.memory_space<vmem_shared>>
      tpu.enqueue_indirect_dma source(%arg9 : memref<128x128xf32, #tpu.memory_space<vmem>>) target(%dma_start3A_635 : memref<10240x128xf32, #tpu.memory_space<vmem_shared>>) offsets(%dma_start3A_632 : memref<128xi32, #tpu.memory_space<vmem>>) semaphore(%arg23 : memref<!tpu.dma_semaphore, #tpu.memory_space<semaphore_mem>>) {add = true}
      %add3A_636 = arith.constant 3 : i32
      %add3A_637 = arith.addi %add3A_583, %add3A_636 : i32
      %dma_start3A_638 = arith.constant 0 : i32
      %dma_start3A_639 = arith.constant 0 : i32
      %dma_start3A_640 = arith.constant 0 : i32
      %dma_start3A_641 = tpu.memref_slice %arg3[%add3A, %dma_start3A_638, %dma_start3A_639, %dma_start3A_640] : memref<32x78x2x128xi32, #tpu.memory_space<hbm>> -> memref<1x78x2x128xi32, #tpu.memory_space<hbm>>
      %dma_start3A_642 = tpu.memref_squeeze %dma_start3A_641 : memref<1x78x2x128xi32, #tpu.memory_space<hbm>> -> memref<78x2x128xi32, #tpu.memory_space<hbm>>
      %dma_start3A_643 = arith.constant 0 : i32
      %dma_start3A_644 = arith.constant 0 : i32
      %dma_start3A_645 = tpu.memref_slice %dma_start3A_642[%add3A_637, %dma_start3A_643, %dma_start3A_644] : memref<78x2x128xi32, #tpu.memory_space<hbm>> -> memref<1x2x128xi32, #tpu.memory_space<hbm>>
      %dma_start3A_646 = tpu.memref_squeeze %dma_start3A_645 : memref<1x2x128xi32, #tpu.memory_space<hbm>> -> memref<2x128xi32, #tpu.memory_space<hbm>>
      %dma_start3A_647 = arith.constant 0 : i32
      %dma_start3A_648 = arith.constant 0 : i32
      %dma_start3A_649 = arith.constant 0 : i32
      %dma_start3A_650 = tpu.memref_slice %arg3[%add3A, %dma_start3A_647, %dma_start3A_648, %dma_start3A_649] : memref<32x78x2x128xi32, #tpu.memory_space<hbm>> -> memref<1x78x2x128xi32, #tpu.memory_space<hbm>>
      %dma_start3A_651 = tpu.memref_squeeze %dma_start3A_650 : memref<1x78x2x128xi32, #tpu.memory_space<hbm>> -> memref<78x2x128xi32, #tpu.memory_space<hbm>>
      %dma_start3A_652 = arith.constant 0 : i32
      %dma_start3A_653 = arith.constant 0 : i32
      %dma_start3A_654 = tpu.memref_slice %dma_start3A_651[%add3A_637, %dma_start3A_652, %dma_start3A_653] : memref<78x2x128xi32, #tpu.memory_space<hbm>> -> memref<1x2x128xi32, #tpu.memory_space<hbm>>
      %dma_start3A_655 = tpu.memref_squeeze %dma_start3A_654 : memref<1x2x128xi32, #tpu.memory_space<hbm>> -> memref<2x128xi32, #tpu.memory_space<hbm>>
      tpu.enqueue_dma source(%dma_start3A_655 : memref<2x128xi32, #tpu.memory_space<hbm>>) target(%arg12 : memref<2x128xi32, #tpu.memory_space<vmem>>) target_semaphore(%arg18 : memref<!tpu.dma_semaphore, #tpu.memory_space<semaphore_mem>>)
      %add3A_656 = arith.constant 3 : i32
      %add3A_657 = arith.addi %add3A_436, %add3A_656 : i32
      %add3A_658 = arith.constant 1 : i32
      %add3A_659 = arith.addi %add3A_657, %add3A_658 : i32
      %dma_wait3A_660 = arith.constant 0 : i32
      %dma_wait3A_661 = arith.constant 0 : i32
      %dma_wait3A_662 = arith.constant 0 : i32
      %dma_wait3A_663 = tpu.memref_slice %arg3[%add3A, %dma_wait3A_660, %dma_wait3A_661, %dma_wait3A_662] : memref<32x78x2x128xi32, #tpu.memory_space<hbm>> -> memref<1x78x2x128xi32, #tpu.memory_space<hbm>>
      %dma_wait3A_664 = tpu.memref_squeeze %dma_wait3A_663 : memref<1x78x2x128xi32, #tpu.memory_space<hbm>> -> memref<78x2x128xi32, #tpu.memory_space<hbm>>
      %dma_wait3A_665 = arith.constant 0 : i32
      %dma_wait3A_666 = arith.constant 0 : i32
      %dma_wait3A_667 = tpu.memref_slice %dma_wait3A_664[%add3A_659, %dma_wait3A_665, %dma_wait3A_666] : memref<78x2x128xi32, #tpu.memory_space<hbm>> -> memref<1x2x128xi32, #tpu.memory_space<hbm>>
      %dma_wait3A_668 = tpu.memref_squeeze %dma_wait3A_667 : memref<1x2x128xi32, #tpu.memory_space<hbm>> -> memref<2x128xi32, #tpu.memory_space<hbm>>
      %dma_wait3A_669 = arith.constant 0 : i32
      %dma_wait3A_670 = arith.constant 0 : i32
      %dma_wait3A_671 = arith.constant 0 : i32
      %dma_wait3A_672 = tpu.memref_slice %arg3[%add3A, %dma_wait3A_669, %dma_wait3A_670, %dma_wait3A_671] : memref<32x78x2x128xi32, #tpu.memory_space<hbm>> -> memref<1x78x2x128xi32, #tpu.memory_space<hbm>>
      %dma_wait3A_673 = tpu.memref_squeeze %dma_wait3A_672 : memref<1x78x2x128xi32, #tpu.memory_space<hbm>> -> memref<78x2x128xi32, #tpu.memory_space<hbm>>
      %dma_wait3A_674 = arith.constant 0 : i32
      %dma_wait3A_675 = arith.constant 0 : i32
      %dma_wait3A_676 = tpu.memref_slice %dma_wait3A_673[%add3A_659, %dma_wait3A_674, %dma_wait3A_675] : memref<78x2x128xi32, #tpu.memory_space<hbm>> -> memref<1x2x128xi32, #tpu.memory_space<hbm>>
      %dma_wait3A_677 = tpu.memref_squeeze %dma_wait3A_676 : memref<1x2x128xi32, #tpu.memory_space<hbm>> -> memref<2x128xi32, #tpu.memory_space<hbm>>
      tpu.wait_dma2 semaphore(%arg17 : memref<!tpu.dma_semaphore, #tpu.memory_space<semaphore_mem>>) src(%dma_wait3A_677 : memref<2x128xi32, #tpu.memory_space<hbm>>) dst(%arg11 : memref<2x128xi32, #tpu.memory_space<vmem>>)
      %sub3A_678 = arith.constant 1 : i32
      %sub3A_679 = arith.subi %add3A_657, %sub3A_678 : i32
      %dma_wait3A_680 = arith.constant 1 : i32
      %dma_wait3A_681 = arith.constant 0 : i32
      %dma_wait3A_682 = tpu.memref_slice %arg13[%dma_wait3A_680, %dma_wait3A_681] : memref<2x128xi32, #tpu.memory_space<vmem>> -> memref<1x128xi32, #tpu.memory_space<vmem>>
      %dma_wait3A_683 = tpu.memref_squeeze %dma_wait3A_682 : memref<1x128xi32, #tpu.memory_space<vmem>> -> memref<128xi32, #tpu.memory_space<vmem>>
      %dma_wait3A_684 = arith.constant 0 : i32
      %dma_wait3A_685 = arith.constant 0 : i32
      %dma_wait3A_686 = tpu.memref_slice %arg7[%dma_wait3A_684, %dma_wait3A_685] : memref<10240x128xf32, #tpu.memory_space<vmem_shared>> -> memref<10240x128xf32, #tpu.memory_space<vmem_shared>>
      tpu.wait_indirect_dma semaphore(%arg23 : memref<!tpu.dma_semaphore, #tpu.memory_space<semaphore_mem>>) src(%arg9 : memref<128x128xf32, #tpu.memory_space<vmem>>) dst(%dma_wait3A_686 : memref<10240x128xf32, #tpu.memory_space<vmem_shared>>)
      %add3A_687 = arith.constant 1 : i32
      %add3A_688 = arith.addi %add3A_657, %add3A_687 : i32
      %dma_start3A_689 = arith.constant 0 : i32
      %dma_start3A_690 = arith.constant 0 : i32
      %dma_start3A_691 = tpu.memref_slice %arg11[%dma_start3A_689, %dma_start3A_690] : memref<2x128xi32, #tpu.memory_space<vmem>> -> memref<1x128xi32, #tpu.memory_space<vmem>>
      %dma_start3A_692 = tpu.memref_squeeze %dma_start3A_691 : memref<1x128xi32, #tpu.memory_space<vmem>> -> memref<128xi32, #tpu.memory_space<vmem>>
      %dma_start3A_693 = arith.constant 0 : i32
      %dma_start3A_694 = arith.constant 0 : i32
      %dma_start3A_695 = tpu.memref_slice %arg2[%dma_start3A_693, %dma_start3A_694] : memref<10240x128xf32, #tpu.memory_space<hbm>> -> memref<10240x128xf32, #tpu.memory_space<hbm>>
      tpu.enqueue_indirect_dma source(%dma_start3A_695 : memref<10240x128xf32, #tpu.memory_space<hbm>>) target(%arg9 : memref<128x128xf32, #tpu.memory_space<vmem>>) offsets(%dma_start3A_692 : memref<128xi32, #tpu.memory_space<vmem>>) semaphore(%arg21 : memref<!tpu.dma_semaphore, #tpu.memory_space<semaphore_mem>>)
      %dma_wait3A_696 = arith.constant 0 : i32
      %dma_wait3A_697 = arith.constant 0 : i32
      %dma_wait3A_698 = tpu.memref_slice %arg10[%dma_wait3A_696, %dma_wait3A_697] : memref<2x128xi32, #tpu.memory_space<vmem>> -> memref<1x128xi32, #tpu.memory_space<vmem>>
      %dma_wait3A_699 = tpu.memref_squeeze %dma_wait3A_698 : memref<1x128xi32, #tpu.memory_space<vmem>> -> memref<128xi32, #tpu.memory_space<vmem>>
      %dma_wait3A_700 = arith.constant 0 : i32
      %dma_wait3A_701 = arith.constant 0 : i32
      %dma_wait3A_702 = tpu.memref_slice %arg2[%dma_wait3A_700, %dma_wait3A_701] : memref<10240x128xf32, #tpu.memory_space<hbm>> -> memref<10240x128xf32, #tpu.memory_space<hbm>>
      tpu.wait_indirect_dma semaphore(%arg20 : memref<!tpu.dma_semaphore, #tpu.memory_space<semaphore_mem>>) src(%dma_wait3A_702 : memref<10240x128xf32, #tpu.memory_space<hbm>>) dst(%arg8 : memref<128x128xf32, #tpu.memory_space<vmem>>)
      %dma_start3A_703 = arith.constant 1 : i32
      %dma_start3A_704 = arith.constant 0 : i32
      %dma_start3A_705 = tpu.memref_slice %arg10[%dma_start3A_703, %dma_start3A_704] : memref<2x128xi32, #tpu.memory_space<vmem>> -> memref<1x128xi32, #tpu.memory_space<vmem>>
      %dma_start3A_706 = tpu.memref_squeeze %dma_start3A_705 : memref<1x128xi32, #tpu.memory_space<vmem>> -> memref<128xi32, #tpu.memory_space<vmem>>
      %dma_start3A_707 = arith.constant 0 : i32
      %dma_start3A_708 = arith.constant 0 : i32
      %dma_start3A_709 = tpu.memref_slice %arg7[%dma_start3A_707, %dma_start3A_708] : memref<10240x128xf32, #tpu.memory_space<vmem_shared>> -> memref<10240x128xf32, #tpu.memory_space<vmem_shared>>
      tpu.enqueue_indirect_dma source(%arg8 : memref<128x128xf32, #tpu.memory_space<vmem>>) target(%dma_start3A_709 : memref<10240x128xf32, #tpu.memory_space<vmem_shared>>) offsets(%dma_start3A_706 : memref<128xi32, #tpu.memory_space<vmem>>) semaphore(%arg22 : memref<!tpu.dma_semaphore, #tpu.memory_space<semaphore_mem>>) {add = true}
      %add3A_710 = arith.constant 3 : i32
      %add3A_711 = arith.addi %add3A_657, %add3A_710 : i32
      %dma_start3A_712 = arith.constant 0 : i32
      %dma_start3A_713 = arith.constant 0 : i32
      %dma_start3A_714 = arith.constant 0 : i32
      %dma_start3A_715 = tpu.memref_slice %arg3[%add3A, %dma_start3A_712, %dma_start3A_713, %dma_start3A_714] : memref<32x78x2x128xi32, #tpu.memory_space<hbm>> -> memref<1x78x2x128xi32, #tpu.memory_space<hbm>>
      %dma_start3A_716 = tpu.memref_squeeze %dma_start3A_715 : memref<1x78x2x128xi32, #tpu.memory_space<hbm>> -> memref<78x2x128xi32, #tpu.memory_space<hbm>>
      %dma_start3A_717 = arith.constant 0 : i32
      %dma_start3A_718 = arith.constant 0 : i32
      %dma_start3A_719 = tpu.memref_slice %dma_start3A_716[%add3A_711, %dma_start3A_717, %dma_start3A_718] : memref<78x2x128xi32, #tpu.memory_space<hbm>> -> memref<1x2x128xi32, #tpu.memory_space<hbm>>
      %dma_start3A_720 = tpu.memref_squeeze %dma_start3A_719 : memref<1x2x128xi32, #tpu.memory_space<hbm>> -> memref<2x128xi32, #tpu.memory_space<hbm>>
      %dma_start3A_721 = arith.constant 0 : i32
      %dma_start3A_722 = arith.constant 0 : i32
      %dma_start3A_723 = arith.constant 0 : i32
      %dma_start3A_724 = tpu.memref_slice %arg3[%add3A, %dma_start3A_721, %dma_start3A_722, %dma_start3A_723] : memref<32x78x2x128xi32, #tpu.memory_space<hbm>> -> memref<1x78x2x128xi32, #tpu.memory_space<hbm>>
      %dma_start3A_725 = tpu.memref_squeeze %dma_start3A_724 : memref<1x78x2x128xi32, #tpu.memory_space<hbm>> -> memref<78x2x128xi32, #tpu.memory_space<hbm>>
      %dma_start3A_726 = arith.constant 0 : i32
      %dma_start3A_727 = arith.constant 0 : i32
      %dma_start3A_728 = tpu.memref_slice %dma_start3A_725[%add3A_711, %dma_start3A_726, %dma_start3A_727] : memref<78x2x128xi32, #tpu.memory_space<hbm>> -> memref<1x2x128xi32, #tpu.memory_space<hbm>>
      %dma_start3A_729 = tpu.memref_squeeze %dma_start3A_728 : memref<1x2x128xi32, #tpu.memory_space<hbm>> -> memref<2x128xi32, #tpu.memory_space<hbm>>
      tpu.enqueue_dma source(%dma_start3A_729 : memref<2x128xi32, #tpu.memory_space<hbm>>) target(%arg13 : memref<2x128xi32, #tpu.memory_space<vmem>>) target_semaphore(%arg19 : memref<!tpu.dma_semaphore, #tpu.memory_space<semaphore_mem>>)
    }
    %scan3A_164 = arith.constant 18 : i32
    %dma_wait3A_165 = arith.constant 74 : i32
    %dma_wait3A_166 = arith.constant 0 : i32
    %dma_wait3A_167 = arith.constant 0 : i32
    %dma_wait3A_168 = arith.constant 0 : i32
    %dma_wait3A_169 = tpu.memref_slice %arg3[%add3A, %dma_wait3A_166, %dma_wait3A_167, %dma_wait3A_168] : memref<32x78x2x128xi32, #tpu.memory_space<hbm>> -> memref<1x78x2x128xi32, #tpu.memory_space<hbm>>
    %dma_wait3A_170 = tpu.memref_squeeze %dma_wait3A_169 : memref<1x78x2x128xi32, #tpu.memory_space<hbm>> -> memref<78x2x128xi32, #tpu.memory_space<hbm>>
    %dma_wait3A_171 = arith.constant 0 : i32
    %dma_wait3A_172 = arith.constant 0 : i32
    %dma_wait3A_173 = tpu.memref_slice %dma_wait3A_170[%dma_wait3A_165, %dma_wait3A_171, %dma_wait3A_172] : memref<78x2x128xi32, #tpu.memory_space<hbm>> -> memref<1x2x128xi32, #tpu.memory_space<hbm>>
    %dma_wait3A_174 = tpu.memref_squeeze %dma_wait3A_173 : memref<1x2x128xi32, #tpu.memory_space<hbm>> -> memref<2x128xi32, #tpu.memory_space<hbm>>
    %dma_wait3A_175 = arith.constant 0 : i32
    %dma_wait3A_176 = arith.constant 0 : i32
    %dma_wait3A_177 = arith.constant 0 : i32
    %dma_wait3A_178 = tpu.memref_slice %arg3[%add3A, %dma_wait3A_175, %dma_wait3A_176, %dma_wait3A_177] : memref<32x78x2x128xi32, #tpu.memory_space<hbm>> -> memref<1x78x2x128xi32, #tpu.memory_space<hbm>>
    %dma_wait3A_179 = tpu.memref_squeeze %dma_wait3A_178 : memref<1x78x2x128xi32, #tpu.memory_space<hbm>> -> memref<78x2x128xi32, #tpu.memory_space<hbm>>
    %dma_wait3A_180 = arith.constant 0 : i32
    %dma_wait3A_181 = arith.constant 0 : i32
    %dma_wait3A_182 = tpu.memref_slice %dma_wait3A_179[%dma_wait3A_165, %dma_wait3A_180, %dma_wait3A_181] : memref<78x2x128xi32, #tpu.memory_space<hbm>> -> memref<1x2x128xi32, #tpu.memory_space<hbm>>
    %dma_wait3A_183 = tpu.memref_squeeze %dma_wait3A_182 : memref<1x2x128xi32, #tpu.memory_space<hbm>> -> memref<2x128xi32, #tpu.memory_space<hbm>>
    tpu.wait_dma2 semaphore(%arg18 : memref<!tpu.dma_semaphore, #tpu.memory_space<semaphore_mem>>) src(%dma_wait3A_183 : memref<2x128xi32, #tpu.memory_space<hbm>>) dst(%arg12 : memref<2x128xi32, #tpu.memory_space<vmem>>)
    %dma_wait3A_184 = arith.constant 1 : i32
    %dma_wait3A_185 = arith.constant 0 : i32
    %dma_wait3A_186 = tpu.memref_slice %arg10[%dma_wait3A_184, %dma_wait3A_185] : memref<2x128xi32, #tpu.memory_space<vmem>> -> memref<1x128xi32, #tpu.memory_space<vmem>>
    %dma_wait3A_187 = tpu.memref_squeeze %dma_wait3A_186 : memref<1x128xi32, #tpu.memory_space<vmem>> -> memref<128xi32, #tpu.memory_space<vmem>>
    %dma_wait3A_188 = arith.constant 0 : i32
    %dma_wait3A_189 = arith.constant 0 : i32
    %dma_wait3A_190 = tpu.memref_slice %arg7[%dma_wait3A_188, %dma_wait3A_189] : memref<10240x128xf32, #tpu.memory_space<vmem_shared>> -> memref<10240x128xf32, #tpu.memory_space<vmem_shared>>
    tpu.wait_indirect_dma semaphore(%arg22 : memref<!tpu.dma_semaphore, #tpu.memory_space<semaphore_mem>>) src(%arg8 : memref<128x128xf32, #tpu.memory_space<vmem>>) dst(%dma_wait3A_190 : memref<10240x128xf32, #tpu.memory_space<vmem_shared>>)
    %dma_start3A_191 = arith.constant 0 : i32
    %dma_start3A_192 = arith.constant 0 : i32
    %dma_start3A_193 = tpu.memref_slice %arg12[%dma_start3A_191, %dma_start3A_192] : memref<2x128xi32, #tpu.memory_space<vmem>> -> memref<1x128xi32, #tpu.memory_space<vmem>>
    %dma_start3A_194 = tpu.memref_squeeze %dma_start3A_193 : memref<1x128xi32, #tpu.memory_space<vmem>> -> memref<128xi32, #tpu.memory_space<vmem>>
    %dma_start3A_195 = arith.constant 0 : i32
    %dma_start3A_196 = arith.constant 0 : i32
    %dma_start3A_197 = tpu.memref_slice %arg2[%dma_start3A_195, %dma_start3A_196] : memref<10240x128xf32, #tpu.memory_space<hbm>> -> memref<10240x128xf32, #tpu.memory_space<hbm>>
    tpu.enqueue_indirect_dma source(%dma_start3A_197 : memref<10240x128xf32, #tpu.memory_space<hbm>>) target(%arg8 : memref<128x128xf32, #tpu.memory_space<vmem>>) offsets(%dma_start3A_194 : memref<128xi32, #tpu.memory_space<vmem>>) semaphore(%arg20 : memref<!tpu.dma_semaphore, #tpu.memory_space<semaphore_mem>>)
    %dma_wait3A_198 = arith.constant 0 : i32
    %dma_wait3A_199 = arith.constant 0 : i32
    %dma_wait3A_200 = tpu.memref_slice %arg11[%dma_wait3A_198, %dma_wait3A_199] : memref<2x128xi32, #tpu.memory_space<vmem>> -> memref<1x128xi32, #tpu.memory_space<vmem>>
    %dma_wait3A_201 = tpu.memref_squeeze %dma_wait3A_200 : memref<1x128xi32, #tpu.memory_space<vmem>> -> memref<128xi32, #tpu.memory_space<vmem>>
    %dma_wait3A_202 = arith.constant 0 : i32
    %dma_wait3A_203 = arith.constant 0 : i32
    %dma_wait3A_204 = tpu.memref_slice %arg2[%dma_wait3A_202, %dma_wait3A_203] : memref<10240x128xf32, #tpu.memory_space<hbm>> -> memref<10240x128xf32, #tpu.memory_space<hbm>>
    tpu.wait_indirect_dma semaphore(%arg21 : memref<!tpu.dma_semaphore, #tpu.memory_space<semaphore_mem>>) src(%dma_wait3A_204 : memref<10240x128xf32, #tpu.memory_space<hbm>>) dst(%arg9 : memref<128x128xf32, #tpu.memory_space<vmem>>)
    %dma_start3A_205 = arith.constant 1 : i32
    %dma_start3A_206 = arith.constant 0 : i32
    %dma_start3A_207 = tpu.memref_slice %arg11[%dma_start3A_205, %dma_start3A_206] : memref<2x128xi32, #tpu.memory_space<vmem>> -> memref<1x128xi32, #tpu.memory_space<vmem>>
    %dma_start3A_208 = tpu.memref_squeeze %dma_start3A_207 : memref<1x128xi32, #tpu.memory_space<vmem>> -> memref<128xi32, #tpu.memory_space<vmem>>
    %dma_start3A_209 = arith.constant 0 : i32
    %dma_start3A_210 = arith.constant 0 : i32
    %dma_start3A_211 = tpu.memref_slice %arg7[%dma_start3A_209, %dma_start3A_210] : memref<10240x128xf32, #tpu.memory_space<vmem_shared>> -> memref<10240x128xf32, #tpu.memory_space<vmem_shared>>
    tpu.enqueue_indirect_dma source(%arg9 : memref<128x128xf32, #tpu.memory_space<vmem>>) target(%dma_start3A_211 : memref<10240x128xf32, #tpu.memory_space<vmem_shared>>) offsets(%dma_start3A_208 : memref<128xi32, #tpu.memory_space<vmem>>) semaphore(%arg23 : memref<!tpu.dma_semaphore, #tpu.memory_space<semaphore_mem>>) {add = true}
    %dma_start3A_212 = arith.constant 76 : i32
    %dma_start3A_213 = arith.constant 0 : i32
    %dma_start3A_214 = arith.constant 0 : i32
    %dma_start3A_215 = arith.constant 0 : i32
    %dma_start3A_216 = tpu.memref_slice %arg3[%add3A, %dma_start3A_213, %dma_start3A_214, %dma_start3A_215] : memref<32x78x2x128xi32, #tpu.memory_space<hbm>> -> memref<1x78x2x128xi32, #tpu.memory_space<hbm>>
    %dma_start3A_217 = tpu.memref_squeeze %dma_start3A_216 : memref<1x78x2x128xi32, #tpu.memory_space<hbm>> -> memref<78x2x128xi32, #tpu.memory_space<hbm>>
    %dma_start3A_218 = arith.constant 0 : i32
    %dma_start3A_219 = arith.constant 0 : i32
    %dma_start3A_220 = tpu.memref_slice %dma_start3A_217[%dma_start3A_212, %dma_start3A_218, %dma_start3A_219] : memref<78x2x128xi32, #tpu.memory_space<hbm>> -> memref<1x2x128xi32, #tpu.memory_space<hbm>>
    %dma_start3A_221 = tpu.memref_squeeze %dma_start3A_220 : memref<1x2x128xi32, #tpu.memory_space<hbm>> -> memref<2x128xi32, #tpu.memory_space<hbm>>
    %dma_start3A_222 = arith.constant 0 : i32
    %dma_start3A_223 = arith.constant 0 : i32
    %dma_start3A_224 = arith.constant 0 : i32
    %dma_start3A_225 = tpu.memref_slice %arg3[%add3A, %dma_start3A_222, %dma_start3A_223, %dma_start3A_224] : memref<32x78x2x128xi32, #tpu.memory_space<hbm>> -> memref<1x78x2x128xi32, #tpu.memory_space<hbm>>
    %dma_start3A_226 = tpu.memref_squeeze %dma_start3A_225 : memref<1x78x2x128xi32, #tpu.memory_space<hbm>> -> memref<78x2x128xi32, #tpu.memory_space<hbm>>
    %dma_start3A_227 = arith.constant 0 : i32
    %dma_start3A_228 = arith.constant 0 : i32
    %dma_start3A_229 = tpu.memref_slice %dma_start3A_226[%dma_start3A_212, %dma_start3A_227, %dma_start3A_228] : memref<78x2x128xi32, #tpu.memory_space<hbm>> -> memref<1x2x128xi32, #tpu.memory_space<hbm>>
    %dma_start3A_230 = tpu.memref_squeeze %dma_start3A_229 : memref<1x2x128xi32, #tpu.memory_space<hbm>> -> memref<2x128xi32, #tpu.memory_space<hbm>>
    tpu.enqueue_dma source(%dma_start3A_230 : memref<2x128xi32, #tpu.memory_space<hbm>>) target(%arg10 : memref<2x128xi32, #tpu.memory_space<vmem>>) target_semaphore(%arg16 : memref<!tpu.dma_semaphore, #tpu.memory_space<semaphore_mem>>)
    %dma_wait3A_231 = arith.constant 75 : i32
    %dma_wait3A_232 = arith.constant 0 : i32
    %dma_wait3A_233 = arith.constant 0 : i32
    %dma_wait3A_234 = arith.constant 0 : i32
    %dma_wait3A_235 = tpu.memref_slice %arg3[%add3A, %dma_wait3A_232, %dma_wait3A_233, %dma_wait3A_234] : memref<32x78x2x128xi32, #tpu.memory_space<hbm>> -> memref<1x78x2x128xi32, #tpu.memory_space<hbm>>
    %dma_wait3A_236 = tpu.memref_squeeze %dma_wait3A_235 : memref<1x78x2x128xi32, #tpu.memory_space<hbm>> -> memref<78x2x128xi32, #tpu.memory_space<hbm>>
    %dma_wait3A_237 = arith.constant 0 : i32
    %dma_wait3A_238 = arith.constant 0 : i32
    %dma_wait3A_239 = tpu.memref_slice %dma_wait3A_236[%dma_wait3A_231, %dma_wait3A_237, %dma_wait3A_238] : memref<78x2x128xi32, #tpu.memory_space<hbm>> -> memref<1x2x128xi32, #tpu.memory_space<hbm>>
    %dma_wait3A_240 = tpu.memref_squeeze %dma_wait3A_239 : memref<1x2x128xi32, #tpu.memory_space<hbm>> -> memref<2x128xi32, #tpu.memory_space<hbm>>
    %dma_wait3A_241 = arith.constant 0 : i32
    %dma_wait3A_242 = arith.constant 0 : i32
    %dma_wait3A_243 = arith.constant 0 : i32
    %dma_wait3A_244 = tpu.memref_slice %arg3[%add3A, %dma_wait3A_241, %dma_wait3A_242, %dma_wait3A_243] : memref<32x78x2x128xi32, #tpu.memory_space<hbm>> -> memref<1x78x2x128xi32, #tpu.memory_space<hbm>>
    %dma_wait3A_245 = tpu.memref_squeeze %dma_wait3A_244 : memref<1x78x2x128xi32, #tpu.memory_space<hbm>> -> memref<78x2x128xi32, #tpu.memory_space<hbm>>
    %dma_wait3A_246 = arith.constant 0 : i32
    %dma_wait3A_247 = arith.constant 0 : i32
    %dma_wait3A_248 = tpu.memref_slice %dma_wait3A_245[%dma_wait3A_231, %dma_wait3A_246, %dma_wait3A_247] : memref<78x2x128xi32, #tpu.memory_space<hbm>> -> memref<1x2x128xi32, #tpu.memory_space<hbm>>
    %dma_wait3A_249 = tpu.memref_squeeze %dma_wait3A_248 : memref<1x2x128xi32, #tpu.memory_space<hbm>> -> memref<2x128xi32, #tpu.memory_space<hbm>>
    tpu.wait_dma2 semaphore(%arg19 : memref<!tpu.dma_semaphore, #tpu.memory_space<semaphore_mem>>) src(%dma_wait3A_249 : memref<2x128xi32, #tpu.memory_space<hbm>>) dst(%arg13 : memref<2x128xi32, #tpu.memory_space<vmem>>)
    %dma_wait3A_250 = arith.constant 1 : i32
    %dma_wait3A_251 = arith.constant 0 : i32
    %dma_wait3A_252 = tpu.memref_slice %arg11[%dma_wait3A_250, %dma_wait3A_251] : memref<2x128xi32, #tpu.memory_space<vmem>> -> memref<1x128xi32, #tpu.memory_space<vmem>>
    %dma_wait3A_253 = tpu.memref_squeeze %dma_wait3A_252 : memref<1x128xi32, #tpu.memory_space<vmem>> -> memref<128xi32, #tpu.memory_space<vmem>>
    %dma_wait3A_254 = arith.constant 0 : i32
    %dma_wait3A_255 = arith.constant 0 : i32
    %dma_wait3A_256 = tpu.memref_slice %arg7[%dma_wait3A_254, %dma_wait3A_255] : memref<10240x128xf32, #tpu.memory_space<vmem_shared>> -> memref<10240x128xf32, #tpu.memory_space<vmem_shared>>
    tpu.wait_indirect_dma semaphore(%arg23 : memref<!tpu.dma_semaphore, #tpu.memory_space<semaphore_mem>>) src(%arg9 : memref<128x128xf32, #tpu.memory_space<vmem>>) dst(%dma_wait3A_256 : memref<10240x128xf32, #tpu.memory_space<vmem_shared>>)
    %dma_start3A_257 = arith.constant 0 : i32
    %dma_start3A_258 = arith.constant 0 : i32
    %dma_start3A_259 = tpu.memref_slice %arg13[%dma_start3A_257, %dma_start3A_258] : memref<2x128xi32, #tpu.memory_space<vmem>> -> memref<1x128xi32, #tpu.memory_space<vmem>>
    %dma_start3A_260 = tpu.memref_squeeze %dma_start3A_259 : memref<1x128xi32, #tpu.memory_space<vmem>> -> memref<128xi32, #tpu.memory_space<vmem>>
    %dma_start3A_261 = arith.constant 0 : i32
    %dma_start3A_262 = arith.constant 0 : i32
    %dma_start3A_263 = tpu.memref_slice %arg2[%dma_start3A_261, %dma_start3A_262] : memref<10240x128xf32, #tpu.memory_space<hbm>> -> memref<10240x128xf32, #tpu.memory_space<hbm>>
    tpu.enqueue_indirect_dma source(%dma_start3A_263 : memref<10240x128xf32, #tpu.memory_space<hbm>>) target(%arg9 : memref<128x128xf32, #tpu.memory_space<vmem>>) offsets(%dma_start3A_260 : memref<128xi32, #tpu.memory_space<vmem>>) semaphore(%arg21 : memref<!tpu.dma_semaphore, #tpu.memory_space<semaphore_mem>>)
    %dma_wait3A_264 = arith.constant 0 : i32
    %dma_wait3A_265 = arith.constant 0 : i32
    %dma_wait3A_266 = tpu.memref_slice %arg12[%dma_wait3A_264, %dma_wait3A_265] : memref<2x128xi32, #tpu.memory_space<vmem>> -> memref<1x128xi32, #tpu.memory_space<vmem>>
    %dma_wait3A_267 = tpu.memref_squeeze %dma_wait3A_266 : memref<1x128xi32, #tpu.memory_space<vmem>> -> memref<128xi32, #tpu.memory_space<vmem>>
    %dma_wait3A_268 = arith.constant 0 : i32
    %dma_wait3A_269 = arith.constant 0 : i32
    %dma_wait3A_270 = tpu.memref_slice %arg2[%dma_wait3A_268, %dma_wait3A_269] : memref<10240x128xf32, #tpu.memory_space<hbm>> -> memref<10240x128xf32, #tpu.memory_space<hbm>>
    tpu.wait_indirect_dma semaphore(%arg20 : memref<!tpu.dma_semaphore, #tpu.memory_space<semaphore_mem>>) src(%dma_wait3A_270 : memref<10240x128xf32, #tpu.memory_space<hbm>>) dst(%arg8 : memref<128x128xf32, #tpu.memory_space<vmem>>)
    %dma_start3A_271 = arith.constant 1 : i32
    %dma_start3A_272 = arith.constant 0 : i32
    %dma_start3A_273 = tpu.memref_slice %arg12[%dma_start3A_271, %dma_start3A_272] : memref<2x128xi32, #tpu.memory_space<vmem>> -> memref<1x128xi32, #tpu.memory_space<vmem>>
    %dma_start3A_274 = tpu.memref_squeeze %dma_start3A_273 : memref<1x128xi32, #tpu.memory_space<vmem>> -> memref<128xi32, #tpu.memory_space<vmem>>
    %dma_start3A_275 = arith.constant 0 : i32
    %dma_start3A_276 = arith.constant 0 : i32
    %dma_start3A_277 = tpu.memref_slice %arg7[%dma_start3A_275, %dma_start3A_276] : memref<10240x128xf32, #tpu.memory_space<vmem_shared>> -> memref<10240x128xf32, #tpu.memory_space<vmem_shared>>
    tpu.enqueue_indirect_dma source(%arg8 : memref<128x128xf32, #tpu.memory_space<vmem>>) target(%dma_start3A_277 : memref<10240x128xf32, #tpu.memory_space<vmem_shared>>) offsets(%dma_start3A_274 : memref<128xi32, #tpu.memory_space<vmem>>) semaphore(%arg22 : memref<!tpu.dma_semaphore, #tpu.memory_space<semaphore_mem>>) {add = true}
    %dma_start3A_278 = arith.constant 77 : i32
    %dma_start3A_279 = arith.constant 0 : i32
    %dma_start3A_280 = arith.constant 0 : i32
    %dma_start3A_281 = arith.constant 0 : i32
    %dma_start3A_282 = tpu.memref_slice %arg3[%add3A, %dma_start3A_279, %dma_start3A_280, %dma_start3A_281] : memref<32x78x2x128xi32, #tpu.memory_space<hbm>> -> memref<1x78x2x128xi32, #tpu.memory_space<hbm>>
    %dma_start3A_283 = tpu.memref_squeeze %dma_start3A_282 : memref<1x78x2x128xi32, #tpu.memory_space<hbm>> -> memref<78x2x128xi32, #tpu.memory_space<hbm>>
    %dma_start3A_284 = arith.constant 0 : i32
    %dma_start3A_285 = arith.constant 0 : i32
    %dma_start3A_286 = tpu.memref_slice %dma_start3A_283[%dma_start3A_278, %dma_start3A_284, %dma_start3A_285] : memref<78x2x128xi32, #tpu.memory_space<hbm>> -> memref<1x2x128xi32, #tpu.memory_space<hbm>>
    %dma_start3A_287 = tpu.memref_squeeze %dma_start3A_286 : memref<1x2x128xi32, #tpu.memory_space<hbm>> -> memref<2x128xi32, #tpu.memory_space<hbm>>
    %dma_start3A_288 = arith.constant 0 : i32
    %dma_start3A_289 = arith.constant 0 : i32
    %dma_start3A_290 = arith.constant 0 : i32
    %dma_start3A_291 = tpu.memref_slice %arg3[%add3A, %dma_start3A_288, %dma_start3A_289, %dma_start3A_290] : memref<32x78x2x128xi32, #tpu.memory_space<hbm>> -> memref<1x78x2x128xi32, #tpu.memory_space<hbm>>
    %dma_start3A_292 = tpu.memref_squeeze %dma_start3A_291 : memref<1x78x2x128xi32, #tpu.memory_space<hbm>> -> memref<78x2x128xi32, #tpu.memory_space<hbm>>
    %dma_start3A_293 = arith.constant 0 : i32
    %dma_start3A_294 = arith.constant 0 : i32
    %dma_start3A_295 = tpu.memref_slice %dma_start3A_292[%dma_start3A_278, %dma_start3A_293, %dma_start3A_294] : memref<78x2x128xi32, #tpu.memory_space<hbm>> -> memref<1x2x128xi32, #tpu.memory_space<hbm>>
    %dma_start3A_296 = tpu.memref_squeeze %dma_start3A_295 : memref<1x2x128xi32, #tpu.memory_space<hbm>> -> memref<2x128xi32, #tpu.memory_space<hbm>>
    tpu.enqueue_dma source(%dma_start3A_296 : memref<2x128xi32, #tpu.memory_space<hbm>>) target(%arg11 : memref<2x128xi32, #tpu.memory_space<vmem>>) target_semaphore(%arg17 : memref<!tpu.dma_semaphore, #tpu.memory_space<semaphore_mem>>)
    %dma_wait3A_297 = arith.constant 76 : i32
    %dma_wait3A_298 = arith.constant 0 : i32
    %dma_wait3A_299 = arith.constant 0 : i32
    %dma_wait3A_300 = arith.constant 0 : i32
    %dma_wait3A_301 = tpu.memref_slice %arg3[%add3A, %dma_wait3A_298, %dma_wait3A_299, %dma_wait3A_300] : memref<32x78x2x128xi32, #tpu.memory_space<hbm>> -> memref<1x78x2x128xi32, #tpu.memory_space<hbm>>
    %dma_wait3A_302 = tpu.memref_squeeze %dma_wait3A_301 : memref<1x78x2x128xi32, #tpu.memory_space<hbm>> -> memref<78x2x128xi32, #tpu.memory_space<hbm>>
    %dma_wait3A_303 = arith.constant 0 : i32
    %dma_wait3A_304 = arith.constant 0 : i32
    %dma_wait3A_305 = tpu.memref_slice %dma_wait3A_302[%dma_wait3A_297, %dma_wait3A_303, %dma_wait3A_304] : memref<78x2x128xi32, #tpu.memory_space<hbm>> -> memref<1x2x128xi32, #tpu.memory_space<hbm>>
    %dma_wait3A_306 = tpu.memref_squeeze %dma_wait3A_305 : memref<1x2x128xi32, #tpu.memory_space<hbm>> -> memref<2x128xi32, #tpu.memory_space<hbm>>
    %dma_wait3A_307 = arith.constant 0 : i32
    %dma_wait3A_308 = arith.constant 0 : i32
    %dma_wait3A_309 = arith.constant 0 : i32
    %dma_wait3A_310 = tpu.memref_slice %arg3[%add3A, %dma_wait3A_307, %dma_wait3A_308, %dma_wait3A_309] : memref<32x78x2x128xi32, #tpu.memory_space<hbm>> -> memref<1x78x2x128xi32, #tpu.memory_space<hbm>>
    %dma_wait3A_311 = tpu.memref_squeeze %dma_wait3A_310 : memref<1x78x2x128xi32, #tpu.memory_space<hbm>> -> memref<78x2x128xi32, #tpu.memory_space<hbm>>
    %dma_wait3A_312 = arith.constant 0 : i32
    %dma_wait3A_313 = arith.constant 0 : i32
    %dma_wait3A_314 = tpu.memref_slice %dma_wait3A_311[%dma_wait3A_297, %dma_wait3A_312, %dma_wait3A_313] : memref<78x2x128xi32, #tpu.memory_space<hbm>> -> memref<1x2x128xi32, #tpu.memory_space<hbm>>
    %dma_wait3A_315 = tpu.memref_squeeze %dma_wait3A_314 : memref<1x2x128xi32, #tpu.memory_space<hbm>> -> memref<2x128xi32, #tpu.memory_space<hbm>>
    tpu.wait_dma2 semaphore(%arg16 : memref<!tpu.dma_semaphore, #tpu.memory_space<semaphore_mem>>) src(%dma_wait3A_315 : memref<2x128xi32, #tpu.memory_space<hbm>>) dst(%arg10 : memref<2x128xi32, #tpu.memory_space<vmem>>)
    %dma_wait3A_316 = arith.constant 1 : i32
    %dma_wait3A_317 = arith.constant 0 : i32
    %dma_wait3A_318 = tpu.memref_slice %arg12[%dma_wait3A_316, %dma_wait3A_317] : memref<2x128xi32, #tpu.memory_space<vmem>> -> memref<1x128xi32, #tpu.memory_space<vmem>>
    %dma_wait3A_319 = tpu.memref_squeeze %dma_wait3A_318 : memref<1x128xi32, #tpu.memory_space<vmem>> -> memref<128xi32, #tpu.memory_space<vmem>>
    %dma_wait3A_320 = arith.constant 0 : i32
    %dma_wait3A_321 = arith.constant 0 : i32
    %dma_wait3A_322 = tpu.memref_slice %arg7[%dma_wait3A_320, %dma_wait3A_321] : memref<10240x128xf32, #tpu.memory_space<vmem_shared>> -> memref<10240x128xf32, #tpu.memory_space<vmem_shared>>
    tpu.wait_indirect_dma semaphore(%arg22 : memref<!tpu.dma_semaphore, #tpu.memory_space<semaphore_mem>>) src(%arg8 : memref<128x128xf32, #tpu.memory_space<vmem>>) dst(%dma_wait3A_322 : memref<10240x128xf32, #tpu.memory_space<vmem_shared>>)
    %dma_start3A_323 = arith.constant 0 : i32
    %dma_start3A_324 = arith.constant 0 : i32
    %dma_start3A_325 = tpu.memref_slice %arg10[%dma_start3A_323, %dma_start3A_324] : memref<2x128xi32, #tpu.memory_space<vmem>> -> memref<1x128xi32, #tpu.memory_space<vmem>>
    %dma_start3A_326 = tpu.memref_squeeze %dma_start3A_325 : memref<1x128xi32, #tpu.memory_space<vmem>> -> memref<128xi32, #tpu.memory_space<vmem>>
    %dma_start3A_327 = arith.constant 0 : i32
    %dma_start3A_328 = arith.constant 0 : i32
    %dma_start3A_329 = tpu.memref_slice %arg2[%dma_start3A_327, %dma_start3A_328] : memref<10240x128xf32, #tpu.memory_space<hbm>> -> memref<10240x128xf32, #tpu.memory_space<hbm>>
    tpu.enqueue_indirect_dma source(%dma_start3A_329 : memref<10240x128xf32, #tpu.memory_space<hbm>>) target(%arg8 : memref<128x128xf32, #tpu.memory_space<vmem>>) offsets(%dma_start3A_326 : memref<128xi32, #tpu.memory_space<vmem>>) semaphore(%arg20 : memref<!tpu.dma_semaphore, #tpu.memory_space<semaphore_mem>>)
    %dma_wait3A_330 = arith.constant 0 : i32
    %dma_wait3A_331 = arith.constant 0 : i32
    %dma_wait3A_332 = tpu.memref_slice %arg13[%dma_wait3A_330, %dma_wait3A_331] : memref<2x128xi32, #tpu.memory_space<vmem>> -> memref<1x128xi32, #tpu.memory_space<vmem>>
    %dma_wait3A_333 = tpu.memref_squeeze %dma_wait3A_332 : memref<1x128xi32, #tpu.memory_space<vmem>> -> memref<128xi32, #tpu.memory_space<vmem>>
    %dma_wait3A_334 = arith.constant 0 : i32
    %dma_wait3A_335 = arith.constant 0 : i32
    %dma_wait3A_336 = tpu.memref_slice %arg2[%dma_wait3A_334, %dma_wait3A_335] : memref<10240x128xf32, #tpu.memory_space<hbm>> -> memref<10240x128xf32, #tpu.memory_space<hbm>>
    tpu.wait_indirect_dma semaphore(%arg21 : memref<!tpu.dma_semaphore, #tpu.memory_space<semaphore_mem>>) src(%dma_wait3A_336 : memref<10240x128xf32, #tpu.memory_space<hbm>>) dst(%arg9 : memref<128x128xf32, #tpu.memory_space<vmem>>)
    %dma_start3A_337 = arith.constant 1 : i32
    %dma_start3A_338 = arith.constant 0 : i32
    %dma_start3A_339 = tpu.memref_slice %arg13[%dma_start3A_337, %dma_start3A_338] : memref<2x128xi32, #tpu.memory_space<vmem>> -> memref<1x128xi32, #tpu.memory_space<vmem>>
    %dma_start3A_340 = tpu.memref_squeeze %dma_start3A_339 : memref<1x128xi32, #tpu.memory_space<vmem>> -> memref<128xi32, #tpu.memory_space<vmem>>
    %dma_start3A_341 = arith.constant 0 : i32
    %dma_start3A_342 = arith.constant 0 : i32
    %dma_start3A_343 = tpu.memref_slice %arg7[%dma_start3A_341, %dma_start3A_342] : memref<10240x128xf32, #tpu.memory_space<vmem_shared>> -> memref<10240x128xf32, #tpu.memory_space<vmem_shared>>
    tpu.enqueue_indirect_dma source(%arg9 : memref<128x128xf32, #tpu.memory_space<vmem>>) target(%dma_start3A_343 : memref<10240x128xf32, #tpu.memory_space<vmem_shared>>) offsets(%dma_start3A_340 : memref<128xi32, #tpu.memory_space<vmem>>) semaphore(%arg23 : memref<!tpu.dma_semaphore, #tpu.memory_space<semaphore_mem>>) {add = true}
    %dma_wait3A_344 = arith.constant 77 : i32
    %dma_wait3A_345 = arith.constant 0 : i32
    %dma_wait3A_346 = arith.constant 0 : i32
    %dma_wait3A_347 = arith.constant 0 : i32
    %dma_wait3A_348 = tpu.memref_slice %arg3[%add3A, %dma_wait3A_345, %dma_wait3A_346, %dma_wait3A_347] : memref<32x78x2x128xi32, #tpu.memory_space<hbm>> -> memref<1x78x2x128xi32, #tpu.memory_space<hbm>>
    %dma_wait3A_349 = tpu.memref_squeeze %dma_wait3A_348 : memref<1x78x2x128xi32, #tpu.memory_space<hbm>> -> memref<78x2x128xi32, #tpu.memory_space<hbm>>
    %dma_wait3A_350 = arith.constant 0 : i32
    %dma_wait3A_351 = arith.constant 0 : i32
    %dma_wait3A_352 = tpu.memref_slice %dma_wait3A_349[%dma_wait3A_344, %dma_wait3A_350, %dma_wait3A_351] : memref<78x2x128xi32, #tpu.memory_space<hbm>> -> memref<1x2x128xi32, #tpu.memory_space<hbm>>
    %dma_wait3A_353 = tpu.memref_squeeze %dma_wait3A_352 : memref<1x2x128xi32, #tpu.memory_space<hbm>> -> memref<2x128xi32, #tpu.memory_space<hbm>>
    %dma_wait3A_354 = arith.constant 0 : i32
    %dma_wait3A_355 = arith.constant 0 : i32
    %dma_wait3A_356 = arith.constant 0 : i32
    %dma_wait3A_357 = tpu.memref_slice %arg3[%add3A, %dma_wait3A_354, %dma_wait3A_355, %dma_wait3A_356] : memref<32x78x2x128xi32, #tpu.memory_space<hbm>> -> memref<1x78x2x128xi32, #tpu.memory_space<hbm>>
    %dma_wait3A_358 = tpu.memref_squeeze %dma_wait3A_357 : memref<1x78x2x128xi32, #tpu.memory_space<hbm>> -> memref<78x2x128xi32, #tpu.memory_space<hbm>>
    %dma_wait3A_359 = arith.constant 0 : i32
    %dma_wait3A_360 = arith.constant 0 : i32
    %dma_wait3A_361 = tpu.memref_slice %dma_wait3A_358[%dma_wait3A_344, %dma_wait3A_359, %dma_wait3A_360] : memref<78x2x128xi32, #tpu.memory_space<hbm>> -> memref<1x2x128xi32, #tpu.memory_space<hbm>>
    %dma_wait3A_362 = tpu.memref_squeeze %dma_wait3A_361 : memref<1x2x128xi32, #tpu.memory_space<hbm>> -> memref<2x128xi32, #tpu.memory_space<hbm>>
    tpu.wait_dma2 semaphore(%arg17 : memref<!tpu.dma_semaphore, #tpu.memory_space<semaphore_mem>>) src(%dma_wait3A_362 : memref<2x128xi32, #tpu.memory_space<hbm>>) dst(%arg11 : memref<2x128xi32, #tpu.memory_space<vmem>>)
    %dma_wait3A_363 = arith.constant 1 : i32
    %dma_wait3A_364 = arith.constant 0 : i32
    %dma_wait3A_365 = tpu.memref_slice %arg13[%dma_wait3A_363, %dma_wait3A_364] : memref<2x128xi32, #tpu.memory_space<vmem>> -> memref<1x128xi32, #tpu.memory_space<vmem>>
    %dma_wait3A_366 = tpu.memref_squeeze %dma_wait3A_365 : memref<1x128xi32, #tpu.memory_space<vmem>> -> memref<128xi32, #tpu.memory_space<vmem>>
    %dma_wait3A_367 = arith.constant 0 : i32
    %dma_wait3A_368 = arith.constant 0 : i32
    %dma_wait3A_369 = tpu.memref_slice %arg7[%dma_wait3A_367, %dma_wait3A_368] : memref<10240x128xf32, #tpu.memory_space<vmem_shared>> -> memref<10240x128xf32, #tpu.memory_space<vmem_shared>>
    tpu.wait_indirect_dma semaphore(%arg23 : memref<!tpu.dma_semaphore, #tpu.memory_space<semaphore_mem>>) src(%arg9 : memref<128x128xf32, #tpu.memory_space<vmem>>) dst(%dma_wait3A_369 : memref<10240x128xf32, #tpu.memory_space<vmem_shared>>)
    %dma_start3A_370 = arith.constant 0 : i32
    %dma_start3A_371 = arith.constant 0 : i32
    %dma_start3A_372 = tpu.memref_slice %arg11[%dma_start3A_370, %dma_start3A_371] : memref<2x128xi32, #tpu.memory_space<vmem>> -> memref<1x128xi32, #tpu.memory_space<vmem>>
    %dma_start3A_373 = tpu.memref_squeeze %dma_start3A_372 : memref<1x128xi32, #tpu.memory_space<vmem>> -> memref<128xi32, #tpu.memory_space<vmem>>
    %dma_start3A_374 = arith.constant 0 : i32
    %dma_start3A_375 = arith.constant 0 : i32
    %dma_start3A_376 = tpu.memref_slice %arg2[%dma_start3A_374, %dma_start3A_375] : memref<10240x128xf32, #tpu.memory_space<hbm>> -> memref<10240x128xf32, #tpu.memory_space<hbm>>
    tpu.enqueue_indirect_dma source(%dma_start3A_376 : memref<10240x128xf32, #tpu.memory_space<hbm>>) target(%arg9 : memref<128x128xf32, #tpu.memory_space<vmem>>) offsets(%dma_start3A_373 : memref<128xi32, #tpu.memory_space<vmem>>) semaphore(%arg21 : memref<!tpu.dma_semaphore, #tpu.memory_space<semaphore_mem>>)
    %dma_wait3A_377 = arith.constant 0 : i32
    %dma_wait3A_378 = arith.constant 0 : i32
    %dma_wait3A_379 = tpu.memref_slice %arg10[%dma_wait3A_377, %dma_wait3A_378] : memref<2x128xi32, #tpu.memory_space<vmem>> -> memref<1x128xi32, #tpu.memory_space<vmem>>
    %dma_wait3A_380 = tpu.memref_squeeze %dma_wait3A_379 : memref<1x128xi32, #tpu.memory_space<vmem>> -> memref<128xi32, #tpu.memory_space<vmem>>
    %dma_wait3A_381 = arith.constant 0 : i32
    %dma_wait3A_382 = arith.constant 0 : i32
    %dma_wait3A_383 = tpu.memref_slice %arg2[%dma_wait3A_381, %dma_wait3A_382] : memref<10240x128xf32, #tpu.memory_space<hbm>> -> memref<10240x128xf32, #tpu.memory_space<hbm>>
    tpu.wait_indirect_dma semaphore(%arg20 : memref<!tpu.dma_semaphore, #tpu.memory_space<semaphore_mem>>) src(%dma_wait3A_383 : memref<10240x128xf32, #tpu.memory_space<hbm>>) dst(%arg8 : memref<128x128xf32, #tpu.memory_space<vmem>>)
    %dma_start3A_384 = arith.constant 1 : i32
    %dma_start3A_385 = arith.constant 0 : i32
    %dma_start3A_386 = tpu.memref_slice %arg10[%dma_start3A_384, %dma_start3A_385] : memref<2x128xi32, #tpu.memory_space<vmem>> -> memref<1x128xi32, #tpu.memory_space<vmem>>
    %dma_start3A_387 = tpu.memref_squeeze %dma_start3A_386 : memref<1x128xi32, #tpu.memory_space<vmem>> -> memref<128xi32, #tpu.memory_space<vmem>>
    %dma_start3A_388 = arith.constant 0 : i32
    %dma_start3A_389 = arith.constant 0 : i32
    %dma_start3A_390 = tpu.memref_slice %arg7[%dma_start3A_388, %dma_start3A_389] : memref<10240x128xf32, #tpu.memory_space<vmem_shared>> -> memref<10240x128xf32, #tpu.memory_space<vmem_shared>>
    tpu.enqueue_indirect_dma source(%arg8 : memref<128x128xf32, #tpu.memory_space<vmem>>) target(%dma_start3A_390 : memref<10240x128xf32, #tpu.memory_space<vmem_shared>>) offsets(%dma_start3A_387 : memref<128xi32, #tpu.memory_space<vmem>>) semaphore(%arg22 : memref<!tpu.dma_semaphore, #tpu.memory_space<semaphore_mem>>) {add = true}
    %dma_wait3A_391 = arith.constant 1 : i32
    %dma_wait3A_392 = arith.constant 0 : i32
    %dma_wait3A_393 = tpu.memref_slice %arg10[%dma_wait3A_391, %dma_wait3A_392] : memref<2x128xi32, #tpu.memory_space<vmem>> -> memref<1x128xi32, #tpu.memory_space<vmem>>
    %dma_wait3A_394 = tpu.memref_squeeze %dma_wait3A_393 : memref<1x128xi32, #tpu.memory_space<vmem>> -> memref<128xi32, #tpu.memory_space<vmem>>
    %dma_wait3A_395 = arith.constant 0 : i32
    %dma_wait3A_396 = arith.constant 0 : i32
    %dma_wait3A_397 = tpu.memref_slice %arg7[%dma_wait3A_395, %dma_wait3A_396] : memref<10240x128xf32, #tpu.memory_space<vmem_shared>> -> memref<10240x128xf32, #tpu.memory_space<vmem_shared>>
    tpu.wait_indirect_dma semaphore(%arg22 : memref<!tpu.dma_semaphore, #tpu.memory_space<semaphore_mem>>) src(%arg8 : memref<128x128xf32, #tpu.memory_space<vmem>>) dst(%dma_wait3A_397 : memref<10240x128xf32, #tpu.memory_space<vmem_shared>>)
    %dma_wait3A_398 = arith.constant 0 : i32
    %dma_wait3A_399 = arith.constant 0 : i32
    %dma_wait3A_400 = tpu.memref_slice %arg11[%dma_wait3A_398, %dma_wait3A_399] : memref<2x128xi32, #tpu.memory_space<vmem>> -> memref<1x128xi32, #tpu.memory_space<vmem>>
    %dma_wait3A_401 = tpu.memref_squeeze %dma_wait3A_400 : memref<1x128xi32, #tpu.memory_space<vmem>> -> memref<128xi32, #tpu.memory_space<vmem>>
    %dma_wait3A_402 = arith.constant 0 : i32
    %dma_wait3A_403 = arith.constant 0 : i32
    %dma_wait3A_404 = tpu.memref_slice %arg2[%dma_wait3A_402, %dma_wait3A_403] : memref<10240x128xf32, #tpu.memory_space<hbm>> -> memref<10240x128xf32, #tpu.memory_space<hbm>>
    tpu.wait_indirect_dma semaphore(%arg21 : memref<!tpu.dma_semaphore, #tpu.memory_space<semaphore_mem>>) src(%dma_wait3A_404 : memref<10240x128xf32, #tpu.memory_space<hbm>>) dst(%arg9 : memref<128x128xf32, #tpu.memory_space<vmem>>)
    %dma_start3A_405 = arith.constant 1 : i32
    %dma_start3A_406 = arith.constant 0 : i32
    %dma_start3A_407 = tpu.memref_slice %arg11[%dma_start3A_405, %dma_start3A_406] : memref<2x128xi32, #tpu.memory_space<vmem>> -> memref<1x128xi32, #tpu.memory_space<vmem>>
    %dma_start3A_408 = tpu.memref_squeeze %dma_start3A_407 : memref<1x128xi32, #tpu.memory_space<vmem>> -> memref<128xi32, #tpu.memory_space<vmem>>
    %dma_start3A_409 = arith.constant 0 : i32
    %dma_start3A_410 = arith.constant 0 : i32
    %dma_start3A_411 = tpu.memref_slice %arg7[%dma_start3A_409, %dma_start3A_410] : memref<10240x128xf32, #tpu.memory_space<vmem_shared>> -> memref<10240x128xf32, #tpu.memory_space<vmem_shared>>
    tpu.enqueue_indirect_dma source(%arg9 : memref<128x128xf32, #tpu.memory_space<vmem>>) target(%dma_start3A_411 : memref<10240x128xf32, #tpu.memory_space<vmem_shared>>) offsets(%dma_start3A_408 : memref<128xi32, #tpu.memory_space<vmem>>) semaphore(%arg23 : memref<!tpu.dma_semaphore, #tpu.memory_space<semaphore_mem>>) {add = true}
    %dma_wait3A_412 = arith.constant 1 : i32
    %dma_wait3A_413 = arith.constant 0 : i32
    %dma_wait3A_414 = tpu.memref_slice %arg11[%dma_wait3A_412, %dma_wait3A_413] : memref<2x128xi32, #tpu.memory_space<vmem>> -> memref<1x128xi32, #tpu.memory_space<vmem>>
    %dma_wait3A_415 = tpu.memref_squeeze %dma_wait3A_414 : memref<1x128xi32, #tpu.memory_space<vmem>> -> memref<128xi32, #tpu.memory_space<vmem>>
    %dma_wait3A_416 = arith.constant 0 : i32
    %dma_wait3A_417 = arith.constant 0 : i32
    %dma_wait3A_418 = tpu.memref_slice %arg7[%dma_wait3A_416, %dma_wait3A_417] : memref<10240x128xf32, #tpu.memory_space<vmem_shared>> -> memref<10240x128xf32, #tpu.memory_space<vmem_shared>>
    tpu.wait_indirect_dma semaphore(%arg23 : memref<!tpu.dma_semaphore, #tpu.memory_space<semaphore_mem>>) src(%arg9 : memref<128x128xf32, #tpu.memory_space<vmem>>) dst(%dma_wait3A_418 : memref<10240x128xf32, #tpu.memory_space<vmem_shared>>)
    "tpu.region"() ({
      %run_scoped3A = tpu.sem_alloc : memref<!tpu.dma_semaphore, #tpu.memory_space<semaphore_mem>>
      %dma_start3A_432 = arith.constant 0 : i32
      %dma_start3A_433 = tpu.memref_slice %arg4[%add3A, %dma_start3A_432] : memref<32x16xi32, #tpu.memory_space<hbm>> -> memref<1x16xi32, #tpu.memory_space<hbm>>
      %dma_start3A_434 = tpu.memref_squeeze %dma_start3A_433 : memref<1x16xi32, #tpu.memory_space<hbm>> -> memref<16xi32, #tpu.memory_space<hbm>>
      %dma_start3A_435 = arith.constant 0 : i32
      %dma_start3A_436 = tpu.memref_slice %arg4[%add3A, %dma_start3A_435] : memref<32x16xi32, #tpu.memory_space<hbm>> -> memref<1x16xi32, #tpu.memory_space<hbm>>
      %dma_start3A_437 = tpu.memref_squeeze %dma_start3A_436 : memref<1x16xi32, #tpu.memory_space<hbm>> -> memref<16xi32, #tpu.memory_space<hbm>>
      tpu.enqueue_dma source(%dma_start3A_437 : memref<16xi32, #tpu.memory_space<hbm>>) target(%arg14 : memref<16xi32, #tpu.memory_space<vmem>>) target_semaphore(%run_scoped3A : memref<!tpu.dma_semaphore, #tpu.memory_space<semaphore_mem>>)
      %dma_wait3A_438 = arith.constant 0 : i32
      %dma_wait3A_439 = tpu.memref_slice %arg4[%add3A, %dma_wait3A_438] : memref<32x16xi32, #tpu.memory_space<hbm>> -> memref<1x16xi32, #tpu.memory_space<hbm>>
      %dma_wait3A_440 = tpu.memref_squeeze %dma_wait3A_439 : memref<1x16xi32, #tpu.memory_space<hbm>> -> memref<16xi32, #tpu.memory_space<hbm>>
      %dma_wait3A_441 = arith.constant 0 : i32
      %dma_wait3A_442 = tpu.memref_slice %arg4[%add3A, %dma_wait3A_441] : memref<32x16xi32, #tpu.memory_space<hbm>> -> memref<1x16xi32, #tpu.memory_space<hbm>>
      %dma_wait3A_443 = tpu.memref_squeeze %dma_wait3A_442 : memref<1x16xi32, #tpu.memory_space<hbm>> -> memref<16xi32, #tpu.memory_space<hbm>>
      tpu.wait_dma2 semaphore(%run_scoped3A : memref<!tpu.dma_semaphore, #tpu.memory_space<semaphore_mem>>) src(%dma_wait3A_443 : memref<16xi32, #tpu.memory_space<hbm>>) dst(%arg14 : memref<16xi32, #tpu.memory_space<vmem>>)
      tpu.yield
    }) : () -> ()
    "tpu.region"() ({
      %run_scoped3A = tpu.sem_alloc : memref<!tpu.dma_semaphore, #tpu.memory_space<semaphore_mem>>
      %dma_start3A_432 = arith.constant 0 : i32
      %dma_start3A_433 = tpu.memref_slice %arg5[%add3A, %dma_start3A_432] : memref<32x16xi32, #tpu.memory_space<hbm>> -> memref<1x16xi32, #tpu.memory_space<hbm>>
      %dma_start3A_434 = tpu.memref_squeeze %dma_start3A_433 : memref<1x16xi32, #tpu.memory_space<hbm>> -> memref<16xi32, #tpu.memory_space<hbm>>
      %dma_start3A_435 = arith.constant 0 : i32
      %dma_start3A_436 = tpu.memref_slice %arg5[%add3A, %dma_start3A_435] : memref<32x16xi32, #tpu.memory_space<hbm>> -> memref<1x16xi32, #tpu.memory_space<hbm>>
      %dma_start3A_437 = tpu.memref_squeeze %dma_start3A_436 : memref<1x16xi32, #tpu.memory_space<hbm>> -> memref<16xi32, #tpu.memory_space<hbm>>
      tpu.enqueue_dma source(%dma_start3A_437 : memref<16xi32, #tpu.memory_space<hbm>>) target(%arg15 : memref<16xi32, #tpu.memory_space<vmem>>) target_semaphore(%run_scoped3A : memref<!tpu.dma_semaphore, #tpu.memory_space<semaphore_mem>>)
      %dma_wait3A_438 = arith.constant 0 : i32
      %dma_wait3A_439 = tpu.memref_slice %arg5[%add3A, %dma_wait3A_438] : memref<32x16xi32, #tpu.memory_space<hbm>> -> memref<1x16xi32, #tpu.memory_space<hbm>>
      %dma_wait3A_440 = tpu.memref_squeeze %dma_wait3A_439 : memref<1x16xi32, #tpu.memory_space<hbm>> -> memref<16xi32, #tpu.memory_space<hbm>>
      %dma_wait3A_441 = arith.constant 0 : i32
      %dma_wait3A_442 = tpu.memref_slice %arg5[%add3A, %dma_wait3A_441] : memref<32x16xi32, #tpu.memory_space<hbm>> -> memref<1x16xi32, #tpu.memory_space<hbm>>
      %dma_wait3A_443 = tpu.memref_squeeze %dma_wait3A_442 : memref<1x16xi32, #tpu.memory_space<hbm>> -> memref<16xi32, #tpu.memory_space<hbm>>
      tpu.wait_dma2 semaphore(%run_scoped3A : memref<!tpu.dma_semaphore, #tpu.memory_space<semaphore_mem>>) src(%dma_wait3A_443 : memref<16xi32, #tpu.memory_space<hbm>>) dst(%arg15 : memref<16xi32, #tpu.memory_space<vmem>>)
      tpu.yield
    }) : () -> ()
    %dma_start3A_419 = arith.constant 0 : i32
    %dma_start3A_420 = arith.constant 0 : i32
    %dma_start3A_421 = tpu.memref_slice %arg9[%dma_start3A_419, %dma_start3A_420] : memref<128x128xf32, #tpu.memory_space<vmem>> -> memref<16x128xf32, #tpu.memory_space<vmem>>
    %dma_start3A_422 = arith.constant 0 : i32
    %dma_start3A_423 = arith.constant 0 : i32
    %dma_start3A_424 = tpu.memref_slice %arg2[%dma_start3A_422, %dma_start3A_423] : memref<10240x128xf32, #tpu.memory_space<hbm>> -> memref<10240x128xf32, #tpu.memory_space<hbm>>
    tpu.enqueue_indirect_dma source(%dma_start3A_424 : memref<10240x128xf32, #tpu.memory_space<hbm>>) target(%dma_start3A_421 : memref<16x128xf32, #tpu.memory_space<vmem>>) offsets(%arg14 : memref<16xi32, #tpu.memory_space<vmem>>) semaphore(%arg21 : memref<!tpu.dma_semaphore, #tpu.memory_space<semaphore_mem>>)
    %dma_wait3A_425 = arith.constant 0 : i32
    %dma_wait3A_426 = arith.constant 0 : i32
    %dma_wait3A_427 = tpu.memref_slice %arg9[%dma_wait3A_425, %dma_wait3A_426] : memref<128x128xf32, #tpu.memory_space<vmem>> -> memref<16x128xf32, #tpu.memory_space<vmem>>
    %dma_wait3A_428 = arith.constant 0 : i32
    %dma_wait3A_429 = arith.constant 0 : i32
    %dma_wait3A_430 = tpu.memref_slice %arg2[%dma_wait3A_428, %dma_wait3A_429] : memref<10240x128xf32, #tpu.memory_space<hbm>> -> memref<10240x128xf32, #tpu.memory_space<hbm>>
    tpu.wait_indirect_dma semaphore(%arg21 : memref<!tpu.dma_semaphore, #tpu.memory_space<semaphore_mem>>) src(%dma_wait3A_430 : memref<10240x128xf32, #tpu.memory_space<hbm>>) dst(%dma_wait3A_427 : memref<16x128xf32, #tpu.memory_space<vmem>>)
    "tpu.region"() ({
      %run_scoped3A = tpu.sem_alloc : memref<!tpu.dma_semaphore, #tpu.memory_space<semaphore_mem>>
      %dma_start3A_432 = arith.constant 0 : i32
      %dma_start3A_433 = arith.constant 0 : i32
      %dma_start3A_434 = tpu.memref_slice %arg9[%dma_start3A_432, %dma_start3A_433] : memref<128x128xf32, #tpu.memory_space<vmem>> -> memref<16x128xf32, #tpu.memory_space<vmem>>
      %dma_start3A_435 = arith.constant 0 : i32
      %dma_start3A_436 = arith.constant 0 : i32
      %dma_start3A_437 = tpu.memref_slice %arg7[%dma_start3A_435, %dma_start3A_436] : memref<10240x128xf32, #tpu.memory_space<vmem_shared>> -> memref<10240x128xf32, #tpu.memory_space<vmem_shared>>
      tpu.enqueue_indirect_dma source(%dma_start3A_434 : memref<16x128xf32, #tpu.memory_space<vmem>>) target(%dma_start3A_437 : memref<10240x128xf32, #tpu.memory_space<vmem_shared>>) offsets(%arg15 : memref<16xi32, #tpu.memory_space<vmem>>) semaphore(%run_scoped3A : memref<!tpu.dma_semaphore, #tpu.memory_space<semaphore_mem>>) {add = true}
      %dma_wait3A_438 = arith.constant 0 : i32
      %dma_wait3A_439 = arith.constant 0 : i32
      %dma_wait3A_440 = tpu.memref_slice %arg9[%dma_wait3A_438, %dma_wait3A_439] : memref<128x128xf32, #tpu.memory_space<vmem>> -> memref<16x128xf32, #tpu.memory_space<vmem>>
      %dma_wait3A_441 = arith.constant 0 : i32
      %dma_wait3A_442 = arith.constant 0 : i32
      %dma_wait3A_443 = tpu.memref_slice %arg7[%dma_wait3A_441, %dma_wait3A_442] : memref<10240x128xf32, #tpu.memory_space<vmem_shared>> -> memref<10240x128xf32, #tpu.memory_space<vmem_shared>>
      tpu.wait_indirect_dma semaphore(%run_scoped3A : memref<!tpu.dma_semaphore, #tpu.memory_space<semaphore_mem>>) src(%dma_wait3A_440 : memref<16x128xf32, #tpu.memory_space<vmem>>) dst(%dma_wait3A_443 : memref<10240x128xf32, #tpu.memory_space<vmem_shared>>)
      tpu.yield
    }) : () -> ()
    %barrier3A_431 = arith.constant 0 : index
    tpu.barrier barrier_id(%barrier3A_431)
    "tpu.region"() ({
      %run_scoped3A = tpu.sem_alloc : memref<!tpu.dma_semaphore, #tpu.memory_space<semaphore_mem>>
      %dma_start3A_432 = arith.constant 0 : i32
      %dma_start3A_433 = arith.constant 0 : i32
      %dma_start3A_434 = tpu.memref_slice %arg6[%arg0, %dma_start3A_432, %dma_start3A_433] : memref<2x10240x128xf32, #tpu.memory_space<hbm>> -> memref<1x10240x128xf32, #tpu.memory_space<hbm>>
      %dma_start3A_435 = tpu.memref_squeeze %dma_start3A_434 : memref<1x10240x128xf32, #tpu.memory_space<hbm>> -> memref<10240x128xf32, #tpu.memory_space<hbm>>
      %dma_start3A_436 = arith.constant 0 : i32
      %dma_start3A_437 = tpu.memref_slice %dma_start3A_435[%mul3A_2, %dma_start3A_436] : memref<10240x128xf32, #tpu.memory_space<hbm>> -> memref<640x128xf32, #tpu.memory_space<hbm>>
      %dma_start3A_438 = arith.constant 0 : i32
      %dma_start3A_439 = tpu.memref_slice %arg7[%mul3A_2, %dma_start3A_438] : memref<10240x128xf32, #tpu.memory_space<vmem_shared>> -> memref<640x128xf32, #tpu.memory_space<vmem_shared>>
      tpu.enqueue_dma source(%dma_start3A_439 : memref<640x128xf32, #tpu.memory_space<vmem_shared>>) target(%dma_start3A_437 : memref<640x128xf32, #tpu.memory_space<hbm>>) target_semaphore(%run_scoped3A : memref<!tpu.dma_semaphore, #tpu.memory_space<semaphore_mem>>)
      %dma_wait3A_440 = arith.constant 0 : i32
      %dma_wait3A_441 = arith.constant 0 : i32
      %dma_wait3A_442 = tpu.memref_slice %arg6[%arg0, %dma_wait3A_440, %dma_wait3A_441] : memref<2x10240x128xf32, #tpu.memory_space<hbm>> -> memref<1x10240x128xf32, #tpu.memory_space<hbm>>
      %dma_wait3A_443 = tpu.memref_squeeze %dma_wait3A_442 : memref<1x10240x128xf32, #tpu.memory_space<hbm>> -> memref<10240x128xf32, #tpu.memory_space<hbm>>
      %dma_wait3A_444 = arith.constant 0 : i32
      %dma_wait3A_445 = tpu.memref_slice %dma_wait3A_443[%mul3A_2, %dma_wait3A_444] : memref<10240x128xf32, #tpu.memory_space<hbm>> -> memref<640x128xf32, #tpu.memory_space<hbm>>
      %dma_wait3A_446 = arith.constant 0 : i32
      %dma_wait3A_447 = tpu.memref_slice %arg7[%mul3A_2, %dma_wait3A_446] : memref<10240x128xf32, #tpu.memory_space<vmem_shared>> -> memref<640x128xf32, #tpu.memory_space<vmem_shared>>
      tpu.wait_dma2 semaphore(%run_scoped3A : memref<!tpu.dma_semaphore, #tpu.memory_space<semaphore_mem>>) src(%dma_wait3A_447 : memref<640x128xf32, #tpu.memory_space<vmem_shared>>) dst(%dma_wait3A_445 : memref<640x128xf32, #tpu.memory_space<hbm>>)
      tpu.yield
    }) : () -> ()
    return
  }
}

#map = affine_map<(d0, d1) -> (0, 0, 0)>
#map1 = affine_map<(d0, d1) -> (0, 0)>
module attributes {stable_mosaic.version = 14 : i64} {
  func.func @_deg_kernel(%arg0: i32, %arg1: i32, %arg2: memref<32x78x128xi32, #tpu.memory_space<hbm>>, %arg3: memref<32x16xi32, #tpu.memory_space<hbm>>, %arg4: memref<2x10240x16xf32, #tpu.memory_space<hbm>>, %arg5: memref<10240x16xf32, #tpu.memory_space<vmem_shared>>, %arg6: memref<128x16xf32, #tpu.memory_space<vmem>>, %arg7: memref<128xi32, #tpu.memory_space<vmem>>, %arg8: memref<128xi32, #tpu.memory_space<vmem>>, %arg9: memref<16xi32, #tpu.memory_space<vmem>>, %arg10: memref<!tpu.dma_semaphore, #tpu.memory_space<semaphore_mem>>, %arg11: memref<!tpu.dma_semaphore, #tpu.memory_space<semaphore_mem>>) attributes {dimension_semantics = [#tpu.dimension_semantics<core_parallel>, #tpu.dimension_semantics<subcore_parallel>], iteration_bounds = array<i64: 2, 16>, scalar_prefetch = 0 : i64, scratch_operands = 7 : i64, tpu.core_type = #tpu.core_type<sc_vector_subcore>, window_params = [{transform_indices = #map}, {transform_indices = #map1}, {transform_indices = #map}]} {
    %mul3A = arith.constant 16 : i32
    %mul3A_0 = arith.muli %arg0, %mul3A : i32
    %add3A = arith.addi %mul3A_0, %arg1 : i32
    %mul3A_1 = arith.constant 640 : i32
    %mul3A_2 = arith.muli %arg1, %mul3A_1 : i32
    %broadcast_in_dim3A = arith.constant 0.000000e+00 : f32
    %broadcast_in_dim3A_3 = vector.broadcast %broadcast_in_dim3A : f32 to vector<16xf32>
    %scan3A = arith.constant 0 : i32
    %scan3A_4 = arith.constant 0 : i32
    %scan3A_5 = arith.constant 128 : i32
    %scan3A_6 = arith.addi %scan3A_4, %scan3A_5 : i32
    %scan3A_7 = arith.constant 1 : i32
    scf.for %scan3A_92 = %scan3A_4 to %scan3A_6 step %scan3A_7  : i32 {
      %swap3A = arith.index_cast %scan3A_92 : i32 to index
      %swap3A_93 = arith.constant 0 : index
      %swap3A_94 = tpu.vector_load %arg6[%swap3A, %swap3A_93] {strides = array<i32>} : memref<128x16xf32, #tpu.memory_space<vmem>>, vector<1x16xf32>,
      %swap3A_95 = vector.shape_cast %swap3A_94 : vector<1x16xf32> to vector<16xf32>
      %swap3A_96 = vector.shape_cast %broadcast_in_dim3A_3 : vector<16xf32> to vector<1x16xf32>
      tpu.vector_store %arg6[%swap3A, %swap3A_93], %swap3A_96 {strides = array<i32>} : memref<128x16xf32, #tpu.memory_space<vmem>>, vector<1x16xf32>,
    }
    %scan3A_8 = arith.constant 128 : i32
    %add3A_9 = arith.constant 0 : i32
    %add3A_10 = arith.addi %mul3A_2, %add3A_9 : i32
    "tpu.region"() ({
      %run_scoped3A = tpu.sem_alloc : memref<!tpu.dma_semaphore, #tpu.memory_space<semaphore_mem>>
      %dma_start3A_92 = arith.constant 0 : i32
      %dma_start3A_93 = tpu.memref_slice %arg5[%add3A_10, %dma_start3A_92] : memref<10240x16xf32, #tpu.memory_space<vmem_shared>> -> memref<128x16xf32, #tpu.memory_space<vmem_shared>>
      %dma_start3A_94 = arith.constant 0 : i32
      %dma_start3A_95 = tpu.memref_slice %arg5[%add3A_10, %dma_start3A_94] : memref<10240x16xf32, #tpu.memory_space<vmem_shared>> -> memref<128x16xf32, #tpu.memory_space<vmem_shared>>
      tpu.enqueue_dma source(%arg6 : memref<128x16xf32, #tpu.memory_space<vmem>>) target(%dma_start3A_95 : memref<128x16xf32, #tpu.memory_space<vmem_shared>>) target_semaphore(%run_scoped3A : memref<!tpu.dma_semaphore, #tpu.memory_space<semaphore_mem>>)
      %dma_wait3A_96 = arith.constant 0 : i32
      %dma_wait3A_97 = tpu.memref_slice %arg5[%add3A_10, %dma_wait3A_96] : memref<10240x16xf32, #tpu.memory_space<vmem_shared>> -> memref<128x16xf32, #tpu.memory_space<vmem_shared>>
      %dma_wait3A_98 = arith.constant 0 : i32
      %dma_wait3A_99 = tpu.memref_slice %arg5[%add3A_10, %dma_wait3A_98] : memref<10240x16xf32, #tpu.memory_space<vmem_shared>> -> memref<128x16xf32, #tpu.memory_space<vmem_shared>>
      tpu.wait_dma2 semaphore(%run_scoped3A : memref<!tpu.dma_semaphore, #tpu.memory_space<semaphore_mem>>) src(%arg6 : memref<128x16xf32, #tpu.memory_space<vmem>>) dst(%dma_wait3A_99 : memref<128x16xf32, #tpu.memory_space<vmem_shared>>)
      tpu.yield
    }) : () -> ()
    %add3A_11 = arith.constant 128 : i32
    %add3A_12 = arith.addi %mul3A_2, %add3A_11 : i32
    "tpu.region"() ({
      %run_scoped3A = tpu.sem_alloc : memref<!tpu.dma_semaphore, #tpu.memory_space<semaphore_mem>>
      %dma_start3A_92 = arith.constant 0 : i32
      %dma_start3A_93 = tpu.memref_slice %arg5[%add3A_12, %dma_start3A_92] : memref<10240x16xf32, #tpu.memory_space<vmem_shared>> -> memref<128x16xf32, #tpu.memory_space<vmem_shared>>
      %dma_start3A_94 = arith.constant 0 : i32
      %dma_start3A_95 = tpu.memref_slice %arg5[%add3A_12, %dma_start3A_94] : memref<10240x16xf32, #tpu.memory_space<vmem_shared>> -> memref<128x16xf32, #tpu.memory_space<vmem_shared>>
      tpu.enqueue_dma source(%arg6 : memref<128x16xf32, #tpu.memory_space<vmem>>) target(%dma_start3A_95 : memref<128x16xf32, #tpu.memory_space<vmem_shared>>) target_semaphore(%run_scoped3A : memref<!tpu.dma_semaphore, #tpu.memory_space<semaphore_mem>>)
      %dma_wait3A_96 = arith.constant 0 : i32
      %dma_wait3A_97 = tpu.memref_slice %arg5[%add3A_12, %dma_wait3A_96] : memref<10240x16xf32, #tpu.memory_space<vmem_shared>> -> memref<128x16xf32, #tpu.memory_space<vmem_shared>>
      %dma_wait3A_98 = arith.constant 0 : i32
      %dma_wait3A_99 = tpu.memref_slice %arg5[%add3A_12, %dma_wait3A_98] : memref<10240x16xf32, #tpu.memory_space<vmem_shared>> -> memref<128x16xf32, #tpu.memory_space<vmem_shared>>
      tpu.wait_dma2 semaphore(%run_scoped3A : memref<!tpu.dma_semaphore, #tpu.memory_space<semaphore_mem>>) src(%arg6 : memref<128x16xf32, #tpu.memory_space<vmem>>) dst(%dma_wait3A_99 : memref<128x16xf32, #tpu.memory_space<vmem_shared>>)
      tpu.yield
    }) : () -> ()
    %add3A_13 = arith.constant 256 : i32
    %add3A_14 = arith.addi %mul3A_2, %add3A_13 : i32
    "tpu.region"() ({
      %run_scoped3A = tpu.sem_alloc : memref<!tpu.dma_semaphore, #tpu.memory_space<semaphore_mem>>
      %dma_start3A_92 = arith.constant 0 : i32
      %dma_start3A_93 = tpu.memref_slice %arg5[%add3A_14, %dma_start3A_92] : memref<10240x16xf32, #tpu.memory_space<vmem_shared>> -> memref<128x16xf32, #tpu.memory_space<vmem_shared>>
      %dma_start3A_94 = arith.constant 0 : i32
      %dma_start3A_95 = tpu.memref_slice %arg5[%add3A_14, %dma_start3A_94] : memref<10240x16xf32, #tpu.memory_space<vmem_shared>> -> memref<128x16xf32, #tpu.memory_space<vmem_shared>>
      tpu.enqueue_dma source(%arg6 : memref<128x16xf32, #tpu.memory_space<vmem>>) target(%dma_start3A_95 : memref<128x16xf32, #tpu.memory_space<vmem_shared>>) target_semaphore(%run_scoped3A : memref<!tpu.dma_semaphore, #tpu.memory_space<semaphore_mem>>)
      %dma_wait3A_96 = arith.constant 0 : i32
      %dma_wait3A_97 = tpu.memref_slice %arg5[%add3A_14, %dma_wait3A_96] : memref<10240x16xf32, #tpu.memory_space<vmem_shared>> -> memref<128x16xf32, #tpu.memory_space<vmem_shared>>
      %dma_wait3A_98 = arith.constant 0 : i32
      %dma_wait3A_99 = tpu.memref_slice %arg5[%add3A_14, %dma_wait3A_98] : memref<10240x16xf32, #tpu.memory_space<vmem_shared>> -> memref<128x16xf32, #tpu.memory_space<vmem_shared>>
      tpu.wait_dma2 semaphore(%run_scoped3A : memref<!tpu.dma_semaphore, #tpu.memory_space<semaphore_mem>>) src(%arg6 : memref<128x16xf32, #tpu.memory_space<vmem>>) dst(%dma_wait3A_99 : memref<128x16xf32, #tpu.memory_space<vmem_shared>>)
      tpu.yield
    }) : () -> ()
    %add3A_15 = arith.constant 384 : i32
    %add3A_16 = arith.addi %mul3A_2, %add3A_15 : i32
    "tpu.region"() ({
      %run_scoped3A = tpu.sem_alloc : memref<!tpu.dma_semaphore, #tpu.memory_space<semaphore_mem>>
      %dma_start3A_92 = arith.constant 0 : i32
      %dma_start3A_93 = tpu.memref_slice %arg5[%add3A_16, %dma_start3A_92] : memref<10240x16xf32, #tpu.memory_space<vmem_shared>> -> memref<128x16xf32, #tpu.memory_space<vmem_shared>>
      %dma_start3A_94 = arith.constant 0 : i32
      %dma_start3A_95 = tpu.memref_slice %arg5[%add3A_16, %dma_start3A_94] : memref<10240x16xf32, #tpu.memory_space<vmem_shared>> -> memref<128x16xf32, #tpu.memory_space<vmem_shared>>
      tpu.enqueue_dma source(%arg6 : memref<128x16xf32, #tpu.memory_space<vmem>>) target(%dma_start3A_95 : memref<128x16xf32, #tpu.memory_space<vmem_shared>>) target_semaphore(%run_scoped3A : memref<!tpu.dma_semaphore, #tpu.memory_space<semaphore_mem>>)
      %dma_wait3A_96 = arith.constant 0 : i32
      %dma_wait3A_97 = tpu.memref_slice %arg5[%add3A_16, %dma_wait3A_96] : memref<10240x16xf32, #tpu.memory_space<vmem_shared>> -> memref<128x16xf32, #tpu.memory_space<vmem_shared>>
      %dma_wait3A_98 = arith.constant 0 : i32
      %dma_wait3A_99 = tpu.memref_slice %arg5[%add3A_16, %dma_wait3A_98] : memref<10240x16xf32, #tpu.memory_space<vmem_shared>> -> memref<128x16xf32, #tpu.memory_space<vmem_shared>>
      tpu.wait_dma2 semaphore(%run_scoped3A : memref<!tpu.dma_semaphore, #tpu.memory_space<semaphore_mem>>) src(%arg6 : memref<128x16xf32, #tpu.memory_space<vmem>>) dst(%dma_wait3A_99 : memref<128x16xf32, #tpu.memory_space<vmem_shared>>)
      tpu.yield
    }) : () -> ()
    %add3A_17 = arith.constant 512 : i32
    %add3A_18 = arith.addi %mul3A_2, %add3A_17 : i32
    "tpu.region"() ({
      %run_scoped3A = tpu.sem_alloc : memref<!tpu.dma_semaphore, #tpu.memory_space<semaphore_mem>>
      %dma_start3A_92 = arith.constant 0 : i32
      %dma_start3A_93 = tpu.memref_slice %arg5[%add3A_18, %dma_start3A_92] : memref<10240x16xf32, #tpu.memory_space<vmem_shared>> -> memref<128x16xf32, #tpu.memory_space<vmem_shared>>
      %dma_start3A_94 = arith.constant 0 : i32
      %dma_start3A_95 = tpu.memref_slice %arg5[%add3A_18, %dma_start3A_94] : memref<10240x16xf32, #tpu.memory_space<vmem_shared>> -> memref<128x16xf32, #tpu.memory_space<vmem_shared>>
      tpu.enqueue_dma source(%arg6 : memref<128x16xf32, #tpu.memory_space<vmem>>) target(%dma_start3A_95 : memref<128x16xf32, #tpu.memory_space<vmem_shared>>) target_semaphore(%run_scoped3A : memref<!tpu.dma_semaphore, #tpu.memory_space<semaphore_mem>>)
      %dma_wait3A_96 = arith.constant 0 : i32
      %dma_wait3A_97 = tpu.memref_slice %arg5[%add3A_18, %dma_wait3A_96] : memref<10240x16xf32, #tpu.memory_space<vmem_shared>> -> memref<128x16xf32, #tpu.memory_space<vmem_shared>>
      %dma_wait3A_98 = arith.constant 0 : i32
      %dma_wait3A_99 = tpu.memref_slice %arg5[%add3A_18, %dma_wait3A_98] : memref<10240x16xf32, #tpu.memory_space<vmem_shared>> -> memref<128x16xf32, #tpu.memory_space<vmem_shared>>
      tpu.wait_dma2 semaphore(%run_scoped3A : memref<!tpu.dma_semaphore, #tpu.memory_space<semaphore_mem>>) src(%arg6 : memref<128x16xf32, #tpu.memory_space<vmem>>) dst(%dma_wait3A_99 : memref<128x16xf32, #tpu.memory_space<vmem_shared>>)
      tpu.yield
    }) : () -> ()
    %barrier3A = arith.constant 0 : index
    tpu.barrier barrier_id(%barrier3A)
    %broadcast_in_dim3A_19 = arith.constant 1.000000e+00 : f32
    %broadcast_in_dim3A_20 = vector.broadcast %broadcast_in_dim3A_19 : f32 to vector<16xf32>
    %scan3A_21 = arith.constant 0 : i32
    %scan3A_22 = arith.constant 0 : i32
    %scan3A_23 = arith.constant 128 : i32
    %scan3A_24 = arith.addi %scan3A_22, %scan3A_23 : i32
    %scan3A_25 = arith.constant 1 : i32
    scf.for %scan3A_92 = %scan3A_22 to %scan3A_24 step %scan3A_25  : i32 {
      %swap3A = arith.index_cast %scan3A_92 : i32 to index
      %swap3A_93 = arith.constant 0 : index
      %swap3A_94 = tpu.vector_load %arg6[%swap3A, %swap3A_93] {strides = array<i32>} : memref<128x16xf32, #tpu.memory_space<vmem>>, vector<1x16xf32>,
      %swap3A_95 = vector.shape_cast %swap3A_94 : vector<1x16xf32> to vector<16xf32>
      %swap3A_96 = vector.shape_cast %broadcast_in_dim3A_20 : vector<16xf32> to vector<1x16xf32>
      tpu.vector_store %arg6[%swap3A, %swap3A_93], %swap3A_96 {strides = array<i32>} : memref<128x16xf32, #tpu.memory_space<vmem>>, vector<1x16xf32>,
    }
    %scan3A_26 = arith.constant 128 : i32
    %dma_start3A = arith.constant 0 : i32
    %dma_start3A_27 = arith.constant 0 : i32
    %dma_start3A_28 = arith.constant 0 : i32
    %dma_start3A_29 = tpu.memref_slice %arg2[%add3A, %dma_start3A_27, %dma_start3A_28] : memref<32x78x128xi32, #tpu.memory_space<hbm>> -> memref<1x78x128xi32, #tpu.memory_space<hbm>>
    %dma_start3A_30 = tpu.memref_squeeze %dma_start3A_29 : memref<1x78x128xi32, #tpu.memory_space<hbm>> -> memref<78x128xi32, #tpu.memory_space<hbm>>
    %dma_start3A_31 = arith.constant 0 : i32
    %dma_start3A_32 = tpu.memref_slice %dma_start3A_30[%dma_start3A, %dma_start3A_31] : memref<78x128xi32, #tpu.memory_space<hbm>> -> memref<1x128xi32, #tpu.memory_space<hbm>>
    %dma_start3A_33 = tpu.memref_squeeze %dma_start3A_32 : memref<1x128xi32, #tpu.memory_space<hbm>> -> memref<128xi32, #tpu.memory_space<hbm>>
    %dma_start3A_34 = arith.constant 0 : i32
    %dma_start3A_35 = arith.constant 0 : i32
    %dma_start3A_36 = tpu.memref_slice %arg2[%add3A, %dma_start3A_34, %dma_start3A_35] : memref<32x78x128xi32, #tpu.memory_space<hbm>> -> memref<1x78x128xi32, #tpu.memory_space<hbm>>
    %dma_start3A_37 = tpu.memref_squeeze %dma_start3A_36 : memref<1x78x128xi32, #tpu.memory_space<hbm>> -> memref<78x128xi32, #tpu.memory_space<hbm>>
    %dma_start3A_38 = arith.constant 0 : i32
    %dma_start3A_39 = tpu.memref_slice %dma_start3A_37[%dma_start3A, %dma_start3A_38] : memref<78x128xi32, #tpu.memory_space<hbm>> -> memref<1x128xi32, #tpu.memory_space<hbm>>
    %dma_start3A_40 = tpu.memref_squeeze %dma_start3A_39 : memref<1x128xi32, #tpu.memory_space<hbm>> -> memref<128xi32, #tpu.memory_space<hbm>>
    tpu.enqueue_dma source(%dma_start3A_40 : memref<128xi32, #tpu.memory_space<hbm>>) target(%arg7 : memref<128xi32, #tpu.memory_space<vmem>>) target_semaphore(%arg10 : memref<!tpu.dma_semaphore, #tpu.memory_space<semaphore_mem>>)
    %dma_start3A_41 = arith.constant 1 : i32
    %dma_start3A_42 = arith.constant 0 : i32
    %dma_start3A_43 = arith.constant 0 : i32
    %dma_start3A_44 = tpu.memref_slice %arg2[%add3A, %dma_start3A_42, %dma_start3A_43] : memref<32x78x128xi32, #tpu.memory_space<hbm>> -> memref<1x78x128xi32, #tpu.memory_space<hbm>>
    %dma_start3A_45 = tpu.memref_squeeze %dma_start3A_44 : memref<1x78x128xi32, #tpu.memory_space<hbm>> -> memref<78x128xi32, #tpu.memory_space<hbm>>
    %dma_start3A_46 = arith.constant 0 : i32
    %dma_start3A_47 = tpu.memref_slice %dma_start3A_45[%dma_start3A_41, %dma_start3A_46] : memref<78x128xi32, #tpu.memory_space<hbm>> -> memref<1x128xi32, #tpu.memory_space<hbm>>
    %dma_start3A_48 = tpu.memref_squeeze %dma_start3A_47 : memref<1x128xi32, #tpu.memory_space<hbm>> -> memref<128xi32, #tpu.memory_space<hbm>>
    %dma_start3A_49 = arith.constant 0 : i32
    %dma_start3A_50 = arith.constant 0 : i32
    %dma_start3A_51 = tpu.memref_slice %arg2[%add3A, %dma_start3A_49, %dma_start3A_50] : memref<32x78x128xi32, #tpu.memory_space<hbm>> -> memref<1x78x128xi32, #tpu.memory_space<hbm>>
    %dma_start3A_52 = tpu.memref_squeeze %dma_start3A_51 : memref<1x78x128xi32, #tpu.memory_space<hbm>> -> memref<78x128xi32, #tpu.memory_space<hbm>>
    %dma_start3A_53 = arith.constant 0 : i32
    %dma_start3A_54 = tpu.memref_slice %dma_start3A_52[%dma_start3A_41, %dma_start3A_53] : memref<78x128xi32, #tpu.memory_space<hbm>> -> memref<1x128xi32, #tpu.memory_space<hbm>>
    %dma_start3A_55 = tpu.memref_squeeze %dma_start3A_54 : memref<1x128xi32, #tpu.memory_space<hbm>> -> memref<128xi32, #tpu.memory_space<hbm>>
    tpu.enqueue_dma source(%dma_start3A_55 : memref<128xi32, #tpu.memory_space<hbm>>) target(%arg8 : memref<128xi32, #tpu.memory_space<vmem>>) target_semaphore(%arg11 : memref<!tpu.dma_semaphore, #tpu.memory_space<semaphore_mem>>)
    %scan3A_56 = arith.constant 0 : i32
    %scan3A_57 = arith.constant 0 : i32
    %scan3A_58 = arith.constant 38 : i32
    %scan3A_59 = arith.addi %scan3A_57, %scan3A_58 : i32
    %scan3A_60 = arith.constant 1 : i32
    scf.for %scan3A_92 = %scan3A_57 to %scan3A_59 step %scan3A_60  : i32 {
      %mul3A_93 = arith.constant 2 : i32
      %mul3A_94 = arith.muli %mul3A_93, %scan3A_92 : i32
      %dma_wait3A_95 = arith.constant 0 : i32
      %dma_wait3A_96 = arith.constant 0 : i32
      %dma_wait3A_97 = tpu.memref_slice %arg2[%add3A, %dma_wait3A_95, %dma_wait3A_96] : memref<32x78x128xi32, #tpu.memory_space<hbm>> -> memref<1x78x128xi32, #tpu.memory_space<hbm>>
      %dma_wait3A_98 = tpu.memref_squeeze %dma_wait3A_97 : memref<1x78x128xi32, #tpu.memory_space<hbm>> -> memref<78x128xi32, #tpu.memory_space<hbm>>
      %dma_wait3A_99 = arith.constant 0 : i32
      %dma_wait3A_100 = tpu.memref_slice %dma_wait3A_98[%mul3A_94, %dma_wait3A_99] : memref<78x128xi32, #tpu.memory_space<hbm>> -> memref<1x128xi32, #tpu.memory_space<hbm>>
      %dma_wait3A_101 = tpu.memref_squeeze %dma_wait3A_100 : memref<1x128xi32, #tpu.memory_space<hbm>> -> memref<128xi32, #tpu.memory_space<hbm>>
      %dma_wait3A_102 = arith.constant 0 : i32
      %dma_wait3A_103 = arith.constant 0 : i32
      %dma_wait3A_104 = tpu.memref_slice %arg2[%add3A, %dma_wait3A_102, %dma_wait3A_103] : memref<32x78x128xi32, #tpu.memory_space<hbm>> -> memref<1x78x128xi32, #tpu.memory_space<hbm>>
      %dma_wait3A_105 = tpu.memref_squeeze %dma_wait3A_104 : memref<1x78x128xi32, #tpu.memory_space<hbm>> -> memref<78x128xi32, #tpu.memory_space<hbm>>
      %dma_wait3A_106 = arith.constant 0 : i32
      %dma_wait3A_107 = tpu.memref_slice %dma_wait3A_105[%mul3A_94, %dma_wait3A_106] : memref<78x128xi32, #tpu.memory_space<hbm>> -> memref<1x128xi32, #tpu.memory_space<hbm>>
      %dma_wait3A_108 = tpu.memref_squeeze %dma_wait3A_107 : memref<1x128xi32, #tpu.memory_space<hbm>> -> memref<128xi32, #tpu.memory_space<hbm>>
      tpu.wait_dma2 semaphore(%arg10 : memref<!tpu.dma_semaphore, #tpu.memory_space<semaphore_mem>>) src(%dma_wait3A_108 : memref<128xi32, #tpu.memory_space<hbm>>) dst(%arg7 : memref<128xi32, #tpu.memory_space<vmem>>)
      "tpu.region"() ({
        %run_scoped3A = tpu.sem_alloc : memref<!tpu.dma_semaphore, #tpu.memory_space<semaphore_mem>>
        %dma_start3A_159 = arith.constant 0 : i32
        %dma_start3A_160 = arith.constant 0 : i32
        %dma_start3A_161 = tpu.memref_slice %arg5[%dma_start3A_159, %dma_start3A_160] : memref<10240x16xf32, #tpu.memory_space<vmem_shared>> -> memref<10240x16xf32, #tpu.memory_space<vmem_shared>>
        tpu.enqueue_indirect_dma source(%arg6 : memref<128x16xf32, #tpu.memory_space<vmem>>) target(%dma_start3A_161 : memref<10240x16xf32, #tpu.memory_space<vmem_shared>>) offsets(%arg7 : memref<128xi32, #tpu.memory_space<vmem>>) semaphore(%run_scoped3A : memref<!tpu.dma_semaphore, #tpu.memory_space<semaphore_mem>>) {add = true}
        %dma_wait3A_162 = arith.constant 0 : i32
        %dma_wait3A_163 = arith.constant 0 : i32
        %dma_wait3A_164 = tpu.memref_slice %arg5[%dma_wait3A_162, %dma_wait3A_163] : memref<10240x16xf32, #tpu.memory_space<vmem_shared>> -> memref<10240x16xf32, #tpu.memory_space<vmem_shared>>
        tpu.wait_indirect_dma semaphore(%run_scoped3A : memref<!tpu.dma_semaphore, #tpu.memory_space<semaphore_mem>>) src(%arg6 : memref<128x16xf32, #tpu.memory_space<vmem>>) dst(%dma_wait3A_164 : memref<10240x16xf32, #tpu.memory_space<vmem_shared>>)
        tpu.yield
      }) : () -> ()
      %add3A_109 = arith.constant 2 : i32
      %add3A_110 = arith.addi %mul3A_94, %add3A_109 : i32
      %dma_start3A_111 = arith.constant 0 : i32
      %dma_start3A_112 = arith.constant 0 : i32
      %dma_start3A_113 = tpu.memref_slice %arg2[%add3A, %dma_start3A_111, %dma_start3A_112] : memref<32x78x128xi32, #tpu.memory_space<hbm>> -> memref<1x78x128xi32, #tpu.memory_space<hbm>>
      %dma_start3A_114 = tpu.memref_squeeze %dma_start3A_113 : memref<1x78x128xi32, #tpu.memory_space<hbm>> -> memref<78x128xi32, #tpu.memory_space<hbm>>
      %dma_start3A_115 = arith.constant 0 : i32
      %dma_start3A_116 = tpu.memref_slice %dma_start3A_114[%add3A_110, %dma_start3A_115] : memref<78x128xi32, #tpu.memory_space<hbm>> -> memref<1x128xi32, #tpu.memory_space<hbm>>
      %dma_start3A_117 = tpu.memref_squeeze %dma_start3A_116 : memref<1x128xi32, #tpu.memory_space<hbm>> -> memref<128xi32, #tpu.memory_space<hbm>>
      %dma_start3A_118 = arith.constant 0 : i32
      %dma_start3A_119 = arith.constant 0 : i32
      %dma_start3A_120 = tpu.memref_slice %arg2[%add3A, %dma_start3A_118, %dma_start3A_119] : memref<32x78x128xi32, #tpu.memory_space<hbm>> -> memref<1x78x128xi32, #tpu.memory_space<hbm>>
      %dma_start3A_121 = tpu.memref_squeeze %dma_start3A_120 : memref<1x78x128xi32, #tpu.memory_space<hbm>> -> memref<78x128xi32, #tpu.memory_space<hbm>>
      %dma_start3A_122 = arith.constant 0 : i32
      %dma_start3A_123 = tpu.memref_slice %dma_start3A_121[%add3A_110, %dma_start3A_122] : memref<78x128xi32, #tpu.memory_space<hbm>> -> memref<1x128xi32, #tpu.memory_space<hbm>>
      %dma_start3A_124 = tpu.memref_squeeze %dma_start3A_123 : memref<1x128xi32, #tpu.memory_space<hbm>> -> memref<128xi32, #tpu.memory_space<hbm>>
      tpu.enqueue_dma source(%dma_start3A_124 : memref<128xi32, #tpu.memory_space<hbm>>) target(%arg7 : memref<128xi32, #tpu.memory_space<vmem>>) target_semaphore(%arg10 : memref<!tpu.dma_semaphore, #tpu.memory_space<semaphore_mem>>)
      %mul3A_125 = arith.constant 2 : i32
      %mul3A_126 = arith.muli %mul3A_125, %scan3A_92 : i32
      %add3A_127 = arith.constant 1 : i32
      %add3A_128 = arith.addi %mul3A_126, %add3A_127 : i32
      %dma_wait3A_129 = arith.constant 0 : i32
      %dma_wait3A_130 = arith.constant 0 : i32
      %dma_wait3A_131 = tpu.memref_slice %arg2[%add3A, %dma_wait3A_129, %dma_wait3A_130] : memref<32x78x128xi32, #tpu.memory_space<hbm>> -> memref<1x78x128xi32, #tpu.memory_space<hbm>>
      %dma_wait3A_132 = tpu.memref_squeeze %dma_wait3A_131 : memref<1x78x128xi32, #tpu.memory_space<hbm>> -> memref<78x128xi32, #tpu.memory_space<hbm>>
      %dma_wait3A_133 = arith.constant 0 : i32
      %dma_wait3A_134 = tpu.memref_slice %dma_wait3A_132[%add3A_128, %dma_wait3A_133] : memref<78x128xi32, #tpu.memory_space<hbm>> -> memref<1x128xi32, #tpu.memory_space<hbm>>
      %dma_wait3A_135 = tpu.memref_squeeze %dma_wait3A_134 : memref<1x128xi32, #tpu.memory_space<hbm>> -> memref<128xi32, #tpu.memory_space<hbm>>
      %dma_wait3A_136 = arith.constant 0 : i32
      %dma_wait3A_137 = arith.constant 0 : i32
      %dma_wait3A_138 = tpu.memref_slice %arg2[%add3A, %dma_wait3A_136, %dma_wait3A_137] : memref<32x78x128xi32, #tpu.memory_space<hbm>> -> memref<1x78x128xi32, #tpu.memory_space<hbm>>
      %dma_wait3A_139 = tpu.memref_squeeze %dma_wait3A_138 : memref<1x78x128xi32, #tpu.memory_space<hbm>> -> memref<78x128xi32, #tpu.memory_space<hbm>>
      %dma_wait3A_140 = arith.constant 0 : i32
      %dma_wait3A_141 = tpu.memref_slice %dma_wait3A_139[%add3A_128, %dma_wait3A_140] : memref<78x128xi32, #tpu.memory_space<hbm>> -> memref<1x128xi32, #tpu.memory_space<hbm>>
      %dma_wait3A_142 = tpu.memref_squeeze %dma_wait3A_141 : memref<1x128xi32, #tpu.memory_space<hbm>> -> memref<128xi32, #tpu.memory_space<hbm>>
      tpu.wait_dma2 semaphore(%arg11 : memref<!tpu.dma_semaphore, #tpu.memory_space<semaphore_mem>>) src(%dma_wait3A_142 : memref<128xi32, #tpu.memory_space<hbm>>) dst(%arg8 : memref<128xi32, #tpu.memory_space<vmem>>)
      "tpu.region"() ({
        %run_scoped3A = tpu.sem_alloc : memref<!tpu.dma_semaphore, #tpu.memory_space<semaphore_mem>>
        %dma_start3A_159 = arith.constant 0 : i32
        %dma_start3A_160 = arith.constant 0 : i32
        %dma_start3A_161 = tpu.memref_slice %arg5[%dma_start3A_159, %dma_start3A_160] : memref<10240x16xf32, #tpu.memory_space<vmem_shared>> -> memref<10240x16xf32, #tpu.memory_space<vmem_shared>>
        tpu.enqueue_indirect_dma source(%arg6 : memref<128x16xf32, #tpu.memory_space<vmem>>) target(%dma_start3A_161 : memref<10240x16xf32, #tpu.memory_space<vmem_shared>>) offsets(%arg8 : memref<128xi32, #tpu.memory_space<vmem>>) semaphore(%run_scoped3A : memref<!tpu.dma_semaphore, #tpu.memory_space<semaphore_mem>>) {add = true}
        %dma_wait3A_162 = arith.constant 0 : i32
        %dma_wait3A_163 = arith.constant 0 : i32
        %dma_wait3A_164 = tpu.memref_slice %arg5[%dma_wait3A_162, %dma_wait3A_163] : memref<10240x16xf32, #tpu.memory_space<vmem_shared>> -> memref<10240x16xf32, #tpu.memory_space<vmem_shared>>
        tpu.wait_indirect_dma semaphore(%run_scoped3A : memref<!tpu.dma_semaphore, #tpu.memory_space<semaphore_mem>>) src(%arg6 : memref<128x16xf32, #tpu.memory_space<vmem>>) dst(%dma_wait3A_164 : memref<10240x16xf32, #tpu.memory_space<vmem_shared>>)
        tpu.yield
      }) : () -> ()
      %add3A_143 = arith.constant 2 : i32
      %add3A_144 = arith.addi %add3A_128, %add3A_143 : i32
      %dma_start3A_145 = arith.constant 0 : i32
      %dma_start3A_146 = arith.constant 0 : i32
      %dma_start3A_147 = tpu.memref_slice %arg2[%add3A, %dma_start3A_145, %dma_start3A_146] : memref<32x78x128xi32, #tpu.memory_space<hbm>> -> memref<1x78x128xi32, #tpu.memory_space<hbm>>
      %dma_start3A_148 = tpu.memref_squeeze %dma_start3A_147 : memref<1x78x128xi32, #tpu.memory_space<hbm>> -> memref<78x128xi32, #tpu.memory_space<hbm>>
      %dma_start3A_149 = arith.constant 0 : i32
      %dma_start3A_150 = tpu.memref_slice %dma_start3A_148[%add3A_144, %dma_start3A_149] : memref<78x128xi32, #tpu.memory_space<hbm>> -> memref<1x128xi32, #tpu.memory_space<hbm>>
      %dma_start3A_151 = tpu.memref_squeeze %dma_start3A_150 : memref<1x128xi32, #tpu.memory_space<hbm>> -> memref<128xi32, #tpu.memory_space<hbm>>
      %dma_start3A_152 = arith.constant 0 : i32
      %dma_start3A_153 = arith.constant 0 : i32
      %dma_start3A_154 = tpu.memref_slice %arg2[%add3A, %dma_start3A_152, %dma_start3A_153] : memref<32x78x128xi32, #tpu.memory_space<hbm>> -> memref<1x78x128xi32, #tpu.memory_space<hbm>>
      %dma_start3A_155 = tpu.memref_squeeze %dma_start3A_154 : memref<1x78x128xi32, #tpu.memory_space<hbm>> -> memref<78x128xi32, #tpu.memory_space<hbm>>
      %dma_start3A_156 = arith.constant 0 : i32
      %dma_start3A_157 = tpu.memref_slice %dma_start3A_155[%add3A_144, %dma_start3A_156] : memref<78x128xi32, #tpu.memory_space<hbm>> -> memref<1x128xi32, #tpu.memory_space<hbm>>
      %dma_start3A_158 = tpu.memref_squeeze %dma_start3A_157 : memref<1x128xi32, #tpu.memory_space<hbm>> -> memref<128xi32, #tpu.memory_space<hbm>>
      tpu.enqueue_dma source(%dma_start3A_158 : memref<128xi32, #tpu.memory_space<hbm>>) target(%arg8 : memref<128xi32, #tpu.memory_space<vmem>>) target_semaphore(%arg11 : memref<!tpu.dma_semaphore, #tpu.memory_space<semaphore_mem>>)
    }
    %scan3A_61 = arith.constant 38 : i32
    %dma_wait3A = arith.constant 76 : i32
    %dma_wait3A_62 = arith.constant 0 : i32
    %dma_wait3A_63 = arith.constant 0 : i32
    %dma_wait3A_64 = tpu.memref_slice %arg2[%add3A, %dma_wait3A_62, %dma_wait3A_63] : memref<32x78x128xi32, #tpu.memory_space<hbm>> -> memref<1x78x128xi32, #tpu.memory_space<hbm>>
    %dma_wait3A_65 = tpu.memref_squeeze %dma_wait3A_64 : memref<1x78x128xi32, #tpu.memory_space<hbm>> -> memref<78x128xi32, #tpu.memory_space<hbm>>
    %dma_wait3A_66 = arith.constant 0 : i32
    %dma_wait3A_67 = tpu.memref_slice %dma_wait3A_65[%dma_wait3A, %dma_wait3A_66] : memref<78x128xi32, #tpu.memory_space<hbm>> -> memref<1x128xi32, #tpu.memory_space<hbm>>
    %dma_wait3A_68 = tpu.memref_squeeze %dma_wait3A_67 : memref<1x128xi32, #tpu.memory_space<hbm>> -> memref<128xi32, #tpu.memory_space<hbm>>
    %dma_wait3A_69 = arith.constant 0 : i32
    %dma_wait3A_70 = arith.constant 0 : i32
    %dma_wait3A_71 = tpu.memref_slice %arg2[%add3A, %dma_wait3A_69, %dma_wait3A_70] : memref<32x78x128xi32, #tpu.memory_space<hbm>> -> memref<1x78x128xi32, #tpu.memory_space<hbm>>
    %dma_wait3A_72 = tpu.memref_squeeze %dma_wait3A_71 : memref<1x78x128xi32, #tpu.memory_space<hbm>> -> memref<78x128xi32, #tpu.memory_space<hbm>>
    %dma_wait3A_73 = arith.constant 0 : i32
    %dma_wait3A_74 = tpu.memref_slice %dma_wait3A_72[%dma_wait3A, %dma_wait3A_73] : memref<78x128xi32, #tpu.memory_space<hbm>> -> memref<1x128xi32, #tpu.memory_space<hbm>>
    %dma_wait3A_75 = tpu.memref_squeeze %dma_wait3A_74 : memref<1x128xi32, #tpu.memory_space<hbm>> -> memref<128xi32, #tpu.memory_space<hbm>>
    tpu.wait_dma2 semaphore(%arg10 : memref<!tpu.dma_semaphore, #tpu.memory_space<semaphore_mem>>) src(%dma_wait3A_75 : memref<128xi32, #tpu.memory_space<hbm>>) dst(%arg7 : memref<128xi32, #tpu.memory_space<vmem>>)
    "tpu.region"() ({
      %run_scoped3A = tpu.sem_alloc : memref<!tpu.dma_semaphore, #tpu.memory_space<semaphore_mem>>
      %dma_start3A_92 = arith.constant 0 : i32
      %dma_start3A_93 = arith.constant 0 : i32
      %dma_start3A_94 = tpu.memref_slice %arg5[%dma_start3A_92, %dma_start3A_93] : memref<10240x16xf32, #tpu.memory_space<vmem_shared>> -> memref<10240x16xf32, #tpu.memory_space<vmem_shared>>
      tpu.enqueue_indirect_dma source(%arg6 : memref<128x16xf32, #tpu.memory_space<vmem>>) target(%dma_start3A_94 : memref<10240x16xf32, #tpu.memory_space<vmem_shared>>) offsets(%arg7 : memref<128xi32, #tpu.memory_space<vmem>>) semaphore(%run_scoped3A : memref<!tpu.dma_semaphore, #tpu.memory_space<semaphore_mem>>) {add = true}
      %dma_wait3A_95 = arith.constant 0 : i32
      %dma_wait3A_96 = arith.constant 0 : i32
      %dma_wait3A_97 = tpu.memref_slice %arg5[%dma_wait3A_95, %dma_wait3A_96] : memref<10240x16xf32, #tpu.memory_space<vmem_shared>> -> memref<10240x16xf32, #tpu.memory_space<vmem_shared>>
      tpu.wait_indirect_dma semaphore(%run_scoped3A : memref<!tpu.dma_semaphore, #tpu.memory_space<semaphore_mem>>) src(%arg6 : memref<128x16xf32, #tpu.memory_space<vmem>>) dst(%dma_wait3A_97 : memref<10240x16xf32, #tpu.memory_space<vmem_shared>>)
      tpu.yield
    }) : () -> ()
    %dma_wait3A_76 = arith.constant 77 : i32
    %dma_wait3A_77 = arith.constant 0 : i32
    %dma_wait3A_78 = arith.constant 0 : i32
    %dma_wait3A_79 = tpu.memref_slice %arg2[%add3A, %dma_wait3A_77, %dma_wait3A_78] : memref<32x78x128xi32, #tpu.memory_space<hbm>> -> memref<1x78x128xi32, #tpu.memory_space<hbm>>
    %dma_wait3A_80 = tpu.memref_squeeze %dma_wait3A_79 : memref<1x78x128xi32, #tpu.memory_space<hbm>> -> memref<78x128xi32, #tpu.memory_space<hbm>>
    %dma_wait3A_81 = arith.constant 0 : i32
    %dma_wait3A_82 = tpu.memref_slice %dma_wait3A_80[%dma_wait3A_76, %dma_wait3A_81] : memref<78x128xi32, #tpu.memory_space<hbm>> -> memref<1x128xi32, #tpu.memory_space<hbm>>
    %dma_wait3A_83 = tpu.memref_squeeze %dma_wait3A_82 : memref<1x128xi32, #tpu.memory_space<hbm>> -> memref<128xi32, #tpu.memory_space<hbm>>
    %dma_wait3A_84 = arith.constant 0 : i32
    %dma_wait3A_85 = arith.constant 0 : i32
    %dma_wait3A_86 = tpu.memref_slice %arg2[%add3A, %dma_wait3A_84, %dma_wait3A_85] : memref<32x78x128xi32, #tpu.memory_space<hbm>> -> memref<1x78x128xi32, #tpu.memory_space<hbm>>
    %dma_wait3A_87 = tpu.memref_squeeze %dma_wait3A_86 : memref<1x78x128xi32, #tpu.memory_space<hbm>> -> memref<78x128xi32, #tpu.memory_space<hbm>>
    %dma_wait3A_88 = arith.constant 0 : i32
    %dma_wait3A_89 = tpu.memref_slice %dma_wait3A_87[%dma_wait3A_76, %dma_wait3A_88] : memref<78x128xi32, #tpu.memory_space<hbm>> -> memref<1x128xi32, #tpu.memory_space<hbm>>
    %dma_wait3A_90 = tpu.memref_squeeze %dma_wait3A_89 : memref<1x128xi32, #tpu.memory_space<hbm>> -> memref<128xi32, #tpu.memory_space<hbm>>
    tpu.wait_dma2 semaphore(%arg11 : memref<!tpu.dma_semaphore, #tpu.memory_space<semaphore_mem>>) src(%dma_wait3A_90 : memref<128xi32, #tpu.memory_space<hbm>>) dst(%arg8 : memref<128xi32, #tpu.memory_space<vmem>>)
    "tpu.region"() ({
      %run_scoped3A = tpu.sem_alloc : memref<!tpu.dma_semaphore, #tpu.memory_space<semaphore_mem>>
      %dma_start3A_92 = arith.constant 0 : i32
      %dma_start3A_93 = arith.constant 0 : i32
      %dma_start3A_94 = tpu.memref_slice %arg5[%dma_start3A_92, %dma_start3A_93] : memref<10240x16xf32, #tpu.memory_space<vmem_shared>> -> memref<10240x16xf32, #tpu.memory_space<vmem_shared>>
      tpu.enqueue_indirect_dma source(%arg6 : memref<128x16xf32, #tpu.memory_space<vmem>>) target(%dma_start3A_94 : memref<10240x16xf32, #tpu.memory_space<vmem_shared>>) offsets(%arg8 : memref<128xi32, #tpu.memory_space<vmem>>) semaphore(%run_scoped3A : memref<!tpu.dma_semaphore, #tpu.memory_space<semaphore_mem>>) {add = true}
      %dma_wait3A_95 = arith.constant 0 : i32
      %dma_wait3A_96 = arith.constant 0 : i32
      %dma_wait3A_97 = tpu.memref_slice %arg5[%dma_wait3A_95, %dma_wait3A_96] : memref<10240x16xf32, #tpu.memory_space<vmem_shared>> -> memref<10240x16xf32, #tpu.memory_space<vmem_shared>>
      tpu.wait_indirect_dma semaphore(%run_scoped3A : memref<!tpu.dma_semaphore, #tpu.memory_space<semaphore_mem>>) src(%arg6 : memref<128x16xf32, #tpu.memory_space<vmem>>) dst(%dma_wait3A_97 : memref<10240x16xf32, #tpu.memory_space<vmem_shared>>)
      tpu.yield
    }) : () -> ()
    "tpu.region"() ({
      %run_scoped3A = tpu.sem_alloc : memref<!tpu.dma_semaphore, #tpu.memory_space<semaphore_mem>>
      %dma_start3A_92 = arith.constant 0 : i32
      %dma_start3A_93 = tpu.memref_slice %arg3[%add3A, %dma_start3A_92] : memref<32x16xi32, #tpu.memory_space<hbm>> -> memref<1x16xi32, #tpu.memory_space<hbm>>
      %dma_start3A_94 = tpu.memref_squeeze %dma_start3A_93 : memref<1x16xi32, #tpu.memory_space<hbm>> -> memref<16xi32, #tpu.memory_space<hbm>>
      %dma_start3A_95 = arith.constant 0 : i32
      %dma_start3A_96 = tpu.memref_slice %arg3[%add3A, %dma_start3A_95] : memref<32x16xi32, #tpu.memory_space<hbm>> -> memref<1x16xi32, #tpu.memory_space<hbm>>
      %dma_start3A_97 = tpu.memref_squeeze %dma_start3A_96 : memref<1x16xi32, #tpu.memory_space<hbm>> -> memref<16xi32, #tpu.memory_space<hbm>>
      tpu.enqueue_dma source(%dma_start3A_97 : memref<16xi32, #tpu.memory_space<hbm>>) target(%arg9 : memref<16xi32, #tpu.memory_space<vmem>>) target_semaphore(%run_scoped3A : memref<!tpu.dma_semaphore, #tpu.memory_space<semaphore_mem>>)
      %dma_wait3A_98 = arith.constant 0 : i32
      %dma_wait3A_99 = tpu.memref_slice %arg3[%add3A, %dma_wait3A_98] : memref<32x16xi32, #tpu.memory_space<hbm>> -> memref<1x16xi32, #tpu.memory_space<hbm>>
      %dma_wait3A_100 = tpu.memref_squeeze %dma_wait3A_99 : memref<1x16xi32, #tpu.memory_space<hbm>> -> memref<16xi32, #tpu.memory_space<hbm>>
      %dma_wait3A_101 = arith.constant 0 : i32
      %dma_wait3A_102 = tpu.memref_slice %arg3[%add3A, %dma_wait3A_101] : memref<32x16xi32, #tpu.memory_space<hbm>> -> memref<1x16xi32, #tpu.memory_space<hbm>>
      %dma_wait3A_103 = tpu.memref_squeeze %dma_wait3A_102 : memref<1x16xi32, #tpu.memory_space<hbm>> -> memref<16xi32, #tpu.memory_space<hbm>>
      tpu.wait_dma2 semaphore(%run_scoped3A : memref<!tpu.dma_semaphore, #tpu.memory_space<semaphore_mem>>) src(%dma_wait3A_103 : memref<16xi32, #tpu.memory_space<hbm>>) dst(%arg9 : memref<16xi32, #tpu.memory_space<vmem>>)
      tpu.yield
    }) : () -> ()
    "tpu.region"() ({
      %run_scoped3A = tpu.sem_alloc : memref<!tpu.dma_semaphore, #tpu.memory_space<semaphore_mem>>
      %dma_start3A_92 = arith.constant 0 : i32
      %dma_start3A_93 = arith.constant 0 : i32
      %dma_start3A_94 = tpu.memref_slice %arg6[%dma_start3A_92, %dma_start3A_93] : memref<128x16xf32, #tpu.memory_space<vmem>> -> memref<16x16xf32, #tpu.memory_space<vmem>>
      %dma_start3A_95 = arith.constant 0 : i32
      %dma_start3A_96 = arith.constant 0 : i32
      %dma_start3A_97 = tpu.memref_slice %arg5[%dma_start3A_95, %dma_start3A_96] : memref<10240x16xf32, #tpu.memory_space<vmem_shared>> -> memref<10240x16xf32, #tpu.memory_space<vmem_shared>>
      tpu.enqueue_indirect_dma source(%dma_start3A_94 : memref<16x16xf32, #tpu.memory_space<vmem>>) target(%dma_start3A_97 : memref<10240x16xf32, #tpu.memory_space<vmem_shared>>) offsets(%arg9 : memref<16xi32, #tpu.memory_space<vmem>>) semaphore(%run_scoped3A : memref<!tpu.dma_semaphore, #tpu.memory_space<semaphore_mem>>) {add = true}
      %dma_wait3A_98 = arith.constant 0 : i32
      %dma_wait3A_99 = arith.constant 0 : i32
      %dma_wait3A_100 = tpu.memref_slice %arg6[%dma_wait3A_98, %dma_wait3A_99] : memref<128x16xf32, #tpu.memory_space<vmem>> -> memref<16x16xf32, #tpu.memory_space<vmem>>
      %dma_wait3A_101 = arith.constant 0 : i32
      %dma_wait3A_102 = arith.constant 0 : i32
      %dma_wait3A_103 = tpu.memref_slice %arg5[%dma_wait3A_101, %dma_wait3A_102] : memref<10240x16xf32, #tpu.memory_space<vmem_shared>> -> memref<10240x16xf32, #tpu.memory_space<vmem_shared>>
      tpu.wait_indirect_dma semaphore(%run_scoped3A : memref<!tpu.dma_semaphore, #tpu.memory_space<semaphore_mem>>) src(%dma_wait3A_100 : memref<16x16xf32, #tpu.memory_space<vmem>>) dst(%dma_wait3A_103 : memref<10240x16xf32, #tpu.memory_space<vmem_shared>>)
      tpu.yield
    }) : () -> ()
    %barrier3A_91 = arith.constant 0 : index
    tpu.barrier barrier_id(%barrier3A_91)
    "tpu.region"() ({
      %run_scoped3A = tpu.sem_alloc : memref<!tpu.dma_semaphore, #tpu.memory_space<semaphore_mem>>
      %dma_start3A_92 = arith.constant 0 : i32
      %dma_start3A_93 = arith.constant 0 : i32
      %dma_start3A_94 = tpu.memref_slice %arg4[%arg0, %dma_start3A_92, %dma_start3A_93] : memref<2x10240x16xf32, #tpu.memory_space<hbm>> -> memref<1x10240x16xf32, #tpu.memory_space<hbm>>
      %dma_start3A_95 = tpu.memref_squeeze %dma_start3A_94 : memref<1x10240x16xf32, #tpu.memory_space<hbm>> -> memref<10240x16xf32, #tpu.memory_space<hbm>>
      %dma_start3A_96 = arith.constant 0 : i32
      %dma_start3A_97 = tpu.memref_slice %dma_start3A_95[%mul3A_2, %dma_start3A_96] : memref<10240x16xf32, #tpu.memory_space<hbm>> -> memref<640x16xf32, #tpu.memory_space<hbm>>
      %dma_start3A_98 = arith.constant 0 : i32
      %dma_start3A_99 = tpu.memref_slice %arg5[%mul3A_2, %dma_start3A_98] : memref<10240x16xf32, #tpu.memory_space<vmem_shared>> -> memref<640x16xf32, #tpu.memory_space<vmem_shared>>
      tpu.enqueue_dma source(%dma_start3A_99 : memref<640x16xf32, #tpu.memory_space<vmem_shared>>) target(%dma_start3A_97 : memref<640x16xf32, #tpu.memory_space<hbm>>) target_semaphore(%run_scoped3A : memref<!tpu.dma_semaphore, #tpu.memory_space<semaphore_mem>>)
      %dma_wait3A_100 = arith.constant 0 : i32
      %dma_wait3A_101 = arith.constant 0 : i32
      %dma_wait3A_102 = tpu.memref_slice %arg4[%arg0, %dma_wait3A_100, %dma_wait3A_101] : memref<2x10240x16xf32, #tpu.memory_space<hbm>> -> memref<1x10240x16xf32, #tpu.memory_space<hbm>>
      %dma_wait3A_103 = tpu.memref_squeeze %dma_wait3A_102 : memref<1x10240x16xf32, #tpu.memory_space<hbm>> -> memref<10240x16xf32, #tpu.memory_space<hbm>>
      %dma_wait3A_104 = arith.constant 0 : i32
      %dma_wait3A_105 = tpu.memref_slice %dma_wait3A_103[%mul3A_2, %dma_wait3A_104] : memref<10240x16xf32, #tpu.memory_space<hbm>> -> memref<640x16xf32, #tpu.memory_space<hbm>>
      %dma_wait3A_106 = arith.constant 0 : i32
      %dma_wait3A_107 = tpu.memref_slice %arg5[%mul3A_2, %dma_wait3A_106] : memref<10240x16xf32, #tpu.memory_space<vmem_shared>> -> memref<640x16xf32, #tpu.memory_space<vmem_shared>>
      tpu.wait_dma2 semaphore(%run_scoped3A : memref<!tpu.dma_semaphore, #tpu.memory_space<semaphore_mem>>) src(%dma_wait3A_107 : memref<640x16xf32, #tpu.memory_space<vmem_shared>>) dst(%dma_wait3A_105 : memref<640x16xf32, #tpu.memory_space<hbm>>)
      tpu.yield
    }) : () -> ()
    return
  }
}

module attributes {stable_mosaic.version = 14 : i64} {
  func.func @_tc1_body(%arg0: i32, %arg1: memref<2048x128xf32, #tpu.memory_space<vmem>>, %arg2: memref<128x128xf32, #tpu.memory_space<vmem>>, %arg3: memref<2x2048x16xf32, #tpu.memory_space<vmem>>, %arg4: memref<2048x128xf32, #tpu.memory_space<vmem>>, %arg5: memref<2048x16xf32, #tpu.memory_space<vmem>>) attributes {dimension_semantics = [#tpu.dimension_semantics<arbitrary>], iteration_bounds = array<i64: 5>, scalar_prefetch = 0 : i64, scratch_operands = 0 : i64, tpu.core_type = #tpu.core_type<tc>, window_params = [{transform_indices = @transform_0, window_bounds = array<i64: 2048, 128>}, {pipeline_mode = #tpu.pipeline_mode<synchronous>, transform_indices = @transform_1, window_bounds = array<i64: 128, 128>}, {transform_indices = @transform_2, window_bounds = array<i64: 2, 2048, 16>}, {transform_indices = @transform_3, window_bounds = array<i64: 2048, 128>}, {transform_indices = @transform_4, window_bounds = array<i64: 2048, 16>}]} {
    %get3A = arith.constant 0 : index
    %get3A_0 = arith.constant 0 : index
    %get3A_1 = arith.constant 0 : index
    %get3A_2 = vector.load %arg3[%get3A, %get3A_0, %get3A_1] : memref<2x2048x16xf32, #tpu.memory_space<vmem>>, vector<1x2048x16xf32>
    %get3A_3 = vector.shape_cast %get3A_2 : vector<1x2048x16xf32> to vector<2048x16xf32>
    %get3A_4 = arith.constant 1 : index
    %get3A_5 = arith.constant 0 : index
    %get3A_6 = arith.constant 0 : index
    %get3A_7 = vector.load %arg3[%get3A_4, %get3A_5, %get3A_6] : memref<2x2048x16xf32, #tpu.memory_space<vmem>>, vector<1x2048x16xf32>
    %get3A_8 = vector.shape_cast %get3A_7 : vector<1x2048x16xf32> to vector<2048x16xf32>
    %add3A = arith.addf %get3A_3, %get3A_8 : vector<2048x16xf32>
    %add3A_9 = arith.constant 1.000000e+00 : f32
    %add3A_10 = vector.broadcast %add3A_9 : f32 to vector<2048x16xf32>
    %add3A_11 = arith.addf %add3A, %add3A_10 : vector<2048x16xf32>
    %rsqrt3A = math.rsqrt %add3A_11 : vector<2048x16xf32>
    %swap3A = arith.constant 0 : index
    %swap3A_12 = arith.constant 0 : index
    %swap3A_13 = vector.load %arg5[%swap3A, %swap3A_12] : memref<2048x16xf32, #tpu.memory_space<vmem>>, vector<2048x16xf32>
    tpu.vector_store %arg5[%swap3A, %swap3A_12], %rsqrt3A {strides = array<i32>} : memref<2048x16xf32, #tpu.memory_space<vmem>>, vector<2048x16xf32>,
    %get3A_14 = arith.constant 0 : index
    %get3A_15 = arith.constant 0 : index
    %get3A_16 = vector.load %arg1[%get3A_14, %get3A_15] : memref<2048x128xf32, #tpu.memory_space<vmem>>, vector<2048x128xf32>
    %get3A_17 = arith.constant 0 : index
    %get3A_18 = arith.constant 0 : index
    %get3A_19 = vector.load %arg2[%get3A_17, %get3A_18] : memref<128x128xf32, #tpu.memory_space<vmem>>, vector<128x128xf32>
    %dot_general3A = arith.constant dense<0.000000e+00> : vector<2048x128xf32>
    %dot_general3A_20 = tpu.matmul %get3A_16, %get3A_19, %dot_general3A {dimension_numbers = #tpu.dot_dimension_numbers<[1], [0], [0], [1], [0, 0, 1, 1], [], []>, transpose_lhs_hint = false} : vector<2048x128xf32>, vector<128x128xf32>, vector<2048x128xf32> -> vector<2048x128xf32>
    %slice3A = vector.extract_strided_slice %rsqrt3A {offsets = [0, 0], sizes = [2048, 1], strides = [1, 1]} : vector<2048x16xf32> to vector<2048x1xf32>
    %broadcast_in_dim3A = vector.shape_cast %slice3A : vector<2048x1xf32> to vector<2048x1xf32>
    %broadcast_in_dim3A_21 = vector.broadcast %broadcast_in_dim3A : vector<2048x1xf32> to vector<2048x128xf32>
    %mul3A = arith.mulf %dot_general3A_20, %broadcast_in_dim3A_21 : vector<2048x128xf32>
    %swap3A_22 = arith.constant 0 : index
    %swap3A_23 = arith.constant 0 : index
    %swap3A_24 = vector.load %arg4[%swap3A_22, %swap3A_23] : memref<2048x128xf32, #tpu.memory_space<vmem>>, vector<2048x128xf32>
    tpu.vector_store %arg4[%swap3A_22, %swap3A_23], %mul3A {strides = array<i32>} : memref<2048x128xf32, #tpu.memory_space<vmem>>, vector<2048x128xf32>,
    return
  }
  func.func @transform_0(%arg0: i32) -> (i32, i32) {
    %c0_i32 = arith.constant 0 : i32
    %c0_i32_0 = arith.constant 0 : i32
    return %arg0, %c0_i32 : i32, i32
  }
  func.func @transform_1(%arg0: i32) -> (i32, i32) {
    %c0_i32 = arith.constant 0 : i32
    %c0_i32_0 = arith.constant 0 : i32
    %c0_i32_1 = arith.constant 0 : i32
    return %c0_i32, %c0_i32_0 : i32, i32
  }
  func.func @transform_2(%arg0: i32) -> (i32, i32, i32) {
    %c0_i32 = arith.constant 0 : i32
    %c0_i32_0 = arith.constant 0 : i32
    %c0_i32_1 = arith.constant 0 : i32
    return %c0_i32, %arg0, %c0_i32_0 : i32, i32, i32
  }
  func.func @transform_3(%arg0: i32) -> (i32, i32) {
    %c0_i32 = arith.constant 0 : i32
    %c0_i32_0 = arith.constant 0 : i32
    return %arg0, %c0_i32 : i32, i32
  }
  func.func @transform_4(%arg0: i32) -> (i32, i32) {
    %c0_i32 = arith.constant 0 : i32
    %c0_i32_0 = arith.constant 0 : i32
    return %arg0, %c0_i32 : i32, i32
  }
}

module attributes {stable_mosaic.version = 14 : i64} {
  func.func @_tc_mid_body(%arg0: i32, %arg1: memref<2x2048x128xf32, #tpu.memory_space<vmem>>, %arg2: memref<2048x128xf32, #tpu.memory_space<vmem>>, %arg3: memref<2048x16xf32, #tpu.memory_space<vmem>>, %arg4: memref<1x128xf32, #tpu.memory_space<vmem>>, %arg5: memref<128x128xf32, #tpu.memory_space<vmem>>, %arg6: memref<2048x128xf32, #tpu.memory_space<vmem>>) attributes {dimension_semantics = [#tpu.dimension_semantics<arbitrary>], iteration_bounds = array<i64: 5>, scalar_prefetch = 0 : i64, scratch_operands = 0 : i64, tpu.core_type = #tpu.core_type<tc>, window_params = [{transform_indices = @transform_0, window_bounds = array<i64: 2, 2048, 128>}, {transform_indices = @transform_1, window_bounds = array<i64: 2048, 128>}, {transform_indices = @transform_2, window_bounds = array<i64: 2048, 16>}, {pipeline_mode = #tpu.pipeline_mode<synchronous>, transform_indices = @transform_3, window_bounds = array<i64: 1, 128>}, {pipeline_mode = #tpu.pipeline_mode<synchronous>, transform_indices = @transform_4, window_bounds = array<i64: 128, 128>}, {transform_indices = @transform_5, window_bounds = array<i64: 2048, 128>}]} {
    %get3A = arith.constant 0 : index
    %get3A_0 = arith.constant 0 : index
    %get3A_1 = vector.load %arg3[%get3A, %get3A_0] : memref<2048x16xf32, #tpu.memory_space<vmem>>, vector<2048x16xf32>
    %slice3A = vector.extract_strided_slice %get3A_1 {offsets = [0, 0], sizes = [2048, 1], strides = [1, 1]} : vector<2048x16xf32> to vector<2048x1xf32>
    %broadcast_in_dim3A = vector.shape_cast %slice3A : vector<2048x1xf32> to vector<2048x1xf32>
    %broadcast_in_dim3A_2 = vector.broadcast %broadcast_in_dim3A : vector<2048x1xf32> to vector<2048x128xf32>
    %get3A_3 = arith.constant 0 : index
    %get3A_4 = arith.constant 0 : index
    %get3A_5 = arith.constant 0 : index
    %get3A_6 = vector.load %arg1[%get3A_3, %get3A_4, %get3A_5] : memref<2x2048x128xf32, #tpu.memory_space<vmem>>, vector<1x2048x128xf32>
    %get3A_7 = vector.shape_cast %get3A_6 : vector<1x2048x128xf32> to vector<2048x128xf32>
    %get3A_8 = arith.constant 1 : index
    %get3A_9 = arith.constant 0 : index
    %get3A_10 = arith.constant 0 : index
    %get3A_11 = vector.load %arg1[%get3A_8, %get3A_9, %get3A_10] : memref<2x2048x128xf32, #tpu.memory_space<vmem>>, vector<1x2048x128xf32>
    %get3A_12 = vector.shape_cast %get3A_11 : vector<1x2048x128xf32> to vector<2048x128xf32>
    %add3A = arith.addf %get3A_7, %get3A_12 : vector<2048x128xf32>
    %get3A_13 = arith.constant 0 : index
    %get3A_14 = arith.constant 0 : index
    %get3A_15 = vector.load %arg2[%get3A_13, %get3A_14] : memref<2048x128xf32, #tpu.memory_space<vmem>>, vector<2048x128xf32>
    %add3A_16 = arith.addf %add3A, %get3A_15 : vector<2048x128xf32>
    %mul3A = arith.mulf %add3A_16, %broadcast_in_dim3A_2 : vector<2048x128xf32>
    %get3A_17 = arith.constant 0 : index
    %get3A_18 = arith.constant 0 : index
    %get3A_19 = vector.load %arg4[%get3A_17, %get3A_18] : memref<1x128xf32, #tpu.memory_space<vmem>>, vector<1x128xf32>
    %add3A_20 = vector.broadcast %get3A_19 : vector<1x128xf32> to vector<2048x128xf32>
    %add3A_21 = arith.addf %mul3A, %add3A_20 : vector<2048x128xf32>
    %max3A = arith.constant 0.000000e+00 : f32
    %max3A_22 = vector.broadcast %max3A : f32 to vector<2048x128xf32>
    %max3A_23 = arith.maximumf %add3A_21, %max3A_22 : vector<2048x128xf32>
    %get3A_24 = arith.constant 0 : index
    %get3A_25 = arith.constant 0 : index
    %get3A_26 = vector.load %arg5[%get3A_24, %get3A_25] : memref<128x128xf32, #tpu.memory_space<vmem>>, vector<128x128xf32>
    %dot_general3A = arith.constant dense<0.000000e+00> : vector<2048x128xf32>
    %dot_general3A_27 = tpu.matmul %max3A_23, %get3A_26, %dot_general3A {dimension_numbers = #tpu.dot_dimension_numbers<[1], [0], [0], [1], [0, 0, 1, 1], [], []>, transpose_lhs_hint = false} : vector<2048x128xf32>, vector<128x128xf32>, vector<2048x128xf32> -> vector<2048x128xf32>
    %mul3A_28 = arith.mulf %dot_general3A_27, %broadcast_in_dim3A_2 : vector<2048x128xf32>
    %swap3A = arith.constant 0 : index
    %swap3A_29 = arith.constant 0 : index
    %swap3A_30 = vector.load %arg6[%swap3A, %swap3A_29] : memref<2048x128xf32, #tpu.memory_space<vmem>>, vector<2048x128xf32>
    tpu.vector_store %arg6[%swap3A, %swap3A_29], %mul3A_28 {strides = array<i32>} : memref<2048x128xf32, #tpu.memory_space<vmem>>, vector<2048x128xf32>,
    return
  }
  func.func @transform_0(%arg0: i32) -> (i32, i32, i32) {
    %c0_i32 = arith.constant 0 : i32
    %c0_i32_0 = arith.constant 0 : i32
    %c0_i32_1 = arith.constant 0 : i32
    return %c0_i32, %arg0, %c0_i32_0 : i32, i32, i32
  }
  func.func @transform_1(%arg0: i32) -> (i32, i32) {
    %c0_i32 = arith.constant 0 : i32
    %c0_i32_0 = arith.constant 0 : i32
    return %arg0, %c0_i32 : i32, i32
  }
  func.func @transform_2(%arg0: i32) -> (i32, i32) {
    %c0_i32 = arith.constant 0 : i32
    %c0_i32_0 = arith.constant 0 : i32
    return %arg0, %c0_i32 : i32, i32
  }
  func.func @transform_3(%arg0: i32) -> (i32, i32) {
    %c0_i32 = arith.constant 0 : i32
    %c0_i32_0 = arith.constant 0 : i32
    %c0_i32_1 = arith.constant 0 : i32
    return %c0_i32, %c0_i32_0 : i32, i32
  }
  func.func @transform_4(%arg0: i32) -> (i32, i32) {
    %c0_i32 = arith.constant 0 : i32
    %c0_i32_0 = arith.constant 0 : i32
    %c0_i32_1 = arith.constant 0 : i32
    return %c0_i32, %c0_i32_0 : i32, i32
  }
  func.func @transform_5(%arg0: i32) -> (i32, i32) {
    %c0_i32 = arith.constant 0 : i32
    %c0_i32_0 = arith.constant 0 : i32
    return %arg0, %c0_i32 : i32, i32
  }
}

module attributes {stable_mosaic.version = 14 : i64} {
  func.func @_tc_final_body(%arg0: i32, %arg1: memref<2x2048x128xf32, #tpu.memory_space<vmem>>, %arg2: memref<2048x128xf32, #tpu.memory_space<vmem>>, %arg3: memref<2048x16xf32, #tpu.memory_space<vmem>>, %arg4: memref<1x128xf32, #tpu.memory_space<vmem>>, %arg5: memref<128x128xf32, #tpu.memory_space<vmem>>, %arg6: memref<1x128xf32, #tpu.memory_space<vmem>>, %arg7: memref<128x128xf32, #tpu.memory_space<vmem>>, %arg8: memref<1x128xf32, #tpu.memory_space<vmem>>, %arg9: memref<2048x128xf32, #tpu.memory_space<vmem>>) attributes {dimension_semantics = [#tpu.dimension_semantics<arbitrary>], iteration_bounds = array<i64: 5>, scalar_prefetch = 0 : i64, scratch_operands = 0 : i64, tpu.core_type = #tpu.core_type<tc>, window_params = [{transform_indices = @transform_0, window_bounds = array<i64: 2, 2048, 128>}, {transform_indices = @transform_1, window_bounds = array<i64: 2048, 128>}, {transform_indices = @transform_2, window_bounds = array<i64: 2048, 16>}, {pipeline_mode = #tpu.pipeline_mode<synchronous>, transform_indices = @transform_3, window_bounds = array<i64: 1, 128>}, {pipeline_mode = #tpu.pipeline_mode<synchronous>, transform_indices = @transform_4, window_bounds = array<i64: 128, 128>}, {pipeline_mode = #tpu.pipeline_mode<synchronous>, transform_indices = @transform_5, window_bounds = array<i64: 1, 128>}, {pipeline_mode = #tpu.pipeline_mode<synchronous>, transform_indices = @transform_6, window_bounds = array<i64: 128, 128>}, {pipeline_mode = #tpu.pipeline_mode<synchronous>, transform_indices = @transform_7, window_bounds = array<i64: 1, 128>}, {transform_indices = @transform_8, window_bounds = array<i64: 2048, 128>}]} {
    %get3A = arith.constant 0 : index
    %get3A_0 = arith.constant 0 : index
    %get3A_1 = vector.load %arg3[%get3A, %get3A_0] : memref<2048x16xf32, #tpu.memory_space<vmem>>, vector<2048x16xf32>
    %slice3A = vector.extract_strided_slice %get3A_1 {offsets = [0, 0], sizes = [2048, 1], strides = [1, 1]} : vector<2048x16xf32> to vector<2048x1xf32>
    %broadcast_in_dim3A = vector.shape_cast %slice3A : vector<2048x1xf32> to vector<2048x1xf32>
    %broadcast_in_dim3A_2 = vector.broadcast %broadcast_in_dim3A : vector<2048x1xf32> to vector<2048x128xf32>
    %get3A_3 = arith.constant 0 : index
    %get3A_4 = arith.constant 0 : index
    %get3A_5 = arith.constant 0 : index
    %get3A_6 = vector.load %arg1[%get3A_3, %get3A_4, %get3A_5] : memref<2x2048x128xf32, #tpu.memory_space<vmem>>, vector<1x2048x128xf32>
    %get3A_7 = vector.shape_cast %get3A_6 : vector<1x2048x128xf32> to vector<2048x128xf32>
    %get3A_8 = arith.constant 1 : index
    %get3A_9 = arith.constant 0 : index
    %get3A_10 = arith.constant 0 : index
    %get3A_11 = vector.load %arg1[%get3A_8, %get3A_9, %get3A_10] : memref<2x2048x128xf32, #tpu.memory_space<vmem>>, vector<1x2048x128xf32>
    %get3A_12 = vector.shape_cast %get3A_11 : vector<1x2048x128xf32> to vector<2048x128xf32>
    %add3A = arith.addf %get3A_7, %get3A_12 : vector<2048x128xf32>
    %get3A_13 = arith.constant 0 : index
    %get3A_14 = arith.constant 0 : index
    %get3A_15 = vector.load %arg2[%get3A_13, %get3A_14] : memref<2048x128xf32, #tpu.memory_space<vmem>>, vector<2048x128xf32>
    %add3A_16 = arith.addf %add3A, %get3A_15 : vector<2048x128xf32>
    %mul3A = arith.mulf %add3A_16, %broadcast_in_dim3A_2 : vector<2048x128xf32>
    %get3A_17 = arith.constant 0 : index
    %get3A_18 = arith.constant 0 : index
    %get3A_19 = vector.load %arg4[%get3A_17, %get3A_18] : memref<1x128xf32, #tpu.memory_space<vmem>>, vector<1x128xf32>
    %add3A_20 = vector.broadcast %get3A_19 : vector<1x128xf32> to vector<2048x128xf32>
    %add3A_21 = arith.addf %mul3A, %add3A_20 : vector<2048x128xf32>
    %max3A = arith.constant 0.000000e+00 : f32
    %max3A_22 = vector.broadcast %max3A : f32 to vector<2048x128xf32>
    %max3A_23 = arith.maximumf %add3A_21, %max3A_22 : vector<2048x128xf32>
    %get3A_24 = arith.constant 0 : index
    %get3A_25 = arith.constant 0 : index
    %get3A_26 = vector.load %arg5[%get3A_24, %get3A_25] : memref<128x128xf32, #tpu.memory_space<vmem>>, vector<128x128xf32>
    %dot_general3A = arith.constant dense<0.000000e+00> : vector<2048x128xf32>
    %dot_general3A_27 = tpu.matmul %max3A_23, %get3A_26, %dot_general3A {dimension_numbers = #tpu.dot_dimension_numbers<[1], [0], [0], [1], [0, 0, 1, 1], [], []>, transpose_lhs_hint = false} : vector<2048x128xf32>, vector<128x128xf32>, vector<2048x128xf32> -> vector<2048x128xf32>
    %get3A_28 = arith.constant 0 : index
    %get3A_29 = arith.constant 0 : index
    %get3A_30 = vector.load %arg6[%get3A_28, %get3A_29] : memref<1x128xf32, #tpu.memory_space<vmem>>, vector<1x128xf32>
    %add3A_31 = vector.broadcast %get3A_30 : vector<1x128xf32> to vector<2048x128xf32>
    %add3A_32 = arith.addf %dot_general3A_27, %add3A_31 : vector<2048x128xf32>
    %max3A_33 = arith.constant 0.000000e+00 : f32
    %max3A_34 = vector.broadcast %max3A_33 : f32 to vector<2048x128xf32>
    %max3A_35 = arith.maximumf %add3A_32, %max3A_34 : vector<2048x128xf32>
    %get3A_36 = arith.constant 0 : index
    %get3A_37 = arith.constant 0 : index
    %get3A_38 = vector.load %arg7[%get3A_36, %get3A_37] : memref<128x128xf32, #tpu.memory_space<vmem>>, vector<128x128xf32>
    %dot_general3A_39 = arith.constant dense<0.000000e+00> : vector<2048x128xf32>
    %dot_general3A_40 = tpu.matmul %max3A_35, %get3A_38, %dot_general3A_39 {dimension_numbers = #tpu.dot_dimension_numbers<[1], [0], [0], [1], [0, 0, 1, 1], [], []>, transpose_lhs_hint = false} : vector<2048x128xf32>, vector<128x128xf32>, vector<2048x128xf32> -> vector<2048x128xf32>
    %get3A_41 = arith.constant 0 : index
    %get3A_42 = arith.constant 0 : index
    %get3A_43 = vector.load %arg8[%get3A_41, %get3A_42] : memref<1x128xf32, #tpu.memory_space<vmem>>, vector<1x128xf32>
    %add3A_44 = vector.broadcast %get3A_43 : vector<1x128xf32> to vector<2048x128xf32>
    %add3A_45 = arith.addf %dot_general3A_40, %add3A_44 : vector<2048x128xf32>
    %swap3A = arith.constant 0 : index
    %swap3A_46 = arith.constant 0 : index
    %swap3A_47 = vector.load %arg9[%swap3A, %swap3A_46] : memref<2048x128xf32, #tpu.memory_space<vmem>>, vector<2048x128xf32>
    tpu.vector_store %arg9[%swap3A, %swap3A_46], %add3A_45 {strides = array<i32>} : memref<2048x128xf32, #tpu.memory_space<vmem>>, vector<2048x128xf32>,
    return
  }
  func.func @transform_0(%arg0: i32) -> (i32, i32, i32) {
    %c0_i32 = arith.constant 0 : i32
    %c0_i32_0 = arith.constant 0 : i32
    %c0_i32_1 = arith.constant 0 : i32
    return %c0_i32, %arg0, %c0_i32_0 : i32, i32, i32
  }
  func.func @transform_1(%arg0: i32) -> (i32, i32) {
    %c0_i32 = arith.constant 0 : i32
    %c0_i32_0 = arith.constant 0 : i32
    return %arg0, %c0_i32 : i32, i32
  }
  func.func @transform_2(%arg0: i32) -> (i32, i32) {
    %c0_i32 = arith.constant 0 : i32
    %c0_i32_0 = arith.constant 0 : i32
    return %arg0, %c0_i32 : i32, i32
  }
  func.func @transform_3(%arg0: i32) -> (i32, i32) {
    %c0_i32 = arith.constant 0 : i32
    %c0_i32_0 = arith.constant 0 : i32
    %c0_i32_1 = arith.constant 0 : i32
    return %c0_i32, %c0_i32_0 : i32, i32
  }
  func.func @transform_4(%arg0: i32) -> (i32, i32) {
    %c0_i32 = arith.constant 0 : i32
    %c0_i32_0 = arith.constant 0 : i32
    %c0_i32_1 = arith.constant 0 : i32
    return %c0_i32, %c0_i32_0 : i32, i32
  }
  func.func @transform_5(%arg0: i32) -> (i32, i32) {
    %c0_i32 = arith.constant 0 : i32
    %c0_i32_0 = arith.constant 0 : i32
    %c0_i32_1 = arith.constant 0 : i32
    return %c0_i32, %c0_i32_0 : i32, i32
  }
  func.func @transform_6(%arg0: i32) -> (i32, i32) {
    %c0_i32 = arith.constant 0 : i32
    %c0_i32_0 = arith.constant 0 : i32
    %c0_i32_1 = arith.constant 0 : i32
    return %c0_i32, %c0_i32_0 : i32, i32
  }
  func.func @transform_7(%arg0: i32) -> (i32, i32) {
    %c0_i32 = arith.constant 0 : i32
    %c0_i32_0 = arith.constant 0 : i32
    %c0_i32_1 = arith.constant 0 : i32
    return %c0_i32, %c0_i32_0 : i32, i32
  }
  func.func @transform_8(%arg0: i32) -> (i32, i32) {
    %c0_i32 = arith.constant 0 : i32
    %c0_i32_0 = arith.constant 0 : i32
    return %arg0, %c0_i32 : i32, i32
  }
}

</mosaic_0001>

<sc_bundles>
// kernel: kernel.10.cloned.1.call-start
scs
__scs_entry_jumppad:
0x0: {  	(pc) =	sbr.rel $0x88, $3  }
0x1: {  	(tag) =	ssettag $0x0;
	lr =	simm.s32 $0x1  }
0x2: {  	[smem:$0x3F95] =	sst lr;
	_ =	strace $0xD0000000  }
0x3: {  	_ = 	snop  }
0x4: {  	_ = 	snop  }
0x5: {  	_ = 	snop  }
0x6: {  	_ = 	snop  }
0x7: {  	_ = 	snop  }
__scs_overlays_trampoline_lowered:
0x8: {  	[smem:$0x3FA4] =	sst s0  }
0x9: {  	[smem:$0x3FA5] =	sst s1  }
0xa: {  	[smem:$0x3FA6] =	sst s2  }
0xb: {  	[smem:$0x3FA7] =	sst s3  }
0xc: {  	[smem:$0x3FA8] =	sst s4  }
0xd: {  	[smem:$0x3FA9] =	sst s5  }
0xe: {  	[smem:$0x3FAA] =	sst s6  }
0xf: {  	[smem:$0x3FAB] =	sst s7  }
0x10: {  	[smem:$0x3FAC] =	sst s8  }
0x11: {  	[smem:$0x3FAD] =	sst s9;
	s0 =	simm.s32 @!p0 $0x0  }
0x12: {  	s1 =	sld [smem:$0x3F93];
	s0 =	simm.s32 @p0 $0x1  }
0x13: {  	[smem:$0x3FAE] =	sst s0;
	s0 =	simm.s32 @!p1 $0x0  }
0x14: {  	s2 =	sld [smem:$0x3F92];
	s0 =	simm.s32 @p1 $0x1  }
0x15: {  	[smem:$0x3FAF] =	sst s0;
	s0 =	simm.s32 @!p2 $0x0  }
0x16: {  	s3 =	sld [smem:$0x3FDB];
	s0 =	simm.s32 @p2 $0x1  }
0x17: {  	s4 =	simm.s32 $0x1BF5;
	[smem:$0x3FB1] =	sst s0  }
0x18: {  	s0 =	sld [smem:$0x3F94];
	_ =	swait.ge [sflag:s4], $0x0  }
0x19: {  	s7 =	sld [smem:$0x3F95]  }
0x1a: {  	s8 =	sadd.s32 $0xFFFFE003, lr  }
0x1b: {  	s9 =	sadd.s32 $0xFFFFFEF7, lr;
	s5 =	simm.s32 $0xFFFFFFFF;
	p2 =	slt.u32 s8, $0xFFFFF086  }
0x1c: {  	p1 =	slt.u32 s9, $0xF7A;
	s5 =	simm.s32 @!p2 $0x0  }
0x1d: {  	s5 =	simm.s32 @p1 $0x1;
	p0 =	seq.s32 s7, s2  }
0x1e: {  	s7 =	smul.u32 @!p0 $0xF7A, s2;
	p2 =	seq.s32 @!p0 s5, $0x0  }
0x1f: {  	s9 =	smul.u32 $0xF7A, s1;
	s8 =	simm.s32 @!p0 $0x1BF5;
	p2 =	por !p2, p0  }
0x20: {  	[sflag:s8] =	ssyncset.s32 @!p0 $0xFFFFF086;
	s6 =	sadd.s32 @!p0 s3, s7;
	s7 =	simm.s32 @!p0 $0x108  }
0x21: {  	s3 =	sadd.s32 s3, s9;
	s6 =	sadd.s32 @!p0 $0x88, s6;
	s7 =	simm.s32 @p2 $0x1082  }
0x22: {  	[simem:s7], [sflag:s8] =	dma.local @!p0 [hbm:s6], $0xF7A  }
0x23: {  	s9 =	sor.u32 $0xD0000000, s2;
	s6 =	simm.s32 $0x108;
	_ =	swait.ge @!p0 [sflag:s8], $0x0  }
0x24: {  	s3 =	sadd.s32 $0x88, s3;
	s6 =	simm.s32 @!p1 $0x1082;
	[sflag:s4] =	ssyncset.s32 $0xFFFFF086  }
0x25: {  	[simem:s6], [sflag:s4] =	dma.local [hbm:s3], $0xF7A  }
0x26: {  	[smem:$0x3F95] =	sst s1;
	(tag) =	ssettag s2;
	_ =	strace s9  }
0x27: {  	s1 =	sld [smem:$0x3FA5]  }
0x28: {  	s2 =	sld [smem:$0x3FA6]  }
0x29: {  	s4 =	sld [smem:$0x3FA8]  }
0x2a: {  	p0 =	seq.s32 s5, $0x0;
	s5 =	sld [smem:$0x3FA9]  }
0x2b: {  	s6 =	sld [smem:$0x3FAA]  }
0x2c: {  	s7 =	sld [smem:$0x3FAB]  }
0x2d: {  	s3 =	simm.s32 $0x108;
	s8 =	sld [smem:$0x3FAC]  }
0x2e: {  	s3 =	simm.s32 @!p0 $0x1082;
	s9 =	sld [smem:$0x3FAD]  }
0x2f: {  	lr =	sadd.s32 s0, s3;
	s0 =	sld [smem:$0x3FA4]  }
0x30: {  	s3 =	sld [smem:$0x3FA7]  }
0x31: {  	[smem:$0x3FB0] =	sst s10  }
0x32: {  	s10 =	sld [smem:$0x3FAE];
	_ =	sdelay $0x3  }
0x33: {  	p0 =	seq.s32 s10, $0x1;
	s10 =	sld [smem:$0x3FB0];
	_ =	sdelay $0x3  }
0x34: {  	[smem:$0x3FB0] =	sst s10  }
0x35: {  	s10 =	sld [smem:$0x3FAF];
	_ =	sdelay $0x3  }
0x36: {  	p1 =	seq.s32 s10, $0x1;
	s10 =	sld [smem:$0x3FB0];
	_ =	sdelay $0x3  }
0x37: {  	[smem:$0x3FB0] =	sst s10  }
0x38: {  	s10 =	sld [smem:$0x3FB1]  }
0x39: {  	_ = 	snop;
	(pc) =	sbr.ind lr, $3  }
0x3a: {  	_ = 	snop  }
0x3b: {  	_ = 	snop  }
0x3c: {  	p2 =	seq.s32 s10, $0x1;
	s10 =	sld [smem:$0x3FB0]  }
0x3d: {  	_ =	shalt  }
0x3e: {  	_ =	shalt  }
0x3f: {  	_ =	shalt  }
0x40: {  	_ =	shalt  }
0x41: {  	_ =	shalt  }
0x42: {  	_ =	shalt  }
0x43: {  	_ =	shalt  }
0x44: {  	_ =	shalt  }
0x45: {  	_ =	shalt  }
0x46: {  	_ =	shalt  }
0x47: {  	_ =	shalt  }
0x48: {  	_ =	shalt  }
0x49: {  	_ =	shalt  }
0x4a: {  	_ =	shalt  }
0x4b: {  	_ =	shalt  }
0x4c: {  	_ =	shalt  }
0x4d: {  	_ =	shalt  }
0x4e: {  	_ =	shalt  }
0x4f: {  	_ =	shalt  }
0x50: {  	_ =	shalt  }
0x51: {  	_ =	shalt  }
0x52: {  	_ =	shalt  }
0x53: {  	_ =	shalt  }
0x54: {  	_ =	shalt  }
0x55: {  	_ =	shalt  }
0x56: {  	_ =	shalt  }
0x57: {  	_ =	shalt  }
0x58: {  	_ =	shalt  }
0x59: {  	_ =	shalt  }
0x5a: {  	_ =	shalt  }
0x5b: {  	_ =	shalt  }
0x5c: {  	_ =	shalt  }
0x5d: {  	_ =	shalt  }
0x5e: {  	_ =	shalt  }
0x5f: {  	_ =	shalt  }
0x60: {  	_ =	shalt  }
0x61: {  	_ =	shalt  }
0x62: {  	_ =	shalt  }
0x63: {  	_ =	shalt  }
0x64: {  	_ =	shalt  }
0x65: {  	_ =	shalt  }
0x66: {  	_ =	shalt  }
0x67: {  	_ =	shalt  }
0x68: {  	_ =	shalt  }
0x69: {  	_ =	shalt  }
0x6a: {  	_ =	shalt  }
0x6b: {  	_ =	shalt  }
0x6c: {  	_ =	shalt  }
0x6d: {  	_ =	shalt  }
0x6e: {  	_ =	shalt  }
0x6f: {  	_ =	shalt  }
0x70: {  	_ =	shalt  }
0x71: {  	_ =	shalt  }
0x72: {  	_ =	shalt  }
0x73: {  	_ =	shalt  }
0x74: {  	_ =	shalt  }
0x75: {  	_ =	shalt  }
0x76: {  	_ =	shalt  }
0x77: {  	_ =	shalt  }
0x78: {  	_ =	shalt  }
0x79: {  	_ =	shalt  }
0x7a: {  	_ =	shalt  }
0x7b: {  	_ =	shalt  }
0x7c: {  	_ =	shalt  }
0x7d: {  	_ =	shalt  }
0x7e: {  	_ =	shalt  }
0x7f: {  	_ =	shalt  }
0x80: {  	_ =	shalt  }
0x81: {  	_ =	shalt  }
0x82: {  	_ =	shalt  }
0x83: {  	_ =	shalt  }
0x84: {  	_ =	shalt  }
0x85: {  	_ =	shalt  }
0x86: {  	_ =	shalt  }
0x87: {  	_ =	shalt  }
.Lfunc_end0:
.L_simem_size_0:
called_computation_lowered:
.L_overlay_start_0:
0x88: {  	s2 =	sld [smem:$0x3FD9]  }
0x89: {  	s3 =	sld [smem:$0x3FFE];
	_ =	sdelay $0x1  }
0x8a: {  	s1 =	srdreg.scid  }
0x8b: {  	s0 =	sand.u32 $0x1, s1  }
0x8c: {  	s16 =	sshll.u32 s0, $0xA;
	s2 =	sadd.s32 s3, s2  }
0x8d: {  	s2 =	sadd.s32 s2, s16  }
0x8e: {  	[smem:$0x3FBC] =	sst s2  }
0x8f: {  	_ = 	snop  }
0x90: {  	(tm) =	ssettm $0x1  }
0x91: {  	s17 =	sld [smem:$0x3FFB];
	_ =	sdelay $0x3  }
0x92: {  	_ =	strace s17  }
0x93: {  	s2 =	sld [smem:$0x3FFC];
	_ =	sdelay $0x3  }
0x94: {  	_ =	strace s2  }
0x95: {  	s2 =	sld [smem:$0x3FFD];
	_ =	sdelay $0x3  }
0x96: {  	_ =	strace s2  }
0x97: {  	_ =	strace $0x8FFFFFFF  }
0x98: {  	s18 =	sld [smem:$0x3FDB];
	_ =	sdelay $0x1  }
0x99: {  	s19 =	simm.s32 $_scs_section_size  }
0x9a: {  	s4 =	simm.s32 $_size__tile_overlayer_lowered;
	s5 =	simm.s32 $_tile_overlayer_lowered  }
0x9b: {  	s22 =	simm.s32 $0x1BFF;
	s21 =	sshll.u32 s5, $0x1;
	s2 =	sadd.s32 s19, s18  }
0x9c: {  	s6 =	simm.s32 $0x0;
	s20 =	sshll.u32 s4, $0x1;
	s4 =	sadd.s32 s21, s2  }
0x9d: {  	[timem:s6], [sflag:s22] =	dma.local [hbm:s4], s20  }
0x9e: {  	_ =	swait.ge [sflag:s22], s20  }
0x9f: {  	s3 =	ssub.s32 $0x0, s20;
	[sflag:s22] =	ssyncset.done $0x0  }
0xa0: {  	[sflag:s22] =	ssyncadd.s32 s3;
	_ =	sdelay $0x1  }
0xa1: {  	s23 =	simm.s32 $0x1B8B  }
0xa2: {  	_ =	swait.ge [sflag:s23], $0x1  }
0xa3: {  	[sflag:s23] =	ssyncset.done $0x0  }
0xa4: {  	s25 =	simm.s32 $0x1B8E;
	s24 =	sld [smem:$0x3FFE];
	[sflag:s23] =	ssyncadd.s32 $0xFFFFFFFF  }
0xa5: {  	s26 =	simm.s32 $execute0_lowered;
	[smem:$0x3FD2] =	sst s25  }
0xa6: {  	s4 =	sshll.u32 s26, $0x1;
	_ =	strace $0x80000046;
	[dreg:$0x1] =	wrdreg $0xFFFFFFFF  }
0xa7: {  	s28 =	simm.s32 $_size_execute0_lowered;
	s2 =	sadd.s32 s2, s4;
	[dreg:$0x0] =	wrdreg $0x0  }
0xa8: {  	s4 =	sshll.u32 s28, $0x1;
	[dreg:$0x2] =	wrdreg s2  }
0xa9: {  	[dreg:$0x3] =	wrdreg s4  }
0xaa: {  	[dreg:$0x4] =	wrdreg $0xC0  }
0xab: {  	_ =	task [dreg:s6], $0x5FFFF  }
0xac: {  	[dreg:$0x1] =	wrdreg $0xFFFFFFFF  }
0xad: {  	[dreg:$0x0] =	wrdreg $0x60  }
0xae: {  	[dreg:$0x2] =	wrdreg s24  }
0xaf: {  	[dreg:$0x3] =	wrdreg $0x0  }
0xb0: {  	[dreg:$0x4] =	wrdreg $0x9  }
0xb1: {  	_ =	task.clear_ibuf [dreg:s6], $0x5FFFF;
	_ =	strace $0x90000046  }
0xb2: {  	s29 =	simm.s32 $0x9;
	_ =	strace $0x80000048  }
0xb3: {  	_ =	swait.ge [sflag:s29], $0x1  }
0xb4: {  	[sflag:s29] =	ssyncadd.s32 $0xFFFFFFFF  }
0xb5: {  	_ =	strace $0x90000048  }
0xb6: {  	_ =	sfence  }
0xb7: {  	s30 =	sld [smem:$0x0];
	_ =	sdelay $0x2  }
0xb8: {  	s31 =	sshll.u32 s1, $0xD;
	s1 =	sshrl.u32 s1, $0x2  }
0xb9: {  	s3 =	sand.u32 $0x4000, s31;
	s1 =	sadd.s32 s1, s30  }
0xba: {  	s0 =	sor.u32 s3, s0;
	s1 =	sshll.u32 s1, $0x11  }
0xbb: {  	s0 =	sor.u32 s1, s0  }
0xbc: {  	s0 =	sadd.s32 $0x8F2B, s0  }
0xbd: {  	[sflag:s0] =	ssyncadd.remote.s32 $0x1  }
0xbe: {  	_ =	sfence.sel $0xFFFF  }
0xbf: {  	[dreg:$0x0] =	wrdreg $0xFFFFFFFF;
	(pc) =	sbr.abs _section_cstart, $3  }
0xc0: {  	[dreg:$0x1] =	wrdreg $0xFFFFFFFF  }
0xc1: {  	_ =	task.clear_ibuf [dreg:s6], $0x2FFFF;
	_ =	strace $0x9FFFFFFF  }
0xc2: {  	(tm) =	ssettm $0x7FFFFFFF  }
0xc3: {  	_ =	shalt  }
tec
execute0_lowered:
.L_overlay_start_1:
0x0: {  	(tag) =	ssettag $0x1  }
0x1: {  	s5 =	rddreg [dreg:$0x0]  }
0x2: {  	s0 =	srdreg.scid;
	s2 =	rddreg [dreg:$0x1]  }
0x3: {  	s3 =	simm.s32 $0x0;
	s14 =	simm.s32 $0x6800;
	s16 =	simm.s32 $0x6880  }
0x4: {  	s17 =	simm.s32 $0x1;
	s18 =	simm.s32 $0x80;
	s19 =	simm.s32 $0x2  }
0x5: {  	s20 =	simm.s32 $0x6900;
	s4 =	sand.u32 $0x1, s0;
	s0 =	stileid.u32  }
0x6: {  	s21 =	simm.s32 $0x10;
	[smem:$0x7FF] =	sst s3;
	s9 =	smul.u32 $0x28000, s4  }
0x7: {  	s1 =	sshll.u32 s4, $0x4;
	s8 =	sshll.u32 s0, $0x4;
	s10 =	smul.u32 $0x50000, s0  }
0x8: {  	s26 =	ssub.s32 $0x2, s4;
	s23 =	smul.u32 $0x2800, s0;
	s6 =	sor.u32 s0, s1  }
0x9: {  	s1 =	rddreg [dreg:$0x2];
	s8 =	sand.u32 $0x70, s8;
	_ =	strace $0x80000047  }
0xa: {  	s29 =	sshrl.u32 s26, $0x1;
	s7 =	smul.u32 $0x500, s6;
	s8 =	sadd.s32 s8, s5  }
0xb: {  	s12 =	sadd.s32 s9, s5;
	s28 =	sshrl.u32 s10, $0x2;
	s6 =	sshll.u32 s6, $0x4  }
0xc: {  	s13 =	ssub.s32 s26, s29;
	s4 =	sadd.s32 s28, s2;
	s30 =	sand.u32 $0x180, s6  }
0xd: {  	s22 =	sadd.s32 $0xDA00, s12;
	s12 =	simm.s32 $0x2800;
	s11 =	sadd.s32 s7, s5  }
0xe: {  	s5 =	sadd.s32 $0x4000, s4;
	s6 =	sadd.s32 $0x8000, s4;
	s7 =	sadd.s32 $0xC000, s4  }
0xf: {  	s31 =	sadd.s32 s30, s8;
	s8 =	sadd.s32 $0x10000, s4;
	s22 =	sadd.s32 s23, s22  }
0x10: {  	s23 =	simm.s32 $0x0;
	s9 =	sadd.s32 $0x3A00, s11;
	s10 =	sadd.s32 $0x3800, s31  }
0x11: {  	v0 =	vimm.f32 $0.0e+00;
	v1 =	vimm.f32 $1.000000000e+00;
	s11 =	smax.u32 s13, $0x1;
	s13 =	simm.s32 $0x3;
	s15 =	sadd.s32 $0x10, s9  }
.LBB2_1:
0x12: {  	s24 =	simm.s32 $0x200;
	s25 =	simm.s32 $0x0  }
.LBB2_2:
0x13: {  	p0 =	sne.s32 s24, $0xFE00;
	[tilespmem:s25+$0x2800] =	vst v0;
	s25 =	smov.u32 s24;
	s24 =	sadd.s32 $0x200, s24  }
.Ltmp0:
0x14: {  	(pc) =	sbr.rel @p0 .LBB2_2-.Ltmp0, $2  }
0x15: {  	_ =	sdelay $0x2  }
0x16: {  	s25 =	sshra.s32 s25, $0x2  }
0x17: {  	[tilespmem:s25+$0x2800] =	vst v0  }
0x18: {  	[spmem:s4] =	stream.linear.scatter [tilespmem:s12], [sflag:$0x3], $0x4000, $0x38;
	[tilespmem:$0x6980] =	vst v63  }
0x19: {  	_ =	swait.ge [sflag:s13], $0x4000  }
0x1a: {  	[sflag:s13] =	ssyncset.done $0x0  }
0x1b: {  	[sflag:s13] =	ssyncadd.s32 $0xFFFFC000  }
0x1c: {  	[spmem:s5] =	stream.linear.scatter [tilespmem:s12], [sflag:$0x3], $0x4000, $0x38;
	[tilespmem:$0x6980] =	vst v63  }
0x1d: {  	_ =	swait.ge [sflag:s13], $0x4000  }
0x1e: {  	[sflag:s13] =	ssyncset.done $0x0  }
0x1f: {  	[sflag:s13] =	ssyncadd.s32 $0xFFFFC000  }
0x20: {  	[spmem:s6] =	stream.linear.scatter [tilespmem:s12], [sflag:$0x3], $0x4000, $0x38;
	[tilespmem:$0x6980] =	vst v63  }
0x21: {  	_ =	swait.ge [sflag:s13], $0x4000  }
0x22: {  	[sflag:s13] =	ssyncset.done $0x0  }
0x23: {  	[sflag:s13] =	ssyncadd.s32 $0xFFFFC000  }
0x24: {  	[spmem:s7] =	stream.linear.scatter [tilespmem:s12], [sflag:$0x3], $0x4000, $0x38;
	[tilespmem:$0x6980] =	vst v63  }
0x25: {  	_ =	swait.ge [sflag:s13], $0x4000  }
0x26: {  	[sflag:s13] =	ssyncset.done $0x0  }
0x27: {  	[sflag:s13] =	ssyncadd.s32 $0xFFFFC000  }
0x28: {  	[spmem:s8] =	stream.linear.scatter [tilespmem:s12], [sflag:$0x3], $0x4000, $0x38;
	[tilespmem:$0x6980] =	vst v63  }
0x29: {  	_ =	swait.ge [sflag:s13], $0x4000  }
0x2a: {  	[sflag:s13] =	ssyncset.done $0x0  }
0x2b: {  	[sflag:s13] =	ssyncadd.s32 $0xFFFFC000  }
0x2c: {  	s24 =	simm.s32 $0x200;
	s25 =	simm.s32 $0x0;
	[bflag:$0x0] =	sbarrier.arrive $0xFFFF  }
.LBB2_4:
0x2d: {  	p0 =	sne.s32 s24, $0xFE00;
	[tilespmem:s25+$0x2800] =	vst v1;
	s25 =	smov.u32 s24;
	s24 =	sadd.s32 $0x200, s24  }
.Ltmp1:
0x2e: {  	(pc) =	sbr.rel @p0 .LBB2_4-.Ltmp1, $2  }
0x2f: {  	_ =	sdelay $0x2  }
0x30: {  	s25 =	sshra.s32 s25, $0x2  }
0x31: {  	[tilespmem:s25+$0x2800] =	vst v1  }
0x32: {  	[tilespmem:s14], [sflag:$0x1] =	stream.linear.gather [hbm4b:s9+s3], $0x80, $0x38;
	[tilespmem:$0x6980] =	vst v63  }
0x33: {  	_ = 	snop  }
0x34: {  	[tilespmem:s16], [sflag:$0x2] =	stream.linear.gather [hbm4b:s15+s3], $0x80, $0x38;
	[tilespmem:$0x6980] =	vst v63  }
0x35: {  	_ =	swait.ge [sflag:s17], $0x80  }
0x36: {  	[sflag:s17] =	ssyncset.done $0x0  }
0x37: {  	[sflag:s17] =	ssyncadd.s32 $0xFFFFFF80  }
0x38: {  	[spmem:s2] =	stream.indirect.scatter.add.f32 [tilespmem:s12], [sflag:$0x3], $0x10, s14, s18, $0xb8;
	[tilespmem:$0x6980] =	vst v63  }
0x39: {  	_ =	swait.ge [sflag:s13], $0x800  }
0x3a: {  	s31 =	sadd.s32 $0xFFFFFB40, s9;
	[sflag:s13] =	ssyncset.done $0x0  }
0x3b: {  	s24 =	sadd.s32 $0x4E0, s31;
	[sflag:s13] =	ssyncadd.s32 $0xFFFFF800  }
0x3c: {  	[tilespmem:s14], [sflag:$0x1] =	stream.linear.gather [hbm4b:s24+s3], $0x80, $0x38;
	[tilespmem:$0x6980] =	vst v63  }
0x3d: {  	_ =	swait.ge [sflag:s19], $0x80  }
0x3e: {  	[sflag:s19] =	ssyncset.done $0x0  }
0x3f: {  	[sflag:s19] =	ssyncadd.s32 $0xFFFFFF80  }
0x40: {  	[spmem:s2] =	stream.indirect.scatter.add.f32 [tilespmem:s12], [sflag:$0x3], $0x10, s16, s18, $0xb8;
	[tilespmem:$0x6980] =	vst v63  }
0x41: {  	_ =	swait.ge [sflag:s13], $0x800  }
0x42: {  	[sflag:s13] =	ssyncset.done $0x0  }
0x43: {  	s25 =	sadd.s32 $0x4F0, s31;
	s24 =	simm.s32 $0xFFFFFB60;
	[sflag:s13] =	ssyncadd.s32 $0xFFFFF800  }
.LBB2_6:
0x44: {  	[tilespmem:s16], [sflag:$0x2] =	stream.linear.gather [hbm4b:s25+s3], $0x80, $0x38;
	[tilespmem:$0x6980] =	vst v63  }
0x45: {  	s25 =	smov.u32 s24  }
0x46: {  	p0 =	sne.s32 s24, $0xFFFFFFE0;
	s24 =	sadd.s32 $0x20, s24;
	_ =	swait.ge [sflag:s17], $0x80  }
0x47: {  	[sflag:s17] =	ssyncset.done $0x0  }
0x48: {  	[sflag:s17] =	ssyncadd.s32 $0xFFFFFF80  }
0x49: {  	[spmem:s2] =	stream.indirect.scatter.add.f32 [tilespmem:s12], [sflag:$0x3], $0x10, s14, s18, $0xb8;
	[tilespmem:$0x6980] =	vst v63  }
0x4a: {  	_ =	swait.ge [sflag:s13], $0x800  }
0x4b: {  	s25 =	sadd.s32 s25, s9;
	[sflag:s13] =	ssyncset.done $0x0  }
0x4c: {  	s26 =	sadd.s32 $0x4E0, s25;
	[sflag:s13] =	ssyncadd.s32 $0xFFFFF800  }
0x4d: {  	[tilespmem:s14], [sflag:$0x1] =	stream.linear.gather [hbm4b:s26+s3], $0x80, $0x38;
	[tilespmem:$0x6980] =	vst v63  }
0x4e: {  	_ =	swait.ge [sflag:s19], $0x80  }
0x4f: {  	[sflag:s19] =	ssyncset.done $0x0  }
.Ltmp2:
0x50: {  	[sflag:s19] =	ssyncadd.s32 $0xFFFFFF80;
	(pc) =	sbr.rel @p0 .LBB2_6-.Ltmp2, $4  }
0x51: {  	[spmem:s2] =	stream.indirect.scatter.add.f32 [tilespmem:s12], [sflag:$0x3], $0x10, s16, s18, $0xb8;
	[tilespmem:$0x6980] =	vst v63  }
0x52: {  	_ =	swait.ge [sflag:s13], $0x800  }
0x53: {  	[sflag:s13] =	ssyncset.done $0x0  }
0x54: {  	s25 =	sadd.s32 $0x4F0, s25;
	[sflag:s13] =	ssyncadd.s32 $0xFFFFF800  }
0x55: {  	[tilespmem:s16], [sflag:$0x2] =	stream.linear.gather [hbm4b:s25+s3], $0x80, $0x38;
	[tilespmem:$0x6980] =	vst v63  }
0x56: {  	_ =	swait.ge [sflag:s17], $0x80  }
0x57: {  	[sflag:s17] =	ssyncset.done $0x0  }
0x58: {  	[sflag:s17] =	ssyncadd.s32 $0xFFFFFF80  }
0x59: {  	[spmem:s2] =	stream.indirect.scatter.add.f32 [tilespmem:s12], [sflag:$0x3], $0x10, s14, s18, $0xb8;
	[tilespmem:$0x6980] =	vst v63  }
0x5a: {  	_ =	swait.ge [sflag:s13], $0x800  }
0x5b: {  	[sflag:s13] =	ssyncset.done $0x0  }
0x5c: {  	[sflag:s13] =	ssyncadd.s32 $0xFFFFF800  }
0x5d: {  	_ =	swait.ge [sflag:s19], $0x80  }
0x5e: {  	[sflag:s19] =	ssyncset.done $0x0  }
0x5f: {  	[sflag:s19] =	ssyncadd.s32 $0xFFFFFF80  }
0x60: {  	[spmem:s2] =	stream.indirect.scatter.add.f32 [tilespmem:s12], [sflag:$0x3], $0x10, s16, s18, $0xb8;
	[tilespmem:$0x6980] =	vst v63  }
0x61: {  	_ =	swait.ge [sflag:s13], $0x800  }
0x62: {  	[sflag:s13] =	ssyncset.done $0x0  }
0x63: {  	[sflag:s13] =	ssyncadd.s32 $0xFFFFF800  }
0x64: {  	[tilespmem:s20], [sflag:$0x3] =	stream.linear.gather [hbm4b:s10+s3], $0x80, $0x38;
	[tilespmem:$0x6980] =	vst v63  }
0x65: {  	_ =	swait.ge [sflag:s13], $0x80  }
0x66: {  	[sflag:s13] =	ssyncset.done $0x0  }
0x67: {  	[sflag:s13] =	ssyncadd.s32 $0xFFFFFF80  }
0x68: {  	[spmem:s2] =	stream.indirect.scatter.add.f32 [tilespmem:s12], [sflag:$0x3], $0x10, s20, s21, $0xb8;
	[tilespmem:$0x6980] =	vst v63  }
0x69: {  	_ =	swait.ge [sflag:s13], $0x100  }
0x6a: {  	s24 =	sshll.u32 s0, $0x6;
	s23 =	sadd.s32 $0x1, s23;
	[sflag:s13] =	ssyncset.done $0x0  }
0x6b: {  	s31 =	sshrl.u32 s4, $0x3;
	p0 =	sne.s32 s23, s11;
	[sflag:s13] =	ssyncadd.s32 $0xFFFFFF00  }
.Ltmp3:
0x6c: {  	s24 =	sor.u32 $0x1C03, s24;
	[bflag:$0x0] =	sbarrier.arrive $0xFFFF;
	(pc) =	sbr.rel @p0 .LBB2_1-.Ltmp3, $4  }
0x6d: {  	[hbm:s22], [sflag:s24] =	dma.local [spmem:s31], $0x2800  }
0x6e: {  	_ =	swait.ge [sflag:s13], $0x2800  }
0x6f: {  	[sflag:s13] =	ssyncset.done $0x0  }
0x70: {  	[sflag:s13] =	ssyncadd.s32 $0xFFFFD800  }
0x71: {  	_ =	sfence.sel $0x180000  }
0x72: {  	[bflag:$0x0] =	sbarrier.arrive $0xFFFF  }
0x73: {  	p0 =	sne.s32 s0, $0x0;
	_ =	strace $0x90000047  }
0x74: {  	s0 =	sadd.s32 @!p0 $0x100000, s1;
	[bflag:$0x2] =	sbarrier.arrive $0xFFFF  }
0x75: {  	[sflag:s0] =	ssyncadd.tile.s32 @!p0 $0x1;
	_ =	shalt  }
.Lfunc_end2:
_tile_overlayer_lowered:
.L_overlay_start_2:
0x76: {  	(tag) =	ssettag $0x2  }
0x77: {  	s0 =	rddreg [dreg:$0x0];
	s2 =	stileid.u32  }
0x78: {  	s1 =	rddreg [dreg:$0x1];
	p0 =	sne.s32 s2, $0x0  }
0x79: {  	s3 =	rddreg [dreg:$0x2];
	[bflag:$0x3] =	sbarrier.arrive $0xFFFF;
	s2 =	simm.s32 @!p0 $0x1C03  }
0x7a: {  	[timem:s3], [sflag:s2] =	dma.local @!p0 [hbm:s0], s1  }
0x7b: {  	s0 =	simm.s32 @!p0 $0x3  }
0x7c: {  	_ =	swait.ge @!p0 [sflag:s0], s1  }
0x7d: {  	s1 =	ssub.s32 @!p0 $0x0, s1;
	[sflag:s0] =	ssyncset.done @!p0 $0x0  }
0x7e: {  	[sflag:s0] =	ssyncadd.s32 @!p0 s1  }
0x7f: {  	[bflag:$0x3] =	sbarrier.arrive $0xFFFF  }
0x80: {  	_ =	shalt  }

// kernel: kernel.13.cloned.1.call-start
scs
__scs_entry_jumppad:
0x0: {  	(pc) =	sbr.rel $0x88, $3  }
0x1: {  	(tag) =	ssettag $0x0;
	lr =	simm.s32 $0x1  }
0x2: {  	[smem:$0x3F95] =	sst lr;
	_ =	strace $0xD0000000  }
0x3: {  	_ = 	snop  }
0x4: {  	_ = 	snop  }
0x5: {  	_ = 	snop  }
0x6: {  	_ = 	snop  }
0x7: {  	_ = 	snop  }
__scs_overlays_trampoline_lowered:
0x8: {  	[smem:$0x3FA4] =	sst s0  }
0x9: {  	[smem:$0x3FA5] =	sst s1  }
0xa: {  	[smem:$0x3FA6] =	sst s2  }
0xb: {  	[smem:$0x3FA7] =	sst s3  }
0xc: {  	[smem:$0x3FA8] =	sst s4  }
0xd: {  	[smem:$0x3FA9] =	sst s5  }
0xe: {  	[smem:$0x3FAA] =	sst s6  }
0xf: {  	[smem:$0x3FAB] =	sst s7  }
0x10: {  	[smem:$0x3FAC] =	sst s8  }
0x11: {  	[smem:$0x3FAD] =	sst s9;
	s0 =	simm.s32 @!p0 $0x0  }
0x12: {  	s1 =	sld [smem:$0x3F93];
	s0 =	simm.s32 @p0 $0x1  }
0x13: {  	[smem:$0x3FAE] =	sst s0;
	s0 =	simm.s32 @!p1 $0x0  }
0x14: {  	s2 =	sld [smem:$0x3F92];
	s0 =	simm.s32 @p1 $0x1  }
0x15: {  	[smem:$0x3FAF] =	sst s0;
	s0 =	simm.s32 @!p2 $0x0  }
0x16: {  	s3 =	sld [smem:$0x3FDB];
	s0 =	simm.s32 @p2 $0x1  }
0x17: {  	s4 =	simm.s32 $0x1BF5;
	[smem:$0x3FB1] =	sst s0  }
0x18: {  	s0 =	sld [smem:$0x3F94];
	_ =	swait.ge [sflag:s4], $0x0  }
0x19: {  	s7 =	sld [smem:$0x3F95]  }
0x1a: {  	s8 =	sadd.s32 $0xFFFFE003, lr  }
0x1b: {  	s9 =	sadd.s32 $0xFFFFFEF7, lr;
	s5 =	simm.s32 $0xFFFFFFFF;
	p2 =	slt.u32 s8, $0xFFFFF086  }
0x1c: {  	p1 =	slt.u32 s9, $0xF7A;
	s5 =	simm.s32 @!p2 $0x0  }
0x1d: {  	s5 =	simm.s32 @p1 $0x1;
	p0 =	seq.s32 s7, s2  }
0x1e: {  	s7 =	smul.u32 @!p0 $0xF7A, s2;
	p2 =	seq.s32 @!p0 s5, $0x0  }
0x1f: {  	s9 =	smul.u32 $0xF7A, s1;
	s8 =	simm.s32 @!p0 $0x1BF5;
	p2 =	por !p2, p0  }
0x20: {  	[sflag:s8] =	ssyncset.s32 @!p0 $0xFFFFF086;
	s6 =	sadd.s32 @!p0 s3, s7;
	s7 =	simm.s32 @!p0 $0x108  }
0x21: {  	s3 =	sadd.s32 s3, s9;
	s6 =	sadd.s32 @!p0 $0x88, s6;
	s7 =	simm.s32 @p2 $0x1082  }
0x22: {  	[simem:s7], [sflag:s8] =	dma.local @!p0 [hbm:s6], $0xF7A  }
0x23: {  	s9 =	sor.u32 $0xD0000000, s2;
	s6 =	simm.s32 $0x108;
	_ =	swait.ge @!p0 [sflag:s8], $0x0  }
0x24: {  	s3 =	sadd.s32 $0x88, s3;
	s6 =	simm.s32 @!p1 $0x1082;
	[sflag:s4] =	ssyncset.s32 $0xFFFFF086  }
0x25: {  	[simem:s6], [sflag:s4] =	dma.local [hbm:s3], $0xF7A  }
0x26: {  	[smem:$0x3F95] =	sst s1;
	(tag) =	ssettag s2;
	_ =	strace s9  }
0x27: {  	s1 =	sld [smem:$0x3FA5]  }
0x28: {  	s2 =	sld [smem:$0x3FA6]  }
0x29: {  	s4 =	sld [smem:$0x3FA8]  }
0x2a: {  	p0 =	seq.s32 s5, $0x0;
	s5 =	sld [smem:$0x3FA9]  }
0x2b: {  	s6 =	sld [smem:$0x3FAA]  }
0x2c: {  	s7 =	sld [smem:$0x3FAB]  }
0x2d: {  	s3 =	simm.s32 $0x108;
	s8 =	sld [smem:$0x3FAC]  }
0x2e: {  	s3 =	simm.s32 @!p0 $0x1082;
	s9 =	sld [smem:$0x3FAD]  }
0x2f: {  	lr =	sadd.s32 s0, s3;
	s0 =	sld [smem:$0x3FA4]  }
0x30: {  	s3 =	sld [smem:$0x3FA7]  }
0x31: {  	[smem:$0x3FB0] =	sst s10  }
0x32: {  	s10 =	sld [smem:$0x3FAE];
	_ =	sdelay $0x3  }
0x33: {  	p0 =	seq.s32 s10, $0x1;
	s10 =	sld [smem:$0x3FB0];
	_ =	sdelay $0x3  }
0x34: {  	[smem:$0x3FB0] =	sst s10  }
0x35: {  	s10 =	sld [smem:$0x3FAF];
	_ =	sdelay $0x3  }
0x36: {  	p1 =	seq.s32 s10, $0x1;
	s10 =	sld [smem:$0x3FB0];
	_ =	sdelay $0x3  }
0x37: {  	[smem:$0x3FB0] =	sst s10  }
0x38: {  	s10 =	sld [smem:$0x3FB1]  }
0x39: {  	_ = 	snop;
	(pc) =	sbr.ind lr, $3  }
0x3a: {  	_ = 	snop  }
0x3b: {  	_ = 	snop  }
0x3c: {  	p2 =	seq.s32 s10, $0x1;
	s10 =	sld [smem:$0x3FB0]  }
0x3d: {  	_ =	shalt  }
0x3e: {  	_ =	shalt  }
0x3f: {  	_ =	shalt  }
0x40: {  	_ =	shalt  }
0x41: {  	_ =	shalt  }
0x42: {  	_ =	shalt  }
0x43: {  	_ =	shalt  }
0x44: {  	_ =	shalt  }
0x45: {  	_ =	shalt  }
0x46: {  	_ =	shalt  }
0x47: {  	_ =	shalt  }
0x48: {  	_ =	shalt  }
0x49: {  	_ =	shalt  }
0x4a: {  	_ =	shalt  }
0x4b: {  	_ =	shalt  }
0x4c: {  	_ =	shalt  }
0x4d: {  	_ =	shalt  }
0x4e: {  	_ =	shalt  }
0x4f: {  	_ =	shalt  }
0x50: {  	_ =	shalt  }
0x51: {  	_ =	shalt  }
0x52: {  	_ =	shalt  }
0x53: {  	_ =	shalt  }
0x54: {  	_ =	shalt  }
0x55: {  	_ =	shalt  }
0x56: {  	_ =	shalt  }
0x57: {  	_ =	shalt  }
0x58: {  	_ =	shalt  }
0x59: {  	_ =	shalt  }
0x5a: {  	_ =	shalt  }
0x5b: {  	_ =	shalt  }
0x5c: {  	_ =	shalt  }
0x5d: {  	_ =	shalt  }
0x5e: {  	_ =	shalt  }
0x5f: {  	_ =	shalt  }
0x60: {  	_ =	shalt  }
0x61: {  	_ =	shalt  }
0x62: {  	_ =	shalt  }
0x63: {  	_ =	shalt  }
0x64: {  	_ =	shalt  }
0x65: {  	_ =	shalt  }
0x66: {  	_ =	shalt  }
0x67: {  	_ =	shalt  }
0x68: {  	_ =	shalt  }
0x69: {  	_ =	shalt  }
0x6a: {  	_ =	shalt  }
0x6b: {  	_ =	shalt  }
0x6c: {  	_ =	shalt  }
0x6d: {  	_ =	shalt  }
0x6e: {  	_ =	shalt  }
0x6f: {  	_ =	shalt  }
0x70: {  	_ =	shalt  }
0x71: {  	_ =	shalt  }
0x72: {  	_ =	shalt  }
0x73: {  	_ =	shalt  }
0x74: {  	_ =	shalt  }
0x75: {  	_ =	shalt  }
0x76: {  	_ =	shalt  }
0x77: {  	_ =	shalt  }
0x78: {  	_ =	shalt  }
0x79: {  	_ =	shalt  }
0x7a: {  	_ =	shalt  }
0x7b: {  	_ =	shalt  }
0x7c: {  	_ =	shalt  }
0x7d: {  	_ =	shalt  }
0x7e: {  	_ =	shalt  }
0x7f: {  	_ =	shalt  }
0x80: {  	_ =	shalt  }
0x81: {  	_ =	shalt  }
0x82: {  	_ =	shalt  }
0x83: {  	_ =	shalt  }
0x84: {  	_ =	shalt  }
0x85: {  	_ =	shalt  }
0x86: {  	_ =	shalt  }
0x87: {  	_ =	shalt  }
.Lfunc_end0:
.L_simem_size_0:
called_computation.1_lowered:
.L_overlay_start_0:
0x88: {  	s2 =	sld [smem:$0x3FD9]  }
0x89: {  	s3 =	sld [smem:$0x3FFE];
	_ =	sdelay $0x1  }
0x8a: {  	s1 =	srdreg.scid  }
0x8b: {  	s0 =	sand.u32 $0x1, s1  }
0x8c: {  	s17 =	sshll.u32 s0, $0xA;
	s2 =	sadd.s32 s3, s2  }
0x8d: {  	s2 =	sadd.s32 s2, s17  }
0x8e: {  	[smem:$0x3FBC] =	sst s2  }
0x8f: {  	_ = 	snop  }
0x90: {  	s2 =	sld [smem:$0x3FD0];
	(tm) =	ssettm $0x1  }
0x91: {  	s18 =	sld [smem:$0x3FFB];
	_ =	sdelay $0x3  }
0x92: {  	_ =	strace s18  }
0x93: {  	s3 =	sld [smem:$0x3FFC];
	_ =	sdelay $0x3  }
0x94: {  	_ =	strace s3  }
0x95: {  	s3 =	sld [smem:$0x3FFD];
	_ =	sdelay $0x3  }
0x96: {  	_ =	strace s3  }
0x97: {  	_ =	strace $0x8FFFFFFF  }
0x98: {  	s19 =	sld [smem:$0x3FDB];
	_ =	sdelay $0x1  }
0x99: {  	s4 =	simm.s32 $_scs_section_size  }
0x9a: {  	s5 =	simm.s32 $_size__tile_overlayer_lowered;
	s6 =	simm.s32 $_tile_overlayer_lowered  }
0x9b: {  	s22 =	simm.s32 $0x1BFF;
	s21 =	sshll.u32 s6, $0x1;
	s3 =	sadd.s32 s4, s19  }
0x9c: {  	s7 =	simm.s32 $0x0;
	s20 =	sshll.u32 s5, $0x1;
	s5 =	sadd.s32 s21, s3  }
0x9d: {  	[timem:s7], [sflag:s22] =	dma.local [hbm:s5], s20  }
0x9e: {  	_ =	swait.ge [sflag:s22], s20  }
0x9f: {  	s4 =	ssub.s32 $0x0, s20;
	[sflag:s22] =	ssyncset.done $0x0  }
0xa0: {  	[sflag:s22] =	ssyncadd.s32 s4;
	_ =	sdelay $0x1  }
0xa1: {  	s23 =	simm.s32 $0x1B8B  }
0xa2: {  	_ =	swait.ge [sflag:s23], $0x1  }
0xa3: {  	[sflag:s23] =	ssyncset.done $0x0  }
0xa4: {  	s25 =	simm.s32 $0x1B8E;
	s24 =	sld [smem:$0x3FFE];
	[sflag:s23] =	ssyncadd.s32 $0xFFFFFFFF  }
0xa5: {  	s26 =	simm.s32 $execute0_lowered;
	[smem:$0x3FD2] =	sst s25  }
0xa6: {  	s5 =	sshll.u32 s26, $0x1;
	_ =	strace $0x80000049;
	[dreg:$0x1] =	wrdreg $0xFFFFFFFF  }
0xa7: {  	s28 =	simm.s32 $_size_execute0_lowered;
	s3 =	sadd.s32 s3, s5;
	[dreg:$0x0] =	wrdreg $0x0  }
0xa8: {  	s5 =	sshll.u32 s28, $0x1;
	[dreg:$0x2] =	wrdreg s3  }
0xa9: {  	[dreg:$0x3] =	wrdreg s5  }
0xaa: {  	[dreg:$0x4] =	wrdreg $0xC0  }
0xab: {  	_ =	task [dreg:s7], $0x5FFFF  }
0xac: {  	[dreg:$0x1] =	wrdreg $0xFFFFFFFF  }
0xad: {  	[dreg:$0x0] =	wrdreg $0x60  }
0xae: {  	[dreg:$0x2] =	wrdreg s24  }
0xaf: {  	[dreg:$0x3] =	wrdreg s2  }
0xb0: {  	[dreg:$0x4] =	wrdreg $0x0  }
0xb1: {  	[dreg:$0x5] =	wrdreg $0x9  }
0xb2: {  	_ =	task.clear_ibuf [dreg:s7], $0x6FFFF;
	_ =	strace $0x90000049  }
0xb3: {  	s29 =	simm.s32 $0x9;
	_ =	strace $0x8000004B  }
0xb4: {  	_ =	swait.ge [sflag:s29], $0x1  }
0xb5: {  	[sflag:s29] =	ssyncadd.s32 $0xFFFFFFFF  }
0xb6: {  	_ =	strace $0x9000004B  }
0xb7: {  	_ =	sfence  }
0xb8: {  	s30 =	sld [smem:$0x0];
	_ =	sdelay $0x2  }
0xb9: {  	s31 =	sshll.u32 s1, $0xD;
	s1 =	sshrl.u32 s1, $0x2  }
0xba: {  	s3 =	sand.u32 $0x4000, s31;
	s1 =	sadd.s32 s1, s30  }
0xbb: {  	s0 =	sor.u32 s3, s0;
	s1 =	sshll.u32 s1, $0x11  }
0xbc: {  	s0 =	sor.u32 s1, s0  }
0xbd: {  	s0 =	sadd.s32 $0x8F2B, s0  }
0xbe: {  	[sflag:s0] =	ssyncadd.remote.s32 $0x1  }
0xbf: {  	_ =	sfence.sel $0xFFFF  }
0xc0: {  	[dreg:$0x0] =	wrdreg $0xFFFFFFFF;
	(pc) =	sbr.abs _section_cstart, $3  }
0xc1: {  	[dreg:$0x1] =	wrdreg $0xFFFFFFFF  }
0xc2: {  	_ =	task.clear_ibuf [dreg:s7], $0x2FFFF;
	_ =	strace $0x9FFFFFFF  }
0xc3: {  	(tm) =	ssettm $0x7FFFFFFF  }
tec
execute0_lowered:
.L_overlay_start_1:
0x0: {  	(tag) =	ssettag $0x1  }
0x1: {  	s0 =	rddreg [dreg:$0x0]  }
0x2: {  	s2 =	rddreg [dreg:$0x1]  }
0x3: {  	s1 =	rddreg [dreg:$0x2];
	s3 =	srdreg.scid  }
0x4: {  	s10 =	stileid.u32;
	s28 =	simm.s32 $0x14000;
	s5 =	sand.u32 $0x1, s3  }
0x5: {  	s29 =	simm.s32 $0x2;
	s30 =	simm.s32 $0x5;
	s4 =	sshll.u32 s5, $0x4  }
0x6: {  	s3 =	simm.s32 $0x0;
	s7 =	sshll.u32 s10, $0x4;
	s6 =	sor.u32 s10, s4  }
0x7: {  	s13 =	smul.u32 $0x50000, s10;
	[smem:$0x7FF] =	sst s3;
	s4 =	sshll.u32 s6, $0x4  }
0x8: {  	s7 =	sand.u32 $0x70, s7;
	s9 =	smul.u32 $0x28000, s5;
	s8 =	sand.u32 $0x180, s4  }
0x9: {  	s5 =	ssub.s32 $0x2, s5;
	s6 =	smul.u32 $0x9C0, s6;
	s7 =	sor.u32 s7, s8  }
0xa: {  	s14 =	sshrl.u32 s5, $0x1;
	s4 =	sadd.s32 $0x3A00, s0;
	s7 =	sadd.s32 s7, s0  }
0xb: {  	s0 =	sadd.s32 s9, s0;
	s9 =	ssub.s32 s5, s14;
	s5 =	sadd.s32 s2, s6  }
0xc: {  	_ =	strace $0x8000004A;
	s8 =	sshrl.u32 s13, $0x2;
	s2 =	sadd.s32 $0x20, s5  }
0xd: {  	s6 =	sadd.s32 s8, s1;
	s15 =	sadd.s32 $0x40, s5;
	[dreg:$0x4] =	wrdreg s2  }
0xe: {  	s31 =	simm.s32 $0x1C080;
	s16 =	sadd.s32 $0x4000, s6;
	[dreg:$0x5] =	wrdreg s15  }
0xf: {  	s11 =	simm.s32 $0x8;
	s17 =	sadd.s32 $0x8000, s6;
	[dreg:$0x6] =	wrdreg s16  }
0x10: {  	s12 =	simm.s32 $0x1C280;
	s18 =	sadd.s32 $0xC000, s6;
	[dreg:$0x7] =	wrdreg s17  }
0x11: {  	s25 =	smul.u32 $0x2800, s10;
	s19 =	sadd.s32 $0x10000, s6;
	[dreg:$0x8] =	wrdreg s18  }
0x12: {  	s10 =	simm.s32 $0x4;
	s20 =	sadd.s32 $0x60, s5;
	[dreg:$0x9] =	wrdreg s19  }
0x13: {  	s13 =	simm.s32 $0x1C380;
	s21 =	sadd.s32 $0x980, s5;
	[dreg:$0xa] =	wrdreg s20  }
0x14: {  	s8 =	simm.s32 $0x6;
	s22 =	sadd.s32 $0x9A0, s5;
	[dreg:$0xb] =	wrdreg s21  }
0x15: {  	s23 =	sadd.s32 $0x5DA00, s7;
	s24 =	sadd.s32 $0x3800, s7;
	[dreg:$0xc] =	wrdreg s22  }
0x16: {  	s0 =	sadd.s32 $0x5DC00, s0;
	s26 =	smax.u32 s9, $0x1;
	[dreg:$0xd] =	wrdreg s23  }
0x17: {  	s7 =	simm.s32 $0x7;
	s9 =	simm.s32 $0x1C180;
	[dreg:$0xe] =	wrdreg s24  }
0x18: {  	[dreg:$0xf] =	wrdreg s26;
	s19 =	simm.s32 $0x1C000;
	s20 =	simm.s32 $0x1C100  }
0x19: {  	s21 =	simm.s32 $0x1C200;
	s22 =	simm.s32 $0x18000;
	s23 =	simm.s32 $0x9  }
0x1a: {  	s0 =	sadd.s32 s25, s0;
	s25 =	simm.s32 $0x1;
	s26 =	simm.s32 $0x80  }
0x1b: {  	s2 =	simm.s32 $0x3;
	s15 =	simm.s32 $0x1C480;
	s16 =	simm.s32 $0x10  }
0x1c: {  	v0 =	vimm.f32 $0.0e+00;
	s17 =	simm.s32 $0x0;
	[dreg:$0x10] =	wrdreg s0;
	s0 =	simm.s32 $0x1C300  }
.LBB2_1:
0x1d: {  	[tilespmem:s19], [sflag:$0x1] =	stream.linear.gather [hbm4b:s5+s3], $0x100, $0x38;
	[tilespmem:$0x1C500] =	vst v63  }
0x1e: {  	s14 =	rddreg [dreg:$0x4]  }
0x1f: {  	[tilespmem:s20], [sflag:$0x2] =	stream.linear.gather [hbm4b:s14+s3], $0x100, $0x38;
	[tilespmem:$0x1C500] =	vst v63  }
0x20: {  	s24 =	rddreg [dreg:$0x5]  }
0x21: {  	[tilespmem:s21], [sflag:$0x3] =	stream.linear.gather [hbm4b:s24+s3], $0x100, $0x38;
	[tilespmem:$0x1C500] =	vst v63  }
0x22: {  	s18 =	simm.s32 $0x0;
	s24 =	simm.s32 $0x200  }
.LBB2_2:
0x23: {  	p0 =	sne.s32 s24, $0xFE00;
	[tilespmem:s18+$0x18070] =	vst v0  }
0x24: {  	[tilespmem:s18+$0x18000] =	vst v0  }
0x25: {  	[tilespmem:s18+$0x18010] =	vst v0  }
.Ltmp0:
0x26: {  	[tilespmem:s18+$0x18020] =	vst v0;
	(pc) =	sbr.rel @p0 .LBB2_2-.Ltmp0, $4  }
0x27: {  	[tilespmem:s18+$0x18030] =	vst v0  }
0x28: {  	[tilespmem:s18+$0x18040] =	vst v0  }
0x29: {  	[tilespmem:s18+$0x18050] =	vst v0  }
0x2a: {  	[tilespmem:s18+$0x18060] =	vst v0;
	s18 =	sshra.s32 s24, $0x2;
	s24 =	sadd.s32 $0x200, s24  }
0x2b: {  	[tilespmem:s18+$0x18070] =	vst v0  }
0x2c: {  	[tilespmem:s18+$0x18000] =	vst v0  }
0x2d: {  	[tilespmem:s18+$0x18010] =	vst v0  }
0x2e: {  	[tilespmem:s18+$0x18020] =	vst v0  }
0x2f: {  	[tilespmem:s18+$0x18030] =	vst v0  }
0x30: {  	[tilespmem:s18+$0x18040] =	vst v0  }
0x31: {  	[tilespmem:s18+$0x18050] =	vst v0  }
0x32: {  	[tilespmem:s18+$0x18060] =	vst v0  }
0x33: {  	[spmem:s6] =	stream.linear.scatter [tilespmem:s22], [sflag:$0x9], $0x4000, $0x38;
	[tilespmem:$0x1C500] =	vst v63  }
0x34: {  	_ =	swait.ge [sflag:s23], $0x4000  }
0x35: {  	[sflag:s23] =	ssyncset.done $0x0  }
0x36: {  	s14 =	rddreg [dreg:$0x6];
	[sflag:s23] =	ssyncadd.s32 $0xFFFFC000  }
0x37: {  	[spmem:s14] =	stream.linear.scatter [tilespmem:s22], [sflag:$0x9], $0x4000, $0x38;
	[tilespmem:$0x1C500] =	vst v63  }
0x38: {  	_ =	swait.ge [sflag:s23], $0x4000  }
0x39: {  	[sflag:s23] =	ssyncset.done $0x0  }
0x3a: {  	s18 =	rddreg [dreg:$0x7];
	[sflag:s23] =	ssyncadd.s32 $0xFFFFC000  }
0x3b: {  	[spmem:s18] =	stream.linear.scatter [tilespmem:s22], [sflag:$0x9], $0x4000, $0x38;
	[tilespmem:$0x1C500] =	vst v63  }
0x3c: {  	_ =	swait.ge [sflag:s23], $0x4000  }
0x3d: {  	[sflag:s23] =	ssyncset.done $0x0  }
0x3e: {  	s24 =	rddreg [dreg:$0x8];
	[sflag:s23] =	ssyncadd.s32 $0xFFFFC000  }
0x3f: {  	[spmem:s24] =	stream.linear.scatter [tilespmem:s22], [sflag:$0x9], $0x4000, $0x38;
	[tilespmem:$0x1C500] =	vst v63  }
0x40: {  	_ =	swait.ge [sflag:s23], $0x4000  }
0x41: {  	[sflag:s23] =	ssyncset.done $0x0  }
0x42: {  	s18 =	rddreg [dreg:$0x9];
	[sflag:s23] =	ssyncadd.s32 $0xFFFFC000  }
0x43: {  	[spmem:s18] =	stream.linear.scatter [tilespmem:s22], [sflag:$0x9], $0x4000, $0x38;
	[tilespmem:$0x1C500] =	vst v63  }
0x44: {  	_ =	swait.ge [sflag:s23], $0x4000  }
0x45: {  	[sflag:s23] =	ssyncset.done $0x0  }
0x46: {  	[sflag:s23] =	ssyncadd.s32 $0xFFFFC000  }
0x47: {  	_ =	swait.ge [sflag:s25], $0x100  }
0x48: {  	[sflag:s25] =	ssyncset.done $0x0  }
0x49: {  	[sflag:s25] =	ssyncadd.s32 $0xFFFFFF00  }
0x4a: {  	[tilespmem:s28], [sflag:$0x5] =	stream.indirect.gather [hbm4b:s4+s26], $0x80, s19, s26, $0xb8;
	[tilespmem:$0x1C500] =	vst v63  }
0x4b: {  	[bflag:$0x0] =	sbarrier.arrive $0xFFFF  }
0x4c: {  	_ =	swait.ge [sflag:s29], $0x100  }
0x4d: {  	[sflag:s29] =	ssyncset.done $0x0  }
0x4e: {  	[sflag:s29] =	ssyncadd.s32 $0xFFFFFF00  }
0x4f: {  	[tilespmem:s22], [sflag:$0x6] =	stream.indirect.gather [hbm4b:s4+s26], $0x80, s20, s26, $0xb8;
	[tilespmem:$0x1C500] =	vst v63  }
0x50: {  	_ =	swait.ge [sflag:s30], $0x4000  }
0x51: {  	[sflag:s30] =	ssyncset.done $0x0  }
0x52: {  	[sflag:s30] =	ssyncadd.s32 $0xFFFFC000  }
0x53: {  	[spmem:s1] =	stream.indirect.scatter.add.f32 [tilespmem:s28], [sflag:$0x7], $0x80, s31, s26, $0xb8;
	[tilespmem:$0x1C500] =	vst v63  }
0x54: {  	s24 =	rddreg [dreg:$0xa]  }
0x55: {  	[tilespmem:s0], [sflag:$0x4] =	stream.linear.gather [hbm4b:s24+s3], $0x100, $0x38;
	[tilespmem:$0x1C500] =	vst v63  }
0x56: {  	_ =	swait.ge [sflag:s2], $0x100  }
0x57: {  	[sflag:s2] =	ssyncset.done $0x0  }
0x58: {  	[sflag:s2] =	ssyncadd.s32 $0xFFFFFF00  }
0x59: {  	_ =	swait.ge [sflag:s7], $0x4000  }
0x5a: {  	[sflag:s7] =	ssyncset.done $0x0  }
0x5b: {  	[sflag:s7] =	ssyncadd.s32 $0xFFFFC000  }
0x5c: {  	[tilespmem:s28], [sflag:$0x5] =	stream.indirect.gather [hbm4b:s4+s26], $0x80, s21, s26, $0xb8;
	[tilespmem:$0x1C500] =	vst v63  }
0x5d: {  	_ =	swait.ge [sflag:s8], $0x4000  }
0x5e: {  	[sflag:s8] =	ssyncset.done $0x0  }
0x5f: {  	s24 =	sadd.s32 $0xFFFFF700, s5;
	[sflag:s8] =	ssyncadd.s32 $0xFFFFC000  }
0x60: {  	[spmem:s1] =	stream.indirect.scatter.add.f32 [tilespmem:s22], [sflag:$0x8], $0x80, s9, s26, $0xb8;
	[tilespmem:$0x1C500] =	vst v63  }
0x61: {  	s14 =	sadd.s32 $0x980, s24  }
0x62: {  	[tilespmem:s19], [sflag:$0x1] =	stream.linear.gather [hbm4b:s14+s3], $0x100, $0x38;
	[tilespmem:$0x1C500] =	vst v63  }
0x63: {  	_ =	swait.ge [sflag:s10], $0x100  }
0x64: {  	[sflag:s10] =	ssyncset.done $0x0  }
0x65: {  	[sflag:s10] =	ssyncadd.s32 $0xFFFFFF00  }
0x66: {  	_ =	swait.ge [sflag:s11], $0x4000  }
0x67: {  	[sflag:s11] =	ssyncset.done $0x0  }
0x68: {  	[sflag:s11] =	ssyncadd.s32 $0xFFFFC000  }
0x69: {  	[tilespmem:s22], [sflag:$0x6] =	stream.indirect.gather [hbm4b:s4+s26], $0x80, s0, s26, $0xb8;
	[tilespmem:$0x1C500] =	vst v63  }
0x6a: {  	_ =	swait.ge [sflag:s30], $0x4000  }
0x6b: {  	[sflag:s30] =	ssyncset.done $0x0  }
0x6c: {  	[sflag:s30] =	ssyncadd.s32 $0xFFFFC000  }
0x6d: {  	[spmem:s1] =	stream.indirect.scatter.add.f32 [tilespmem:s28], [sflag:$0x7], $0x80, s12, s26, $0xb8;
	[tilespmem:$0x1C500] =	vst v63  }
0x6e: {  	s14 =	sadd.s32 $0x9A0, s24  }
0x6f: {  	[tilespmem:s20], [sflag:$0x2] =	stream.linear.gather [hbm4b:s14+s3], $0x100, $0x38;
	[tilespmem:$0x1C500] =	vst v63  }
0x70: {  	_ =	swait.ge [sflag:s25], $0x100  }
0x71: {  	[sflag:s25] =	ssyncset.done $0x0  }
0x72: {  	[sflag:s25] =	ssyncadd.s32 $0xFFFFFF00  }
0x73: {  	_ =	swait.ge [sflag:s7], $0x4000  }
0x74: {  	[sflag:s7] =	ssyncset.done $0x0  }
0x75: {  	[sflag:s7] =	ssyncadd.s32 $0xFFFFC000  }
0x76: {  	[tilespmem:s28], [sflag:$0x5] =	stream.indirect.gather [hbm4b:s4+s26], $0x80, s19, s26, $0xb8;
	[tilespmem:$0x1C500] =	vst v63  }
0x77: {  	_ =	swait.ge [sflag:s8], $0x4000  }
0x78: {  	[sflag:s8] =	ssyncset.done $0x0  }
0x79: {  	[sflag:s8] =	ssyncadd.s32 $0xFFFFC000  }
0x7a: {  	[spmem:s1] =	stream.indirect.scatter.add.f32 [tilespmem:s22], [sflag:$0x8], $0x80, s13, s26, $0xb8;
	[tilespmem:$0x1C500] =	vst v63  }
0x7b: {  	s14 =	sadd.s32 $0x9C0, s24  }
0x7c: {  	[tilespmem:s21], [sflag:$0x3] =	stream.linear.gather [hbm4b:s14+s3], $0x100, $0x38;
	[tilespmem:$0x1C500] =	vst v63  }
0x7d: {  	_ =	swait.ge [sflag:s29], $0x100  }
0x7e: {  	[sflag:s29] =	ssyncset.done $0x0  }
0x7f: {  	[sflag:s29] =	ssyncadd.s32 $0xFFFFFF00  }
0x80: {  	_ =	swait.ge [sflag:s11], $0x4000  }
0x81: {  	[sflag:s11] =	ssyncset.done $0x0  }
0x82: {  	[sflag:s11] =	ssyncadd.s32 $0xFFFFC000  }
0x83: {  	[tilespmem:s22], [sflag:$0x6] =	stream.indirect.gather [hbm4b:s4+s26], $0x80, s20, s26, $0xb8;
	[tilespmem:$0x1C500] =	vst v63  }
0x84: {  	_ =	swait.ge [sflag:s30], $0x4000  }
0x85: {  	[sflag:s30] =	ssyncset.done $0x0  }
0x86: {  	s18 =	simm.s32 $0xFFFFF780;
	s24 =	sadd.s32 $0x9E0, s24;
	[sflag:s30] =	ssyncadd.s32 $0xFFFFC000  }
0x87: {  	[spmem:s1] =	stream.indirect.scatter.add.f32 [tilespmem:s28], [sflag:$0x7], $0x80, s31, s26, $0xb8;
	[tilespmem:$0x1C500] =	vst v63  }
.LBB2_4:
0x88: {  	[tilespmem:s0], [sflag:$0x4] =	stream.linear.gather [hbm4b:s24+s3], $0x100, $0x38;
	[tilespmem:$0x1C500] =	vst v63  }
0x89: {  	s24 =	smov.u32 s18  }
0x8a: {  	p0 =	sne.s32 s18, $0xFFFFFF80;
	s18 =	sadd.s32 $0x80, s18;
	_ =	swait.ge [sflag:s2], $0x100  }
0x8b: {  	[sflag:s2] =	ssyncset.done $0x0  }
0x8c: {  	[sflag:s2] =	ssyncadd.s32 $0xFFFFFF00  }
0x8d: {  	_ =	swait.ge [sflag:s7], $0x4000  }
0x8e: {  	[sflag:s7] =	ssyncset.done $0x0  }
0x8f: {  	[sflag:s7] =	ssyncadd.s32 $0xFFFFC000  }
0x90: {  	[tilespmem:s28], [sflag:$0x5] =	stream.indirect.gather [hbm4b:s4+s26], $0x80, s21, s26, $0xb8;
	[tilespmem:$0x1C500] =	vst v63  }
0x91: {  	_ =	swait.ge [sflag:s8], $0x4000  }
0x92: {  	[sflag:s8] =	ssyncset.done $0x0  }
0x93: {  	s24 =	sadd.s32 s24, s5;
	[sflag:s8] =	ssyncadd.s32 $0xFFFFC000  }
0x94: {  	[spmem:s1] =	stream.indirect.scatter.add.f32 [tilespmem:s22], [sflag:$0x8], $0x80, s9, s26, $0xb8;
	[tilespmem:$0x1C500] =	vst v63  }
0x95: {  	s14 =	sadd.s32 $0x980, s24  }
0x96: {  	[tilespmem:s19], [sflag:$0x1] =	stream.linear.gather [hbm4b:s14+s3], $0x100, $0x38;
	[tilespmem:$0x1C500] =	vst v63  }
0x97: {  	_ =	swait.ge [sflag:s10], $0x100  }
0x98: {  	[sflag:s10] =	ssyncset.done $0x0  }
0x99: {  	[sflag:s10] =	ssyncadd.s32 $0xFFFFFF00  }
0x9a: {  	_ =	swait.ge [sflag:s11], $0x4000  }
0x9b: {  	[sflag:s11] =	ssyncset.done $0x0  }
0x9c: {  	[sflag:s11] =	ssyncadd.s32 $0xFFFFC000  }
0x9d: {  	[tilespmem:s22], [sflag:$0x6] =	stream.indirect.gather [hbm4b:s4+s26], $0x80, s0, s26, $0xb8;
	[tilespmem:$0x1C500] =	vst v63  }
0x9e: {  	_ =	swait.ge [sflag:s30], $0x4000  }
0x9f: {  	[sflag:s30] =	ssyncset.done $0x0  }
0xa0: {  	[sflag:s30] =	ssyncadd.s32 $0xFFFFC000  }
0xa1: {  	[spmem:s1] =	stream.indirect.scatter.add.f32 [tilespmem:s28], [sflag:$0x7], $0x80, s12, s26, $0xb8;
	[tilespmem:$0x1C500] =	vst v63  }
0xa2: {  	s14 =	sadd.s32 $0x9A0, s24  }
0xa3: {  	[tilespmem:s20], [sflag:$0x2] =	stream.linear.gather [hbm4b:s14+s3], $0x100, $0x38;
	[tilespmem:$0x1C500] =	vst v63  }
0xa4: {  	_ =	swait.ge [sflag:s25], $0x100  }
0xa5: {  	[sflag:s25] =	ssyncset.done $0x0  }
0xa6: {  	[sflag:s25] =	ssyncadd.s32 $0xFFFFFF00  }
0xa7: {  	_ =	swait.ge [sflag:s7], $0x4000  }
0xa8: {  	[sflag:s7] =	ssyncset.done $0x0  }
0xa9: {  	[sflag:s7] =	ssyncadd.s32 $0xFFFFC000  }
0xaa: {  	[tilespmem:s28], [sflag:$0x5] =	stream.indirect.gather [hbm4b:s4+s26], $0x80, s19, s26, $0xb8;
	[tilespmem:$0x1C500] =	vst v63  }
0xab: {  	_ =	swait.ge [sflag:s8], $0x4000  }
0xac: {  	[sflag:s8] =	ssyncset.done $0x0  }
0xad: {  	[sflag:s8] =	ssyncadd.s32 $0xFFFFC000  }
0xae: {  	[spmem:s1] =	stream.indirect.scatter.add.f32 [tilespmem:s22], [sflag:$0x8], $0x80, s13, s26, $0xb8;
	[tilespmem:$0x1C500] =	vst v63  }
0xaf: {  	s14 =	sadd.s32 $0x9C0, s24  }
0xb0: {  	[tilespmem:s21], [sflag:$0x3] =	stream.linear.gather [hbm4b:s14+s3], $0x100, $0x38;
	[tilespmem:$0x1C500] =	vst v63  }
0xb1: {  	_ =	swait.ge [sflag:s29], $0x100  }
0xb2: {  	[sflag:s29] =	ssyncset.done $0x0  }
0xb3: {  	[sflag:s29] =	ssyncadd.s32 $0xFFFFFF00  }
0xb4: {  	_ =	swait.ge [sflag:s11], $0x4000  }
0xb5: {  	[sflag:s11] =	ssyncset.done $0x0  }
0xb6: {  	[sflag:s11] =	ssyncadd.s32 $0xFFFFC000  }
0xb7: {  	[tilespmem:s22], [sflag:$0x6] =	stream.indirect.gather [hbm4b:s4+s26], $0x80, s20, s26, $0xb8;
	[tilespmem:$0x1C500] =	vst v63  }
.Ltmp1:
0xb8: {  	_ =	swait.ge [sflag:s30], $0x4000;
	(pc) =	sbr.rel @p0 .LBB2_4-.Ltmp1, $4  }
0xb9: {  	[sflag:s30] =	ssyncset.done $0x0  }
0xba: {  	[sflag:s30] =	ssyncadd.s32 $0xFFFFC000  }
0xbb: {  	[spmem:s1] =	stream.indirect.scatter.add.f32 [tilespmem:s28], [sflag:$0x7], $0x80, s31, s26, $0xb8;
	[tilespmem:$0x1C500] =	vst v63  }
0xbc: {  	s24 =	sadd.s32 $0x9E0, s24  }
0xbd: {  	[tilespmem:s0], [sflag:$0x4] =	stream.linear.gather [hbm4b:s24+s3], $0x100, $0x38;
	[tilespmem:$0x1C500] =	vst v63  }
0xbe: {  	_ =	swait.ge [sflag:s2], $0x100  }
0xbf: {  	[sflag:s2] =	ssyncset.done $0x0  }
0xc0: {  	[sflag:s2] =	ssyncadd.s32 $0xFFFFFF00  }
0xc1: {  	_ =	swait.ge [sflag:s7], $0x4000  }
0xc2: {  	[sflag:s7] =	ssyncset.done $0x0  }
0xc3: {  	[sflag:s7] =	ssyncadd.s32 $0xFFFFC000  }
0xc4: {  	[tilespmem:s28], [sflag:$0x5] =	stream.indirect.gather [hbm4b:s4+s26], $0x80, s21, s26, $0xb8;
	[tilespmem:$0x1C500] =	vst v63  }
0xc5: {  	_ =	swait.ge [sflag:s8], $0x4000  }
0xc6: {  	[sflag:s8] =	ssyncset.done $0x0  }
0xc7: {  	[sflag:s8] =	ssyncadd.s32 $0xFFFFC000  }
0xc8: {  	[spmem:s1] =	stream.indirect.scatter.add.f32 [tilespmem:s22], [sflag:$0x8], $0x80, s9, s26, $0xb8;
	[tilespmem:$0x1C500] =	vst v63  }
0xc9: {  	s14 =	rddreg [dreg:$0xb]  }
0xca: {  	[tilespmem:s19], [sflag:$0x1] =	stream.linear.gather [hbm4b:s14+s3], $0x100, $0x38;
	[tilespmem:$0x1C500] =	vst v63  }
0xcb: {  	_ =	swait.ge [sflag:s10], $0x100  }
0xcc: {  	[sflag:s10] =	ssyncset.done $0x0  }
0xcd: {  	[sflag:s10] =	ssyncadd.s32 $0xFFFFFF00  }
0xce: {  	_ =	swait.ge [sflag:s11], $0x4000  }
0xcf: {  	[sflag:s11] =	ssyncset.done $0x0  }
0xd0: {  	[sflag:s11] =	ssyncadd.s32 $0xFFFFC000  }
0xd1: {  	[tilespmem:s22], [sflag:$0x6] =	stream.indirect.gather [hbm4b:s4+s26], $0x80, s0, s26, $0xb8;
	[tilespmem:$0x1C500] =	vst v63  }
0xd2: {  	_ =	swait.ge [sflag:s30], $0x4000  }
0xd3: {  	[sflag:s30] =	ssyncset.done $0x0  }
0xd4: {  	[sflag:s30] =	ssyncadd.s32 $0xFFFFC000  }
0xd5: {  	[spmem:s1] =	stream.indirect.scatter.add.f32 [tilespmem:s28], [sflag:$0x7], $0x80, s12, s26, $0xb8;
	[tilespmem:$0x1C500] =	vst v63  }
0xd6: {  	s18 =	rddreg [dreg:$0xc]  }
0xd7: {  	[tilespmem:s20], [sflag:$0x2] =	stream.linear.gather [hbm4b:s18+s3], $0x100, $0x38;
	[tilespmem:$0x1C500] =	vst v63  }
0xd8: {  	_ =	swait.ge [sflag:s25], $0x100  }
0xd9: {  	[sflag:s25] =	ssyncset.done $0x0  }
0xda: {  	[sflag:s25] =	ssyncadd.s32 $0xFFFFFF00  }
0xdb: {  	_ =	swait.ge [sflag:s7], $0x4000  }
0xdc: {  	[sflag:s7] =	ssyncset.done $0x0  }
0xdd: {  	[sflag:s7] =	ssyncadd.s32 $0xFFFFC000  }
0xde: {  	[tilespmem:s28], [sflag:$0x5] =	stream.indirect.gather [hbm4b:s4+s26], $0x80, s19, s26, $0xb8;
	[tilespmem:$0x1C500] =	vst v63  }
0xdf: {  	_ =	swait.ge [sflag:s8], $0x4000  }
0xe0: {  	[sflag:s8] =	ssyncset.done $0x0  }
0xe1: {  	[sflag:s8] =	ssyncadd.s32 $0xFFFFC000  }
0xe2: {  	[spmem:s1] =	stream.indirect.scatter.add.f32 [tilespmem:s22], [sflag:$0x8], $0x80, s13, s26, $0xb8;
	[tilespmem:$0x1C500] =	vst v63  }
0xe3: {  	_ =	swait.ge [sflag:s29], $0x100  }
0xe4: {  	[sflag:s29] =	ssyncset.done $0x0  }
0xe5: {  	[sflag:s29] =	ssyncadd.s32 $0xFFFFFF00  }
0xe6: {  	_ =	swait.ge [sflag:s11], $0x4000  }
0xe7: {  	[sflag:s11] =	ssyncset.done $0x0  }
0xe8: {  	[sflag:s11] =	ssyncadd.s32 $0xFFFFC000  }
0xe9: {  	[tilespmem:s22], [sflag:$0x6] =	stream.indirect.gather [hbm4b:s4+s26], $0x80, s20, s26, $0xb8;
	[tilespmem:$0x1C500] =	vst v63  }
0xea: {  	_ =	swait.ge [sflag:s30], $0x4000  }
0xeb: {  	[sflag:s30] =	ssyncset.done $0x0  }
0xec: {  	[sflag:s30] =	ssyncadd.s32 $0xFFFFC000  }
0xed: {  	[spmem:s1] =	stream.indirect.scatter.add.f32 [tilespmem:s28], [sflag:$0x7], $0x80, s31, s26, $0xb8;
	[tilespmem:$0x1C500] =	vst v63  }
0xee: {  	_ =	swait.ge [sflag:s7], $0x4000  }
0xef: {  	[sflag:s7] =	ssyncset.done $0x0  }
0xf0: {  	[sflag:s7] =	ssyncadd.s32 $0xFFFFC000  }
0xf1: {  	_ =	swait.ge [sflag:s8], $0x4000  }
0xf2: {  	[sflag:s8] =	ssyncset.done $0x0  }
0xf3: {  	[sflag:s8] =	ssyncadd.s32 $0xFFFFC000  }
0xf4: {  	[spmem:s1] =	stream.indirect.scatter.add.f32 [tilespmem:s22], [sflag:$0x8], $0x80, s9, s26, $0xb8;
	[tilespmem:$0x1C500] =	vst v63  }
0xf5: {  	_ =	swait.ge [sflag:s11], $0x4000  }
0xf6: {  	[sflag:s11] =	ssyncset.done $0x0  }
0xf7: {  	s18 =	simm.s32 $0x1C400;
	s24 =	rddreg [dreg:$0xd];
	[sflag:s11] =	ssyncadd.s32 $0xFFFFC000  }
0xf8: {  	[tilespmem:s18], [sflag:$0x9] =	stream.linear.gather [hbm4b:s24+s3], $0x80, $0x38;
	[tilespmem:$0x1C500] =	vst v63  }
0xf9: {  	_ =	swait.ge [sflag:s23], $0x80  }
0xfa: {  	[sflag:s23] =	ssyncset.done $0x0  }
0xfb: {  	s24 =	rddreg [dreg:$0xe];
	[sflag:s23] =	ssyncadd.s32 $0xFFFFFF80  }
0xfc: {  	[tilespmem:s15], [sflag:$0x9] =	stream.linear.gather [hbm4b:s24+s3], $0x80, $0x38;
	[tilespmem:$0x1C500] =	vst v63  }
0xfd: {  	_ =	swait.ge [sflag:s23], $0x80  }
0xfe: {  	[sflag:s23] =	ssyncset.done $0x0  }
0xff: {  	[sflag:s23] =	ssyncadd.s32 $0xFFFFFF80  }
0x100: {  	[tilespmem:s22], [sflag:$0x6] =	stream.indirect.gather [hbm4b:s4+s16], $0x80, s18, s16, $0xb8;
	[tilespmem:$0x1C500] =	vst v63  }
0x101: {  	_ =	swait.ge [sflag:s8], $0x800  }
0x102: {  	[sflag:s8] =	ssyncset.done $0x0  }
0x103: {  	[sflag:s8] =	ssyncadd.s32 $0xFFFFF800  }
0x104: {  	[spmem:s1] =	stream.indirect.scatter.add.f32 [tilespmem:s22], [sflag:$0x9], $0x80, s15, s16, $0xb8;
	[tilespmem:$0x1C500] =	vst v63  }
0x105: {  	_ =	swait.ge [sflag:s23], $0x800  }
0x106: {  	[sflag:s23] =	ssyncset.done $0x0  }
0x107: {  	s18 =	stileid.u32;
	[sflag:s23] =	ssyncadd.s32 $0xFFFFF800  }
0x108: {  	s14 =	sshll.u32 s18, $0x6;
	[bflag:$0x0] =	sbarrier.arrive $0xFFFF  }
0x109: {  	s18 =	sshrl.u32 s6, $0x3;
	s14 =	sor.u32 $0x1C09, s14;
	s24 =	rddreg [dreg:$0x10]  }
0x10a: {  	[hbm:s24], [sflag:s14] =	dma.local [spmem:s18], $0x2800  }
0x10b: {  	_ =	swait.ge [sflag:s23], $0x2800  }
0x10c: {  	s17 =	sadd.s32 $0x1, s17;
	s24 =	rddreg [dreg:$0xf]  }
0x10d: {  	p0 =	sne.s32 s17, s24  }
.Ltmp2:
0x10e: {  	_ = 	snop;
	(pc) =	sbr.rel @p0 .LBB2_1-.Ltmp2, $3  }
0x10f: {  	_ =	sdelay $0x1  }
0x110: {  	[sflag:s23] =	ssyncset.done $0x0  }
0x111: {  	[sflag:s23] =	ssyncadd.s32 $0xFFFFD800  }
0x112: {  	_ =	sfence.sel $0x180000  }
0x113: {  	[bflag:$0x0] =	sbarrier.arrive $0xFFFF  }
0x114: {  	_ =	strace $0x9000004A  }
0x115: {  	s0 =	stileid.u32;
	[bflag:$0x2] =	sbarrier.arrive $0xFFFF  }
0x116: {  	p0 =	sne.s32 s0, $0x0;
	s0 =	rddreg [dreg:$0x3]  }
0x117: {  	s0 =	sadd.s32 @!p0 $0x100000, s0  }
0x118: {  	[sflag:s0] =	ssyncadd.tile.s32 @!p0 $0x1;
	_ =	shalt  }
.Lfunc_end2:
_tile_overlayer_lowered:
.L_overlay_start_2:
0x119: {  	(tag) =	ssettag $0x2  }
0x11a: {  	s0 =	rddreg [dreg:$0x0];
	s2 =	stileid.u32  }
0x11b: {  	s1 =	rddreg [dreg:$0x1];
	p0 =	sne.s32 s2, $0x0  }
0x11c: {  	s3 =	rddreg [dreg:$0x2];
	[bflag:$0x3] =	sbarrier.arrive $0xFFFF;
	s2 =	simm.s32 @!p0 $0x1C09  }
0x11d: {  	[timem:s3], [sflag:s2] =	dma.local @!p0 [hbm:s0], s1  }
0x11e: {  	s0 =	simm.s32 @!p0 $0x9  }
0x11f: {  	_ =	swait.ge @!p0 [sflag:s0], s1  }
0x120: {  	s1 =	ssub.s32 @!p0 $0x0, s1;
	[sflag:s0] =	ssyncset.done @!p0 $0x0  }
0x121: {  	[sflag:s0] =	ssyncadd.s32 @!p0 s1  }
0x122: {  	[bflag:$0x3] =	sbarrier.arrive $0xFFFF  }
0x123: {  	_ =	shalt  }

// kernel: kernel.16.cloned.1.call-start
scs
__scs_entry_jumppad:
0x0: {  	(pc) =	sbr.rel $0x88, $3  }
0x1: {  	(tag) =	ssettag $0x0;
	lr =	simm.s32 $0x1  }
0x2: {  	[smem:$0x3F95] =	sst lr;
	_ =	strace $0xD0000000  }
0x3: {  	_ = 	snop  }
0x4: {  	_ = 	snop  }
0x5: {  	_ = 	snop  }
0x6: {  	_ = 	snop  }
0x7: {  	_ = 	snop  }
__scs_overlays_trampoline_lowered:
0x8: {  	[smem:$0x3FA4] =	sst s0  }
0x9: {  	[smem:$0x3FA5] =	sst s1  }
0xa: {  	[smem:$0x3FA6] =	sst s2  }
0xb: {  	[smem:$0x3FA7] =	sst s3  }
0xc: {  	[smem:$0x3FA8] =	sst s4  }
0xd: {  	[smem:$0x3FA9] =	sst s5  }
0xe: {  	[smem:$0x3FAA] =	sst s6  }
0xf: {  	[smem:$0x3FAB] =	sst s7  }
0x10: {  	[smem:$0x3FAC] =	sst s8  }
0x11: {  	[smem:$0x3FAD] =	sst s9;
	s0 =	simm.s32 @!p0 $0x0  }
0x12: {  	s1 =	sld [smem:$0x3F93];
	s0 =	simm.s32 @p0 $0x1  }
0x13: {  	[smem:$0x3FAE] =	sst s0;
	s0 =	simm.s32 @!p1 $0x0  }
0x14: {  	s2 =	sld [smem:$0x3F92];
	s0 =	simm.s32 @p1 $0x1  }
0x15: {  	[smem:$0x3FAF] =	sst s0;
	s0 =	simm.s32 @!p2 $0x0  }
0x16: {  	s3 =	sld [smem:$0x3FDB];
	s0 =	simm.s32 @p2 $0x1  }
0x17: {  	s4 =	simm.s32 $0x1BF5;
	[smem:$0x3FB1] =	sst s0  }
0x18: {  	s0 =	sld [smem:$0x3F94];
	_ =	swait.ge [sflag:s4], $0x0  }
0x19: {  	s7 =	sld [smem:$0x3F95]  }
0x1a: {  	s8 =	sadd.s32 $0xFFFFE003, lr  }
0x1b: {  	s9 =	sadd.s32 $0xFFFFFEF7, lr;
	s5 =	simm.s32 $0xFFFFFFFF;
	p2 =	slt.u32 s8, $0xFFFFF086  }
0x1c: {  	p1 =	slt.u32 s9, $0xF7A;
	s5 =	simm.s32 @!p2 $0x0  }
0x1d: {  	s5 =	simm.s32 @p1 $0x1;
	p0 =	seq.s32 s7, s2  }
0x1e: {  	s7 =	smul.u32 @!p0 $0xF7A, s2;
	p2 =	seq.s32 @!p0 s5, $0x0  }
0x1f: {  	s9 =	smul.u32 $0xF7A, s1;
	s8 =	simm.s32 @!p0 $0x1BF5;
	p2 =	por !p2, p0  }
0x20: {  	[sflag:s8] =	ssyncset.s32 @!p0 $0xFFFFF086;
	s6 =	sadd.s32 @!p0 s3, s7;
	s7 =	simm.s32 @!p0 $0x108  }
0x21: {  	s3 =	sadd.s32 s3, s9;
	s6 =	sadd.s32 @!p0 $0x88, s6;
	s7 =	simm.s32 @p2 $0x1082  }
0x22: {  	[simem:s7], [sflag:s8] =	dma.local @!p0 [hbm:s6], $0xF7A  }
0x23: {  	s9 =	sor.u32 $0xD0000000, s2;
	s6 =	simm.s32 $0x108;
	_ =	swait.ge @!p0 [sflag:s8], $0x0  }
0x24: {  	s3 =	sadd.s32 $0x88, s3;
	s6 =	simm.s32 @!p1 $0x1082;
	[sflag:s4] =	ssyncset.s32 $0xFFFFF086  }
0x25: {  	[simem:s6], [sflag:s4] =	dma.local [hbm:s3], $0xF7A  }
0x26: {  	[smem:$0x3F95] =	sst s1;
	(tag) =	ssettag s2;
	_ =	strace s9  }
0x27: {  	s1 =	sld [smem:$0x3FA5]  }
0x28: {  	s2 =	sld [smem:$0x3FA6]  }
0x29: {  	s4 =	sld [smem:$0x3FA8]  }
0x2a: {  	p0 =	seq.s32 s5, $0x0;
	s5 =	sld [smem:$0x3FA9]  }
0x2b: {  	s6 =	sld [smem:$0x3FAA]  }
0x2c: {  	s7 =	sld [smem:$0x3FAB]  }
0x2d: {  	s3 =	simm.s32 $0x108;
	s8 =	sld [smem:$0x3FAC]  }
0x2e: {  	s3 =	simm.s32 @!p0 $0x1082;
	s9 =	sld [smem:$0x3FAD]  }
0x2f: {  	lr =	sadd.s32 s0, s3;
	s0 =	sld [smem:$0x3FA4]  }
0x30: {  	s3 =	sld [smem:$0x3FA7]  }
0x31: {  	[smem:$0x3FB0] =	sst s10  }
0x32: {  	s10 =	sld [smem:$0x3FAE];
	_ =	sdelay $0x3  }
0x33: {  	p0 =	seq.s32 s10, $0x1;
	s10 =	sld [smem:$0x3FB0];
	_ =	sdelay $0x3  }
0x34: {  	[smem:$0x3FB0] =	sst s10  }
0x35: {  	s10 =	sld [smem:$0x3FAF];
	_ =	sdelay $0x3  }
0x36: {  	p1 =	seq.s32 s10, $0x1;
	s10 =	sld [smem:$0x3FB0];
	_ =	sdelay $0x3  }
0x37: {  	[smem:$0x3FB0] =	sst s10  }
0x38: {  	s10 =	sld [smem:$0x3FB1]  }
0x39: {  	_ = 	snop;
	(pc) =	sbr.ind lr, $3  }
0x3a: {  	_ = 	snop  }
0x3b: {  	_ = 	snop  }
0x3c: {  	p2 =	seq.s32 s10, $0x1;
	s10 =	sld [smem:$0x3FB0]  }
0x3d: {  	_ =	shalt  }
0x3e: {  	_ =	shalt  }
0x3f: {  	_ =	shalt  }
0x40: {  	_ =	shalt  }
0x41: {  	_ =	shalt  }
0x42: {  	_ =	shalt  }
0x43: {  	_ =	shalt  }
0x44: {  	_ =	shalt  }
0x45: {  	_ =	shalt  }
0x46: {  	_ =	shalt  }
0x47: {  	_ =	shalt  }
0x48: {  	_ =	shalt  }
0x49: {  	_ =	shalt  }
0x4a: {  	_ =	shalt  }
0x4b: {  	_ =	shalt  }
0x4c: {  	_ =	shalt  }
0x4d: {  	_ =	shalt  }
0x4e: {  	_ =	shalt  }
0x4f: {  	_ =	shalt  }
0x50: {  	_ =	shalt  }
0x51: {  	_ =	shalt  }
0x52: {  	_ =	shalt  }
0x53: {  	_ =	shalt  }
0x54: {  	_ =	shalt  }
0x55: {  	_ =	shalt  }
0x56: {  	_ =	shalt  }
0x57: {  	_ =	shalt  }
0x58: {  	_ =	shalt  }
0x59: {  	_ =	shalt  }
0x5a: {  	_ =	shalt  }
0x5b: {  	_ =	shalt  }
0x5c: {  	_ =	shalt  }
0x5d: {  	_ =	shalt  }
0x5e: {  	_ =	shalt  }
0x5f: {  	_ =	shalt  }
0x60: {  	_ =	shalt  }
0x61: {  	_ =	shalt  }
0x62: {  	_ =	shalt  }
0x63: {  	_ =	shalt  }
0x64: {  	_ =	shalt  }
0x65: {  	_ =	shalt  }
0x66: {  	_ =	shalt  }
0x67: {  	_ =	shalt  }
0x68: {  	_ =	shalt  }
0x69: {  	_ =	shalt  }
0x6a: {  	_ =	shalt  }
0x6b: {  	_ =	shalt  }
0x6c: {  	_ =	shalt  }
0x6d: {  	_ =	shalt  }
0x6e: {  	_ =	shalt  }
0x6f: {  	_ =	shalt  }
0x70: {  	_ =	shalt  }
0x71: {  	_ =	shalt  }
0x72: {  	_ =	shalt  }
0x73: {  	_ =	shalt  }
0x74: {  	_ =	shalt  }
0x75: {  	_ =	shalt  }
0x76: {  	_ =	shalt  }
0x77: {  	_ =	shalt  }
0x78: {  	_ =	shalt  }
0x79: {  	_ =	shalt  }
0x7a: {  	_ =	shalt  }
0x7b: {  	_ =	shalt  }
0x7c: {  	_ =	shalt  }
0x7d: {  	_ =	shalt  }
0x7e: {  	_ =	shalt  }
0x7f: {  	_ =	shalt  }
0x80: {  	_ =	shalt  }
0x81: {  	_ =	shalt  }
0x82: {  	_ =	shalt  }
0x83: {  	_ =	shalt  }
0x84: {  	_ =	shalt  }
0x85: {  	_ =	shalt  }
0x86: {  	_ =	shalt  }
0x87: {  	_ =	shalt  }
.Lfunc_end0:
.L_simem_size_0:
called_computation.2_lowered:
.L_overlay_start_0:
0x88: {  	s2 =	sld [smem:$0x3FD9]  }
0x89: {  	s3 =	sld [smem:$0x3FFE];
	_ =	sdelay $0x1  }
0x8a: {  	s1 =	srdreg.scid  }
0x8b: {  	s0 =	sand.u32 $0x1, s1  }
0x8c: {  	s17 =	sshll.u32 s0, $0xA;
	s2 =	sadd.s32 s3, s2  }
0x8d: {  	s2 =	sadd.s32 s2, s17  }
0x8e: {  	[smem:$0x3FBC] =	sst s2  }
0x8f: {  	_ = 	snop  }
0x90: {  	s2 =	sld [smem:$0x3FD0];
	(tm) =	ssettm $0x1  }
0x91: {  	s18 =	sld [smem:$0x3FFB];
	_ =	sdelay $0x3  }
0x92: {  	_ =	strace s18  }
0x93: {  	s3 =	sld [smem:$0x3FFC];
	_ =	sdelay $0x3  }
0x94: {  	_ =	strace s3  }
0x95: {  	s3 =	sld [smem:$0x3FFD];
	_ =	sdelay $0x3  }
0x96: {  	_ =	strace s3  }
0x97: {  	_ =	strace $0x8FFFFFFF  }
0x98: {  	s19 =	sld [smem:$0x3FDB];
	_ =	sdelay $0x1  }
0x99: {  	s4 =	simm.s32 $_scs_section_size  }
0x9a: {  	s5 =	simm.s32 $_size__tile_overlayer_lowered;
	s6 =	simm.s32 $_tile_overlayer_lowered  }
0x9b: {  	s22 =	simm.s32 $0x1BFF;
	s21 =	sshll.u32 s6, $0x1;
	s3 =	sadd.s32 s4, s19  }
0x9c: {  	s7 =	simm.s32 $0x0;
	s20 =	sshll.u32 s5, $0x1;
	s5 =	sadd.s32 s21, s3  }
0x9d: {  	[timem:s7], [sflag:s22] =	dma.local [hbm:s5], s20  }
0x9e: {  	_ =	swait.ge [sflag:s22], s20  }
0x9f: {  	s4 =	ssub.s32 $0x0, s20;
	[sflag:s22] =	ssyncset.done $0x0  }
0xa0: {  	[sflag:s22] =	ssyncadd.s32 s4;
	_ =	sdelay $0x1  }
0xa1: {  	s23 =	simm.s32 $0x1B8B  }
0xa2: {  	_ =	swait.ge [sflag:s23], $0x1  }
0xa3: {  	[sflag:s23] =	ssyncset.done $0x0  }
0xa4: {  	s25 =	simm.s32 $0x1B8E;
	s24 =	sld [smem:$0x3FFE];
	[sflag:s23] =	ssyncadd.s32 $0xFFFFFFFF  }
0xa5: {  	s26 =	simm.s32 $execute0_lowered;
	[smem:$0x3FD2] =	sst s25  }
0xa6: {  	s5 =	sshll.u32 s26, $0x1;
	_ =	strace $0x8000004C;
	[dreg:$0x1] =	wrdreg $0xFFFFFFFF  }
0xa7: {  	s28 =	simm.s32 $_size_execute0_lowered;
	s3 =	sadd.s32 s3, s5;
	[dreg:$0x0] =	wrdreg $0x0  }
0xa8: {  	s5 =	sshll.u32 s28, $0x1;
	[dreg:$0x2] =	wrdreg s3  }
0xa9: {  	[dreg:$0x3] =	wrdreg s5  }
0xaa: {  	[dreg:$0x4] =	wrdreg $0xC0  }
0xab: {  	_ =	task [dreg:s7], $0x5FFFF  }
0xac: {  	[dreg:$0x1] =	wrdreg $0xFFFFFFFF  }
0xad: {  	[dreg:$0x0] =	wrdreg $0x60  }
0xae: {  	[dreg:$0x2] =	wrdreg s24  }
0xaf: {  	[dreg:$0x3] =	wrdreg s2  }
0xb0: {  	[dreg:$0x4] =	wrdreg $0x0  }
0xb1: {  	[dreg:$0x5] =	wrdreg $0x9  }
0xb2: {  	_ =	task.clear_ibuf [dreg:s7], $0x6FFFF;
	_ =	strace $0x9000004C  }
0xb3: {  	s29 =	simm.s32 $0x9;
	_ =	strace $0x8000004E  }
0xb4: {  	_ =	swait.ge [sflag:s29], $0x1  }
0xb5: {  	[sflag:s29] =	ssyncadd.s32 $0xFFFFFFFF  }
0xb6: {  	_ =	strace $0x9000004E  }
0xb7: {  	_ =	sfence  }
0xb8: {  	s30 =	sld [smem:$0x0];
	_ =	sdelay $0x2  }
0xb9: {  	s31 =	sshll.u32 s1, $0xD;
	s1 =	sshrl.u32 s1, $0x2  }
0xba: {  	s3 =	sand.u32 $0x4000, s31;
	s1 =	sadd.s32 s1, s30  }
0xbb: {  	s0 =	sor.u32 s3, s0;
	s1 =	sshll.u32 s1, $0x11  }
0xbc: {  	s0 =	sor.u32 s1, s0  }
0xbd: {  	s0 =	sadd.s32 $0x8F2B, s0  }
0xbe: {  	[sflag:s0] =	ssyncadd.remote.s32 $0x1  }
0xbf: {  	_ =	sfence.sel $0xFFFF  }
0xc0: {  	[dreg:$0x0] =	wrdreg $0xFFFFFFFF;
	(pc) =	sbr.abs _section_cstart, $3  }
0xc1: {  	[dreg:$0x1] =	wrdreg $0xFFFFFFFF  }
0xc2: {  	_ =	task.clear_ibuf [dreg:s7], $0x2FFFF;
	_ =	strace $0x9FFFFFFF  }
0xc3: {  	(tm) =	ssettm $0x7FFFFFFF  }
tec
execute0_lowered:
.L_overlay_start_1:
0x0: {  	(tag) =	ssettag $0x1  }
0x1: {  	s0 =	rddreg [dreg:$0x0]  }
0x2: {  	s2 =	rddreg [dreg:$0x1]  }
0x3: {  	s1 =	rddreg [dreg:$0x2];
	s3 =	srdreg.scid  }
0x4: {  	s10 =	stileid.u32;
	s28 =	simm.s32 $0x14000;
	s5 =	sand.u32 $0x1, s3  }
0x5: {  	s29 =	simm.s32 $0x2;
	s30 =	simm.s32 $0x5;
	s4 =	sshll.u32 s5, $0x4  }
0x6: {  	s3 =	simm.s32 $0x0;
	s7 =	sshll.u32 s10, $0x4;
	s6 =	sor.u32 s10, s4  }
0x7: {  	s13 =	smul.u32 $0x50000, s10;
	[smem:$0x7FF] =	sst s3;
	s4 =	sshll.u32 s6, $0x4  }
0x8: {  	s7 =	sand.u32 $0x70, s7;
	s9 =	smul.u32 $0x28000, s5;
	s8 =	sand.u32 $0x180, s4  }
0x9: {  	s5 =	ssub.s32 $0x2, s5;
	s6 =	smul.u32 $0x9C0, s6;
	s7 =	sor.u32 s7, s8  }
0xa: {  	s14 =	sshrl.u32 s5, $0x1;
	s4 =	sadd.s32 $0x3A00, s0;
	s7 =	sadd.s32 s7, s0  }
0xb: {  	s0 =	sadd.s32 s9, s0;
	s9 =	ssub.s32 s5, s14;
	s5 =	sadd.s32 s2, s6  }
0xc: {  	_ =	strace $0x8000004D;
	s8 =	sshrl.u32 s13, $0x2;
	s2 =	sadd.s32 $0x20, s5  }
0xd: {  	s6 =	sadd.s32 s8, s1;
	s15 =	sadd.s32 $0x40, s5;
	[dreg:$0x4] =	wrdreg s2  }
0xe: {  	s31 =	simm.s32 $0x1C080;
	s16 =	sadd.s32 $0x4000, s6;
	[dreg:$0x5] =	wrdreg s15  }
0xf: {  	s11 =	simm.s32 $0x8;
	s17 =	sadd.s32 $0x8000, s6;
	[dreg:$0x6] =	wrdreg s16  }
0x10: {  	s12 =	simm.s32 $0x1C280;
	s18 =	sadd.s32 $0xC000, s6;
	[dreg:$0x7] =	wrdreg s17  }
0x11: {  	s25 =	smul.u32 $0x2800, s10;
	s19 =	sadd.s32 $0x10000, s6;
	[dreg:$0x8] =	wrdreg s18  }
0x12: {  	s10 =	simm.s32 $0x4;
	s20 =	sadd.s32 $0x60, s5;
	[dreg:$0x9] =	wrdreg s19  }
0x13: {  	s13 =	simm.s32 $0x1C380;
	s21 =	sadd.s32 $0x980, s5;
	[dreg:$0xa] =	wrdreg s20  }
0x14: {  	s8 =	simm.s32 $0x6;
	s22 =	sadd.s32 $0x9A0, s5;
	[dreg:$0xb] =	wrdreg s21  }
0x15: {  	s23 =	sadd.s32 $0x5DA00, s7;
	s24 =	sadd.s32 $0x3800, s7;
	[dreg:$0xc] =	wrdreg s22  }
0x16: {  	s0 =	sadd.s32 $0x5DC00, s0;
	s26 =	smax.u32 s9, $0x1;
	[dreg:$0xd] =	wrdreg s23  }
0x17: {  	s7 =	simm.s32 $0x7;
	s9 =	simm.s32 $0x1C180;
	[dreg:$0xe] =	wrdreg s24  }
0x18: {  	[dreg:$0xf] =	wrdreg s26;
	s19 =	simm.s32 $0x1C000;
	s20 =	simm.s32 $0x1C100  }
0x19: {  	s21 =	simm.s32 $0x1C200;
	s22 =	simm.s32 $0x18000;
	s23 =	simm.s32 $0x9  }
0x1a: {  	s0 =	sadd.s32 s25, s0;
	s25 =	simm.s32 $0x1;
	s26 =	simm.s32 $0x80  }
0x1b: {  	s2 =	simm.s32 $0x3;
	s15 =	simm.s32 $0x1C480;
	s16 =	simm.s32 $0x10  }
0x1c: {  	v0 =	vimm.f32 $0.0e+00;
	s17 =	simm.s32 $0x0;
	[dreg:$0x10] =	wrdreg s0;
	s0 =	simm.s32 $0x1C300  }
.LBB2_1:
0x1d: {  	[tilespmem:s19], [sflag:$0x1] =	stream.linear.gather [hbm4b:s5+s3], $0x100, $0x38;
	[tilespmem:$0x1C500] =	vst v63  }
0x1e: {  	s14 =	rddreg [dreg:$0x4]  }
0x1f: {  	[tilespmem:s20], [sflag:$0x2] =	stream.linear.gather [hbm4b:s14+s3], $0x100, $0x38;
	[tilespmem:$0x1C500] =	vst v63  }
0x20: {  	s24 =	rddreg [dreg:$0x5]  }
0x21: {  	[tilespmem:s21], [sflag:$0x3] =	stream.linear.gather [hbm4b:s24+s3], $0x100, $0x38;
	[tilespmem:$0x1C500] =	vst v63  }
0x22: {  	s18 =	simm.s32 $0x0;
	s24 =	simm.s32 $0x200  }
.LBB2_2:
0x23: {  	p0 =	sne.s32 s24, $0xFE00;
	[tilespmem:s18+$0x18070] =	vst v0  }
0x24: {  	[tilespmem:s18+$0x18000] =	vst v0  }
0x25: {  	[tilespmem:s18+$0x18010] =	vst v0  }
.Ltmp0:
0x26: {  	[tilespmem:s18+$0x18020] =	vst v0;
	(pc) =	sbr.rel @p0 .LBB2_2-.Ltmp0, $4  }
0x27: {  	[tilespmem:s18+$0x18030] =	vst v0  }
0x28: {  	[tilespmem:s18+$0x18040] =	vst v0  }
0x29: {  	[tilespmem:s18+$0x18050] =	vst v0  }
0x2a: {  	[tilespmem:s18+$0x18060] =	vst v0;
	s18 =	sshra.s32 s24, $0x2;
	s24 =	sadd.s32 $0x200, s24  }
0x2b: {  	[tilespmem:s18+$0x18070] =	vst v0  }
0x2c: {  	[tilespmem:s18+$0x18000] =	vst v0  }
0x2d: {  	[tilespmem:s18+$0x18010] =	vst v0  }
0x2e: {  	[tilespmem:s18+$0x18020] =	vst v0  }
0x2f: {  	[tilespmem:s18+$0x18030] =	vst v0  }
0x30: {  	[tilespmem:s18+$0x18040] =	vst v0  }
0x31: {  	[tilespmem:s18+$0x18050] =	vst v0  }
0x32: {  	[tilespmem:s18+$0x18060] =	vst v0  }
0x33: {  	[spmem:s6] =	stream.linear.scatter [tilespmem:s22], [sflag:$0x9], $0x4000, $0x38;
	[tilespmem:$0x1C500] =	vst v63  }
0x34: {  	_ =	swait.ge [sflag:s23], $0x4000  }
0x35: {  	[sflag:s23] =	ssyncset.done $0x0  }
0x36: {  	s14 =	rddreg [dreg:$0x6];
	[sflag:s23] =	ssyncadd.s32 $0xFFFFC000  }
0x37: {  	[spmem:s14] =	stream.linear.scatter [tilespmem:s22], [sflag:$0x9], $0x4000, $0x38;
	[tilespmem:$0x1C500] =	vst v63  }
0x38: {  	_ =	swait.ge [sflag:s23], $0x4000  }
0x39: {  	[sflag:s23] =	ssyncset.done $0x0  }
0x3a: {  	s18 =	rddreg [dreg:$0x7];
	[sflag:s23] =	ssyncadd.s32 $0xFFFFC000  }
0x3b: {  	[spmem:s18] =	stream.linear.scatter [tilespmem:s22], [sflag:$0x9], $0x4000, $0x38;
	[tilespmem:$0x1C500] =	vst v63  }
0x3c: {  	_ =	swait.ge [sflag:s23], $0x4000  }
0x3d: {  	[sflag:s23] =	ssyncset.done $0x0  }
0x3e: {  	s24 =	rddreg [dreg:$0x8];
	[sflag:s23] =	ssyncadd.s32 $0xFFFFC000  }
0x3f: {  	[spmem:s24] =	stream.linear.scatter [tilespmem:s22], [sflag:$0x9], $0x4000, $0x38;
	[tilespmem:$0x1C500] =	vst v63  }
0x40: {  	_ =	swait.ge [sflag:s23], $0x4000  }
0x41: {  	[sflag:s23] =	ssyncset.done $0x0  }
0x42: {  	s18 =	rddreg [dreg:$0x9];
	[sflag:s23] =	ssyncadd.s32 $0xFFFFC000  }
0x43: {  	[spmem:s18] =	stream.linear.scatter [tilespmem:s22], [sflag:$0x9], $0x4000, $0x38;
	[tilespmem:$0x1C500] =	vst v63  }
0x44: {  	_ =	swait.ge [sflag:s23], $0x4000  }
0x45: {  	[sflag:s23] =	ssyncset.done $0x0  }
0x46: {  	[sflag:s23] =	ssyncadd.s32 $0xFFFFC000  }
0x47: {  	_ =	swait.ge [sflag:s25], $0x100  }
0x48: {  	[sflag:s25] =	ssyncset.done $0x0  }
0x49: {  	[sflag:s25] =	ssyncadd.s32 $0xFFFFFF00  }
0x4a: {  	[tilespmem:s28], [sflag:$0x5] =	stream.indirect.gather [hbm4b:s4+s26], $0x80, s19, s26, $0xb8;
	[tilespmem:$0x1C500] =	vst v63  }
0x4b: {  	[bflag:$0x0] =	sbarrier.arrive $0xFFFF  }
0x4c: {  	_ =	swait.ge [sflag:s29], $0x100  }
0x4d: {  	[sflag:s29] =	ssyncset.done $0x0  }
0x4e: {  	[sflag:s29] =	ssyncadd.s32 $0xFFFFFF00  }
0x4f: {  	[tilespmem:s22], [sflag:$0x6] =	stream.indirect.gather [hbm4b:s4+s26], $0x80, s20, s26, $0xb8;
	[tilespmem:$0x1C500] =	vst v63  }
0x50: {  	_ =	swait.ge [sflag:s30], $0x4000  }
0x51: {  	[sflag:s30] =	ssyncset.done $0x0  }
0x52: {  	[sflag:s30] =	ssyncadd.s32 $0xFFFFC000  }
0x53: {  	[spmem:s1] =	stream.indirect.scatter.add.f32 [tilespmem:s28], [sflag:$0x7], $0x80, s31, s26, $0xb8;
	[tilespmem:$0x1C500] =	vst v63  }
0x54: {  	s24 =	rddreg [dreg:$0xa]  }
0x55: {  	[tilespmem:s0], [sflag:$0x4] =	stream.linear.gather [hbm4b:s24+s3], $0x100, $0x38;
	[tilespmem:$0x1C500] =	vst v63  }
0x56: {  	_ =	swait.ge [sflag:s2], $0x100  }
0x57: {  	[sflag:s2] =	ssyncset.done $0x0  }
0x58: {  	[sflag:s2] =	ssyncadd.s32 $0xFFFFFF00  }
0x59: {  	_ =	swait.ge [sflag:s7], $0x4000  }
0x5a: {  	[sflag:s7] =	ssyncset.done $0x0  }
0x5b: {  	[sflag:s7] =	ssyncadd.s32 $0xFFFFC000  }
0x5c: {  	[tilespmem:s28], [sflag:$0x5] =	stream.indirect.gather [hbm4b:s4+s26], $0x80, s21, s26, $0xb8;
	[tilespmem:$0x1C500] =	vst v63  }
0x5d: {  	_ =	swait.ge [sflag:s8], $0x4000  }
0x5e: {  	[sflag:s8] =	ssyncset.done $0x0  }
0x5f: {  	s24 =	sadd.s32 $0xFFFFF700, s5;
	[sflag:s8] =	ssyncadd.s32 $0xFFFFC000  }
0x60: {  	[spmem:s1] =	stream.indirect.scatter.add.f32 [tilespmem:s22], [sflag:$0x8], $0x80, s9, s26, $0xb8;
	[tilespmem:$0x1C500] =	vst v63  }
0x61: {  	s14 =	sadd.s32 $0x980, s24  }
0x62: {  	[tilespmem:s19], [sflag:$0x1] =	stream.linear.gather [hbm4b:s14+s3], $0x100, $0x38;
	[tilespmem:$0x1C500] =	vst v63  }
0x63: {  	_ =	swait.ge [sflag:s10], $0x100  }
0x64: {  	[sflag:s10] =	ssyncset.done $0x0  }
0x65: {  	[sflag:s10] =	ssyncadd.s32 $0xFFFFFF00  }
0x66: {  	_ =	swait.ge [sflag:s11], $0x4000  }
0x67: {  	[sflag:s11] =	ssyncset.done $0x0  }
0x68: {  	[sflag:s11] =	ssyncadd.s32 $0xFFFFC000  }
0x69: {  	[tilespmem:s22], [sflag:$0x6] =	stream.indirect.gather [hbm4b:s4+s26], $0x80, s0, s26, $0xb8;
	[tilespmem:$0x1C500] =	vst v63  }
0x6a: {  	_ =	swait.ge [sflag:s30], $0x4000  }
0x6b: {  	[sflag:s30] =	ssyncset.done $0x0  }
0x6c: {  	[sflag:s30] =	ssyncadd.s32 $0xFFFFC000  }
0x6d: {  	[spmem:s1] =	stream.indirect.scatter.add.f32 [tilespmem:s28], [sflag:$0x7], $0x80, s12, s26, $0xb8;
	[tilespmem:$0x1C500] =	vst v63  }
0x6e: {  	s14 =	sadd.s32 $0x9A0, s24  }
0x6f: {  	[tilespmem:s20], [sflag:$0x2] =	stream.linear.gather [hbm4b:s14+s3], $0x100, $0x38;
	[tilespmem:$0x1C500] =	vst v63  }
0x70: {  	_ =	swait.ge [sflag:s25], $0x100  }
0x71: {  	[sflag:s25] =	ssyncset.done $0x0  }
0x72: {  	[sflag:s25] =	ssyncadd.s32 $0xFFFFFF00  }
0x73: {  	_ =	swait.ge [sflag:s7], $0x4000  }
0x74: {  	[sflag:s7] =	ssyncset.done $0x0  }
0x75: {  	[sflag:s7] =	ssyncadd.s32 $0xFFFFC000  }
0x76: {  	[tilespmem:s28], [sflag:$0x5] =	stream.indirect.gather [hbm4b:s4+s26], $0x80, s19, s26, $0xb8;
	[tilespmem:$0x1C500] =	vst v63  }
0x77: {  	_ =	swait.ge [sflag:s8], $0x4000  }
0x78: {  	[sflag:s8] =	ssyncset.done $0x0  }
0x79: {  	[sflag:s8] =	ssyncadd.s32 $0xFFFFC000  }
0x7a: {  	[spmem:s1] =	stream.indirect.scatter.add.f32 [tilespmem:s22], [sflag:$0x8], $0x80, s13, s26, $0xb8;
	[tilespmem:$0x1C500] =	vst v63  }
0x7b: {  	s14 =	sadd.s32 $0x9C0, s24  }
0x7c: {  	[tilespmem:s21], [sflag:$0x3] =	stream.linear.gather [hbm4b:s14+s3], $0x100, $0x38;
	[tilespmem:$0x1C500] =	vst v63  }
0x7d: {  	_ =	swait.ge [sflag:s29], $0x100  }
0x7e: {  	[sflag:s29] =	ssyncset.done $0x0  }
0x7f: {  	[sflag:s29] =	ssyncadd.s32 $0xFFFFFF00  }
0x80: {  	_ =	swait.ge [sflag:s11], $0x4000  }
0x81: {  	[sflag:s11] =	ssyncset.done $0x0  }
0x82: {  	[sflag:s11] =	ssyncadd.s32 $0xFFFFC000  }
0x83: {  	[tilespmem:s22], [sflag:$0x6] =	stream.indirect.gather [hbm4b:s4+s26], $0x80, s20, s26, $0xb8;
	[tilespmem:$0x1C500] =	vst v63  }
0x84: {  	_ =	swait.ge [sflag:s30], $0x4000  }
0x85: {  	[sflag:s30] =	ssyncset.done $0x0  }
0x86: {  	s18 =	simm.s32 $0xFFFFF780;
	s24 =	sadd.s32 $0x9E0, s24;
	[sflag:s30] =	ssyncadd.s32 $0xFFFFC000  }
0x87: {  	[spmem:s1] =	stream.indirect.scatter.add.f32 [tilespmem:s28], [sflag:$0x7], $0x80, s31, s26, $0xb8;
	[tilespmem:$0x1C500] =	vst v63  }
.LBB2_4:
0x88: {  	[tilespmem:s0], [sflag:$0x4] =	stream.linear.gather [hbm4b:s24+s3], $0x100, $0x38;
	[tilespmem:$0x1C500] =	vst v63  }
0x89: {  	s24 =	smov.u32 s18  }
0x8a: {  	p0 =	sne.s32 s18, $0xFFFFFF80;
	s18 =	sadd.s32 $0x80, s18;
	_ =	swait.ge [sflag:s2], $0x100  }
0x8b: {  	[sflag:s2] =	ssyncset.done $0x0  }
0x8c: {  	[sflag:s2] =	ssyncadd.s32 $0xFFFFFF00  }
0x8d: {  	_ =	swait.ge [sflag:s7], $0x4000  }
0x8e: {  	[sflag:s7] =	ssyncset.done $0x0  }
0x8f: {  	[sflag:s7] =	ssyncadd.s32 $0xFFFFC000  }
0x90: {  	[tilespmem:s28], [sflag:$0x5] =	stream.indirect.gather [hbm4b:s4+s26], $0x80, s21, s26, $0xb8;
	[tilespmem:$0x1C500] =	vst v63  }
0x91: {  	_ =	swait.ge [sflag:s8], $0x4000  }
0x92: {  	[sflag:s8] =	ssyncset.done $0x0  }
0x93: {  	s24 =	sadd.s32 s24, s5;
	[sflag:s8] =	ssyncadd.s32 $0xFFFFC000  }
0x94: {  	[spmem:s1] =	stream.indirect.scatter.add.f32 [tilespmem:s22], [sflag:$0x8], $0x80, s9, s26, $0xb8;
	[tilespmem:$0x1C500] =	vst v63  }
0x95: {  	s14 =	sadd.s32 $0x980, s24  }
0x96: {  	[tilespmem:s19], [sflag:$0x1] =	stream.linear.gather [hbm4b:s14+s3], $0x100, $0x38;
	[tilespmem:$0x1C500] =	vst v63  }
0x97: {  	_ =	swait.ge [sflag:s10], $0x100  }
0x98: {  	[sflag:s10] =	ssyncset.done $0x0  }
0x99: {  	[sflag:s10] =	ssyncadd.s32 $0xFFFFFF00  }
0x9a: {  	_ =	swait.ge [sflag:s11], $0x4000  }
0x9b: {  	[sflag:s11] =	ssyncset.done $0x0  }
0x9c: {  	[sflag:s11] =	ssyncadd.s32 $0xFFFFC000  }
0x9d: {  	[tilespmem:s22], [sflag:$0x6] =	stream.indirect.gather [hbm4b:s4+s26], $0x80, s0, s26, $0xb8;
	[tilespmem:$0x1C500] =	vst v63  }
0x9e: {  	_ =	swait.ge [sflag:s30], $0x4000  }
0x9f: {  	[sflag:s30] =	ssyncset.done $0x0  }
0xa0: {  	[sflag:s30] =	ssyncadd.s32 $0xFFFFC000  }
0xa1: {  	[spmem:s1] =	stream.indirect.scatter.add.f32 [tilespmem:s28], [sflag:$0x7], $0x80, s12, s26, $0xb8;
	[tilespmem:$0x1C500] =	vst v63  }
0xa2: {  	s14 =	sadd.s32 $0x9A0, s24  }
0xa3: {  	[tilespmem:s20], [sflag:$0x2] =	stream.linear.gather [hbm4b:s14+s3], $0x100, $0x38;
	[tilespmem:$0x1C500] =	vst v63  }
0xa4: {  	_ =	swait.ge [sflag:s25], $0x100  }
0xa5: {  	[sflag:s25] =	ssyncset.done $0x0  }
0xa6: {  	[sflag:s25] =	ssyncadd.s32 $0xFFFFFF00  }
0xa7: {  	_ =	swait.ge [sflag:s7], $0x4000  }
0xa8: {  	[sflag:s7] =	ssyncset.done $0x0  }
0xa9: {  	[sflag:s7] =	ssyncadd.s32 $0xFFFFC000  }
0xaa: {  	[tilespmem:s28], [sflag:$0x5] =	stream.indirect.gather [hbm4b:s4+s26], $0x80, s19, s26, $0xb8;
	[tilespmem:$0x1C500] =	vst v63  }
0xab: {  	_ =	swait.ge [sflag:s8], $0x4000  }
0xac: {  	[sflag:s8] =	ssyncset.done $0x0  }
0xad: {  	[sflag:s8] =	ssyncadd.s32 $0xFFFFC000  }
0xae: {  	[spmem:s1] =	stream.indirect.scatter.add.f32 [tilespmem:s22], [sflag:$0x8], $0x80, s13, s26, $0xb8;
	[tilespmem:$0x1C500] =	vst v63  }
0xaf: {  	s14 =	sadd.s32 $0x9C0, s24  }
0xb0: {  	[tilespmem:s21], [sflag:$0x3] =	stream.linear.gather [hbm4b:s14+s3], $0x100, $0x38;
	[tilespmem:$0x1C500] =	vst v63  }
0xb1: {  	_ =	swait.ge [sflag:s29], $0x100  }
0xb2: {  	[sflag:s29] =	ssyncset.done $0x0  }
0xb3: {  	[sflag:s29] =	ssyncadd.s32 $0xFFFFFF00  }
0xb4: {  	_ =	swait.ge [sflag:s11], $0x4000  }
0xb5: {  	[sflag:s11] =	ssyncset.done $0x0  }
0xb6: {  	[sflag:s11] =	ssyncadd.s32 $0xFFFFC000  }
0xb7: {  	[tilespmem:s22], [sflag:$0x6] =	stream.indirect.gather [hbm4b:s4+s26], $0x80, s20, s26, $0xb8;
	[tilespmem:$0x1C500] =	vst v63  }
.Ltmp1:
0xb8: {  	_ =	swait.ge [sflag:s30], $0x4000;
	(pc) =	sbr.rel @p0 .LBB2_4-.Ltmp1, $4  }
0xb9: {  	[sflag:s30] =	ssyncset.done $0x0  }
0xba: {  	[sflag:s30] =	ssyncadd.s32 $0xFFFFC000  }
0xbb: {  	[spmem:s1] =	stream.indirect.scatter.add.f32 [tilespmem:s28], [sflag:$0x7], $0x80, s31, s26, $0xb8;
	[tilespmem:$0x1C500] =	vst v63  }
0xbc: {  	s24 =	sadd.s32 $0x9E0, s24  }
0xbd: {  	[tilespmem:s0], [sflag:$0x4] =	stream.linear.gather [hbm4b:s24+s3], $0x100, $0x38;
	[tilespmem:$0x1C500] =	vst v63  }
0xbe: {  	_ =	swait.ge [sflag:s2], $0x100  }
0xbf: {  	[sflag:s2] =	ssyncset.done $0x0  }
0xc0: {  	[sflag:s2] =	ssyncadd.s32 $0xFFFFFF00  }
0xc1: {  	_ =	swait.ge [sflag:s7], $0x4000  }
0xc2: {  	[sflag:s7] =	ssyncset.done $0x0  }
0xc3: {  	[sflag:s7] =	ssyncadd.s32 $0xFFFFC000  }
0xc4: {  	[tilespmem:s28], [sflag:$0x5] =	stream.indirect.gather [hbm4b:s4+s26], $0x80, s21, s26, $0xb8;
	[tilespmem:$0x1C500] =	vst v63  }
0xc5: {  	_ =	swait.ge [sflag:s8], $0x4000  }
0xc6: {  	[sflag:s8] =	ssyncset.done $0x0  }
0xc7: {  	[sflag:s8] =	ssyncadd.s32 $0xFFFFC000  }
0xc8: {  	[spmem:s1] =	stream.indirect.scatter.add.f32 [tilespmem:s22], [sflag:$0x8], $0x80, s9, s26, $0xb8;
	[tilespmem:$0x1C500] =	vst v63  }
0xc9: {  	s14 =	rddreg [dreg:$0xb]  }
0xca: {  	[tilespmem:s19], [sflag:$0x1] =	stream.linear.gather [hbm4b:s14+s3], $0x100, $0x38;
	[tilespmem:$0x1C500] =	vst v63  }
0xcb: {  	_ =	swait.ge [sflag:s10], $0x100  }
0xcc: {  	[sflag:s10] =	ssyncset.done $0x0  }
0xcd: {  	[sflag:s10] =	ssyncadd.s32 $0xFFFFFF00  }
0xce: {  	_ =	swait.ge [sflag:s11], $0x4000  }
0xcf: {  	[sflag:s11] =	ssyncset.done $0x0  }
0xd0: {  	[sflag:s11] =	ssyncadd.s32 $0xFFFFC000  }
0xd1: {  	[tilespmem:s22], [sflag:$0x6] =	stream.indirect.gather [hbm4b:s4+s26], $0x80, s0, s26, $0xb8;
	[tilespmem:$0x1C500] =	vst v63  }
0xd2: {  	_ =	swait.ge [sflag:s30], $0x4000  }
0xd3: {  	[sflag:s30] =	ssyncset.done $0x0  }
0xd4: {  	[sflag:s30] =	ssyncadd.s32 $0xFFFFC000  }
0xd5: {  	[spmem:s1] =	stream.indirect.scatter.add.f32 [tilespmem:s28], [sflag:$0x7], $0x80, s12, s26, $0xb8;
	[tilespmem:$0x1C500] =	vst v63  }
0xd6: {  	s18 =	rddreg [dreg:$0xc]  }
0xd7: {  	[tilespmem:s20], [sflag:$0x2] =	stream.linear.gather [hbm4b:s18+s3], $0x100, $0x38;
	[tilespmem:$0x1C500] =	vst v63  }
0xd8: {  	_ =	swait.ge [sflag:s25], $0x100  }
0xd9: {  	[sflag:s25] =	ssyncset.done $0x0  }
0xda: {  	[sflag:s25] =	ssyncadd.s32 $0xFFFFFF00  }
0xdb: {  	_ =	swait.ge [sflag:s7], $0x4000  }
0xdc: {  	[sflag:s7] =	ssyncset.done $0x0  }
0xdd: {  	[sflag:s7] =	ssyncadd.s32 $0xFFFFC000  }
0xde: {  	[tilespmem:s28], [sflag:$0x5] =	stream.indirect.gather [hbm4b:s4+s26], $0x80, s19, s26, $0xb8;
	[tilespmem:$0x1C500] =	vst v63  }
0xdf: {  	_ =	swait.ge [sflag:s8], $0x4000  }
0xe0: {  	[sflag:s8] =	ssyncset.done $0x0  }
0xe1: {  	[sflag:s8] =	ssyncadd.s32 $0xFFFFC000  }
0xe2: {  	[spmem:s1] =	stream.indirect.scatter.add.f32 [tilespmem:s22], [sflag:$0x8], $0x80, s13, s26, $0xb8;
	[tilespmem:$0x1C500] =	vst v63  }
0xe3: {  	_ =	swait.ge [sflag:s29], $0x100  }
0xe4: {  	[sflag:s29] =	ssyncset.done $0x0  }
0xe5: {  	[sflag:s29] =	ssyncadd.s32 $0xFFFFFF00  }
0xe6: {  	_ =	swait.ge [sflag:s11], $0x4000  }
0xe7: {  	[sflag:s11] =	ssyncset.done $0x0  }
0xe8: {  	[sflag:s11] =	ssyncadd.s32 $0xFFFFC000  }
0xe9: {  	[tilespmem:s22], [sflag:$0x6] =	stream.indirect.gather [hbm4b:s4+s26], $0x80, s20, s26, $0xb8;
	[tilespmem:$0x1C500] =	vst v63  }
0xea: {  	_ =	swait.ge [sflag:s30], $0x4000  }
0xeb: {  	[sflag:s30] =	ssyncset.done $0x0  }
0xec: {  	[sflag:s30] =	ssyncadd.s32 $0xFFFFC000  }
0xed: {  	[spmem:s1] =	stream.indirect.scatter.add.f32 [tilespmem:s28], [sflag:$0x7], $0x80, s31, s26, $0xb8;
	[tilespmem:$0x1C500] =	vst v63  }
0xee: {  	_ =	swait.ge [sflag:s7], $0x4000  }
0xef: {  	[sflag:s7] =	ssyncset.done $0x0  }
0xf0: {  	[sflag:s7] =	ssyncadd.s32 $0xFFFFC000  }
0xf1: {  	_ =	swait.ge [sflag:s8], $0x4000  }
0xf2: {  	[sflag:s8] =	ssyncset.done $0x0  }
0xf3: {  	[sflag:s8] =	ssyncadd.s32 $0xFFFFC000  }
0xf4: {  	[spmem:s1] =	stream.indirect.scatter.add.f32 [tilespmem:s22], [sflag:$0x8], $0x80, s9, s26, $0xb8;
	[tilespmem:$0x1C500] =	vst v63  }
0xf5: {  	_ =	swait.ge [sflag:s11], $0x4000  }
0xf6: {  	[sflag:s11] =	ssyncset.done $0x0  }
0xf7: {  	s18 =	simm.s32 $0x1C400;
	s24 =	rddreg [dreg:$0xd];
	[sflag:s11] =	ssyncadd.s32 $0xFFFFC000  }
0xf8: {  	[tilespmem:s18], [sflag:$0x9] =	stream.linear.gather [hbm4b:s24+s3], $0x80, $0x38;
	[tilespmem:$0x1C500] =	vst v63  }
0xf9: {  	_ =	swait.ge [sflag:s23], $0x80  }
0xfa: {  	[sflag:s23] =	ssyncset.done $0x0  }
0xfb: {  	s24 =	rddreg [dreg:$0xe];
	[sflag:s23] =	ssyncadd.s32 $0xFFFFFF80  }
0xfc: {  	[tilespmem:s15], [sflag:$0x9] =	stream.linear.gather [hbm4b:s24+s3], $0x80, $0x38;
	[tilespmem:$0x1C500] =	vst v63  }
0xfd: {  	_ =	swait.ge [sflag:s23], $0x80  }
0xfe: {  	[sflag:s23] =	ssyncset.done $0x0  }
0xff: {  	[sflag:s23] =	ssyncadd.s32 $0xFFFFFF80  }
0x100: {  	[tilespmem:s22], [sflag:$0x6] =	stream.indirect.gather [hbm4b:s4+s16], $0x80, s18, s16, $0xb8;
	[tilespmem:$0x1C500] =	vst v63  }
0x101: {  	_ =	swait.ge [sflag:s8], $0x800  }
0x102: {  	[sflag:s8] =	ssyncset.done $0x0  }
0x103: {  	[sflag:s8] =	ssyncadd.s32 $0xFFFFF800  }
0x104: {  	[spmem:s1] =	stream.indirect.scatter.add.f32 [tilespmem:s22], [sflag:$0x9], $0x80, s15, s16, $0xb8;
	[tilespmem:$0x1C500] =	vst v63  }
0x105: {  	_ =	swait.ge [sflag:s23], $0x800  }
0x106: {  	[sflag:s23] =	ssyncset.done $0x0  }
0x107: {  	s18 =	stileid.u32;
	[sflag:s23] =	ssyncadd.s32 $0xFFFFF800  }
0x108: {  	s14 =	sshll.u32 s18, $0x6;
	[bflag:$0x0] =	sbarrier.arrive $0xFFFF  }
0x109: {  	s18 =	sshrl.u32 s6, $0x3;
	s14 =	sor.u32 $0x1C09, s14;
	s24 =	rddreg [dreg:$0x10]  }
0x10a: {  	[hbm:s24], [sflag:s14] =	dma.local [spmem:s18], $0x2800  }
0x10b: {  	_ =	swait.ge [sflag:s23], $0x2800  }
0x10c: {  	s17 =	sadd.s32 $0x1, s17;
	s24 =	rddreg [dreg:$0xf]  }
0x10d: {  	p0 =	sne.s32 s17, s24  }
.Ltmp2:
0x10e: {  	_ = 	snop;
	(pc) =	sbr.rel @p0 .LBB2_1-.Ltmp2, $3  }
0x10f: {  	_ =	sdelay $0x1  }
0x110: {  	[sflag:s23] =	ssyncset.done $0x0  }
0x111: {  	[sflag:s23] =	ssyncadd.s32 $0xFFFFD800  }
0x112: {  	_ =	sfence.sel $0x180000  }
0x113: {  	[bflag:$0x0] =	sbarrier.arrive $0xFFFF  }
0x114: {  	_ =	strace $0x9000004D  }
0x115: {  	s0 =	stileid.u32;
	[bflag:$0x2] =	sbarrier.arrive $0xFFFF  }
0x116: {  	p0 =	sne.s32 s0, $0x0;
	s0 =	rddreg [dreg:$0x3]  }
0x117: {  	s0 =	sadd.s32 @!p0 $0x100000, s0  }
0x118: {  	[sflag:s0] =	ssyncadd.tile.s32 @!p0 $0x1;
	_ =	shalt  }
.Lfunc_end2:
_tile_overlayer_lowered:
.L_overlay_start_2:
0x119: {  	(tag) =	ssettag $0x2  }
0x11a: {  	s0 =	rddreg [dreg:$0x0];
	s2 =	stileid.u32  }
0x11b: {  	s1 =	rddreg [dreg:$0x1];
	p0 =	sne.s32 s2, $0x0  }
0x11c: {  	s3 =	rddreg [dreg:$0x2];
	[bflag:$0x3] =	sbarrier.arrive $0xFFFF;
	s2 =	simm.s32 @!p0 $0x1C09  }
0x11d: {  	[timem:s3], [sflag:s2] =	dma.local @!p0 [hbm:s0], s1  }
0x11e: {  	s0 =	simm.s32 @!p0 $0x9  }
0x11f: {  	_ =	swait.ge @!p0 [sflag:s0], s1  }
0x120: {  	s1 =	ssub.s32 @!p0 $0x0, s1;
	[sflag:s0] =	ssyncset.done @!p0 $0x0  }
0x121: {  	[sflag:s0] =	ssyncadd.s32 @!p0 s1  }
0x122: {  	[bflag:$0x3] =	sbarrier.arrive $0xFFFF  }
0x123: {  	_ =	shalt  }

// kernel: kernel.19.cloned.1.call-start
scs
__scs_entry_jumppad:
0x0: {  	(pc) =	sbr.rel $0x88, $3  }
0x1: {  	(tag) =	ssettag $0x0;
	lr =	simm.s32 $0x1  }
0x2: {  	[smem:$0x3F95] =	sst lr;
	_ =	strace $0xD0000000  }
0x3: {  	_ = 	snop  }
0x4: {  	_ = 	snop  }
0x5: {  	_ = 	snop  }
0x6: {  	_ = 	snop  }
0x7: {  	_ = 	snop  }
__scs_overlays_trampoline_lowered:
0x8: {  	[smem:$0x3FA4] =	sst s0  }
0x9: {  	[smem:$0x3FA5] =	sst s1  }
0xa: {  	[smem:$0x3FA6] =	sst s2  }
0xb: {  	[smem:$0x3FA7] =	sst s3  }
0xc: {  	[smem:$0x3FA8] =	sst s4  }
0xd: {  	[smem:$0x3FA9] =	sst s5  }
0xe: {  	[smem:$0x3FAA] =	sst s6  }
0xf: {  	[smem:$0x3FAB] =	sst s7  }
0x10: {  	[smem:$0x3FAC] =	sst s8  }
0x11: {  	[smem:$0x3FAD] =	sst s9;
	s0 =	simm.s32 @!p0 $0x0  }
0x12: {  	s1 =	sld [smem:$0x3F93];
	s0 =	simm.s32 @p0 $0x1  }
0x13: {  	[smem:$0x3FAE] =	sst s0;
	s0 =	simm.s32 @!p1 $0x0  }
0x14: {  	s2 =	sld [smem:$0x3F92];
	s0 =	simm.s32 @p1 $0x1  }
0x15: {  	[smem:$0x3FAF] =	sst s0;
	s0 =	simm.s32 @!p2 $0x0  }
0x16: {  	s3 =	sld [smem:$0x3FDB];
	s0 =	simm.s32 @p2 $0x1  }
0x17: {  	s4 =	simm.s32 $0x1BF5;
	[smem:$0x3FB1] =	sst s0  }
0x18: {  	s0 =	sld [smem:$0x3F94];
	_ =	swait.ge [sflag:s4], $0x0  }
0x19: {  	s7 =	sld [smem:$0x3F95]  }
0x1a: {  	s8 =	sadd.s32 $0xFFFFE003, lr  }
0x1b: {  	s9 =	sadd.s32 $0xFFFFFEF7, lr;
	s5 =	simm.s32 $0xFFFFFFFF;
	p2 =	slt.u32 s8, $0xFFFFF086  }
0x1c: {  	p1 =	slt.u32 s9, $0xF7A;
	s5 =	simm.s32 @!p2 $0x0  }
0x1d: {  	s5 =	simm.s32 @p1 $0x1;
	p0 =	seq.s32 s7, s2  }
0x1e: {  	s7 =	smul.u32 @!p0 $0xF7A, s2;
	p2 =	seq.s32 @!p0 s5, $0x0  }
0x1f: {  	s9 =	smul.u32 $0xF7A, s1;
	s8 =	simm.s32 @!p0 $0x1BF5;
	p2 =	por !p2, p0  }
0x20: {  	[sflag:s8] =	ssyncset.s32 @!p0 $0xFFFFF086;
	s6 =	sadd.s32 @!p0 s3, s7;
	s7 =	simm.s32 @!p0 $0x108  }
0x21: {  	s3 =	sadd.s32 s3, s9;
	s6 =	sadd.s32 @!p0 $0x88, s6;
	s7 =	simm.s32 @p2 $0x1082  }
0x22: {  	[simem:s7], [sflag:s8] =	dma.local @!p0 [hbm:s6], $0xF7A  }
0x23: {  	s9 =	sor.u32 $0xD0000000, s2;
	s6 =	simm.s32 $0x108;
	_ =	swait.ge @!p0 [sflag:s8], $0x0  }
0x24: {  	s3 =	sadd.s32 $0x88, s3;
	s6 =	simm.s32 @!p1 $0x1082;
	[sflag:s4] =	ssyncset.s32 $0xFFFFF086  }
0x25: {  	[simem:s6], [sflag:s4] =	dma.local [hbm:s3], $0xF7A  }
0x26: {  	[smem:$0x3F95] =	sst s1;
	(tag) =	ssettag s2;
	_ =	strace s9  }
0x27: {  	s1 =	sld [smem:$0x3FA5]  }
0x28: {  	s2 =	sld [smem:$0x3FA6]  }
0x29: {  	s4 =	sld [smem:$0x3FA8]  }
0x2a: {  	p0 =	seq.s32 s5, $0x0;
	s5 =	sld [smem:$0x3FA9]  }
0x2b: {  	s6 =	sld [smem:$0x3FAA]  }
0x2c: {  	s7 =	sld [smem:$0x3FAB]  }
0x2d: {  	s3 =	simm.s32 $0x108;
	s8 =	sld [smem:$0x3FAC]  }
0x2e: {  	s3 =	simm.s32 @!p0 $0x1082;
	s9 =	sld [smem:$0x3FAD]  }
0x2f: {  	lr =	sadd.s32 s0, s3;
	s0 =	sld [smem:$0x3FA4]  }
0x30: {  	s3 =	sld [smem:$0x3FA7]  }
0x31: {  	[smem:$0x3FB0] =	sst s10  }
0x32: {  	s10 =	sld [smem:$0x3FAE];
	_ =	sdelay $0x3  }
0x33: {  	p0 =	seq.s32 s10, $0x1;
	s10 =	sld [smem:$0x3FB0];
	_ =	sdelay $0x3  }
0x34: {  	[smem:$0x3FB0] =	sst s10  }
0x35: {  	s10 =	sld [smem:$0x3FAF];
	_ =	sdelay $0x3  }
0x36: {  	p1 =	seq.s32 s10, $0x1;
	s10 =	sld [smem:$0x3FB0];
	_ =	sdelay $0x3  }
0x37: {  	[smem:$0x3FB0] =	sst s10  }
0x38: {  	s10 =	sld [smem:$0x3FB1]  }
0x39: {  	_ = 	snop;
	(pc) =	sbr.ind lr, $3  }
0x3a: {  	_ = 	snop  }
0x3b: {  	_ = 	snop  }
0x3c: {  	p2 =	seq.s32 s10, $0x1;
	s10 =	sld [smem:$0x3FB0]  }
0x3d: {  	_ =	shalt  }
0x3e: {  	_ =	shalt  }
0x3f: {  	_ =	shalt  }
0x40: {  	_ =	shalt  }
0x41: {  	_ =	shalt  }
0x42: {  	_ =	shalt  }
0x43: {  	_ =	shalt  }
0x44: {  	_ =	shalt  }
0x45: {  	_ =	shalt  }
0x46: {  	_ =	shalt  }
0x47: {  	_ =	shalt  }
0x48: {  	_ =	shalt  }
0x49: {  	_ =	shalt  }
0x4a: {  	_ =	shalt  }
0x4b: {  	_ =	shalt  }
0x4c: {  	_ =	shalt  }
0x4d: {  	_ =	shalt  }
0x4e: {  	_ =	shalt  }
0x4f: {  	_ =	shalt  }
0x50: {  	_ =	shalt  }
0x51: {  	_ =	shalt  }
0x52: {  	_ =	shalt  }
0x53: {  	_ =	shalt  }
0x54: {  	_ =	shalt  }
0x55: {  	_ =	shalt  }
0x56: {  	_ =	shalt  }
0x57: {  	_ =	shalt  }
0x58: {  	_ =	shalt  }
0x59: {  	_ =	shalt  }
0x5a: {  	_ =	shalt  }
0x5b: {  	_ =	shalt  }
0x5c: {  	_ =	shalt  }
0x5d: {  	_ =	shalt  }
0x5e: {  	_ =	shalt  }
0x5f: {  	_ =	shalt  }
0x60: {  	_ =	shalt  }
0x61: {  	_ =	shalt  }
0x62: {  	_ =	shalt  }
0x63: {  	_ =	shalt  }
0x64: {  	_ =	shalt  }
0x65: {  	_ =	shalt  }
0x66: {  	_ =	shalt  }
0x67: {  	_ =	shalt  }
0x68: {  	_ =	shalt  }
0x69: {  	_ =	shalt  }
0x6a: {  	_ =	shalt  }
0x6b: {  	_ =	shalt  }
0x6c: {  	_ =	shalt  }
0x6d: {  	_ =	shalt  }
0x6e: {  	_ =	shalt  }
0x6f: {  	_ =	shalt  }
0x70: {  	_ =	shalt  }
0x71: {  	_ =	shalt  }
0x72: {  	_ =	shalt  }
0x73: {  	_ =	shalt  }
0x74: {  	_ =	shalt  }
0x75: {  	_ =	shalt  }
0x76: {  	_ =	shalt  }
0x77: {  	_ =	shalt  }
0x78: {  	_ =	shalt  }
0x79: {  	_ =	shalt  }
0x7a: {  	_ =	shalt  }
0x7b: {  	_ =	shalt  }
0x7c: {  	_ =	shalt  }
0x7d: {  	_ =	shalt  }
0x7e: {  	_ =	shalt  }
0x7f: {  	_ =	shalt  }
0x80: {  	_ =	shalt  }
0x81: {  	_ =	shalt  }
0x82: {  	_ =	shalt  }
0x83: {  	_ =	shalt  }
0x84: {  	_ =	shalt  }
0x85: {  	_ =	shalt  }
0x86: {  	_ =	shalt  }
0x87: {  	_ =	shalt  }
.Lfunc_end0:
.L_simem_size_0:
called_computation.3_lowered:
.L_overlay_start_0:
0x88: {  	s2 =	sld [smem:$0x3FD9]  }
0x89: {  	s3 =	sld [smem:$0x3FFE];
	_ =	sdelay $0x1  }
0x8a: {  	s1 =	srdreg.scid  }
0x8b: {  	s0 =	sand.u32 $0x1, s1  }
0x8c: {  	s17 =	sshll.u32 s0, $0xA;
	s2 =	sadd.s32 s3, s2  }
0x8d: {  	s2 =	sadd.s32 s2, s17  }
0x8e: {  	[smem:$0x3FBC] =	sst s2  }
0x8f: {  	_ = 	snop  }
0x90: {  	s2 =	sld [smem:$0x3FD0];
	(tm) =	ssettm $0x1  }
0x91: {  	s18 =	sld [smem:$0x3FFB];
	_ =	sdelay $0x3  }
0x92: {  	_ =	strace s18  }
0x93: {  	s3 =	sld [smem:$0x3FFC];
	_ =	sdelay $0x3  }
0x94: {  	_ =	strace s3  }
0x95: {  	s3 =	sld [smem:$0x3FFD];
	_ =	sdelay $0x3  }
0x96: {  	_ =	strace s3  }
0x97: {  	_ =	strace $0x8FFFFFFF  }
0x98: {  	s19 =	sld [smem:$0x3FDB];
	_ =	sdelay $0x1  }
0x99: {  	s4 =	simm.s32 $_scs_section_size  }
0x9a: {  	s5 =	simm.s32 $_size__tile_overlayer_lowered;
	s6 =	simm.s32 $_tile_overlayer_lowered  }
0x9b: {  	s22 =	simm.s32 $0x1BFF;
	s21 =	sshll.u32 s6, $0x1;
	s3 =	sadd.s32 s4, s19  }
0x9c: {  	s7 =	simm.s32 $0x0;
	s20 =	sshll.u32 s5, $0x1;
	s5 =	sadd.s32 s21, s3  }
0x9d: {  	[timem:s7], [sflag:s22] =	dma.local [hbm:s5], s20  }
0x9e: {  	_ =	swait.ge [sflag:s22], s20  }
0x9f: {  	s4 =	ssub.s32 $0x0, s20;
	[sflag:s22] =	ssyncset.done $0x0  }
0xa0: {  	[sflag:s22] =	ssyncadd.s32 s4;
	_ =	sdelay $0x1  }
0xa1: {  	s23 =	simm.s32 $0x1B8B  }
0xa2: {  	_ =	swait.ge [sflag:s23], $0x1  }
0xa3: {  	[sflag:s23] =	ssyncset.done $0x0  }
0xa4: {  	s25 =	simm.s32 $0x1B8E;
	s24 =	sld [smem:$0x3FFE];
	[sflag:s23] =	ssyncadd.s32 $0xFFFFFFFF  }
0xa5: {  	s26 =	simm.s32 $execute0_lowered;
	[smem:$0x3FD2] =	sst s25  }
0xa6: {  	s5 =	sshll.u32 s26, $0x1;
	_ =	strace $0x8000004F;
	[dreg:$0x1] =	wrdreg $0xFFFFFFFF  }
0xa7: {  	s28 =	simm.s32 $_size_execute0_lowered;
	s3 =	sadd.s32 s3, s5;
	[dreg:$0x0] =	wrdreg $0x0  }
0xa8: {  	s5 =	sshll.u32 s28, $0x1;
	[dreg:$0x2] =	wrdreg s3  }
0xa9: {  	[dreg:$0x3] =	wrdreg s5  }
0xaa: {  	[dreg:$0x4] =	wrdreg $0xC0  }
0xab: {  	_ =	task [dreg:s7], $0x5FFFF  }
0xac: {  	[dreg:$0x1] =	wrdreg $0xFFFFFFFF  }
0xad: {  	[dreg:$0x0] =	wrdreg $0x60  }
0xae: {  	[dreg:$0x2] =	wrdreg s24  }
0xaf: {  	[dreg:$0x3] =	wrdreg s2  }
0xb0: {  	[dreg:$0x4] =	wrdreg $0x0  }
0xb1: {  	[dreg:$0x5] =	wrdreg $0x9  }
0xb2: {  	_ =	task.clear_ibuf [dreg:s7], $0x6FFFF;
	_ =	strace $0x9000004F  }
0xb3: {  	s29 =	simm.s32 $0x9;
	_ =	strace $0x80000051  }
0xb4: {  	_ =	swait.ge [sflag:s29], $0x1  }
0xb5: {  	[sflag:s29] =	ssyncadd.s32 $0xFFFFFFFF  }
0xb6: {  	_ =	strace $0x90000051  }
0xb7: {  	_ =	sfence  }
0xb8: {  	s30 =	sld [smem:$0x0];
	_ =	sdelay $0x2  }
0xb9: {  	s31 =	sshll.u32 s1, $0xD;
	s1 =	sshrl.u32 s1, $0x2  }
0xba: {  	s3 =	sand.u32 $0x4000, s31;
	s1 =	sadd.s32 s1, s30  }
0xbb: {  	s0 =	sor.u32 s3, s0;
	s1 =	sshll.u32 s1, $0x11  }
0xbc: {  	s0 =	sor.u32 s1, s0  }
0xbd: {  	s0 =	sadd.s32 $0x8F2B, s0  }
0xbe: {  	[sflag:s0] =	ssyncadd.remote.s32 $0x1  }
0xbf: {  	_ =	sfence.sel $0xFFFF  }
0xc0: {  	[dreg:$0x0] =	wrdreg $0xFFFFFFFF;
	(pc) =	sbr.abs _section_cstart, $3  }
0xc1: {  	[dreg:$0x1] =	wrdreg $0xFFFFFFFF  }
0xc2: {  	_ =	task.clear_ibuf [dreg:s7], $0x2FFFF;
	_ =	strace $0x9FFFFFFF  }
0xc3: {  	(tm) =	ssettm $0x7FFFFFFF  }
tec
execute0_lowered:
.L_overlay_start_1:
0x0: {  	(tag) =	ssettag $0x1  }
0x1: {  	s0 =	rddreg [dreg:$0x0]  }
0x2: {  	s2 =	rddreg [dreg:$0x1]  }
0x3: {  	s1 =	rddreg [dreg:$0x2];
	s3 =	srdreg.scid  }
0x4: {  	s10 =	stileid.u32;
	s28 =	simm.s32 $0x14000;
	s5 =	sand.u32 $0x1, s3  }
0x5: {  	s29 =	simm.s32 $0x2;
	s30 =	simm.s32 $0x5;
	s4 =	sshll.u32 s5, $0x4  }
0x6: {  	s3 =	simm.s32 $0x0;
	s7 =	sshll.u32 s10, $0x4;
	s6 =	sor.u32 s10, s4  }
0x7: {  	s13 =	smul.u32 $0x50000, s10;
	[smem:$0x7FF] =	sst s3;
	s4 =	sshll.u32 s6, $0x4  }
0x8: {  	s7 =	sand.u32 $0x70, s7;
	s9 =	smul.u32 $0x28000, s5;
	s8 =	sand.u32 $0x180, s4  }
0x9: {  	s5 =	ssub.s32 $0x2, s5;
	s6 =	smul.u32 $0x9C0, s6;
	s7 =	sor.u32 s7, s8  }
0xa: {  	s14 =	sshrl.u32 s5, $0x1;
	s4 =	sadd.s32 $0x3A00, s0;
	s7 =	sadd.s32 s7, s0  }
0xb: {  	s0 =	sadd.s32 s9, s0;
	s9 =	ssub.s32 s5, s14;
	s5 =	sadd.s32 s2, s6  }
0xc: {  	_ =	strace $0x80000050;
	s8 =	sshrl.u32 s13, $0x2;
	s2 =	sadd.s32 $0x20, s5  }
0xd: {  	s6 =	sadd.s32 s8, s1;
	s15 =	sadd.s32 $0x40, s5;
	[dreg:$0x4] =	wrdreg s2  }
0xe: {  	s31 =	simm.s32 $0x1C080;
	s16 =	sadd.s32 $0x4000, s6;
	[dreg:$0x5] =	wrdreg s15  }
0xf: {  	s11 =	simm.s32 $0x8;
	s17 =	sadd.s32 $0x8000, s6;
	[dreg:$0x6] =	wrdreg s16  }
0x10: {  	s12 =	simm.s32 $0x1C280;
	s18 =	sadd.s32 $0xC000, s6;
	[dreg:$0x7] =	wrdreg s17  }
0x11: {  	s25 =	smul.u32 $0x2800, s10;
	s19 =	sadd.s32 $0x10000, s6;
	[dreg:$0x8] =	wrdreg s18  }
0x12: {  	s10 =	simm.s32 $0x4;
	s20 =	sadd.s32 $0x60, s5;
	[dreg:$0x9] =	wrdreg s19  }
0x13: {  	s13 =	simm.s32 $0x1C380;
	s21 =	sadd.s32 $0x980, s5;
	[dreg:$0xa] =	wrdreg s20  }
0x14: {  	s8 =	simm.s32 $0x6;
	s22 =	sadd.s32 $0x9A0, s5;
	[dreg:$0xb] =	wrdreg s21  }
0x15: {  	s23 =	sadd.s32 $0x5DA00, s7;
	s24 =	sadd.s32 $0x3800, s7;
	[dreg:$0xc] =	wrdreg s22  }
0x16: {  	s0 =	sadd.s32 $0x5DC00, s0;
	s26 =	smax.u32 s9, $0x1;
	[dreg:$0xd] =	wrdreg s23  }
0x17: {  	s7 =	simm.s32 $0x7;
	s9 =	simm.s32 $0x1C180;
	[dreg:$0xe] =	wrdreg s24  }
0x18: {  	[dreg:$0xf] =	wrdreg s26;
	s19 =	simm.s32 $0x1C000;
	s20 =	simm.s32 $0x1C100  }
0x19: {  	s21 =	simm.s32 $0x1C200;
	s22 =	simm.s32 $0x18000;
	s23 =	simm.s32 $0x9  }
0x1a: {  	s0 =	sadd.s32 s25, s0;
	s25 =	simm.s32 $0x1;
	s26 =	simm.s32 $0x80  }
0x1b: {  	s2 =	simm.s32 $0x3;
	s15 =	simm.s32 $0x1C480;
	s16 =	simm.s32 $0x10  }
0x1c: {  	v0 =	vimm.f32 $0.0e+00;
	s17 =	simm.s32 $0x0;
	[dreg:$0x10] =	wrdreg s0;
	s0 =	simm.s32 $0x1C300  }
.LBB2_1:
0x1d: {  	[tilespmem:s19], [sflag:$0x1] =	stream.linear.gather [hbm4b:s5+s3], $0x100, $0x38;
	[tilespmem:$0x1C500] =	vst v63  }
0x1e: {  	s14 =	rddreg [dreg:$0x4]  }
0x1f: {  	[tilespmem:s20], [sflag:$0x2] =	stream.linear.gather [hbm4b:s14+s3], $0x100, $0x38;
	[tilespmem:$0x1C500] =	vst v63  }
0x20: {  	s24 =	rddreg [dreg:$0x5]  }
0x21: {  	[tilespmem:s21], [sflag:$0x3] =	stream.linear.gather [hbm4b:s24+s3], $0x100, $0x38;
	[tilespmem:$0x1C500] =	vst v63  }
0x22: {  	s18 =	simm.s32 $0x0;
	s24 =	simm.s32 $0x200  }
.LBB2_2:
0x23: {  	p0 =	sne.s32 s24, $0xFE00;
	[tilespmem:s18+$0x18070] =	vst v0  }
0x24: {  	[tilespmem:s18+$0x18000] =	vst v0  }
0x25: {  	[tilespmem:s18+$0x18010] =	vst v0  }
.Ltmp0:
0x26: {  	[tilespmem:s18+$0x18020] =	vst v0;
	(pc) =	sbr.rel @p0 .LBB2_2-.Ltmp0, $4  }
0x27: {  	[tilespmem:s18+$0x18030] =	vst v0  }
0x28: {  	[tilespmem:s18+$0x18040] =	vst v0  }
0x29: {  	[tilespmem:s18+$0x18050] =	vst v0  }
0x2a: {  	[tilespmem:s18+$0x18060] =	vst v0;
	s18 =	sshra.s32 s24, $0x2;
	s24 =	sadd.s32 $0x200, s24  }
0x2b: {  	[tilespmem:s18+$0x18070] =	vst v0  }
0x2c: {  	[tilespmem:s18+$0x18000] =	vst v0  }
0x2d: {  	[tilespmem:s18+$0x18010] =	vst v0  }
0x2e: {  	[tilespmem:s18+$0x18020] =	vst v0  }
0x2f: {  	[tilespmem:s18+$0x18030] =	vst v0  }
0x30: {  	[tilespmem:s18+$0x18040] =	vst v0  }
0x31: {  	[tilespmem:s18+$0x18050] =	vst v0  }
0x32: {  	[tilespmem:s18+$0x18060] =	vst v0  }
0x33: {  	[spmem:s6] =	stream.linear.scatter [tilespmem:s22], [sflag:$0x9], $0x4000, $0x38;
	[tilespmem:$0x1C500] =	vst v63  }
0x34: {  	_ =	swait.ge [sflag:s23], $0x4000  }
0x35: {  	[sflag:s23] =	ssyncset.done $0x0  }
0x36: {  	s14 =	rddreg [dreg:$0x6];
	[sflag:s23] =	ssyncadd.s32 $0xFFFFC000  }
0x37: {  	[spmem:s14] =	stream.linear.scatter [tilespmem:s22], [sflag:$0x9], $0x4000, $0x38;
	[tilespmem:$0x1C500] =	vst v63  }
0x38: {  	_ =	swait.ge [sflag:s23], $0x4000  }
0x39: {  	[sflag:s23] =	ssyncset.done $0x0  }
0x3a: {  	s18 =	rddreg [dreg:$0x7];
	[sflag:s23] =	ssyncadd.s32 $0xFFFFC000  }
0x3b: {  	[spmem:s18] =	stream.linear.scatter [tilespmem:s22], [sflag:$0x9], $0x4000, $0x38;
	[tilespmem:$0x1C500] =	vst v63  }
0x3c: {  	_ =	swait.ge [sflag:s23], $0x4000  }
0x3d: {  	[sflag:s23] =	ssyncset.done $0x0  }
0x3e: {  	s24 =	rddreg [dreg:$0x8];
	[sflag:s23] =	ssyncadd.s32 $0xFFFFC000  }
0x3f: {  	[spmem:s24] =	stream.linear.scatter [tilespmem:s22], [sflag:$0x9], $0x4000, $0x38;
	[tilespmem:$0x1C500] =	vst v63  }
0x40: {  	_ =	swait.ge [sflag:s23], $0x4000  }
0x41: {  	[sflag:s23] =	ssyncset.done $0x0  }
0x42: {  	s18 =	rddreg [dreg:$0x9];
	[sflag:s23] =	ssyncadd.s32 $0xFFFFC000  }
0x43: {  	[spmem:s18] =	stream.linear.scatter [tilespmem:s22], [sflag:$0x9], $0x4000, $0x38;
	[tilespmem:$0x1C500] =	vst v63  }
0x44: {  	_ =	swait.ge [sflag:s23], $0x4000  }
0x45: {  	[sflag:s23] =	ssyncset.done $0x0  }
0x46: {  	[sflag:s23] =	ssyncadd.s32 $0xFFFFC000  }
0x47: {  	_ =	swait.ge [sflag:s25], $0x100  }
0x48: {  	[sflag:s25] =	ssyncset.done $0x0  }
0x49: {  	[sflag:s25] =	ssyncadd.s32 $0xFFFFFF00  }
0x4a: {  	[tilespmem:s28], [sflag:$0x5] =	stream.indirect.gather [hbm4b:s4+s26], $0x80, s19, s26, $0xb8;
	[tilespmem:$0x1C500] =	vst v63  }
0x4b: {  	[bflag:$0x0] =	sbarrier.arrive $0xFFFF  }
0x4c: {  	_ =	swait.ge [sflag:s29], $0x100  }
0x4d: {  	[sflag:s29] =	ssyncset.done $0x0  }
0x4e: {  	[sflag:s29] =	ssyncadd.s32 $0xFFFFFF00  }
0x4f: {  	[tilespmem:s22], [sflag:$0x6] =	stream.indirect.gather [hbm4b:s4+s26], $0x80, s20, s26, $0xb8;
	[tilespmem:$0x1C500] =	vst v63  }
0x50: {  	_ =	swait.ge [sflag:s30], $0x4000  }
0x51: {  	[sflag:s30] =	ssyncset.done $0x0  }
0x52: {  	[sflag:s30] =	ssyncadd.s32 $0xFFFFC000  }
0x53: {  	[spmem:s1] =	stream.indirect.scatter.add.f32 [tilespmem:s28], [sflag:$0x7], $0x80, s31, s26, $0xb8;
	[tilespmem:$0x1C500] =	vst v63  }
0x54: {  	s24 =	rddreg [dreg:$0xa]  }
0x55: {  	[tilespmem:s0], [sflag:$0x4] =	stream.linear.gather [hbm4b:s24+s3], $0x100, $0x38;
	[tilespmem:$0x1C500] =	vst v63  }
0x56: {  	_ =	swait.ge [sflag:s2], $0x100  }
0x57: {  	[sflag:s2] =	ssyncset.done $0x0  }
0x58: {  	[sflag:s2] =	ssyncadd.s32 $0xFFFFFF00  }
0x59: {  	_ =	swait.ge [sflag:s7], $0x4000  }
0x5a: {  	[sflag:s7] =	ssyncset.done $0x0  }
0x5b: {  	[sflag:s7] =	ssyncadd.s32 $0xFFFFC000  }
0x5c: {  	[tilespmem:s28], [sflag:$0x5] =	stream.indirect.gather [hbm4b:s4+s26], $0x80, s21, s26, $0xb8;
	[tilespmem:$0x1C500] =	vst v63  }
0x5d: {  	_ =	swait.ge [sflag:s8], $0x4000  }
0x5e: {  	[sflag:s8] =	ssyncset.done $0x0  }
0x5f: {  	s24 =	sadd.s32 $0xFFFFF700, s5;
	[sflag:s8] =	ssyncadd.s32 $0xFFFFC000  }
0x60: {  	[spmem:s1] =	stream.indirect.scatter.add.f32 [tilespmem:s22], [sflag:$0x8], $0x80, s9, s26, $0xb8;
	[tilespmem:$0x1C500] =	vst v63  }
0x61: {  	s14 =	sadd.s32 $0x980, s24  }
0x62: {  	[tilespmem:s19], [sflag:$0x1] =	stream.linear.gather [hbm4b:s14+s3], $0x100, $0x38;
	[tilespmem:$0x1C500] =	vst v63  }
0x63: {  	_ =	swait.ge [sflag:s10], $0x100  }
0x64: {  	[sflag:s10] =	ssyncset.done $0x0  }
0x65: {  	[sflag:s10] =	ssyncadd.s32 $0xFFFFFF00  }
0x66: {  	_ =	swait.ge [sflag:s11], $0x4000  }
0x67: {  	[sflag:s11] =	ssyncset.done $0x0  }
0x68: {  	[sflag:s11] =	ssyncadd.s32 $0xFFFFC000  }
0x69: {  	[tilespmem:s22], [sflag:$0x6] =	stream.indirect.gather [hbm4b:s4+s26], $0x80, s0, s26, $0xb8;
	[tilespmem:$0x1C500] =	vst v63  }
0x6a: {  	_ =	swait.ge [sflag:s30], $0x4000  }
0x6b: {  	[sflag:s30] =	ssyncset.done $0x0  }
0x6c: {  	[sflag:s30] =	ssyncadd.s32 $0xFFFFC000  }
0x6d: {  	[spmem:s1] =	stream.indirect.scatter.add.f32 [tilespmem:s28], [sflag:$0x7], $0x80, s12, s26, $0xb8;
	[tilespmem:$0x1C500] =	vst v63  }
0x6e: {  	s14 =	sadd.s32 $0x9A0, s24  }
0x6f: {  	[tilespmem:s20], [sflag:$0x2] =	stream.linear.gather [hbm4b:s14+s3], $0x100, $0x38;
	[tilespmem:$0x1C500] =	vst v63  }
0x70: {  	_ =	swait.ge [sflag:s25], $0x100  }
0x71: {  	[sflag:s25] =	ssyncset.done $0x0  }
0x72: {  	[sflag:s25] =	ssyncadd.s32 $0xFFFFFF00  }
0x73: {  	_ =	swait.ge [sflag:s7], $0x4000  }
0x74: {  	[sflag:s7] =	ssyncset.done $0x0  }
0x75: {  	[sflag:s7] =	ssyncadd.s32 $0xFFFFC000  }
0x76: {  	[tilespmem:s28], [sflag:$0x5] =	stream.indirect.gather [hbm4b:s4+s26], $0x80, s19, s26, $0xb8;
	[tilespmem:$0x1C500] =	vst v63  }
0x77: {  	_ =	swait.ge [sflag:s8], $0x4000  }
0x78: {  	[sflag:s8] =	ssyncset.done $0x0  }
0x79: {  	[sflag:s8] =	ssyncadd.s32 $0xFFFFC000  }
0x7a: {  	[spmem:s1] =	stream.indirect.scatter.add.f32 [tilespmem:s22], [sflag:$0x8], $0x80, s13, s26, $0xb8;
	[tilespmem:$0x1C500] =	vst v63  }
0x7b: {  	s14 =	sadd.s32 $0x9C0, s24  }
0x7c: {  	[tilespmem:s21], [sflag:$0x3] =	stream.linear.gather [hbm4b:s14+s3], $0x100, $0x38;
	[tilespmem:$0x1C500] =	vst v63  }
0x7d: {  	_ =	swait.ge [sflag:s29], $0x100  }
0x7e: {  	[sflag:s29] =	ssyncset.done $0x0  }
0x7f: {  	[sflag:s29] =	ssyncadd.s32 $0xFFFFFF00  }
0x80: {  	_ =	swait.ge [sflag:s11], $0x4000  }
0x81: {  	[sflag:s11] =	ssyncset.done $0x0  }
0x82: {  	[sflag:s11] =	ssyncadd.s32 $0xFFFFC000  }
0x83: {  	[tilespmem:s22], [sflag:$0x6] =	stream.indirect.gather [hbm4b:s4+s26], $0x80, s20, s26, $0xb8;
	[tilespmem:$0x1C500] =	vst v63  }
0x84: {  	_ =	swait.ge [sflag:s30], $0x4000  }
0x85: {  	[sflag:s30] =	ssyncset.done $0x0  }
0x86: {  	s18 =	simm.s32 $0xFFFFF780;
	s24 =	sadd.s32 $0x9E0, s24;
	[sflag:s30] =	ssyncadd.s32 $0xFFFFC000  }
0x87: {  	[spmem:s1] =	stream.indirect.scatter.add.f32 [tilespmem:s28], [sflag:$0x7], $0x80, s31, s26, $0xb8;
	[tilespmem:$0x1C500] =	vst v63  }
.LBB2_4:
0x88: {  	[tilespmem:s0], [sflag:$0x4] =	stream.linear.gather [hbm4b:s24+s3], $0x100, $0x38;
	[tilespmem:$0x1C500] =	vst v63  }
0x89: {  	s24 =	smov.u32 s18  }
0x8a: {  	p0 =	sne.s32 s18, $0xFFFFFF80;
	s18 =	sadd.s32 $0x80, s18;
	_ =	swait.ge [sflag:s2], $0x100  }
0x8b: {  	[sflag:s2] =	ssyncset.done $0x0  }
0x8c: {  	[sflag:s2] =	ssyncadd.s32 $0xFFFFFF00  }
0x8d: {  	_ =	swait.ge [sflag:s7], $0x4000  }
0x8e: {  	[sflag:s7] =	ssyncset.done $0x0  }
0x8f: {  	[sflag:s7] =	ssyncadd.s32 $0xFFFFC000  }
0x90: {  	[tilespmem:s28], [sflag:$0x5] =	stream.indirect.gather [hbm4b:s4+s26], $0x80, s21, s26, $0xb8;
	[tilespmem:$0x1C500] =	vst v63  }
0x91: {  	_ =	swait.ge [sflag:s8], $0x4000  }
0x92: {  	[sflag:s8] =	ssyncset.done $0x0  }
0x93: {  	s24 =	sadd.s32 s24, s5;
	[sflag:s8] =	ssyncadd.s32 $0xFFFFC000  }
0x94: {  	[spmem:s1] =	stream.indirect.scatter.add.f32 [tilespmem:s22], [sflag:$0x8], $0x80, s9, s26, $0xb8;
	[tilespmem:$0x1C500] =	vst v63  }
0x95: {  	s14 =	sadd.s32 $0x980, s24  }
0x96: {  	[tilespmem:s19], [sflag:$0x1] =	stream.linear.gather [hbm4b:s14+s3], $0x100, $0x38;
	[tilespmem:$0x1C500] =	vst v63  }
0x97: {  	_ =	swait.ge [sflag:s10], $0x100  }
0x98: {  	[sflag:s10] =	ssyncset.done $0x0  }
0x99: {  	[sflag:s10] =	ssyncadd.s32 $0xFFFFFF00  }
0x9a: {  	_ =	swait.ge [sflag:s11], $0x4000  }
0x9b: {  	[sflag:s11] =	ssyncset.done $0x0  }
0x9c: {  	[sflag:s11] =	ssyncadd.s32 $0xFFFFC000  }
0x9d: {  	[tilespmem:s22], [sflag:$0x6] =	stream.indirect.gather [hbm4b:s4+s26], $0x80, s0, s26, $0xb8;
	[tilespmem:$0x1C500] =	vst v63  }
0x9e: {  	_ =	swait.ge [sflag:s30], $0x4000  }
0x9f: {  	[sflag:s30] =	ssyncset.done $0x0  }
0xa0: {  	[sflag:s30] =	ssyncadd.s32 $0xFFFFC000  }
0xa1: {  	[spmem:s1] =	stream.indirect.scatter.add.f32 [tilespmem:s28], [sflag:$0x7], $0x80, s12, s26, $0xb8;
	[tilespmem:$0x1C500] =	vst v63  }
0xa2: {  	s14 =	sadd.s32 $0x9A0, s24  }
0xa3: {  	[tilespmem:s20], [sflag:$0x2] =	stream.linear.gather [hbm4b:s14+s3], $0x100, $0x38;
	[tilespmem:$0x1C500] =	vst v63  }
0xa4: {  	_ =	swait.ge [sflag:s25], $0x100  }
0xa5: {  	[sflag:s25] =	ssyncset.done $0x0  }
0xa6: {  	[sflag:s25] =	ssyncadd.s32 $0xFFFFFF00  }
0xa7: {  	_ =	swait.ge [sflag:s7], $0x4000  }
0xa8: {  	[sflag:s7] =	ssyncset.done $0x0  }
0xa9: {  	[sflag:s7] =	ssyncadd.s32 $0xFFFFC000  }
0xaa: {  	[tilespmem:s28], [sflag:$0x5] =	stream.indirect.gather [hbm4b:s4+s26], $0x80, s19, s26, $0xb8;
	[tilespmem:$0x1C500] =	vst v63  }
0xab: {  	_ =	swait.ge [sflag:s8], $0x4000  }
0xac: {  	[sflag:s8] =	ssyncset.done $0x0  }
0xad: {  	[sflag:s8] =	ssyncadd.s32 $0xFFFFC000  }
0xae: {  	[spmem:s1] =	stream.indirect.scatter.add.f32 [tilespmem:s22], [sflag:$0x8], $0x80, s13, s26, $0xb8;
	[tilespmem:$0x1C500] =	vst v63  }
0xaf: {  	s14 =	sadd.s32 $0x9C0, s24  }
0xb0: {  	[tilespmem:s21], [sflag:$0x3] =	stream.linear.gather [hbm4b:s14+s3], $0x100, $0x38;
	[tilespmem:$0x1C500] =	vst v63  }
0xb1: {  	_ =	swait.ge [sflag:s29], $0x100  }
0xb2: {  	[sflag:s29] =	ssyncset.done $0x0  }
0xb3: {  	[sflag:s29] =	ssyncadd.s32 $0xFFFFFF00  }
0xb4: {  	_ =	swait.ge [sflag:s11], $0x4000  }
0xb5: {  	[sflag:s11] =	ssyncset.done $0x0  }
0xb6: {  	[sflag:s11] =	ssyncadd.s32 $0xFFFFC000  }
0xb7: {  	[tilespmem:s22], [sflag:$0x6] =	stream.indirect.gather [hbm4b:s4+s26], $0x80, s20, s26, $0xb8;
	[tilespmem:$0x1C500] =	vst v63  }
.Ltmp1:
0xb8: {  	_ =	swait.ge [sflag:s30], $0x4000;
	(pc) =	sbr.rel @p0 .LBB2_4-.Ltmp1, $4  }
0xb9: {  	[sflag:s30] =	ssyncset.done $0x0  }
0xba: {  	[sflag:s30] =	ssyncadd.s32 $0xFFFFC000  }
0xbb: {  	[spmem:s1] =	stream.indirect.scatter.add.f32 [tilespmem:s28], [sflag:$0x7], $0x80, s31, s26, $0xb8;
	[tilespmem:$0x1C500] =	vst v63  }
0xbc: {  	s24 =	sadd.s32 $0x9E0, s24  }
0xbd: {  	[tilespmem:s0], [sflag:$0x4] =	stream.linear.gather [hbm4b:s24+s3], $0x100, $0x38;
	[tilespmem:$0x1C500] =	vst v63  }
0xbe: {  	_ =	swait.ge [sflag:s2], $0x100  }
0xbf: {  	[sflag:s2] =	ssyncset.done $0x0  }
0xc0: {  	[sflag:s2] =	ssyncadd.s32 $0xFFFFFF00  }
0xc1: {  	_ =	swait.ge [sflag:s7], $0x4000  }
0xc2: {  	[sflag:s7] =	ssyncset.done $0x0  }
0xc3: {  	[sflag:s7] =	ssyncadd.s32 $0xFFFFC000  }
0xc4: {  	[tilespmem:s28], [sflag:$0x5] =	stream.indirect.gather [hbm4b:s4+s26], $0x80, s21, s26, $0xb8;
	[tilespmem:$0x1C500] =	vst v63  }
0xc5: {  	_ =	swait.ge [sflag:s8], $0x4000  }
0xc6: {  	[sflag:s8] =	ssyncset.done $0x0  }
0xc7: {  	[sflag:s8] =	ssyncadd.s32 $0xFFFFC000  }
0xc8: {  	[spmem:s1] =	stream.indirect.scatter.add.f32 [tilespmem:s22], [sflag:$0x8], $0x80, s9, s26, $0xb8;
	[tilespmem:$0x1C500] =	vst v63  }
0xc9: {  	s14 =	rddreg [dreg:$0xb]  }
0xca: {  	[tilespmem:s19], [sflag:$0x1] =	stream.linear.gather [hbm4b:s14+s3], $0x100, $0x38;
	[tilespmem:$0x1C500] =	vst v63  }
0xcb: {  	_ =	swait.ge [sflag:s10], $0x100  }
0xcc: {  	[sflag:s10] =	ssyncset.done $0x0  }
0xcd: {  	[sflag:s10] =	ssyncadd.s32 $0xFFFFFF00  }
0xce: {  	_ =	swait.ge [sflag:s11], $0x4000  }
0xcf: {  	[sflag:s11] =	ssyncset.done $0x0  }
0xd0: {  	[sflag:s11] =	ssyncadd.s32 $0xFFFFC000  }
0xd1: {  	[tilespmem:s22], [sflag:$0x6] =	stream.indirect.gather [hbm4b:s4+s26], $0x80, s0, s26, $0xb8;
	[tilespmem:$0x1C500] =	vst v63  }
0xd2: {  	_ =	swait.ge [sflag:s30], $0x4000  }
0xd3: {  	[sflag:s30] =	ssyncset.done $0x0  }
0xd4: {  	[sflag:s30] =	ssyncadd.s32 $0xFFFFC000  }
0xd5: {  	[spmem:s1] =	stream.indirect.scatter.add.f32 [tilespmem:s28], [sflag:$0x7], $0x80, s12, s26, $0xb8;
	[tilespmem:$0x1C500] =	vst v63  }
0xd6: {  	s18 =	rddreg [dreg:$0xc]  }
0xd7: {  	[tilespmem:s20], [sflag:$0x2] =	stream.linear.gather [hbm4b:s18+s3], $0x100, $0x38;
	[tilespmem:$0x1C500] =	vst v63  }
0xd8: {  	_ =	swait.ge [sflag:s25], $0x100  }
0xd9: {  	[sflag:s25] =	ssyncset.done $0x0  }
0xda: {  	[sflag:s25] =	ssyncadd.s32 $0xFFFFFF00  }
0xdb: {  	_ =	swait.ge [sflag:s7], $0x4000  }
0xdc: {  	[sflag:s7] =	ssyncset.done $0x0  }
0xdd: {  	[sflag:s7] =	ssyncadd.s32 $0xFFFFC000  }
0xde: {  	[tilespmem:s28], [sflag:$0x5] =	stream.indirect.gather [hbm4b:s4+s26], $0x80, s19, s26, $0xb8;
	[tilespmem:$0x1C500] =	vst v63  }
0xdf: {  	_ =	swait.ge [sflag:s8], $0x4000  }
0xe0: {  	[sflag:s8] =	ssyncset.done $0x0  }
0xe1: {  	[sflag:s8] =	ssyncadd.s32 $0xFFFFC000  }
0xe2: {  	[spmem:s1] =	stream.indirect.scatter.add.f32 [tilespmem:s22], [sflag:$0x8], $0x80, s13, s26, $0xb8;
	[tilespmem:$0x1C500] =	vst v63  }
0xe3: {  	_ =	swait.ge [sflag:s29], $0x100  }
0xe4: {  	[sflag:s29] =	ssyncset.done $0x0  }
0xe5: {  	[sflag:s29] =	ssyncadd.s32 $0xFFFFFF00  }
0xe6: {  	_ =	swait.ge [sflag:s11], $0x4000  }
0xe7: {  	[sflag:s11] =	ssyncset.done $0x0  }
0xe8: {  	[sflag:s11] =	ssyncadd.s32 $0xFFFFC000  }
0xe9: {  	[tilespmem:s22], [sflag:$0x6] =	stream.indirect.gather [hbm4b:s4+s26], $0x80, s20, s26, $0xb8;
	[tilespmem:$0x1C500] =	vst v63  }
0xea: {  	_ =	swait.ge [sflag:s30], $0x4000  }
0xeb: {  	[sflag:s30] =	ssyncset.done $0x0  }
0xec: {  	[sflag:s30] =	ssyncadd.s32 $0xFFFFC000  }
0xed: {  	[spmem:s1] =	stream.indirect.scatter.add.f32 [tilespmem:s28], [sflag:$0x7], $0x80, s31, s26, $0xb8;
	[tilespmem:$0x1C500] =	vst v63  }
0xee: {  	_ =	swait.ge [sflag:s7], $0x4000  }
0xef: {  	[sflag:s7] =	ssyncset.done $0x0  }
0xf0: {  	[sflag:s7] =	ssyncadd.s32 $0xFFFFC000  }
0xf1: {  	_ =	swait.ge [sflag:s8], $0x4000  }
0xf2: {  	[sflag:s8] =	ssyncset.done $0x0  }
0xf3: {  	[sflag:s8] =	ssyncadd.s32 $0xFFFFC000  }
0xf4: {  	[spmem:s1] =	stream.indirect.scatter.add.f32 [tilespmem:s22], [sflag:$0x8], $0x80, s9, s26, $0xb8;
	[tilespmem:$0x1C500] =	vst v63  }
0xf5: {  	_ =	swait.ge [sflag:s11], $0x4000  }
0xf6: {  	[sflag:s11] =	ssyncset.done $0x0  }
0xf7: {  	s18 =	simm.s32 $0x1C400;
	s24 =	rddreg [dreg:$0xd];
	[sflag:s11] =	ssyncadd.s32 $0xFFFFC000  }
0xf8: {  	[tilespmem:s18], [sflag:$0x9] =	stream.linear.gather [hbm4b:s24+s3], $0x80, $0x38;
	[tilespmem:$0x1C500] =	vst v63  }
0xf9: {  	_ =	swait.ge [sflag:s23], $0x80  }
0xfa: {  	[sflag:s23] =	ssyncset.done $0x0  }
0xfb: {  	s24 =	rddreg [dreg:$0xe];
	[sflag:s23] =	ssyncadd.s32 $0xFFFFFF80  }
0xfc: {  	[tilespmem:s15], [sflag:$0x9] =	stream.linear.gather [hbm4b:s24+s3], $0x80, $0x38;
	[tilespmem:$0x1C500] =	vst v63  }
0xfd: {  	_ =	swait.ge [sflag:s23], $0x80  }
0xfe: {  	[sflag:s23] =	ssyncset.done $0x0  }
0xff: {  	[sflag:s23] =	ssyncadd.s32 $0xFFFFFF80  }
0x100: {  	[tilespmem:s22], [sflag:$0x6] =	stream.indirect.gather [hbm4b:s4+s16], $0x80, s18, s16, $0xb8;
	[tilespmem:$0x1C500] =	vst v63  }
0x101: {  	_ =	swait.ge [sflag:s8], $0x800  }
0x102: {  	[sflag:s8] =	ssyncset.done $0x0  }
0x103: {  	[sflag:s8] =	ssyncadd.s32 $0xFFFFF800  }
0x104: {  	[spmem:s1] =	stream.indirect.scatter.add.f32 [tilespmem:s22], [sflag:$0x9], $0x80, s15, s16, $0xb8;
	[tilespmem:$0x1C500] =	vst v63  }
0x105: {  	_ =	swait.ge [sflag:s23], $0x800  }
0x106: {  	[sflag:s23] =	ssyncset.done $0x0  }
0x107: {  	s18 =	stileid.u32;
	[sflag:s23] =	ssyncadd.s32 $0xFFFFF800  }
0x108: {  	s14 =	sshll.u32 s18, $0x6;
	[bflag:$0x0] =	sbarrier.arrive $0xFFFF  }
0x109: {  	s18 =	sshrl.u32 s6, $0x3;
	s14 =	sor.u32 $0x1C09, s14;
	s24 =	rddreg [dreg:$0x10]  }
0x10a: {  	[hbm:s24], [sflag:s14] =	dma.local [spmem:s18], $0x2800  }
0x10b: {  	_ =	swait.ge [sflag:s23], $0x2800  }
0x10c: {  	s17 =	sadd.s32 $0x1, s17;
	s24 =	rddreg [dreg:$0xf]  }
0x10d: {  	p0 =	sne.s32 s17, s24  }
.Ltmp2:
0x10e: {  	_ = 	snop;
	(pc) =	sbr.rel @p0 .LBB2_1-.Ltmp2, $3  }
0x10f: {  	_ =	sdelay $0x1  }
0x110: {  	[sflag:s23] =	ssyncset.done $0x0  }
0x111: {  	[sflag:s23] =	ssyncadd.s32 $0xFFFFD800  }
0x112: {  	_ =	sfence.sel $0x180000  }
0x113: {  	[bflag:$0x0] =	sbarrier.arrive $0xFFFF  }
0x114: {  	_ =	strace $0x90000050  }
0x115: {  	s0 =	stileid.u32;
	[bflag:$0x2] =	sbarrier.arrive $0xFFFF  }
0x116: {  	p0 =	sne.s32 s0, $0x0;
	s0 =	rddreg [dreg:$0x3]  }
0x117: {  	s0 =	sadd.s32 @!p0 $0x100000, s0  }
0x118: {  	[sflag:s0] =	ssyncadd.tile.s32 @!p0 $0x1;
	_ =	shalt  }
.Lfunc_end2:
_tile_overlayer_lowered:
.L_overlay_start_2:
0x119: {  	(tag) =	ssettag $0x2  }
0x11a: {  	s0 =	rddreg [dreg:$0x0];
	s2 =	stileid.u32  }
0x11b: {  	s1 =	rddreg [dreg:$0x1];
	p0 =	sne.s32 s2, $0x0  }
0x11c: {  	s3 =	rddreg [dreg:$0x2];
	[bflag:$0x3] =	sbarrier.arrive $0xFFFF;
	s2 =	simm.s32 @!p0 $0x1C09  }
0x11d: {  	[timem:s3], [sflag:s2] =	dma.local @!p0 [hbm:s0], s1  }
0x11e: {  	s0 =	simm.s32 @!p0 $0x9  }
0x11f: {  	_ =	swait.ge @!p0 [sflag:s0], s1  }
0x120: {  	s1 =	ssub.s32 @!p0 $0x0, s1;
	[sflag:s0] =	ssyncset.done @!p0 $0x0  }
0x121: {  	[sflag:s0] =	ssyncadd.s32 @!p0 s1  }
0x122: {  	[bflag:$0x3] =	sbarrier.arrive $0xFFFF  }
0x123: {  	_ =	shalt  }

</sc_bundles>
